<compile_context>
chip_gen: v7x
topology: tpu7x:2x2x1
jax: 0.10.2.dev20260603
libtpu: 0.0.44.dev20260713+nightly
codegen_flags: <defaults>
</compile_context>

<pallas_src>
import functools

import jax
import jax.numpy as jnp
from jax import lax
from jax.experimental import pallas as pl
from jax.experimental.pallas import tpu as pltpu
from jax.experimental.pallas import tpu_sc as plsc

IMG = 640.0
IOU_THR = 0.01
SCORE_THR = 0.1
KEEP = 300
N = 5000
NEG = -1e9

NTILES = 16
T = 320
NPAD = NTILES * T
NFLAT = 2 * NPAD
KPAD = 304



def _prep_body(lg_ref, bx_ref, mx_ref, lab_ref,
               x1_ref, y1_ref, x2_ref, y2_ref,
               x1o_ref, y1o_ref, x2o_ref, y2o_ref, ar_ref):
    lg = lg_ref[...]
    mx = jnp.max(lg, axis=0)
    cls = lax.broadcasted_iota(jnp.int32, lg.shape, 0)
    lab = jnp.min(jnp.where(lg == mx[None, :], cls, lg.shape[0]), axis=0)
    labf = lab.astype(jnp.float32)

    cx = bx_ref[0]
    cy = bx_ref[1]
    w = bx_ref[2]
    h = bx_ref[3]
    x1 = (cx - 0.5 * w) * IMG
    y1 = (cy - 0.5 * h) * IMG
    x2 = (cx + 0.5 * w) * IMG
    y2 = (cy + 0.5 * h) * IMG
    off = labf * jnp.float32(2.0 * IMG + 1.0)
    x1o = x1 + off
    y1o = y1 + off
    x2o = x2 + off
    y2o = y2 + off
    ar = jnp.maximum(x2o - x1o, 0.0) * jnp.maximum(y2o - y1o, 0.0)

    def emit(ref, val, fill):
        for b in range(2):
            ref[pl.ds(b * NPAD, N)] = val[b * N:(b + 1) * N]
            ref[pl.ds(b * NPAD + N, NPAD - N)] = jnp.full(
                (NPAD - N,), fill, jnp.float32)

    emit(mx_ref, mx, NEG)
    emit(lab_ref, labf, 0.0)
    emit(x1_ref, x1, 0.0)
    emit(y1_ref, y1, 0.0)
    emit(x2_ref, x2, 0.0)
    emit(y2_ref, y2, 0.0)
    emit(x1o_ref, x1o, 0.0)
    emit(y1o_ref, y1o, 0.0)
    emit(x2o_ref, x2o, 0.0)
    emit(y2o_ref, y2o, 0.0)
    emit(ar_ref, ar, 0.0)


_prep = pl.pallas_call(
    _prep_body,
    out_shape=[jax.ShapeDtypeStruct((NFLAT,), jnp.float32)] * 11,
)


def _nms_body(s_hbm, x1o_hbm, y1o_hbm, x2o_hbm, y2o_hbm, ar_hbm,
              x1_hbm, y1_hbm, x2_hbm, y2_hbm, lab_hbm,
              os_hbm, ob_hbm, ol_hbm,
              stk, cand_v, all_v, os_v, ob_v, ol_v, shr):
    b = lax.axis_index("c")
    sid = lax.axis_index("s")
    base = b * NPAD + sid * T
    it = _iota16 = lax.iota(jnp.int32, 16)
    zero16 = jnp.zeros((16,), jnp.float32)
    neg16 = jnp.full((16,), NEG, jnp.float32)

    srcs = (s_hbm, x1o_hbm, y1o_hbm, x2o_hbm, y2o_hbm, ar_hbm,
            x1_hbm, y1_hbm, x2_hbm, y2_hbm, lab_hbm)
    for r, src in enumerate(srcs):
        pltpu.sync_copy(src.at[pl.ds(base, T)], stk.at[pl.ds(r * T, T)])
    for c in range(T // 16):
        gi = (it + (base + c * 16)).astype(jnp.float32)
        stk[pl.ds(11 * T + c * 16, 16)] = gi

    for c in range(KPAD // 16):
        os_v[pl.ds(c * 16, 16)] = zero16
        ol_v[pl.ds(c * 16, 16)] = jnp.full((16,), -1.0, jnp.float32)
    for c in range(KPAD * 4 // 16):
        ob_v[pl.ds(c * 16, 16)] = zero16

    vm1_0 = neg16
    vi1_0 = jnp.zeros((16,), jnp.int32)
    vm2_0 = neg16
    vi2_0 = jnp.zeros((16,), jnp.int32)
    for c in range(T // 16):
        v = stk[pl.ds(c * 16, 16)]
        gi_c = it + c * 16
        gt1 = v > vm1_0
        gt2 = v > vm2_0
        vm2_0 = jnp.where(gt1, vm1_0, jnp.where(gt2, v, vm2_0))
        vi2_0 = jnp.where(gt1, vi1_0, jnp.where(gt2, gi_c, vi2_0))
        vm1_0 = jnp.where(gt1, v, vm1_0)
        vi1_0 = jnp.where(gt1, gi_c, vi1_0)

    BIG = jnp.int32(1 << 30)

    def cond(carry):
        vm1, vi1, vm2, vi2, kk, go, rr = carry
        return (kk < KEEP) & (go > 0.0)

    def round_body(carry):
        vm1, vi1, vm2, vi2, kk, go, rr = carry
        m1 = jnp.max(vm1)
        li1 = jnp.min(jnp.where(vm1 == m1, vi1, BIG))
        is1 = (vm1 == m1) & (vi1 == li1)
        vsec = jnp.where(is1, vm2, vm1)
        isec = jnp.where(is1, vi2, vi1)
        m2 = jnp.max(vsec)
        li2 = jnp.min(jnp.where(vsec == m2, isec, BIG))
        cand1 = plsc.load_gather(stk, [it * T + jnp.full((16,), li1, jnp.int32)])
        cand2 = plsc.load_gather(stk, [it * T + jnp.full((16,), li2, jnp.int32)])
        cand_v[pl.ds(0, 16)] = cand1
        cand_v[pl.ds(16, 16)] = cand2
        pbuf = (rr % 2) * 512
        pltpu.sync_copy(cand_v, shr.at[pl.ds(pbuf + sid * 32, 32)])
        plsc.subcore_barrier()
        pltpu.sync_copy(shr.at[pl.ds(pbuf, 512)], all_v)

        sA = plsc.load_gather(all_v, [it * 32])
        sB = plsc.load_gather(all_v, [it * 32 + 16])
        w1s = jnp.max(sA)
        r1 = jnp.min(jnp.where(sA == w1s, it, jnp.int32(16)))
        r1v = jnp.full((16,), r1, jnp.int32)
        rv1 = r1v * 32
        isr1 = it == r1v
        s2c = jnp.where(isr1, sB, sA)
        w2s = jnp.max(s2c)
        l2 = jnp.min(jnp.where(s2c == w2s, it, jnp.int32(16)))
        rv2s = l2 * 32 + jnp.where(l2 == r1, 16, 0)
        rv2 = jnp.full((16,), rv2s, jnp.int32)

        wx1o = plsc.load_gather(all_v, [rv1 + 1])
        wy1o = plsc.load_gather(all_v, [rv1 + 2])
        wx2o = plsc.load_gather(all_v, [rv1 + 3])
        wy2o = plsc.load_gather(all_v, [rv1 + 4])
        war = plsc.load_gather(all_v, [rv1 + 5])
        ux1o = plsc.load_gather(all_v, [rv2 + 1])
        uy1o = plsc.load_gather(all_v, [rv2 + 2])
        ux2o = plsc.load_gather(all_v, [rv2 + 3])
        uy2o = plsc.load_gather(all_v, [rv2 + 4])
        uar = plsc.load_gather(all_v, [rv2 + 5])

        iw12 = jnp.maximum(jnp.minimum(wx2o, ux2o) - jnp.maximum(wx1o, ux1o), 0.0)
        ih12 = jnp.maximum(jnp.minimum(wy2o, uy2o) - jnp.maximum(wy1o, uy1o), 0.0)
        in12 = iw12 * ih12
        un12 = (war + uar) - in12
        iou12 = in12 / jnp.maximum(un12, jnp.float32(1e-9))
        w2sv = jnp.full((16,), w2s, jnp.float32)
        valid2v = (w2sv > 0.0) & jnp.logical_not(iou12 > jnp.float32(IOU_THR))
        ux1o = jnp.where(valid2v, ux1o, 0.0)
        uy1o = jnp.where(valid2v, uy1o, 0.0)
        ux2o = jnp.where(valid2v, ux2o, 0.0)
        uy2o = jnp.where(valid2v, uy2o, 0.0)
        uar = jnp.where(valid2v, uar, 0.0)

        nvm1 = neg16
        nvi1 = jnp.zeros((16,), jnp.int32)
        nvm2 = neg16
        nvi2 = jnp.zeros((16,), jnp.int32)
        for c in range(T // 16):
            x1c = stk[pl.ds(1 * T + c * 16, 16)]
            y1c = stk[pl.ds(2 * T + c * 16, 16)]
            x2c = stk[pl.ds(3 * T + c * 16, 16)]
            y2c = stk[pl.ds(4 * T + c * 16, 16)]
            arc = stk[pl.ds(5 * T + c * 16, 16)]
            sc = stk[pl.ds(c * 16, 16)]
            iw = jnp.maximum(jnp.minimum(x2c, wx2o) - jnp.maximum(x1c, wx1o), 0.0)
            ih = jnp.maximum(jnp.minimum(y2c, wy2o) - jnp.maximum(y1c, wy1o), 0.0)
            inter = iw * ih
            union = (war + arc) - inter
            iou = inter / jnp.maximum(union, jnp.float32(1e-9))
            iw2 = jnp.maximum(jnp.minimum(x2c, ux2o) - jnp.maximum(x1c, ux1o), 0.0)
            ih2 = jnp.maximum(jnp.minimum(y2c, uy2o) - jnp.maximum(y1c, uy1o), 0.0)
            inter2 = iw2 * ih2
            union2 = (uar + arc) - inter2
            iou2 = inter2 / jnp.maximum(union2, jnp.float32(1e-9))
            kill = (iou > jnp.float32(IOU_THR)) | (iou2 > jnp.float32(IOU_THR))
            snew = jnp.where(kill, neg16, sc)
            stk[pl.ds(c * 16, 16)] = snew
            gi_c = it + c * 16
            gt1 = snew > nvm1
            gt2 = snew > nvm2
            nvm2 = jnp.where(gt1, nvm1, jnp.where(gt2, snew, nvm2))
            nvi2 = jnp.where(gt1, nvi1, jnp.where(gt2, gi_c, nvi2))
            nvm1 = jnp.where(gt1, snew, nvm1)
            nvi1 = jnp.where(gt1, gi_c, nvi1)

        w1sv = jnp.full((16,), w1s, jnp.float32)
        ok1v = w1sv > 0.0
        wlab = plsc.load_gather(all_v, [rv1 + 10])
        wbox = plsc.load_gather(all_v, [rv1 + jnp.minimum(it + 6, 15)])
        ulab = plsc.load_gather(all_v, [rv2 + 10])
        ubox = plsc.load_gather(all_v, [rv2 + jnp.minimum(it + 6, 15)])
        kv = jnp.full((16,), kk, jnp.int32)
        kv2 = kv + 1
        lane0 = it == 0
        ok2v = valid2v & ok1v
        plsc.store_scatter(os_v, [kv], w1sv, mask=lane0 & ok1v)
        plsc.store_scatter(ol_v, [kv], wlab, mask=lane0 & ok1v)
        plsc.store_scatter(ob_v, [kv * 4 + it], wbox, mask=(it < 4) & ok1v)
        plsc.store_scatter(os_v, [kv2], w2sv, mask=lane0 & ok2v)
        plsc.store_scatter(ol_v, [kv2], ulab, mask=lane0 & ok2v)
        plsc.store_scatter(ob_v, [kv2 * 4 + it], ubox, mask=(it < 4) & ok2v)

        ok1 = (w1s > 0.0).astype(jnp.int32)
        ok2 = jnp.max(jnp.where(ok2v, 1, 0))
        kk_next = kk + ok1 + ok1 * ok2
        return nvm1, nvi1, nvm2, nvi2, kk_next, w1s, rr + 1

    lax.while_loop(cond, round_body,
                   (vm1_0, vi1_0, vm2_0, vi2_0,
                    jnp.int32(0), jnp.float32(1.0), jnp.int32(0)))

    @pl.when(sid == 0)
    def _flush():
        pltpu.sync_copy(os_v, os_hbm.at[pl.ds(b * KPAD, KPAD)])
        pltpu.sync_copy(ob_v, ob_hbm.at[pl.ds(b * KPAD * 4, KPAD * 4)])
        pltpu.sync_copy(ol_v, ol_hbm.at[pl.ds(b * KPAD, KPAD)])


_nms = pl.kernel(
    _nms_body,
    out_type=[
        jax.ShapeDtypeStruct((2 * KPAD,), jnp.float32),
        jax.ShapeDtypeStruct((2 * KPAD * 4,), jnp.float32),
        jax.ShapeDtypeStruct((2 * KPAD,), jnp.float32),
    ],
    mesh=plsc.VectorSubcoreMesh(core_axis_name="c", subcore_axis_name="s"),
    compiler_params=pltpu.CompilerParams(needs_layout_passes=False),
    scratch_types=[
        pltpu.VMEM((16 * T,), jnp.float32),
        pltpu.VMEM((32,), jnp.float32),
        pltpu.VMEM((512,), jnp.float32),
        pltpu.VMEM((KPAD,), jnp.float32),
        pltpu.VMEM((KPAD * 4,), jnp.float32),
        pltpu.VMEM((KPAD,), jnp.float32),
        pltpu.VMEM_SHARED((1024,), jnp.float32),
    ],
)


def kernel(pred_logits, pred_boxes):
    logits_t = jnp.transpose(pred_logits, (2, 0, 1)).reshape(80, 2 * N)
    boxes_t = jnp.transpose(pred_boxes, (2, 0, 1)).reshape(4, 2 * N)
    (mx, labf, x1, y1, x2, y2,
     x1o, y1o, x2o, y2o, ar) = _prep(logits_t, boxes_t)

    scores = jax.nn.sigmoid(mx)
    s = jnp.where(scores > SCORE_THR, scores, NEG)

    osc, obf, olf = _nms(s, x1o, y1o, x2o, y2o, ar, x1, y1, x2, y2, labf)
    ob = obf.reshape(2, KPAD, 4)[:, :KEEP]
    return (ob, osc.reshape(2, KPAD)[:, :KEEP],
            olf.reshape(2, KPAD)[:, :KEEP].astype(jnp.int32))

# --- scband reference (transcript-rebuilt; emitter-appended) ---
"""Pipeline reference for scband-det-nmspost-processor-58317065945401 (READ-ONLY COPY).

The authoritative reference and input builder live on the scoring server;
editing this copy changes nothing except your own understanding.
"""

import jax, jax.numpy as jnp
import numpy as np

IMG = 640.0
IOU_THR = 0.01
SCORE_THR = 0.1
KEEP_TOPK = 300


def setup_inputs(seed: int = 0) -> dict:
    key = jax.random.key(seed)
    k1, k2 = jax.random.split(key)
    pred_logits = jax.random.normal(k1, (2, 5000, 80), dtype=jnp.float32)
    pred_boxes = jax.random.uniform(k2, (2, 5000, 4), dtype=jnp.float32)
    return {"pred_logits": pred_logits, "pred_boxes": pred_boxes}


def _cxcywh_to_xyxy(b):
    cx, cy, w, h = b[..., 0], b[..., 1], b[..., 2], b[..., 3]
    return jnp.stack([cx - 0.5 * w, cy - 0.5 * h, cx + 0.5 * w, cy + 0.5 * h], axis=-1)


def _iou_matrix(boxes):
    area = jnp.clip(boxes[:, 2] - boxes[:, 0], 0) * jnp.clip(boxes[:, 3] - boxes[:, 1], 0)
    lt = jnp.maximum(boxes[:, None, :2], boxes[None, :, :2])
    rb = jnp.minimum(boxes[:, None, 2:], boxes[None, :, 2:])
    wh = jnp.clip(rb - lt, 0)
    inter = wh[..., 0] * wh[..., 1]
    union = area[:, None] + area[None, :] - inter
    return inter / jnp.maximum(union, 1e-9)


def _nms_single(boxes, scores, labels):
    # batched_nms (class-aware greedy NMS) with fixed-size padded output, like torchvision.ops.batched_nms
    N = boxes.shape[0]
    NEG = jnp.float32(-1e9)
    s = jnp.where(scores > SCORE_THR, scores, NEG)  # score filtering via masking
    order = jnp.argsort(-s)
    b = boxes[order]
    sc = s[order]
    lb = labels[order]
    # class offset trick so boxes of different classes never overlap
    offset = lb.astype(jnp.float32) * (2.0 * IMG + 1.0)
    b_off = jax.lax.stop_gradient(b) + offset[:, None]
    iou = _iou_matrix(b_off)
    idxs = jnp.arange(N)
    valid = sc > (NEG / 2)

    def body(keep, xs):
        row, i, vi = xs
        active = keep[i] & vi
        supp = active & (row > IOU_THR) & (idxs > i)
        return keep & (~supp), None

    keep, _ = jax.lax.scan(body, jnp.ones((N,), dtype=bool), (iou, idxs, valid))
    keep = keep & valid
    # take first KEEP_TOPK surviving boxes in score order (keep = keep[:keep_topk])
    pos = jnp.where(keep, idxs, N)
    sel = jnp.sort(pos)[:KEEP_TOPK]
    ok = sel < N
    selc = jnp.minimum(sel, N - 1)
    out_boxes = jnp.where(ok[:, None], b[selc], 0.0)
    out_scores = jnp.where(ok, sc[selc], 0.0)
    out_labels = jnp.where(ok, lb[selc], -1)
    return out_boxes, out_scores, out_labels


def reference(pred_logits, pred_boxes):
    # box_convert cxcywh -> xyxy, scale to image size (640, 640)
    boxes_xyxy = _cxcywh_to_xyxy(pred_boxes) * IMG
    values = jnp.max(pred_logits, axis=-1)
    labels = jnp.argmax(pred_logits, axis=-1)
    scores = jax.nn.sigmoid(values)  # logit_fmt == 'sigmoid'
    ob, osc, olb = jax.vmap(_nms_single)(boxes_xyxy, scores, labels)
    return ob, osc, olb

if __name__ == "__main__":
    import jax
    _d = setup_inputs()
    print(jax.jit(kernel)(*tuple(_d.values())))

</pallas_src>

<mosaic_0001>
#map = affine_map<(d0, d1) -> (0)>
module attributes {stable_mosaic.version = 14 : i64} {
  func.func @_nms_body(%arg0: i32, %arg1: i32, %arg2: memref<10240xf32, #tpu.memory_space<hbm>>, %arg3: memref<10240xf32, #tpu.memory_space<hbm>>, %arg4: memref<10240xf32, #tpu.memory_space<hbm>>, %arg5: memref<10240xf32, #tpu.memory_space<hbm>>, %arg6: memref<10240xf32, #tpu.memory_space<hbm>>, %arg7: memref<10240xf32, #tpu.memory_space<hbm>>, %arg8: memref<10240xf32, #tpu.memory_space<hbm>>, %arg9: memref<10240xf32, #tpu.memory_space<hbm>>, %arg10: memref<10240xf32, #tpu.memory_space<hbm>>, %arg11: memref<10240xf32, #tpu.memory_space<hbm>>, %arg12: memref<10240xf32, #tpu.memory_space<hbm>>, %arg13: memref<608xf32, #tpu.memory_space<hbm>>, %arg14: memref<2432xf32, #tpu.memory_space<hbm>>, %arg15: memref<608xf32, #tpu.memory_space<hbm>>, %arg16: memref<5120xf32, #tpu.memory_space<vmem>>, %arg17: memref<32xf32, #tpu.memory_space<vmem>>, %arg18: memref<512xf32, #tpu.memory_space<vmem>>, %arg19: memref<304xf32, #tpu.memory_space<vmem>>, %arg20: memref<1216xf32, #tpu.memory_space<vmem>>, %arg21: memref<304xf32, #tpu.memory_space<vmem>>, %arg22: memref<1024xf32, #tpu.memory_space<vmem_shared>>) attributes {dimension_semantics = [#tpu.dimension_semantics<core_parallel>, #tpu.dimension_semantics<subcore_parallel>], iteration_bounds = array<i64: 2, 16>, scalar_prefetch = 0 : i64, scratch_operands = 7 : i64, tpu.core_type = #tpu.core_type<sc_vector_subcore>, window_params = [{transform_indices = #map}, {transform_indices = #map}, {transform_indices = #map}, {transform_indices = #map}, {transform_indices = #map}, {transform_indices = #map}, {transform_indices = #map}, {transform_indices = #map}, {transform_indices = #map}, {transform_indices = #map}, {transform_indices = #map}, {transform_indices = #map}, {transform_indices = #map}, {transform_indices = #map}]} {
    %mul3A = arith.constant 5120 : i32
    %mul3A_0 = arith.muli %arg0, %mul3A : i32
    %mul3A_1 = arith.constant 320 : i32
    %mul3A_2 = arith.muli %arg1, %mul3A_1 : i32
    %add3A = arith.addi %mul3A_0, %mul3A_2 : i32
    %iota3A = tpu.iota {dimensions = array<i32: 0>} : vector<16xi32>
    %broadcast_in_dim3A = arith.constant 0.000000e+00 : f32
    %broadcast_in_dim3A_3 = vector.broadcast %broadcast_in_dim3A : f32 to vector<16xf32>
    %broadcast_in_dim3A_4 = arith.constant -1.000000e+09 : f32
    %broadcast_in_dim3A_5 = vector.broadcast %broadcast_in_dim3A_4 : f32 to vector<16xf32>
    "tpu.region"() ({
      %run_scoped3A = tpu.sem_alloc : memref<!tpu.dma_semaphore, #tpu.memory_space<semaphore_mem>>
      %dma_start3A = arith.constant 0 : i32
      %dma_start3A_678 = tpu.memref_slice %arg16[%dma_start3A] : memref<5120xf32, #tpu.memory_space<vmem>> -> memref<320xf32, #tpu.memory_space<vmem>>
      %dma_start3A_679 = tpu.memref_slice %arg2[%add3A] : memref<10240xf32, #tpu.memory_space<hbm>> -> memref<320xf32, #tpu.memory_space<hbm>>
      %dma_start3A_680 = arith.constant 0 : i32
      %dma_start3A_681 = tpu.memref_slice %arg16[%dma_start3A_680] : memref<5120xf32, #tpu.memory_space<vmem>> -> memref<320xf32, #tpu.memory_space<vmem>>
      %dma_start3A_682 = tpu.memref_slice %arg2[%add3A] : memref<10240xf32, #tpu.memory_space<hbm>> -> memref<320xf32, #tpu.memory_space<hbm>>
      tpu.enqueue_dma source(%dma_start3A_682 : memref<320xf32, #tpu.memory_space<hbm>>) target(%dma_start3A_681 : memref<320xf32, #tpu.memory_space<vmem>>) target_semaphore(%run_scoped3A : memref<!tpu.dma_semaphore, #tpu.memory_space<semaphore_mem>>)
      %dma_wait3A = arith.constant 0 : i32
      %dma_wait3A_683 = tpu.memref_slice %arg16[%dma_wait3A] : memref<5120xf32, #tpu.memory_space<vmem>> -> memref<320xf32, #tpu.memory_space<vmem>>
      %dma_wait3A_684 = tpu.memref_slice %arg2[%add3A] : memref<10240xf32, #tpu.memory_space<hbm>> -> memref<320xf32, #tpu.memory_space<hbm>>
      %dma_wait3A_685 = arith.constant 0 : i32
      %dma_wait3A_686 = tpu.memref_slice %arg16[%dma_wait3A_685] : memref<5120xf32, #tpu.memory_space<vmem>> -> memref<320xf32, #tpu.memory_space<vmem>>
      %dma_wait3A_687 = tpu.memref_slice %arg2[%add3A] : memref<10240xf32, #tpu.memory_space<hbm>> -> memref<320xf32, #tpu.memory_space<hbm>>
      tpu.wait_dma2 semaphore(%run_scoped3A : memref<!tpu.dma_semaphore, #tpu.memory_space<semaphore_mem>>) src(%dma_wait3A_687 : memref<320xf32, #tpu.memory_space<hbm>>) dst(%dma_wait3A_686 : memref<320xf32, #tpu.memory_space<vmem>>)
      tpu.yield
    }) : () -> ()
    "tpu.region"() ({
      %run_scoped3A = tpu.sem_alloc : memref<!tpu.dma_semaphore, #tpu.memory_space<semaphore_mem>>
      %dma_start3A = arith.constant 320 : i32
      %dma_start3A_678 = tpu.memref_slice %arg16[%dma_start3A] : memref<5120xf32, #tpu.memory_space<vmem>> -> memref<320xf32, #tpu.memory_space<vmem>>
      %dma_start3A_679 = tpu.memref_slice %arg3[%add3A] : memref<10240xf32, #tpu.memory_space<hbm>> -> memref<320xf32, #tpu.memory_space<hbm>>
      %dma_start3A_680 = arith.constant 320 : i32
      %dma_start3A_681 = tpu.memref_slice %arg16[%dma_start3A_680] : memref<5120xf32, #tpu.memory_space<vmem>> -> memref<320xf32, #tpu.memory_space<vmem>>
      %dma_start3A_682 = tpu.memref_slice %arg3[%add3A] : memref<10240xf32, #tpu.memory_space<hbm>> -> memref<320xf32, #tpu.memory_space<hbm>>
      tpu.enqueue_dma source(%dma_start3A_682 : memref<320xf32, #tpu.memory_space<hbm>>) target(%dma_start3A_681 : memref<320xf32, #tpu.memory_space<vmem>>) target_semaphore(%run_scoped3A : memref<!tpu.dma_semaphore, #tpu.memory_space<semaphore_mem>>)
      %dma_wait3A = arith.constant 320 : i32
      %dma_wait3A_683 = tpu.memref_slice %arg16[%dma_wait3A] : memref<5120xf32, #tpu.memory_space<vmem>> -> memref<320xf32, #tpu.memory_space<vmem>>
      %dma_wait3A_684 = tpu.memref_slice %arg3[%add3A] : memref<10240xf32, #tpu.memory_space<hbm>> -> memref<320xf32, #tpu.memory_space<hbm>>
      %dma_wait3A_685 = arith.constant 320 : i32
      %dma_wait3A_686 = tpu.memref_slice %arg16[%dma_wait3A_685] : memref<5120xf32, #tpu.memory_space<vmem>> -> memref<320xf32, #tpu.memory_space<vmem>>
      %dma_wait3A_687 = tpu.memref_slice %arg3[%add3A] : memref<10240xf32, #tpu.memory_space<hbm>> -> memref<320xf32, #tpu.memory_space<hbm>>
      tpu.wait_dma2 semaphore(%run_scoped3A : memref<!tpu.dma_semaphore, #tpu.memory_space<semaphore_mem>>) src(%dma_wait3A_687 : memref<320xf32, #tpu.memory_space<hbm>>) dst(%dma_wait3A_686 : memref<320xf32, #tpu.memory_space<vmem>>)
      tpu.yield
    }) : () -> ()
    "tpu.region"() ({
      %run_scoped3A = tpu.sem_alloc : memref<!tpu.dma_semaphore, #tpu.memory_space<semaphore_mem>>
      %dma_start3A = arith.constant 640 : i32
      %dma_start3A_678 = tpu.memref_slice %arg16[%dma_start3A] : memref<5120xf32, #tpu.memory_space<vmem>> -> memref<320xf32, #tpu.memory_space<vmem>>
      %dma_start3A_679 = tpu.memref_slice %arg4[%add3A] : memref<10240xf32, #tpu.memory_space<hbm>> -> memref<320xf32, #tpu.memory_space<hbm>>
      %dma_start3A_680 = arith.constant 640 : i32
      %dma_start3A_681 = tpu.memref_slice %arg16[%dma_start3A_680] : memref<5120xf32, #tpu.memory_space<vmem>> -> memref<320xf32, #tpu.memory_space<vmem>>
      %dma_start3A_682 = tpu.memref_slice %arg4[%add3A] : memref<10240xf32, #tpu.memory_space<hbm>> -> memref<320xf32, #tpu.memory_space<hbm>>
      tpu.enqueue_dma source(%dma_start3A_682 : memref<320xf32, #tpu.memory_space<hbm>>) target(%dma_start3A_681 : memref<320xf32, #tpu.memory_space<vmem>>) target_semaphore(%run_scoped3A : memref<!tpu.dma_semaphore, #tpu.memory_space<semaphore_mem>>)
      %dma_wait3A = arith.constant 640 : i32
      %dma_wait3A_683 = tpu.memref_slice %arg16[%dma_wait3A] : memref<5120xf32, #tpu.memory_space<vmem>> -> memref<320xf32, #tpu.memory_space<vmem>>
      %dma_wait3A_684 = tpu.memref_slice %arg4[%add3A] : memref<10240xf32, #tpu.memory_space<hbm>> -> memref<320xf32, #tpu.memory_space<hbm>>
      %dma_wait3A_685 = arith.constant 640 : i32
      %dma_wait3A_686 = tpu.memref_slice %arg16[%dma_wait3A_685] : memref<5120xf32, #tpu.memory_space<vmem>> -> memref<320xf32, #tpu.memory_space<vmem>>
      %dma_wait3A_687 = tpu.memref_slice %arg4[%add3A] : memref<10240xf32, #tpu.memory_space<hbm>> -> memref<320xf32, #tpu.memory_space<hbm>>
      tpu.wait_dma2 semaphore(%run_scoped3A : memref<!tpu.dma_semaphore, #tpu.memory_space<semaphore_mem>>) src(%dma_wait3A_687 : memref<320xf32, #tpu.memory_space<hbm>>) dst(%dma_wait3A_686 : memref<320xf32, #tpu.memory_space<vmem>>)
      tpu.yield
    }) : () -> ()
    "tpu.region"() ({
      %run_scoped3A = tpu.sem_alloc : memref<!tpu.dma_semaphore, #tpu.memory_space<semaphore_mem>>
      %dma_start3A = arith.constant 960 : i32
      %dma_start3A_678 = tpu.memref_slice %arg16[%dma_start3A] : memref<5120xf32, #tpu.memory_space<vmem>> -> memref<320xf32, #tpu.memory_space<vmem>>
      %dma_start3A_679 = tpu.memref_slice %arg5[%add3A] : memref<10240xf32, #tpu.memory_space<hbm>> -> memref<320xf32, #tpu.memory_space<hbm>>
      %dma_start3A_680 = arith.constant 960 : i32
      %dma_start3A_681 = tpu.memref_slice %arg16[%dma_start3A_680] : memref<5120xf32, #tpu.memory_space<vmem>> -> memref<320xf32, #tpu.memory_space<vmem>>
      %dma_start3A_682 = tpu.memref_slice %arg5[%add3A] : memref<10240xf32, #tpu.memory_space<hbm>> -> memref<320xf32, #tpu.memory_space<hbm>>
      tpu.enqueue_dma source(%dma_start3A_682 : memref<320xf32, #tpu.memory_space<hbm>>) target(%dma_start3A_681 : memref<320xf32, #tpu.memory_space<vmem>>) target_semaphore(%run_scoped3A : memref<!tpu.dma_semaphore, #tpu.memory_space<semaphore_mem>>)
      %dma_wait3A = arith.constant 960 : i32
      %dma_wait3A_683 = tpu.memref_slice %arg16[%dma_wait3A] : memref<5120xf32, #tpu.memory_space<vmem>> -> memref<320xf32, #tpu.memory_space<vmem>>
      %dma_wait3A_684 = tpu.memref_slice %arg5[%add3A] : memref<10240xf32, #tpu.memory_space<hbm>> -> memref<320xf32, #tpu.memory_space<hbm>>
      %dma_wait3A_685 = arith.constant 960 : i32
      %dma_wait3A_686 = tpu.memref_slice %arg16[%dma_wait3A_685] : memref<5120xf32, #tpu.memory_space<vmem>> -> memref<320xf32, #tpu.memory_space<vmem>>
      %dma_wait3A_687 = tpu.memref_slice %arg5[%add3A] : memref<10240xf32, #tpu.memory_space<hbm>> -> memref<320xf32, #tpu.memory_space<hbm>>
      tpu.wait_dma2 semaphore(%run_scoped3A : memref<!tpu.dma_semaphore, #tpu.memory_space<semaphore_mem>>) src(%dma_wait3A_687 : memref<320xf32, #tpu.memory_space<hbm>>) dst(%dma_wait3A_686 : memref<320xf32, #tpu.memory_space<vmem>>)
      tpu.yield
    }) : () -> ()
    "tpu.region"() ({
      %run_scoped3A = tpu.sem_alloc : memref<!tpu.dma_semaphore, #tpu.memory_space<semaphore_mem>>
      %dma_start3A = arith.constant 1280 : i32
      %dma_start3A_678 = tpu.memref_slice %arg16[%dma_start3A] : memref<5120xf32, #tpu.memory_space<vmem>> -> memref<320xf32, #tpu.memory_space<vmem>>
      %dma_start3A_679 = tpu.memref_slice %arg6[%add3A] : memref<10240xf32, #tpu.memory_space<hbm>> -> memref<320xf32, #tpu.memory_space<hbm>>
      %dma_start3A_680 = arith.constant 1280 : i32
      %dma_start3A_681 = tpu.memref_slice %arg16[%dma_start3A_680] : memref<5120xf32, #tpu.memory_space<vmem>> -> memref<320xf32, #tpu.memory_space<vmem>>
      %dma_start3A_682 = tpu.memref_slice %arg6[%add3A] : memref<10240xf32, #tpu.memory_space<hbm>> -> memref<320xf32, #tpu.memory_space<hbm>>
      tpu.enqueue_dma source(%dma_start3A_682 : memref<320xf32, #tpu.memory_space<hbm>>) target(%dma_start3A_681 : memref<320xf32, #tpu.memory_space<vmem>>) target_semaphore(%run_scoped3A : memref<!tpu.dma_semaphore, #tpu.memory_space<semaphore_mem>>)
      %dma_wait3A = arith.constant 1280 : i32
      %dma_wait3A_683 = tpu.memref_slice %arg16[%dma_wait3A] : memref<5120xf32, #tpu.memory_space<vmem>> -> memref<320xf32, #tpu.memory_space<vmem>>
      %dma_wait3A_684 = tpu.memref_slice %arg6[%add3A] : memref<10240xf32, #tpu.memory_space<hbm>> -> memref<320xf32, #tpu.memory_space<hbm>>
      %dma_wait3A_685 = arith.constant 1280 : i32
      %dma_wait3A_686 = tpu.memref_slice %arg16[%dma_wait3A_685] : memref<5120xf32, #tpu.memory_space<vmem>> -> memref<320xf32, #tpu.memory_space<vmem>>
      %dma_wait3A_687 = tpu.memref_slice %arg6[%add3A] : memref<10240xf32, #tpu.memory_space<hbm>> -> memref<320xf32, #tpu.memory_space<hbm>>
      tpu.wait_dma2 semaphore(%run_scoped3A : memref<!tpu.dma_semaphore, #tpu.memory_space<semaphore_mem>>) src(%dma_wait3A_687 : memref<320xf32, #tpu.memory_space<hbm>>) dst(%dma_wait3A_686 : memref<320xf32, #tpu.memory_space<vmem>>)
      tpu.yield
    }) : () -> ()
    "tpu.region"() ({
      %run_scoped3A = tpu.sem_alloc : memref<!tpu.dma_semaphore, #tpu.memory_space<semaphore_mem>>
      %dma_start3A = arith.constant 1600 : i32
      %dma_start3A_678 = tpu.memref_slice %arg16[%dma_start3A] : memref<5120xf32, #tpu.memory_space<vmem>> -> memref<320xf32, #tpu.memory_space<vmem>>
      %dma_start3A_679 = tpu.memref_slice %arg7[%add3A] : memref<10240xf32, #tpu.memory_space<hbm>> -> memref<320xf32, #tpu.memory_space<hbm>>
      %dma_start3A_680 = arith.constant 1600 : i32
      %dma_start3A_681 = tpu.memref_slice %arg16[%dma_start3A_680] : memref<5120xf32, #tpu.memory_space<vmem>> -> memref<320xf32, #tpu.memory_space<vmem>>
      %dma_start3A_682 = tpu.memref_slice %arg7[%add3A] : memref<10240xf32, #tpu.memory_space<hbm>> -> memref<320xf32, #tpu.memory_space<hbm>>
      tpu.enqueue_dma source(%dma_start3A_682 : memref<320xf32, #tpu.memory_space<hbm>>) target(%dma_start3A_681 : memref<320xf32, #tpu.memory_space<vmem>>) target_semaphore(%run_scoped3A : memref<!tpu.dma_semaphore, #tpu.memory_space<semaphore_mem>>)
      %dma_wait3A = arith.constant 1600 : i32
      %dma_wait3A_683 = tpu.memref_slice %arg16[%dma_wait3A] : memref<5120xf32, #tpu.memory_space<vmem>> -> memref<320xf32, #tpu.memory_space<vmem>>
      %dma_wait3A_684 = tpu.memref_slice %arg7[%add3A] : memref<10240xf32, #tpu.memory_space<hbm>> -> memref<320xf32, #tpu.memory_space<hbm>>
      %dma_wait3A_685 = arith.constant 1600 : i32
      %dma_wait3A_686 = tpu.memref_slice %arg16[%dma_wait3A_685] : memref<5120xf32, #tpu.memory_space<vmem>> -> memref<320xf32, #tpu.memory_space<vmem>>
      %dma_wait3A_687 = tpu.memref_slice %arg7[%add3A] : memref<10240xf32, #tpu.memory_space<hbm>> -> memref<320xf32, #tpu.memory_space<hbm>>
      tpu.wait_dma2 semaphore(%run_scoped3A : memref<!tpu.dma_semaphore, #tpu.memory_space<semaphore_mem>>) src(%dma_wait3A_687 : memref<320xf32, #tpu.memory_space<hbm>>) dst(%dma_wait3A_686 : memref<320xf32, #tpu.memory_space<vmem>>)
      tpu.yield
    }) : () -> ()
    "tpu.region"() ({
      %run_scoped3A = tpu.sem_alloc : memref<!tpu.dma_semaphore, #tpu.memory_space<semaphore_mem>>
      %dma_start3A = arith.constant 1920 : i32
      %dma_start3A_678 = tpu.memref_slice %arg16[%dma_start3A] : memref<5120xf32, #tpu.memory_space<vmem>> -> memref<320xf32, #tpu.memory_space<vmem>>
      %dma_start3A_679 = tpu.memref_slice %arg8[%add3A] : memref<10240xf32, #tpu.memory_space<hbm>> -> memref<320xf32, #tpu.memory_space<hbm>>
      %dma_start3A_680 = arith.constant 1920 : i32
      %dma_start3A_681 = tpu.memref_slice %arg16[%dma_start3A_680] : memref<5120xf32, #tpu.memory_space<vmem>> -> memref<320xf32, #tpu.memory_space<vmem>>
      %dma_start3A_682 = tpu.memref_slice %arg8[%add3A] : memref<10240xf32, #tpu.memory_space<hbm>> -> memref<320xf32, #tpu.memory_space<hbm>>
      tpu.enqueue_dma source(%dma_start3A_682 : memref<320xf32, #tpu.memory_space<hbm>>) target(%dma_start3A_681 : memref<320xf32, #tpu.memory_space<vmem>>) target_semaphore(%run_scoped3A : memref<!tpu.dma_semaphore, #tpu.memory_space<semaphore_mem>>)
      %dma_wait3A = arith.constant 1920 : i32
      %dma_wait3A_683 = tpu.memref_slice %arg16[%dma_wait3A] : memref<5120xf32, #tpu.memory_space<vmem>> -> memref<320xf32, #tpu.memory_space<vmem>>
      %dma_wait3A_684 = tpu.memref_slice %arg8[%add3A] : memref<10240xf32, #tpu.memory_space<hbm>> -> memref<320xf32, #tpu.memory_space<hbm>>
      %dma_wait3A_685 = arith.constant 1920 : i32
      %dma_wait3A_686 = tpu.memref_slice %arg16[%dma_wait3A_685] : memref<5120xf32, #tpu.memory_space<vmem>> -> memref<320xf32, #tpu.memory_space<vmem>>
      %dma_wait3A_687 = tpu.memref_slice %arg8[%add3A] : memref<10240xf32, #tpu.memory_space<hbm>> -> memref<320xf32, #tpu.memory_space<hbm>>
      tpu.wait_dma2 semaphore(%run_scoped3A : memref<!tpu.dma_semaphore, #tpu.memory_space<semaphore_mem>>) src(%dma_wait3A_687 : memref<320xf32, #tpu.memory_space<hbm>>) dst(%dma_wait3A_686 : memref<320xf32, #tpu.memory_space<vmem>>)
      tpu.yield
    }) : () -> ()
    "tpu.region"() ({
      %run_scoped3A = tpu.sem_alloc : memref<!tpu.dma_semaphore, #tpu.memory_space<semaphore_mem>>
      %dma_start3A = arith.constant 2240 : i32
      %dma_start3A_678 = tpu.memref_slice %arg16[%dma_start3A] : memref<5120xf32, #tpu.memory_space<vmem>> -> memref<320xf32, #tpu.memory_space<vmem>>
      %dma_start3A_679 = tpu.memref_slice %arg9[%add3A] : memref<10240xf32, #tpu.memory_space<hbm>> -> memref<320xf32, #tpu.memory_space<hbm>>
      %dma_start3A_680 = arith.constant 2240 : i32
      %dma_start3A_681 = tpu.memref_slice %arg16[%dma_start3A_680] : memref<5120xf32, #tpu.memory_space<vmem>> -> memref<320xf32, #tpu.memory_space<vmem>>
      %dma_start3A_682 = tpu.memref_slice %arg9[%add3A] : memref<10240xf32, #tpu.memory_space<hbm>> -> memref<320xf32, #tpu.memory_space<hbm>>
      tpu.enqueue_dma source(%dma_start3A_682 : memref<320xf32, #tpu.memory_space<hbm>>) target(%dma_start3A_681 : memref<320xf32, #tpu.memory_space<vmem>>) target_semaphore(%run_scoped3A : memref<!tpu.dma_semaphore, #tpu.memory_space<semaphore_mem>>)
      %dma_wait3A = arith.constant 2240 : i32
      %dma_wait3A_683 = tpu.memref_slice %arg16[%dma_wait3A] : memref<5120xf32, #tpu.memory_space<vmem>> -> memref<320xf32, #tpu.memory_space<vmem>>
      %dma_wait3A_684 = tpu.memref_slice %arg9[%add3A] : memref<10240xf32, #tpu.memory_space<hbm>> -> memref<320xf32, #tpu.memory_space<hbm>>
      %dma_wait3A_685 = arith.constant 2240 : i32
      %dma_wait3A_686 = tpu.memref_slice %arg16[%dma_wait3A_685] : memref<5120xf32, #tpu.memory_space<vmem>> -> memref<320xf32, #tpu.memory_space<vmem>>
      %dma_wait3A_687 = tpu.memref_slice %arg9[%add3A] : memref<10240xf32, #tpu.memory_space<hbm>> -> memref<320xf32, #tpu.memory_space<hbm>>
      tpu.wait_dma2 semaphore(%run_scoped3A : memref<!tpu.dma_semaphore, #tpu.memory_space<semaphore_mem>>) src(%dma_wait3A_687 : memref<320xf32, #tpu.memory_space<hbm>>) dst(%dma_wait3A_686 : memref<320xf32, #tpu.memory_space<vmem>>)
      tpu.yield
    }) : () -> ()
    "tpu.region"() ({
      %run_scoped3A = tpu.sem_alloc : memref<!tpu.dma_semaphore, #tpu.memory_space<semaphore_mem>>
      %dma_start3A = arith.constant 2560 : i32
      %dma_start3A_678 = tpu.memref_slice %arg16[%dma_start3A] : memref<5120xf32, #tpu.memory_space<vmem>> -> memref<320xf32, #tpu.memory_space<vmem>>
      %dma_start3A_679 = tpu.memref_slice %arg10[%add3A] : memref<10240xf32, #tpu.memory_space<hbm>> -> memref<320xf32, #tpu.memory_space<hbm>>
      %dma_start3A_680 = arith.constant 2560 : i32
      %dma_start3A_681 = tpu.memref_slice %arg16[%dma_start3A_680] : memref<5120xf32, #tpu.memory_space<vmem>> -> memref<320xf32, #tpu.memory_space<vmem>>
      %dma_start3A_682 = tpu.memref_slice %arg10[%add3A] : memref<10240xf32, #tpu.memory_space<hbm>> -> memref<320xf32, #tpu.memory_space<hbm>>
      tpu.enqueue_dma source(%dma_start3A_682 : memref<320xf32, #tpu.memory_space<hbm>>) target(%dma_start3A_681 : memref<320xf32, #tpu.memory_space<vmem>>) target_semaphore(%run_scoped3A : memref<!tpu.dma_semaphore, #tpu.memory_space<semaphore_mem>>)
      %dma_wait3A = arith.constant 2560 : i32
      %dma_wait3A_683 = tpu.memref_slice %arg16[%dma_wait3A] : memref<5120xf32, #tpu.memory_space<vmem>> -> memref<320xf32, #tpu.memory_space<vmem>>
      %dma_wait3A_684 = tpu.memref_slice %arg10[%add3A] : memref<10240xf32, #tpu.memory_space<hbm>> -> memref<320xf32, #tpu.memory_space<hbm>>
      %dma_wait3A_685 = arith.constant 2560 : i32
      %dma_wait3A_686 = tpu.memref_slice %arg16[%dma_wait3A_685] : memref<5120xf32, #tpu.memory_space<vmem>> -> memref<320xf32, #tpu.memory_space<vmem>>
      %dma_wait3A_687 = tpu.memref_slice %arg10[%add3A] : memref<10240xf32, #tpu.memory_space<hbm>> -> memref<320xf32, #tpu.memory_space<hbm>>
      tpu.wait_dma2 semaphore(%run_scoped3A : memref<!tpu.dma_semaphore, #tpu.memory_space<semaphore_mem>>) src(%dma_wait3A_687 : memref<320xf32, #tpu.memory_space<hbm>>) dst(%dma_wait3A_686 : memref<320xf32, #tpu.memory_space<vmem>>)
      tpu.yield
    }) : () -> ()
    "tpu.region"() ({
      %run_scoped3A = tpu.sem_alloc : memref<!tpu.dma_semaphore, #tpu.memory_space<semaphore_mem>>
      %dma_start3A = arith.constant 2880 : i32
      %dma_start3A_678 = tpu.memref_slice %arg16[%dma_start3A] : memref<5120xf32, #tpu.memory_space<vmem>> -> memref<320xf32, #tpu.memory_space<vmem>>
      %dma_start3A_679 = tpu.memref_slice %arg11[%add3A] : memref<10240xf32, #tpu.memory_space<hbm>> -> memref<320xf32, #tpu.memory_space<hbm>>
      %dma_start3A_680 = arith.constant 2880 : i32
      %dma_start3A_681 = tpu.memref_slice %arg16[%dma_start3A_680] : memref<5120xf32, #tpu.memory_space<vmem>> -> memref<320xf32, #tpu.memory_space<vmem>>
      %dma_start3A_682 = tpu.memref_slice %arg11[%add3A] : memref<10240xf32, #tpu.memory_space<hbm>> -> memref<320xf32, #tpu.memory_space<hbm>>
      tpu.enqueue_dma source(%dma_start3A_682 : memref<320xf32, #tpu.memory_space<hbm>>) target(%dma_start3A_681 : memref<320xf32, #tpu.memory_space<vmem>>) target_semaphore(%run_scoped3A : memref<!tpu.dma_semaphore, #tpu.memory_space<semaphore_mem>>)
      %dma_wait3A = arith.constant 2880 : i32
      %dma_wait3A_683 = tpu.memref_slice %arg16[%dma_wait3A] : memref<5120xf32, #tpu.memory_space<vmem>> -> memref<320xf32, #tpu.memory_space<vmem>>
      %dma_wait3A_684 = tpu.memref_slice %arg11[%add3A] : memref<10240xf32, #tpu.memory_space<hbm>> -> memref<320xf32, #tpu.memory_space<hbm>>
      %dma_wait3A_685 = arith.constant 2880 : i32
      %dma_wait3A_686 = tpu.memref_slice %arg16[%dma_wait3A_685] : memref<5120xf32, #tpu.memory_space<vmem>> -> memref<320xf32, #tpu.memory_space<vmem>>
      %dma_wait3A_687 = tpu.memref_slice %arg11[%add3A] : memref<10240xf32, #tpu.memory_space<hbm>> -> memref<320xf32, #tpu.memory_space<hbm>>
      tpu.wait_dma2 semaphore(%run_scoped3A : memref<!tpu.dma_semaphore, #tpu.memory_space<semaphore_mem>>) src(%dma_wait3A_687 : memref<320xf32, #tpu.memory_space<hbm>>) dst(%dma_wait3A_686 : memref<320xf32, #tpu.memory_space<vmem>>)
      tpu.yield
    }) : () -> ()
    "tpu.region"() ({
      %run_scoped3A = tpu.sem_alloc : memref<!tpu.dma_semaphore, #tpu.memory_space<semaphore_mem>>
      %dma_start3A = arith.constant 3200 : i32
      %dma_start3A_678 = tpu.memref_slice %arg16[%dma_start3A] : memref<5120xf32, #tpu.memory_space<vmem>> -> memref<320xf32, #tpu.memory_space<vmem>>
      %dma_start3A_679 = tpu.memref_slice %arg12[%add3A] : memref<10240xf32, #tpu.memory_space<hbm>> -> memref<320xf32, #tpu.memory_space<hbm>>
      %dma_start3A_680 = arith.constant 3200 : i32
      %dma_start3A_681 = tpu.memref_slice %arg16[%dma_start3A_680] : memref<5120xf32, #tpu.memory_space<vmem>> -> memref<320xf32, #tpu.memory_space<vmem>>
      %dma_start3A_682 = tpu.memref_slice %arg12[%add3A] : memref<10240xf32, #tpu.memory_space<hbm>> -> memref<320xf32, #tpu.memory_space<hbm>>
      tpu.enqueue_dma source(%dma_start3A_682 : memref<320xf32, #tpu.memory_space<hbm>>) target(%dma_start3A_681 : memref<320xf32, #tpu.memory_space<vmem>>) target_semaphore(%run_scoped3A : memref<!tpu.dma_semaphore, #tpu.memory_space<semaphore_mem>>)
      %dma_wait3A = arith.constant 3200 : i32
      %dma_wait3A_683 = tpu.memref_slice %arg16[%dma_wait3A] : memref<5120xf32, #tpu.memory_space<vmem>> -> memref<320xf32, #tpu.memory_space<vmem>>
      %dma_wait3A_684 = tpu.memref_slice %arg12[%add3A] : memref<10240xf32, #tpu.memory_space<hbm>> -> memref<320xf32, #tpu.memory_space<hbm>>
      %dma_wait3A_685 = arith.constant 3200 : i32
      %dma_wait3A_686 = tpu.memref_slice %arg16[%dma_wait3A_685] : memref<5120xf32, #tpu.memory_space<vmem>> -> memref<320xf32, #tpu.memory_space<vmem>>
      %dma_wait3A_687 = tpu.memref_slice %arg12[%add3A] : memref<10240xf32, #tpu.memory_space<hbm>> -> memref<320xf32, #tpu.memory_space<hbm>>
      tpu.wait_dma2 semaphore(%run_scoped3A : memref<!tpu.dma_semaphore, #tpu.memory_space<semaphore_mem>>) src(%dma_wait3A_687 : memref<320xf32, #tpu.memory_space<hbm>>) dst(%dma_wait3A_686 : memref<320xf32, #tpu.memory_space<vmem>>)
      tpu.yield
    }) : () -> ()
    %add3A_6 = arith.constant 0 : i32
    %add3A_7 = arith.addi %add3A, %add3A_6 : i32
    %add3A_8 = vector.broadcast %add3A_7 : i32 to vector<16xi32>
    %add3A_9 = arith.addi %iota3A, %add3A_8 : vector<16xi32>
    %convert_element_type3A = arith.sitofp %add3A_9 : vector<16xi32> to vector<16xf32>
    %swap3A = arith.constant 3520 : index
    %swap3A_10 = tpu.vector_load %arg16[%swap3A] {strides = array<i32>} : memref<5120xf32, #tpu.memory_space<vmem>>, vector<16xf32>,
    tpu.vector_store %arg16[%swap3A], %convert_element_type3A {strides = array<i32>} : memref<5120xf32, #tpu.memory_space<vmem>>, vector<16xf32>,
    %add3A_11 = arith.constant 16 : i32
    %add3A_12 = arith.addi %add3A, %add3A_11 : i32
    %add3A_13 = vector.broadcast %add3A_12 : i32 to vector<16xi32>
    %add3A_14 = arith.addi %iota3A, %add3A_13 : vector<16xi32>
    %convert_element_type3A_15 = arith.sitofp %add3A_14 : vector<16xi32> to vector<16xf32>
    %swap3A_16 = arith.constant 3536 : index
    %swap3A_17 = tpu.vector_load %arg16[%swap3A_16] {strides = array<i32>} : memref<5120xf32, #tpu.memory_space<vmem>>, vector<16xf32>,
    tpu.vector_store %arg16[%swap3A_16], %convert_element_type3A_15 {strides = array<i32>} : memref<5120xf32, #tpu.memory_space<vmem>>, vector<16xf32>,
    %add3A_18 = arith.constant 32 : i32
    %add3A_19 = arith.addi %add3A, %add3A_18 : i32
    %add3A_20 = vector.broadcast %add3A_19 : i32 to vector<16xi32>
    %add3A_21 = arith.addi %iota3A, %add3A_20 : vector<16xi32>
    %convert_element_type3A_22 = arith.sitofp %add3A_21 : vector<16xi32> to vector<16xf32>
    %swap3A_23 = arith.constant 3552 : index
    %swap3A_24 = tpu.vector_load %arg16[%swap3A_23] {strides = array<i32>} : memref<5120xf32, #tpu.memory_space<vmem>>, vector<16xf32>,
    tpu.vector_store %arg16[%swap3A_23], %convert_element_type3A_22 {strides = array<i32>} : memref<5120xf32, #tpu.memory_space<vmem>>, vector<16xf32>,
    %add3A_25 = arith.constant 48 : i32
    %add3A_26 = arith.addi %add3A, %add3A_25 : i32
    %add3A_27 = vector.broadcast %add3A_26 : i32 to vector<16xi32>
    %add3A_28 = arith.addi %iota3A, %add3A_27 : vector<16xi32>
    %convert_element_type3A_29 = arith.sitofp %add3A_28 : vector<16xi32> to vector<16xf32>
    %swap3A_30 = arith.constant 3568 : index
    %swap3A_31 = tpu.vector_load %arg16[%swap3A_30] {strides = array<i32>} : memref<5120xf32, #tpu.memory_space<vmem>>, vector<16xf32>,
    tpu.vector_store %arg16[%swap3A_30], %convert_element_type3A_29 {strides = array<i32>} : memref<5120xf32, #tpu.memory_space<vmem>>, vector<16xf32>,
    %add3A_32 = arith.constant 64 : i32
    %add3A_33 = arith.addi %add3A, %add3A_32 : i32
    %add3A_34 = vector.broadcast %add3A_33 : i32 to vector<16xi32>
    %add3A_35 = arith.addi %iota3A, %add3A_34 : vector<16xi32>
    %convert_element_type3A_36 = arith.sitofp %add3A_35 : vector<16xi32> to vector<16xf32>
    %swap3A_37 = arith.constant 3584 : index
    %swap3A_38 = tpu.vector_load %arg16[%swap3A_37] {strides = array<i32>} : memref<5120xf32, #tpu.memory_space<vmem>>, vector<16xf32>,
    tpu.vector_store %arg16[%swap3A_37], %convert_element_type3A_36 {strides = array<i32>} : memref<5120xf32, #tpu.memory_space<vmem>>, vector<16xf32>,
    %add3A_39 = arith.constant 80 : i32
    %add3A_40 = arith.addi %add3A, %add3A_39 : i32
    %add3A_41 = vector.broadcast %add3A_40 : i32 to vector<16xi32>
    %add3A_42 = arith.addi %iota3A, %add3A_41 : vector<16xi32>
    %convert_element_type3A_43 = arith.sitofp %add3A_42 : vector<16xi32> to vector<16xf32>
    %swap3A_44 = arith.constant 3600 : index
    %swap3A_45 = tpu.vector_load %arg16[%swap3A_44] {strides = array<i32>} : memref<5120xf32, #tpu.memory_space<vmem>>, vector<16xf32>,
    tpu.vector_store %arg16[%swap3A_44], %convert_element_type3A_43 {strides = array<i32>} : memref<5120xf32, #tpu.memory_space<vmem>>, vector<16xf32>,
    %add3A_46 = arith.constant 96 : i32
    %add3A_47 = arith.addi %add3A, %add3A_46 : i32
    %add3A_48 = vector.broadcast %add3A_47 : i32 to vector<16xi32>
    %add3A_49 = arith.addi %iota3A, %add3A_48 : vector<16xi32>
    %convert_element_type3A_50 = arith.sitofp %add3A_49 : vector<16xi32> to vector<16xf32>
    %swap3A_51 = arith.constant 3616 : index
    %swap3A_52 = tpu.vector_load %arg16[%swap3A_51] {strides = array<i32>} : memref<5120xf32, #tpu.memory_space<vmem>>, vector<16xf32>,
    tpu.vector_store %arg16[%swap3A_51], %convert_element_type3A_50 {strides = array<i32>} : memref<5120xf32, #tpu.memory_space<vmem>>, vector<16xf32>,
    %add3A_53 = arith.constant 112 : i32
    %add3A_54 = arith.addi %add3A, %add3A_53 : i32
    %add3A_55 = vector.broadcast %add3A_54 : i32 to vector<16xi32>
    %add3A_56 = arith.addi %iota3A, %add3A_55 : vector<16xi32>
    %convert_element_type3A_57 = arith.sitofp %add3A_56 : vector<16xi32> to vector<16xf32>
    %swap3A_58 = arith.constant 3632 : index
    %swap3A_59 = tpu.vector_load %arg16[%swap3A_58] {strides = array<i32>} : memref<5120xf32, #tpu.memory_space<vmem>>, vector<16xf32>,
    tpu.vector_store %arg16[%swap3A_58], %convert_element_type3A_57 {strides = array<i32>} : memref<5120xf32, #tpu.memory_space<vmem>>, vector<16xf32>,
    %add3A_60 = arith.constant 128 : i32
    %add3A_61 = arith.addi %add3A, %add3A_60 : i32
    %add3A_62 = vector.broadcast %add3A_61 : i32 to vector<16xi32>
    %add3A_63 = arith.addi %iota3A, %add3A_62 : vector<16xi32>
    %convert_element_type3A_64 = arith.sitofp %add3A_63 : vector<16xi32> to vector<16xf32>
    %swap3A_65 = arith.constant 3648 : index
    %swap3A_66 = tpu.vector_load %arg16[%swap3A_65] {strides = array<i32>} : memref<5120xf32, #tpu.memory_space<vmem>>, vector<16xf32>,
    tpu.vector_store %arg16[%swap3A_65], %convert_element_type3A_64 {strides = array<i32>} : memref<5120xf32, #tpu.memory_space<vmem>>, vector<16xf32>,
    %add3A_67 = arith.constant 144 : i32
    %add3A_68 = arith.addi %add3A, %add3A_67 : i32
    %add3A_69 = vector.broadcast %add3A_68 : i32 to vector<16xi32>
    %add3A_70 = arith.addi %iota3A, %add3A_69 : vector<16xi32>
    %convert_element_type3A_71 = arith.sitofp %add3A_70 : vector<16xi32> to vector<16xf32>
    %swap3A_72 = arith.constant 3664 : index
    %swap3A_73 = tpu.vector_load %arg16[%swap3A_72] {strides = array<i32>} : memref<5120xf32, #tpu.memory_space<vmem>>, vector<16xf32>,
    tpu.vector_store %arg16[%swap3A_72], %convert_element_type3A_71 {strides = array<i32>} : memref<5120xf32, #tpu.memory_space<vmem>>, vector<16xf32>,
    %add3A_74 = arith.constant 160 : i32
    %add3A_75 = arith.addi %add3A, %add3A_74 : i32
    %add3A_76 = vector.broadcast %add3A_75 : i32 to vector<16xi32>
    %add3A_77 = arith.addi %iota3A, %add3A_76 : vector<16xi32>
    %convert_element_type3A_78 = arith.sitofp %add3A_77 : vector<16xi32> to vector<16xf32>
    %swap3A_79 = arith.constant 3680 : index
    %swap3A_80 = tpu.vector_load %arg16[%swap3A_79] {strides = array<i32>} : memref<5120xf32, #tpu.memory_space<vmem>>, vector<16xf32>,
    tpu.vector_store %arg16[%swap3A_79], %convert_element_type3A_78 {strides = array<i32>} : memref<5120xf32, #tpu.memory_space<vmem>>, vector<16xf32>,
    %add3A_81 = arith.constant 176 : i32
    %add3A_82 = arith.addi %add3A, %add3A_81 : i32
    %add3A_83 = vector.broadcast %add3A_82 : i32 to vector<16xi32>
    %add3A_84 = arith.addi %iota3A, %add3A_83 : vector<16xi32>
    %convert_element_type3A_85 = arith.sitofp %add3A_84 : vector<16xi32> to vector<16xf32>
    %swap3A_86 = arith.constant 3696 : index
    %swap3A_87 = tpu.vector_load %arg16[%swap3A_86] {strides = array<i32>} : memref<5120xf32, #tpu.memory_space<vmem>>, vector<16xf32>,
    tpu.vector_store %arg16[%swap3A_86], %convert_element_type3A_85 {strides = array<i32>} : memref<5120xf32, #tpu.memory_space<vmem>>, vector<16xf32>,
    %add3A_88 = arith.constant 192 : i32
    %add3A_89 = arith.addi %add3A, %add3A_88 : i32
    %add3A_90 = vector.broadcast %add3A_89 : i32 to vector<16xi32>
    %add3A_91 = arith.addi %iota3A, %add3A_90 : vector<16xi32>
    %convert_element_type3A_92 = arith.sitofp %add3A_91 : vector<16xi32> to vector<16xf32>
    %swap3A_93 = arith.constant 3712 : index
    %swap3A_94 = tpu.vector_load %arg16[%swap3A_93] {strides = array<i32>} : memref<5120xf32, #tpu.memory_space<vmem>>, vector<16xf32>,
    tpu.vector_store %arg16[%swap3A_93], %convert_element_type3A_92 {strides = array<i32>} : memref<5120xf32, #tpu.memory_space<vmem>>, vector<16xf32>,
    %add3A_95 = arith.constant 208 : i32
    %add3A_96 = arith.addi %add3A, %add3A_95 : i32
    %add3A_97 = vector.broadcast %add3A_96 : i32 to vector<16xi32>
    %add3A_98 = arith.addi %iota3A, %add3A_97 : vector<16xi32>
    %convert_element_type3A_99 = arith.sitofp %add3A_98 : vector<16xi32> to vector<16xf32>
    %swap3A_100 = arith.constant 3728 : index
    %swap3A_101 = tpu.vector_load %arg16[%swap3A_100] {strides = array<i32>} : memref<5120xf32, #tpu.memory_space<vmem>>, vector<16xf32>,
    tpu.vector_store %arg16[%swap3A_100], %convert_element_type3A_99 {strides = array<i32>} : memref<5120xf32, #tpu.memory_space<vmem>>, vector<16xf32>,
    %add3A_102 = arith.constant 224 : i32
    %add3A_103 = arith.addi %add3A, %add3A_102 : i32
    %add3A_104 = vector.broadcast %add3A_103 : i32 to vector<16xi32>
    %add3A_105 = arith.addi %iota3A, %add3A_104 : vector<16xi32>
    %convert_element_type3A_106 = arith.sitofp %add3A_105 : vector<16xi32> to vector<16xf32>
    %swap3A_107 = arith.constant 3744 : index
    %swap3A_108 = tpu.vector_load %arg16[%swap3A_107] {strides = array<i32>} : memref<5120xf32, #tpu.memory_space<vmem>>, vector<16xf32>,
    tpu.vector_store %arg16[%swap3A_107], %convert_element_type3A_106 {strides = array<i32>} : memref<5120xf32, #tpu.memory_space<vmem>>, vector<16xf32>,
    %add3A_109 = arith.constant 240 : i32
    %add3A_110 = arith.addi %add3A, %add3A_109 : i32
    %add3A_111 = vector.broadcast %add3A_110 : i32 to vector<16xi32>
    %add3A_112 = arith.addi %iota3A, %add3A_111 : vector<16xi32>
    %convert_element_type3A_113 = arith.sitofp %add3A_112 : vector<16xi32> to vector<16xf32>
    %swap3A_114 = arith.constant 3760 : index
    %swap3A_115 = tpu.vector_load %arg16[%swap3A_114] {strides = array<i32>} : memref<5120xf32, #tpu.memory_space<vmem>>, vector<16xf32>,
    tpu.vector_store %arg16[%swap3A_114], %convert_element_type3A_113 {strides = array<i32>} : memref<5120xf32, #tpu.memory_space<vmem>>, vector<16xf32>,
    %add3A_116 = arith.constant 256 : i32
    %add3A_117 = arith.addi %add3A, %add3A_116 : i32
    %add3A_118 = vector.broadcast %add3A_117 : i32 to vector<16xi32>
    %add3A_119 = arith.addi %iota3A, %add3A_118 : vector<16xi32>
    %convert_element_type3A_120 = arith.sitofp %add3A_119 : vector<16xi32> to vector<16xf32>
    %swap3A_121 = arith.constant 3776 : index
    %swap3A_122 = tpu.vector_load %arg16[%swap3A_121] {strides = array<i32>} : memref<5120xf32, #tpu.memory_space<vmem>>, vector<16xf32>,
    tpu.vector_store %arg16[%swap3A_121], %convert_element_type3A_120 {strides = array<i32>} : memref<5120xf32, #tpu.memory_space<vmem>>, vector<16xf32>,
    %add3A_123 = arith.constant 272 : i32
    %add3A_124 = arith.addi %add3A, %add3A_123 : i32
    %add3A_125 = vector.broadcast %add3A_124 : i32 to vector<16xi32>
    %add3A_126 = arith.addi %iota3A, %add3A_125 : vector<16xi32>
    %convert_element_type3A_127 = arith.sitofp %add3A_126 : vector<16xi32> to vector<16xf32>
    %swap3A_128 = arith.constant 3792 : index
    %swap3A_129 = tpu.vector_load %arg16[%swap3A_128] {strides = array<i32>} : memref<5120xf32, #tpu.memory_space<vmem>>, vector<16xf32>,
    tpu.vector_store %arg16[%swap3A_128], %convert_element_type3A_127 {strides = array<i32>} : memref<5120xf32, #tpu.memory_space<vmem>>, vector<16xf32>,
    %add3A_130 = arith.constant 288 : i32
    %add3A_131 = arith.addi %add3A, %add3A_130 : i32
    %add3A_132 = vector.broadcast %add3A_131 : i32 to vector<16xi32>
    %add3A_133 = arith.addi %iota3A, %add3A_132 : vector<16xi32>
    %convert_element_type3A_134 = arith.sitofp %add3A_133 : vector<16xi32> to vector<16xf32>
    %swap3A_135 = arith.constant 3808 : index
    %swap3A_136 = tpu.vector_load %arg16[%swap3A_135] {strides = array<i32>} : memref<5120xf32, #tpu.memory_space<vmem>>, vector<16xf32>,
    tpu.vector_store %arg16[%swap3A_135], %convert_element_type3A_134 {strides = array<i32>} : memref<5120xf32, #tpu.memory_space<vmem>>, vector<16xf32>,
    %add3A_137 = arith.constant 304 : i32
    %add3A_138 = arith.addi %add3A, %add3A_137 : i32
    %add3A_139 = vector.broadcast %add3A_138 : i32 to vector<16xi32>
    %add3A_140 = arith.addi %iota3A, %add3A_139 : vector<16xi32>
    %convert_element_type3A_141 = arith.sitofp %add3A_140 : vector<16xi32> to vector<16xf32>
    %swap3A_142 = arith.constant 3824 : index
    %swap3A_143 = tpu.vector_load %arg16[%swap3A_142] {strides = array<i32>} : memref<5120xf32, #tpu.memory_space<vmem>>, vector<16xf32>,
    tpu.vector_store %arg16[%swap3A_142], %convert_element_type3A_141 {strides = array<i32>} : memref<5120xf32, #tpu.memory_space<vmem>>, vector<16xf32>,
    %swap3A_144 = arith.constant 0 : index
    %swap3A_145 = tpu.vector_load %arg19[%swap3A_144] {strides = array<i32>} : memref<304xf32, #tpu.memory_space<vmem>>, vector<16xf32>,
    tpu.vector_store %arg19[%swap3A_144], %broadcast_in_dim3A_3 {strides = array<i32>} : memref<304xf32, #tpu.memory_space<vmem>>, vector<16xf32>,
    %broadcast_in_dim3A_146 = arith.constant -1.000000e+00 : f32
    %broadcast_in_dim3A_147 = vector.broadcast %broadcast_in_dim3A_146 : f32 to vector<16xf32>
    %swap3A_148 = arith.constant 0 : index
    %swap3A_149 = tpu.vector_load %arg21[%swap3A_148] {strides = array<i32>} : memref<304xf32, #tpu.memory_space<vmem>>, vector<16xf32>,
    tpu.vector_store %arg21[%swap3A_148], %broadcast_in_dim3A_147 {strides = array<i32>} : memref<304xf32, #tpu.memory_space<vmem>>, vector<16xf32>,
    %swap3A_150 = arith.constant 16 : index
    %swap3A_151 = tpu.vector_load %arg19[%swap3A_150] {strides = array<i32>} : memref<304xf32, #tpu.memory_space<vmem>>, vector<16xf32>,
    tpu.vector_store %arg19[%swap3A_150], %broadcast_in_dim3A_3 {strides = array<i32>} : memref<304xf32, #tpu.memory_space<vmem>>, vector<16xf32>,
    %broadcast_in_dim3A_152 = arith.constant -1.000000e+00 : f32
    %broadcast_in_dim3A_153 = vector.broadcast %broadcast_in_dim3A_152 : f32 to vector<16xf32>
    %swap3A_154 = arith.constant 16 : index
    %swap3A_155 = tpu.vector_load %arg21[%swap3A_154] {strides = array<i32>} : memref<304xf32, #tpu.memory_space<vmem>>, vector<16xf32>,
    tpu.vector_store %arg21[%swap3A_154], %broadcast_in_dim3A_153 {strides = array<i32>} : memref<304xf32, #tpu.memory_space<vmem>>, vector<16xf32>,
    %swap3A_156 = arith.constant 32 : index
    %swap3A_157 = tpu.vector_load %arg19[%swap3A_156] {strides = array<i32>} : memref<304xf32, #tpu.memory_space<vmem>>, vector<16xf32>,
    tpu.vector_store %arg19[%swap3A_156], %broadcast_in_dim3A_3 {strides = array<i32>} : memref<304xf32, #tpu.memory_space<vmem>>, vector<16xf32>,
    %broadcast_in_dim3A_158 = arith.constant -1.000000e+00 : f32
    %broadcast_in_dim3A_159 = vector.broadcast %broadcast_in_dim3A_158 : f32 to vector<16xf32>
    %swap3A_160 = arith.constant 32 : index
    %swap3A_161 = tpu.vector_load %arg21[%swap3A_160] {strides = array<i32>} : memref<304xf32, #tpu.memory_space<vmem>>, vector<16xf32>,
    tpu.vector_store %arg21[%swap3A_160], %broadcast_in_dim3A_159 {strides = array<i32>} : memref<304xf32, #tpu.memory_space<vmem>>, vector<16xf32>,
    %swap3A_162 = arith.constant 48 : index
    %swap3A_163 = tpu.vector_load %arg19[%swap3A_162] {strides = array<i32>} : memref<304xf32, #tpu.memory_space<vmem>>, vector<16xf32>,
    tpu.vector_store %arg19[%swap3A_162], %broadcast_in_dim3A_3 {strides = array<i32>} : memref<304xf32, #tpu.memory_space<vmem>>, vector<16xf32>,
    %broadcast_in_dim3A_164 = arith.constant -1.000000e+00 : f32
    %broadcast_in_dim3A_165 = vector.broadcast %broadcast_in_dim3A_164 : f32 to vector<16xf32>
    %swap3A_166 = arith.constant 48 : index
    %swap3A_167 = tpu.vector_load %arg21[%swap3A_166] {strides = array<i32>} : memref<304xf32, #tpu.memory_space<vmem>>, vector<16xf32>,
    tpu.vector_store %arg21[%swap3A_166], %broadcast_in_dim3A_165 {strides = array<i32>} : memref<304xf32, #tpu.memory_space<vmem>>, vector<16xf32>,
    %swap3A_168 = arith.constant 64 : index
    %swap3A_169 = tpu.vector_load %arg19[%swap3A_168] {strides = array<i32>} : memref<304xf32, #tpu.memory_space<vmem>>, vector<16xf32>,
    tpu.vector_store %arg19[%swap3A_168], %broadcast_in_dim3A_3 {strides = array<i32>} : memref<304xf32, #tpu.memory_space<vmem>>, vector<16xf32>,
    %broadcast_in_dim3A_170 = arith.constant -1.000000e+00 : f32
    %broadcast_in_dim3A_171 = vector.broadcast %broadcast_in_dim3A_170 : f32 to vector<16xf32>
    %swap3A_172 = arith.constant 64 : index
    %swap3A_173 = tpu.vector_load %arg21[%swap3A_172] {strides = array<i32>} : memref<304xf32, #tpu.memory_space<vmem>>, vector<16xf32>,
    tpu.vector_store %arg21[%swap3A_172], %broadcast_in_dim3A_171 {strides = array<i32>} : memref<304xf32, #tpu.memory_space<vmem>>, vector<16xf32>,
    %swap3A_174 = arith.constant 80 : index
    %swap3A_175 = tpu.vector_load %arg19[%swap3A_174] {strides = array<i32>} : memref<304xf32, #tpu.memory_space<vmem>>, vector<16xf32>,
    tpu.vector_store %arg19[%swap3A_174], %broadcast_in_dim3A_3 {strides = array<i32>} : memref<304xf32, #tpu.memory_space<vmem>>, vector<16xf32>,
    %broadcast_in_dim3A_176 = arith.constant -1.000000e+00 : f32
    %broadcast_in_dim3A_177 = vector.broadcast %broadcast_in_dim3A_176 : f32 to vector<16xf32>
    %swap3A_178 = arith.constant 80 : index
    %swap3A_179 = tpu.vector_load %arg21[%swap3A_178] {strides = array<i32>} : memref<304xf32, #tpu.memory_space<vmem>>, vector<16xf32>,
    tpu.vector_store %arg21[%swap3A_178], %broadcast_in_dim3A_177 {strides = array<i32>} : memref<304xf32, #tpu.memory_space<vmem>>, vector<16xf32>,
    %swap3A_180 = arith.constant 96 : index
    %swap3A_181 = tpu.vector_load %arg19[%swap3A_180] {strides = array<i32>} : memref<304xf32, #tpu.memory_space<vmem>>, vector<16xf32>,
    tpu.vector_store %arg19[%swap3A_180], %broadcast_in_dim3A_3 {strides = array<i32>} : memref<304xf32, #tpu.memory_space<vmem>>, vector<16xf32>,
    %broadcast_in_dim3A_182 = arith.constant -1.000000e+00 : f32
    %broadcast_in_dim3A_183 = vector.broadcast %broadcast_in_dim3A_182 : f32 to vector<16xf32>
    %swap3A_184 = arith.constant 96 : index
    %swap3A_185 = tpu.vector_load %arg21[%swap3A_184] {strides = array<i32>} : memref<304xf32, #tpu.memory_space<vmem>>, vector<16xf32>,
    tpu.vector_store %arg21[%swap3A_184], %broadcast_in_dim3A_183 {strides = array<i32>} : memref<304xf32, #tpu.memory_space<vmem>>, vector<16xf32>,
    %swap3A_186 = arith.constant 112 : index
    %swap3A_187 = tpu.vector_load %arg19[%swap3A_186] {strides = array<i32>} : memref<304xf32, #tpu.memory_space<vmem>>, vector<16xf32>,
    tpu.vector_store %arg19[%swap3A_186], %broadcast_in_dim3A_3 {strides = array<i32>} : memref<304xf32, #tpu.memory_space<vmem>>, vector<16xf32>,
    %broadcast_in_dim3A_188 = arith.constant -1.000000e+00 : f32
    %broadcast_in_dim3A_189 = vector.broadcast %broadcast_in_dim3A_188 : f32 to vector<16xf32>
    %swap3A_190 = arith.constant 112 : index
    %swap3A_191 = tpu.vector_load %arg21[%swap3A_190] {strides = array<i32>} : memref<304xf32, #tpu.memory_space<vmem>>, vector<16xf32>,
    tpu.vector_store %arg21[%swap3A_190], %broadcast_in_dim3A_189 {strides = array<i32>} : memref<304xf32, #tpu.memory_space<vmem>>, vector<16xf32>,
    %swap3A_192 = arith.constant 128 : index
    %swap3A_193 = tpu.vector_load %arg19[%swap3A_192] {strides = array<i32>} : memref<304xf32, #tpu.memory_space<vmem>>, vector<16xf32>,
    tpu.vector_store %arg19[%swap3A_192], %broadcast_in_dim3A_3 {strides = array<i32>} : memref<304xf32, #tpu.memory_space<vmem>>, vector<16xf32>,
    %broadcast_in_dim3A_194 = arith.constant -1.000000e+00 : f32
    %broadcast_in_dim3A_195 = vector.broadcast %broadcast_in_dim3A_194 : f32 to vector<16xf32>
    %swap3A_196 = arith.constant 128 : index
    %swap3A_197 = tpu.vector_load %arg21[%swap3A_196] {strides = array<i32>} : memref<304xf32, #tpu.memory_space<vmem>>, vector<16xf32>,
    tpu.vector_store %arg21[%swap3A_196], %broadcast_in_dim3A_195 {strides = array<i32>} : memref<304xf32, #tpu.memory_space<vmem>>, vector<16xf32>,
    %swap3A_198 = arith.constant 144 : index
    %swap3A_199 = tpu.vector_load %arg19[%swap3A_198] {strides = array<i32>} : memref<304xf32, #tpu.memory_space<vmem>>, vector<16xf32>,
    tpu.vector_store %arg19[%swap3A_198], %broadcast_in_dim3A_3 {strides = array<i32>} : memref<304xf32, #tpu.memory_space<vmem>>, vector<16xf32>,
    %broadcast_in_dim3A_200 = arith.constant -1.000000e+00 : f32
    %broadcast_in_dim3A_201 = vector.broadcast %broadcast_in_dim3A_200 : f32 to vector<16xf32>
    %swap3A_202 = arith.constant 144 : index
    %swap3A_203 = tpu.vector_load %arg21[%swap3A_202] {strides = array<i32>} : memref<304xf32, #tpu.memory_space<vmem>>, vector<16xf32>,
    tpu.vector_store %arg21[%swap3A_202], %broadcast_in_dim3A_201 {strides = array<i32>} : memref<304xf32, #tpu.memory_space<vmem>>, vector<16xf32>,
    %swap3A_204 = arith.constant 160 : index
    %swap3A_205 = tpu.vector_load %arg19[%swap3A_204] {strides = array<i32>} : memref<304xf32, #tpu.memory_space<vmem>>, vector<16xf32>,
    tpu.vector_store %arg19[%swap3A_204], %broadcast_in_dim3A_3 {strides = array<i32>} : memref<304xf32, #tpu.memory_space<vmem>>, vector<16xf32>,
    %broadcast_in_dim3A_206 = arith.constant -1.000000e+00 : f32
    %broadcast_in_dim3A_207 = vector.broadcast %broadcast_in_dim3A_206 : f32 to vector<16xf32>
    %swap3A_208 = arith.constant 160 : index
    %swap3A_209 = tpu.vector_load %arg21[%swap3A_208] {strides = array<i32>} : memref<304xf32, #tpu.memory_space<vmem>>, vector<16xf32>,
    tpu.vector_store %arg21[%swap3A_208], %broadcast_in_dim3A_207 {strides = array<i32>} : memref<304xf32, #tpu.memory_space<vmem>>, vector<16xf32>,
    %swap3A_210 = arith.constant 176 : index
    %swap3A_211 = tpu.vector_load %arg19[%swap3A_210] {strides = array<i32>} : memref<304xf32, #tpu.memory_space<vmem>>, vector<16xf32>,
    tpu.vector_store %arg19[%swap3A_210], %broadcast_in_dim3A_3 {strides = array<i32>} : memref<304xf32, #tpu.memory_space<vmem>>, vector<16xf32>,
    %broadcast_in_dim3A_212 = arith.constant -1.000000e+00 : f32
    %broadcast_in_dim3A_213 = vector.broadcast %broadcast_in_dim3A_212 : f32 to vector<16xf32>
    %swap3A_214 = arith.constant 176 : index
    %swap3A_215 = tpu.vector_load %arg21[%swap3A_214] {strides = array<i32>} : memref<304xf32, #tpu.memory_space<vmem>>, vector<16xf32>,
    tpu.vector_store %arg21[%swap3A_214], %broadcast_in_dim3A_213 {strides = array<i32>} : memref<304xf32, #tpu.memory_space<vmem>>, vector<16xf32>,
    %swap3A_216 = arith.constant 192 : index
    %swap3A_217 = tpu.vector_load %arg19[%swap3A_216] {strides = array<i32>} : memref<304xf32, #tpu.memory_space<vmem>>, vector<16xf32>,
    tpu.vector_store %arg19[%swap3A_216], %broadcast_in_dim3A_3 {strides = array<i32>} : memref<304xf32, #tpu.memory_space<vmem>>, vector<16xf32>,
    %broadcast_in_dim3A_218 = arith.constant -1.000000e+00 : f32
    %broadcast_in_dim3A_219 = vector.broadcast %broadcast_in_dim3A_218 : f32 to vector<16xf32>
    %swap3A_220 = arith.constant 192 : index
    %swap3A_221 = tpu.vector_load %arg21[%swap3A_220] {strides = array<i32>} : memref<304xf32, #tpu.memory_space<vmem>>, vector<16xf32>,
    tpu.vector_store %arg21[%swap3A_220], %broadcast_in_dim3A_219 {strides = array<i32>} : memref<304xf32, #tpu.memory_space<vmem>>, vector<16xf32>,
    %swap3A_222 = arith.constant 208 : index
    %swap3A_223 = tpu.vector_load %arg19[%swap3A_222] {strides = array<i32>} : memref<304xf32, #tpu.memory_space<vmem>>, vector<16xf32>,
    tpu.vector_store %arg19[%swap3A_222], %broadcast_in_dim3A_3 {strides = array<i32>} : memref<304xf32, #tpu.memory_space<vmem>>, vector<16xf32>,
    %broadcast_in_dim3A_224 = arith.constant -1.000000e+00 : f32
    %broadcast_in_dim3A_225 = vector.broadcast %broadcast_in_dim3A_224 : f32 to vector<16xf32>
    %swap3A_226 = arith.constant 208 : index
    %swap3A_227 = tpu.vector_load %arg21[%swap3A_226] {strides = array<i32>} : memref<304xf32, #tpu.memory_space<vmem>>, vector<16xf32>,
    tpu.vector_store %arg21[%swap3A_226], %broadcast_in_dim3A_225 {strides = array<i32>} : memref<304xf32, #tpu.memory_space<vmem>>, vector<16xf32>,
    %swap3A_228 = arith.constant 224 : index
    %swap3A_229 = tpu.vector_load %arg19[%swap3A_228] {strides = array<i32>} : memref<304xf32, #tpu.memory_space<vmem>>, vector<16xf32>,
    tpu.vector_store %arg19[%swap3A_228], %broadcast_in_dim3A_3 {strides = array<i32>} : memref<304xf32, #tpu.memory_space<vmem>>, vector<16xf32>,
    %broadcast_in_dim3A_230 = arith.constant -1.000000e+00 : f32
    %broadcast_in_dim3A_231 = vector.broadcast %broadcast_in_dim3A_230 : f32 to vector<16xf32>
    %swap3A_232 = arith.constant 224 : index
    %swap3A_233 = tpu.vector_load %arg21[%swap3A_232] {strides = array<i32>} : memref<304xf32, #tpu.memory_space<vmem>>, vector<16xf32>,
    tpu.vector_store %arg21[%swap3A_232], %broadcast_in_dim3A_231 {strides = array<i32>} : memref<304xf32, #tpu.memory_space<vmem>>, vector<16xf32>,
    %swap3A_234 = arith.constant 240 : index
    %swap3A_235 = tpu.vector_load %arg19[%swap3A_234] {strides = array<i32>} : memref<304xf32, #tpu.memory_space<vmem>>, vector<16xf32>,
    tpu.vector_store %arg19[%swap3A_234], %broadcast_in_dim3A_3 {strides = array<i32>} : memref<304xf32, #tpu.memory_space<vmem>>, vector<16xf32>,
    %broadcast_in_dim3A_236 = arith.constant -1.000000e+00 : f32
    %broadcast_in_dim3A_237 = vector.broadcast %broadcast_in_dim3A_236 : f32 to vector<16xf32>
    %swap3A_238 = arith.constant 240 : index
    %swap3A_239 = tpu.vector_load %arg21[%swap3A_238] {strides = array<i32>} : memref<304xf32, #tpu.memory_space<vmem>>, vector<16xf32>,
    tpu.vector_store %arg21[%swap3A_238], %broadcast_in_dim3A_237 {strides = array<i32>} : memref<304xf32, #tpu.memory_space<vmem>>, vector<16xf32>,
    %swap3A_240 = arith.constant 256 : index
    %swap3A_241 = tpu.vector_load %arg19[%swap3A_240] {strides = array<i32>} : memref<304xf32, #tpu.memory_space<vmem>>, vector<16xf32>,
    tpu.vector_store %arg19[%swap3A_240], %broadcast_in_dim3A_3 {strides = array<i32>} : memref<304xf32, #tpu.memory_space<vmem>>, vector<16xf32>,
    %broadcast_in_dim3A_242 = arith.constant -1.000000e+00 : f32
    %broadcast_in_dim3A_243 = vector.broadcast %broadcast_in_dim3A_242 : f32 to vector<16xf32>
    %swap3A_244 = arith.constant 256 : index
    %swap3A_245 = tpu.vector_load %arg21[%swap3A_244] {strides = array<i32>} : memref<304xf32, #tpu.memory_space<vmem>>, vector<16xf32>,
    tpu.vector_store %arg21[%swap3A_244], %broadcast_in_dim3A_243 {strides = array<i32>} : memref<304xf32, #tpu.memory_space<vmem>>, vector<16xf32>,
    %swap3A_246 = arith.constant 272 : index
    %swap3A_247 = tpu.vector_load %arg19[%swap3A_246] {strides = array<i32>} : memref<304xf32, #tpu.memory_space<vmem>>, vector<16xf32>,
    tpu.vector_store %arg19[%swap3A_246], %broadcast_in_dim3A_3 {strides = array<i32>} : memref<304xf32, #tpu.memory_space<vmem>>, vector<16xf32>,
    %broadcast_in_dim3A_248 = arith.constant -1.000000e+00 : f32
    %broadcast_in_dim3A_249 = vector.broadcast %broadcast_in_dim3A_248 : f32 to vector<16xf32>
    %swap3A_250 = arith.constant 272 : index
    %swap3A_251 = tpu.vector_load %arg21[%swap3A_250] {strides = array<i32>} : memref<304xf32, #tpu.memory_space<vmem>>, vector<16xf32>,
    tpu.vector_store %arg21[%swap3A_250], %broadcast_in_dim3A_249 {strides = array<i32>} : memref<304xf32, #tpu.memory_space<vmem>>, vector<16xf32>,
    %swap3A_252 = arith.constant 288 : index
    %swap3A_253 = tpu.vector_load %arg19[%swap3A_252] {strides = array<i32>} : memref<304xf32, #tpu.memory_space<vmem>>, vector<16xf32>,
    tpu.vector_store %arg19[%swap3A_252], %broadcast_in_dim3A_3 {strides = array<i32>} : memref<304xf32, #tpu.memory_space<vmem>>, vector<16xf32>,
    %broadcast_in_dim3A_254 = arith.constant -1.000000e+00 : f32
    %broadcast_in_dim3A_255 = vector.broadcast %broadcast_in_dim3A_254 : f32 to vector<16xf32>
    %swap3A_256 = arith.constant 288 : index
    %swap3A_257 = tpu.vector_load %arg21[%swap3A_256] {strides = array<i32>} : memref<304xf32, #tpu.memory_space<vmem>>, vector<16xf32>,
    tpu.vector_store %arg21[%swap3A_256], %broadcast_in_dim3A_255 {strides = array<i32>} : memref<304xf32, #tpu.memory_space<vmem>>, vector<16xf32>,
    %swap3A_258 = arith.constant 0 : index
    %swap3A_259 = tpu.vector_load %arg20[%swap3A_258] {strides = array<i32>} : memref<1216xf32, #tpu.memory_space<vmem>>, vector<16xf32>,
    tpu.vector_store %arg20[%swap3A_258], %broadcast_in_dim3A_3 {strides = array<i32>} : memref<1216xf32, #tpu.memory_space<vmem>>, vector<16xf32>,
    %swap3A_260 = arith.constant 16 : index
    %swap3A_261 = tpu.vector_load %arg20[%swap3A_260] {strides = array<i32>} : memref<1216xf32, #tpu.memory_space<vmem>>, vector<16xf32>,
    tpu.vector_store %arg20[%swap3A_260], %broadcast_in_dim3A_3 {strides = array<i32>} : memref<1216xf32, #tpu.memory_space<vmem>>, vector<16xf32>,
    %swap3A_262 = arith.constant 32 : index
    %swap3A_263 = tpu.vector_load %arg20[%swap3A_262] {strides = array<i32>} : memref<1216xf32, #tpu.memory_space<vmem>>, vector<16xf32>,
    tpu.vector_store %arg20[%swap3A_262], %broadcast_in_dim3A_3 {strides = array<i32>} : memref<1216xf32, #tpu.memory_space<vmem>>, vector<16xf32>,
    %swap3A_264 = arith.constant 48 : index
    %swap3A_265 = tpu.vector_load %arg20[%swap3A_264] {strides = array<i32>} : memref<1216xf32, #tpu.memory_space<vmem>>, vector<16xf32>,
    tpu.vector_store %arg20[%swap3A_264], %broadcast_in_dim3A_3 {strides = array<i32>} : memref<1216xf32, #tpu.memory_space<vmem>>, vector<16xf32>,
    %swap3A_266 = arith.constant 64 : index
    %swap3A_267 = tpu.vector_load %arg20[%swap3A_266] {strides = array<i32>} : memref<1216xf32, #tpu.memory_space<vmem>>, vector<16xf32>,
    tpu.vector_store %arg20[%swap3A_266], %broadcast_in_dim3A_3 {strides = array<i32>} : memref<1216xf32, #tpu.memory_space<vmem>>, vector<16xf32>,
    %swap3A_268 = arith.constant 80 : index
    %swap3A_269 = tpu.vector_load %arg20[%swap3A_268] {strides = array<i32>} : memref<1216xf32, #tpu.memory_space<vmem>>, vector<16xf32>,
    tpu.vector_store %arg20[%swap3A_268], %broadcast_in_dim3A_3 {strides = array<i32>} : memref<1216xf32, #tpu.memory_space<vmem>>, vector<16xf32>,
    %swap3A_270 = arith.constant 96 : index
    %swap3A_271 = tpu.vector_load %arg20[%swap3A_270] {strides = array<i32>} : memref<1216xf32, #tpu.memory_space<vmem>>, vector<16xf32>,
    tpu.vector_store %arg20[%swap3A_270], %broadcast_in_dim3A_3 {strides = array<i32>} : memref<1216xf32, #tpu.memory_space<vmem>>, vector<16xf32>,
    %swap3A_272 = arith.constant 112 : index
    %swap3A_273 = tpu.vector_load %arg20[%swap3A_272] {strides = array<i32>} : memref<1216xf32, #tpu.memory_space<vmem>>, vector<16xf32>,
    tpu.vector_store %arg20[%swap3A_272], %broadcast_in_dim3A_3 {strides = array<i32>} : memref<1216xf32, #tpu.memory_space<vmem>>, vector<16xf32>,
    %swap3A_274 = arith.constant 128 : index
    %swap3A_275 = tpu.vector_load %arg20[%swap3A_274] {strides = array<i32>} : memref<1216xf32, #tpu.memory_space<vmem>>, vector<16xf32>,
    tpu.vector_store %arg20[%swap3A_274], %broadcast_in_dim3A_3 {strides = array<i32>} : memref<1216xf32, #tpu.memory_space<vmem>>, vector<16xf32>,
    %swap3A_276 = arith.constant 144 : index
    %swap3A_277 = tpu.vector_load %arg20[%swap3A_276] {strides = array<i32>} : memref<1216xf32, #tpu.memory_space<vmem>>, vector<16xf32>,
    tpu.vector_store %arg20[%swap3A_276], %broadcast_in_dim3A_3 {strides = array<i32>} : memref<1216xf32, #tpu.memory_space<vmem>>, vector<16xf32>,
    %swap3A_278 = arith.constant 160 : index
    %swap3A_279 = tpu.vector_load %arg20[%swap3A_278] {strides = array<i32>} : memref<1216xf32, #tpu.memory_space<vmem>>, vector<16xf32>,
    tpu.vector_store %arg20[%swap3A_278], %broadcast_in_dim3A_3 {strides = array<i32>} : memref<1216xf32, #tpu.memory_space<vmem>>, vector<16xf32>,
    %swap3A_280 = arith.constant 176 : index
    %swap3A_281 = tpu.vector_load %arg20[%swap3A_280] {strides = array<i32>} : memref<1216xf32, #tpu.memory_space<vmem>>, vector<16xf32>,
    tpu.vector_store %arg20[%swap3A_280], %broadcast_in_dim3A_3 {strides = array<i32>} : memref<1216xf32, #tpu.memory_space<vmem>>, vector<16xf32>,
    %swap3A_282 = arith.constant 192 : index
    %swap3A_283 = tpu.vector_load %arg20[%swap3A_282] {strides = array<i32>} : memref<1216xf32, #tpu.memory_space<vmem>>, vector<16xf32>,
    tpu.vector_store %arg20[%swap3A_282], %broadcast_in_dim3A_3 {strides = array<i32>} : memref<1216xf32, #tpu.memory_space<vmem>>, vector<16xf32>,
    %swap3A_284 = arith.constant 208 : index
    %swap3A_285 = tpu.vector_load %arg20[%swap3A_284] {strides = array<i32>} : memref<1216xf32, #tpu.memory_space<vmem>>, vector<16xf32>,
    tpu.vector_store %arg20[%swap3A_284], %broadcast_in_dim3A_3 {strides = array<i32>} : memref<1216xf32, #tpu.memory_space<vmem>>, vector<16xf32>,
    %swap3A_286 = arith.constant 224 : index
    %swap3A_287 = tpu.vector_load %arg20[%swap3A_286] {strides = array<i32>} : memref<1216xf32, #tpu.memory_space<vmem>>, vector<16xf32>,
    tpu.vector_store %arg20[%swap3A_286], %broadcast_in_dim3A_3 {strides = array<i32>} : memref<1216xf32, #tpu.memory_space<vmem>>, vector<16xf32>,
    %swap3A_288 = arith.constant 240 : index
    %swap3A_289 = tpu.vector_load %arg20[%swap3A_288] {strides = array<i32>} : memref<1216xf32, #tpu.memory_space<vmem>>, vector<16xf32>,
    tpu.vector_store %arg20[%swap3A_288], %broadcast_in_dim3A_3 {strides = array<i32>} : memref<1216xf32, #tpu.memory_space<vmem>>, vector<16xf32>,
    %swap3A_290 = arith.constant 256 : index
    %swap3A_291 = tpu.vector_load %arg20[%swap3A_290] {strides = array<i32>} : memref<1216xf32, #tpu.memory_space<vmem>>, vector<16xf32>,
    tpu.vector_store %arg20[%swap3A_290], %broadcast_in_dim3A_3 {strides = array<i32>} : memref<1216xf32, #tpu.memory_space<vmem>>, vector<16xf32>,
    %swap3A_292 = arith.constant 272 : index
    %swap3A_293 = tpu.vector_load %arg20[%swap3A_292] {strides = array<i32>} : memref<1216xf32, #tpu.memory_space<vmem>>, vector<16xf32>,
    tpu.vector_store %arg20[%swap3A_292], %broadcast_in_dim3A_3 {strides = array<i32>} : memref<1216xf32, #tpu.memory_space<vmem>>, vector<16xf32>,
    %swap3A_294 = arith.constant 288 : index
    %swap3A_295 = tpu.vector_load %arg20[%swap3A_294] {strides = array<i32>} : memref<1216xf32, #tpu.memory_space<vmem>>, vector<16xf32>,
    tpu.vector_store %arg20[%swap3A_294], %broadcast_in_dim3A_3 {strides = array<i32>} : memref<1216xf32, #tpu.memory_space<vmem>>, vector<16xf32>,
    %swap3A_296 = arith.constant 304 : index
    %swap3A_297 = tpu.vector_load %arg20[%swap3A_296] {strides = array<i32>} : memref<1216xf32, #tpu.memory_space<vmem>>, vector<16xf32>,
    tpu.vector_store %arg20[%swap3A_296], %broadcast_in_dim3A_3 {strides = array<i32>} : memref<1216xf32, #tpu.memory_space<vmem>>, vector<16xf32>,
    %swap3A_298 = arith.constant 320 : index
    %swap3A_299 = tpu.vector_load %arg20[%swap3A_298] {strides = array<i32>} : memref<1216xf32, #tpu.memory_space<vmem>>, vector<16xf32>,
    tpu.vector_store %arg20[%swap3A_298], %broadcast_in_dim3A_3 {strides = array<i32>} : memref<1216xf32, #tpu.memory_space<vmem>>, vector<16xf32>,
    %swap3A_300 = arith.constant 336 : index
    %swap3A_301 = tpu.vector_load %arg20[%swap3A_300] {strides = array<i32>} : memref<1216xf32, #tpu.memory_space<vmem>>, vector<16xf32>,
    tpu.vector_store %arg20[%swap3A_300], %broadcast_in_dim3A_3 {strides = array<i32>} : memref<1216xf32, #tpu.memory_space<vmem>>, vector<16xf32>,
    %swap3A_302 = arith.constant 352 : index
    %swap3A_303 = tpu.vector_load %arg20[%swap3A_302] {strides = array<i32>} : memref<1216xf32, #tpu.memory_space<vmem>>, vector<16xf32>,
    tpu.vector_store %arg20[%swap3A_302], %broadcast_in_dim3A_3 {strides = array<i32>} : memref<1216xf32, #tpu.memory_space<vmem>>, vector<16xf32>,
    %swap3A_304 = arith.constant 368 : index
    %swap3A_305 = tpu.vector_load %arg20[%swap3A_304] {strides = array<i32>} : memref<1216xf32, #tpu.memory_space<vmem>>, vector<16xf32>,
    tpu.vector_store %arg20[%swap3A_304], %broadcast_in_dim3A_3 {strides = array<i32>} : memref<1216xf32, #tpu.memory_space<vmem>>, vector<16xf32>,
    %swap3A_306 = arith.constant 384 : index
    %swap3A_307 = tpu.vector_load %arg20[%swap3A_306] {strides = array<i32>} : memref<1216xf32, #tpu.memory_space<vmem>>, vector<16xf32>,
    tpu.vector_store %arg20[%swap3A_306], %broadcast_in_dim3A_3 {strides = array<i32>} : memref<1216xf32, #tpu.memory_space<vmem>>, vector<16xf32>,
    %swap3A_308 = arith.constant 400 : index
    %swap3A_309 = tpu.vector_load %arg20[%swap3A_308] {strides = array<i32>} : memref<1216xf32, #tpu.memory_space<vmem>>, vector<16xf32>,
    tpu.vector_store %arg20[%swap3A_308], %broadcast_in_dim3A_3 {strides = array<i32>} : memref<1216xf32, #tpu.memory_space<vmem>>, vector<16xf32>,
    %swap3A_310 = arith.constant 416 : index
    %swap3A_311 = tpu.vector_load %arg20[%swap3A_310] {strides = array<i32>} : memref<1216xf32, #tpu.memory_space<vmem>>, vector<16xf32>,
    tpu.vector_store %arg20[%swap3A_310], %broadcast_in_dim3A_3 {strides = array<i32>} : memref<1216xf32, #tpu.memory_space<vmem>>, vector<16xf32>,
    %swap3A_312 = arith.constant 432 : index
    %swap3A_313 = tpu.vector_load %arg20[%swap3A_312] {strides = array<i32>} : memref<1216xf32, #tpu.memory_space<vmem>>, vector<16xf32>,
    tpu.vector_store %arg20[%swap3A_312], %broadcast_in_dim3A_3 {strides = array<i32>} : memref<1216xf32, #tpu.memory_space<vmem>>, vector<16xf32>,
    %swap3A_314 = arith.constant 448 : index
    %swap3A_315 = tpu.vector_load %arg20[%swap3A_314] {strides = array<i32>} : memref<1216xf32, #tpu.memory_space<vmem>>, vector<16xf32>,
    tpu.vector_store %arg20[%swap3A_314], %broadcast_in_dim3A_3 {strides = array<i32>} : memref<1216xf32, #tpu.memory_space<vmem>>, vector<16xf32>,
    %swap3A_316 = arith.constant 464 : index
    %swap3A_317 = tpu.vector_load %arg20[%swap3A_316] {strides = array<i32>} : memref<1216xf32, #tpu.memory_space<vmem>>, vector<16xf32>,
    tpu.vector_store %arg20[%swap3A_316], %broadcast_in_dim3A_3 {strides = array<i32>} : memref<1216xf32, #tpu.memory_space<vmem>>, vector<16xf32>,
    %swap3A_318 = arith.constant 480 : index
    %swap3A_319 = tpu.vector_load %arg20[%swap3A_318] {strides = array<i32>} : memref<1216xf32, #tpu.memory_space<vmem>>, vector<16xf32>,
    tpu.vector_store %arg20[%swap3A_318], %broadcast_in_dim3A_3 {strides = array<i32>} : memref<1216xf32, #tpu.memory_space<vmem>>, vector<16xf32>,
    %swap3A_320 = arith.constant 496 : index
    %swap3A_321 = tpu.vector_load %arg20[%swap3A_320] {strides = array<i32>} : memref<1216xf32, #tpu.memory_space<vmem>>, vector<16xf32>,
    tpu.vector_store %arg20[%swap3A_320], %broadcast_in_dim3A_3 {strides = array<i32>} : memref<1216xf32, #tpu.memory_space<vmem>>, vector<16xf32>,
    %swap3A_322 = arith.constant 512 : index
    %swap3A_323 = tpu.vector_load %arg20[%swap3A_322] {strides = array<i32>} : memref<1216xf32, #tpu.memory_space<vmem>>, vector<16xf32>,
    tpu.vector_store %arg20[%swap3A_322], %broadcast_in_dim3A_3 {strides = array<i32>} : memref<1216xf32, #tpu.memory_space<vmem>>, vector<16xf32>,
    %swap3A_324 = arith.constant 528 : index
    %swap3A_325 = tpu.vector_load %arg20[%swap3A_324] {strides = array<i32>} : memref<1216xf32, #tpu.memory_space<vmem>>, vector<16xf32>,
    tpu.vector_store %arg20[%swap3A_324], %broadcast_in_dim3A_3 {strides = array<i32>} : memref<1216xf32, #tpu.memory_space<vmem>>, vector<16xf32>,
    %swap3A_326 = arith.constant 544 : index
    %swap3A_327 = tpu.vector_load %arg20[%swap3A_326] {strides = array<i32>} : memref<1216xf32, #tpu.memory_space<vmem>>, vector<16xf32>,
    tpu.vector_store %arg20[%swap3A_326], %broadcast_in_dim3A_3 {strides = array<i32>} : memref<1216xf32, #tpu.memory_space<vmem>>, vector<16xf32>,
    %swap3A_328 = arith.constant 560 : index
    %swap3A_329 = tpu.vector_load %arg20[%swap3A_328] {strides = array<i32>} : memref<1216xf32, #tpu.memory_space<vmem>>, vector<16xf32>,
    tpu.vector_store %arg20[%swap3A_328], %broadcast_in_dim3A_3 {strides = array<i32>} : memref<1216xf32, #tpu.memory_space<vmem>>, vector<16xf32>,
    %swap3A_330 = arith.constant 576 : index
    %swap3A_331 = tpu.vector_load %arg20[%swap3A_330] {strides = array<i32>} : memref<1216xf32, #tpu.memory_space<vmem>>, vector<16xf32>,
    tpu.vector_store %arg20[%swap3A_330], %broadcast_in_dim3A_3 {strides = array<i32>} : memref<1216xf32, #tpu.memory_space<vmem>>, vector<16xf32>,
    %swap3A_332 = arith.constant 592 : index
    %swap3A_333 = tpu.vector_load %arg20[%swap3A_332] {strides = array<i32>} : memref<1216xf32, #tpu.memory_space<vmem>>, vector<16xf32>,
    tpu.vector_store %arg20[%swap3A_332], %broadcast_in_dim3A_3 {strides = array<i32>} : memref<1216xf32, #tpu.memory_space<vmem>>, vector<16xf32>,
    %swap3A_334 = arith.constant 608 : index
    %swap3A_335 = tpu.vector_load %arg20[%swap3A_334] {strides = array<i32>} : memref<1216xf32, #tpu.memory_space<vmem>>, vector<16xf32>,
    tpu.vector_store %arg20[%swap3A_334], %broadcast_in_dim3A_3 {strides = array<i32>} : memref<1216xf32, #tpu.memory_space<vmem>>, vector<16xf32>,
    %swap3A_336 = arith.constant 624 : index
    %swap3A_337 = tpu.vector_load %arg20[%swap3A_336] {strides = array<i32>} : memref<1216xf32, #tpu.memory_space<vmem>>, vector<16xf32>,
    tpu.vector_store %arg20[%swap3A_336], %broadcast_in_dim3A_3 {strides = array<i32>} : memref<1216xf32, #tpu.memory_space<vmem>>, vector<16xf32>,
    %swap3A_338 = arith.constant 640 : index
    %swap3A_339 = tpu.vector_load %arg20[%swap3A_338] {strides = array<i32>} : memref<1216xf32, #tpu.memory_space<vmem>>, vector<16xf32>,
    tpu.vector_store %arg20[%swap3A_338], %broadcast_in_dim3A_3 {strides = array<i32>} : memref<1216xf32, #tpu.memory_space<vmem>>, vector<16xf32>,
    %swap3A_340 = arith.constant 656 : index
    %swap3A_341 = tpu.vector_load %arg20[%swap3A_340] {strides = array<i32>} : memref<1216xf32, #tpu.memory_space<vmem>>, vector<16xf32>,
    tpu.vector_store %arg20[%swap3A_340], %broadcast_in_dim3A_3 {strides = array<i32>} : memref<1216xf32, #tpu.memory_space<vmem>>, vector<16xf32>,
    %swap3A_342 = arith.constant 672 : index
    %swap3A_343 = tpu.vector_load %arg20[%swap3A_342] {strides = array<i32>} : memref<1216xf32, #tpu.memory_space<vmem>>, vector<16xf32>,
    tpu.vector_store %arg20[%swap3A_342], %broadcast_in_dim3A_3 {strides = array<i32>} : memref<1216xf32, #tpu.memory_space<vmem>>, vector<16xf32>,
    %swap3A_344 = arith.constant 688 : index
    %swap3A_345 = tpu.vector_load %arg20[%swap3A_344] {strides = array<i32>} : memref<1216xf32, #tpu.memory_space<vmem>>, vector<16xf32>,
    tpu.vector_store %arg20[%swap3A_344], %broadcast_in_dim3A_3 {strides = array<i32>} : memref<1216xf32, #tpu.memory_space<vmem>>, vector<16xf32>,
    %swap3A_346 = arith.constant 704 : index
    %swap3A_347 = tpu.vector_load %arg20[%swap3A_346] {strides = array<i32>} : memref<1216xf32, #tpu.memory_space<vmem>>, vector<16xf32>,
    tpu.vector_store %arg20[%swap3A_346], %broadcast_in_dim3A_3 {strides = array<i32>} : memref<1216xf32, #tpu.memory_space<vmem>>, vector<16xf32>,
    %swap3A_348 = arith.constant 720 : index
    %swap3A_349 = tpu.vector_load %arg20[%swap3A_348] {strides = array<i32>} : memref<1216xf32, #tpu.memory_space<vmem>>, vector<16xf32>,
    tpu.vector_store %arg20[%swap3A_348], %broadcast_in_dim3A_3 {strides = array<i32>} : memref<1216xf32, #tpu.memory_space<vmem>>, vector<16xf32>,
    %swap3A_350 = arith.constant 736 : index
    %swap3A_351 = tpu.vector_load %arg20[%swap3A_350] {strides = array<i32>} : memref<1216xf32, #tpu.memory_space<vmem>>, vector<16xf32>,
    tpu.vector_store %arg20[%swap3A_350], %broadcast_in_dim3A_3 {strides = array<i32>} : memref<1216xf32, #tpu.memory_space<vmem>>, vector<16xf32>,
    %swap3A_352 = arith.constant 752 : index
    %swap3A_353 = tpu.vector_load %arg20[%swap3A_352] {strides = array<i32>} : memref<1216xf32, #tpu.memory_space<vmem>>, vector<16xf32>,
    tpu.vector_store %arg20[%swap3A_352], %broadcast_in_dim3A_3 {strides = array<i32>} : memref<1216xf32, #tpu.memory_space<vmem>>, vector<16xf32>,
    %swap3A_354 = arith.constant 768 : index
    %swap3A_355 = tpu.vector_load %arg20[%swap3A_354] {strides = array<i32>} : memref<1216xf32, #tpu.memory_space<vmem>>, vector<16xf32>,
    tpu.vector_store %arg20[%swap3A_354], %broadcast_in_dim3A_3 {strides = array<i32>} : memref<1216xf32, #tpu.memory_space<vmem>>, vector<16xf32>,
    %swap3A_356 = arith.constant 784 : index
    %swap3A_357 = tpu.vector_load %arg20[%swap3A_356] {strides = array<i32>} : memref<1216xf32, #tpu.memory_space<vmem>>, vector<16xf32>,
    tpu.vector_store %arg20[%swap3A_356], %broadcast_in_dim3A_3 {strides = array<i32>} : memref<1216xf32, #tpu.memory_space<vmem>>, vector<16xf32>,
    %swap3A_358 = arith.constant 800 : index
    %swap3A_359 = tpu.vector_load %arg20[%swap3A_358] {strides = array<i32>} : memref<1216xf32, #tpu.memory_space<vmem>>, vector<16xf32>,
    tpu.vector_store %arg20[%swap3A_358], %broadcast_in_dim3A_3 {strides = array<i32>} : memref<1216xf32, #tpu.memory_space<vmem>>, vector<16xf32>,
    %swap3A_360 = arith.constant 816 : index
    %swap3A_361 = tpu.vector_load %arg20[%swap3A_360] {strides = array<i32>} : memref<1216xf32, #tpu.memory_space<vmem>>, vector<16xf32>,
    tpu.vector_store %arg20[%swap3A_360], %broadcast_in_dim3A_3 {strides = array<i32>} : memref<1216xf32, #tpu.memory_space<vmem>>, vector<16xf32>,
    %swap3A_362 = arith.constant 832 : index
    %swap3A_363 = tpu.vector_load %arg20[%swap3A_362] {strides = array<i32>} : memref<1216xf32, #tpu.memory_space<vmem>>, vector<16xf32>,
    tpu.vector_store %arg20[%swap3A_362], %broadcast_in_dim3A_3 {strides = array<i32>} : memref<1216xf32, #tpu.memory_space<vmem>>, vector<16xf32>,
    %swap3A_364 = arith.constant 848 : index
    %swap3A_365 = tpu.vector_load %arg20[%swap3A_364] {strides = array<i32>} : memref<1216xf32, #tpu.memory_space<vmem>>, vector<16xf32>,
    tpu.vector_store %arg20[%swap3A_364], %broadcast_in_dim3A_3 {strides = array<i32>} : memref<1216xf32, #tpu.memory_space<vmem>>, vector<16xf32>,
    %swap3A_366 = arith.constant 864 : index
    %swap3A_367 = tpu.vector_load %arg20[%swap3A_366] {strides = array<i32>} : memref<1216xf32, #tpu.memory_space<vmem>>, vector<16xf32>,
    tpu.vector_store %arg20[%swap3A_366], %broadcast_in_dim3A_3 {strides = array<i32>} : memref<1216xf32, #tpu.memory_space<vmem>>, vector<16xf32>,
    %swap3A_368 = arith.constant 880 : index
    %swap3A_369 = tpu.vector_load %arg20[%swap3A_368] {strides = array<i32>} : memref<1216xf32, #tpu.memory_space<vmem>>, vector<16xf32>,
    tpu.vector_store %arg20[%swap3A_368], %broadcast_in_dim3A_3 {strides = array<i32>} : memref<1216xf32, #tpu.memory_space<vmem>>, vector<16xf32>,
    %swap3A_370 = arith.constant 896 : index
    %swap3A_371 = tpu.vector_load %arg20[%swap3A_370] {strides = array<i32>} : memref<1216xf32, #tpu.memory_space<vmem>>, vector<16xf32>,
    tpu.vector_store %arg20[%swap3A_370], %broadcast_in_dim3A_3 {strides = array<i32>} : memref<1216xf32, #tpu.memory_space<vmem>>, vector<16xf32>,
    %swap3A_372 = arith.constant 912 : index
    %swap3A_373 = tpu.vector_load %arg20[%swap3A_372] {strides = array<i32>} : memref<1216xf32, #tpu.memory_space<vmem>>, vector<16xf32>,
    tpu.vector_store %arg20[%swap3A_372], %broadcast_in_dim3A_3 {strides = array<i32>} : memref<1216xf32, #tpu.memory_space<vmem>>, vector<16xf32>,
    %swap3A_374 = arith.constant 928 : index
    %swap3A_375 = tpu.vector_load %arg20[%swap3A_374] {strides = array<i32>} : memref<1216xf32, #tpu.memory_space<vmem>>, vector<16xf32>,
    tpu.vector_store %arg20[%swap3A_374], %broadcast_in_dim3A_3 {strides = array<i32>} : memref<1216xf32, #tpu.memory_space<vmem>>, vector<16xf32>,
    %swap3A_376 = arith.constant 944 : index
    %swap3A_377 = tpu.vector_load %arg20[%swap3A_376] {strides = array<i32>} : memref<1216xf32, #tpu.memory_space<vmem>>, vector<16xf32>,
    tpu.vector_store %arg20[%swap3A_376], %broadcast_in_dim3A_3 {strides = array<i32>} : memref<1216xf32, #tpu.memory_space<vmem>>, vector<16xf32>,
    %swap3A_378 = arith.constant 960 : index
    %swap3A_379 = tpu.vector_load %arg20[%swap3A_378] {strides = array<i32>} : memref<1216xf32, #tpu.memory_space<vmem>>, vector<16xf32>,
    tpu.vector_store %arg20[%swap3A_378], %broadcast_in_dim3A_3 {strides = array<i32>} : memref<1216xf32, #tpu.memory_space<vmem>>, vector<16xf32>,
    %swap3A_380 = arith.constant 976 : index
    %swap3A_381 = tpu.vector_load %arg20[%swap3A_380] {strides = array<i32>} : memref<1216xf32, #tpu.memory_space<vmem>>, vector<16xf32>,
    tpu.vector_store %arg20[%swap3A_380], %broadcast_in_dim3A_3 {strides = array<i32>} : memref<1216xf32, #tpu.memory_space<vmem>>, vector<16xf32>,
    %swap3A_382 = arith.constant 992 : index
    %swap3A_383 = tpu.vector_load %arg20[%swap3A_382] {strides = array<i32>} : memref<1216xf32, #tpu.memory_space<vmem>>, vector<16xf32>,
    tpu.vector_store %arg20[%swap3A_382], %broadcast_in_dim3A_3 {strides = array<i32>} : memref<1216xf32, #tpu.memory_space<vmem>>, vector<16xf32>,
    %swap3A_384 = arith.constant 1008 : index
    %swap3A_385 = tpu.vector_load %arg20[%swap3A_384] {strides = array<i32>} : memref<1216xf32, #tpu.memory_space<vmem>>, vector<16xf32>,
    tpu.vector_store %arg20[%swap3A_384], %broadcast_in_dim3A_3 {strides = array<i32>} : memref<1216xf32, #tpu.memory_space<vmem>>, vector<16xf32>,
    %swap3A_386 = arith.constant 1024 : index
    %swap3A_387 = tpu.vector_load %arg20[%swap3A_386] {strides = array<i32>} : memref<1216xf32, #tpu.memory_space<vmem>>, vector<16xf32>,
    tpu.vector_store %arg20[%swap3A_386], %broadcast_in_dim3A_3 {strides = array<i32>} : memref<1216xf32, #tpu.memory_space<vmem>>, vector<16xf32>,
    %swap3A_388 = arith.constant 1040 : index
    %swap3A_389 = tpu.vector_load %arg20[%swap3A_388] {strides = array<i32>} : memref<1216xf32, #tpu.memory_space<vmem>>, vector<16xf32>,
    tpu.vector_store %arg20[%swap3A_388], %broadcast_in_dim3A_3 {strides = array<i32>} : memref<1216xf32, #tpu.memory_space<vmem>>, vector<16xf32>,
    %swap3A_390 = arith.constant 1056 : index
    %swap3A_391 = tpu.vector_load %arg20[%swap3A_390] {strides = array<i32>} : memref<1216xf32, #tpu.memory_space<vmem>>, vector<16xf32>,
    tpu.vector_store %arg20[%swap3A_390], %broadcast_in_dim3A_3 {strides = array<i32>} : memref<1216xf32, #tpu.memory_space<vmem>>, vector<16xf32>,
    %swap3A_392 = arith.constant 1072 : index
    %swap3A_393 = tpu.vector_load %arg20[%swap3A_392] {strides = array<i32>} : memref<1216xf32, #tpu.memory_space<vmem>>, vector<16xf32>,
    tpu.vector_store %arg20[%swap3A_392], %broadcast_in_dim3A_3 {strides = array<i32>} : memref<1216xf32, #tpu.memory_space<vmem>>, vector<16xf32>,
    %swap3A_394 = arith.constant 1088 : index
    %swap3A_395 = tpu.vector_load %arg20[%swap3A_394] {strides = array<i32>} : memref<1216xf32, #tpu.memory_space<vmem>>, vector<16xf32>,
    tpu.vector_store %arg20[%swap3A_394], %broadcast_in_dim3A_3 {strides = array<i32>} : memref<1216xf32, #tpu.memory_space<vmem>>, vector<16xf32>,
    %swap3A_396 = arith.constant 1104 : index
    %swap3A_397 = tpu.vector_load %arg20[%swap3A_396] {strides = array<i32>} : memref<1216xf32, #tpu.memory_space<vmem>>, vector<16xf32>,
    tpu.vector_store %arg20[%swap3A_396], %broadcast_in_dim3A_3 {strides = array<i32>} : memref<1216xf32, #tpu.memory_space<vmem>>, vector<16xf32>,
    %swap3A_398 = arith.constant 1120 : index
    %swap3A_399 = tpu.vector_load %arg20[%swap3A_398] {strides = array<i32>} : memref<1216xf32, #tpu.memory_space<vmem>>, vector<16xf32>,
    tpu.vector_store %arg20[%swap3A_398], %broadcast_in_dim3A_3 {strides = array<i32>} : memref<1216xf32, #tpu.memory_space<vmem>>, vector<16xf32>,
    %swap3A_400 = arith.constant 1136 : index
    %swap3A_401 = tpu.vector_load %arg20[%swap3A_400] {strides = array<i32>} : memref<1216xf32, #tpu.memory_space<vmem>>, vector<16xf32>,
    tpu.vector_store %arg20[%swap3A_400], %broadcast_in_dim3A_3 {strides = array<i32>} : memref<1216xf32, #tpu.memory_space<vmem>>, vector<16xf32>,
    %swap3A_402 = arith.constant 1152 : index
    %swap3A_403 = tpu.vector_load %arg20[%swap3A_402] {strides = array<i32>} : memref<1216xf32, #tpu.memory_space<vmem>>, vector<16xf32>,
    tpu.vector_store %arg20[%swap3A_402], %broadcast_in_dim3A_3 {strides = array<i32>} : memref<1216xf32, #tpu.memory_space<vmem>>, vector<16xf32>,
    %swap3A_404 = arith.constant 1168 : index
    %swap3A_405 = tpu.vector_load %arg20[%swap3A_404] {strides = array<i32>} : memref<1216xf32, #tpu.memory_space<vmem>>, vector<16xf32>,
    tpu.vector_store %arg20[%swap3A_404], %broadcast_in_dim3A_3 {strides = array<i32>} : memref<1216xf32, #tpu.memory_space<vmem>>, vector<16xf32>,
    %swap3A_406 = arith.constant 1184 : index
    %swap3A_407 = tpu.vector_load %arg20[%swap3A_406] {strides = array<i32>} : memref<1216xf32, #tpu.memory_space<vmem>>, vector<16xf32>,
    tpu.vector_store %arg20[%swap3A_406], %broadcast_in_dim3A_3 {strides = array<i32>} : memref<1216xf32, #tpu.memory_space<vmem>>, vector<16xf32>,
    %swap3A_408 = arith.constant 1200 : index
    %swap3A_409 = tpu.vector_load %arg20[%swap3A_408] {strides = array<i32>} : memref<1216xf32, #tpu.memory_space<vmem>>, vector<16xf32>,
    tpu.vector_store %arg20[%swap3A_408], %broadcast_in_dim3A_3 {strides = array<i32>} : memref<1216xf32, #tpu.memory_space<vmem>>, vector<16xf32>,
    %broadcast_in_dim3A_410 = arith.constant 0 : i32
    %broadcast_in_dim3A_411 = vector.broadcast %broadcast_in_dim3A_410 : i32 to vector<16xi32>
    %broadcast_in_dim3A_412 = arith.constant 0 : i32
    %broadcast_in_dim3A_413 = vector.broadcast %broadcast_in_dim3A_412 : i32 to vector<16xi32>
    %get3A = arith.constant 0 : index
    %get3A_414 = tpu.vector_load %arg16[%get3A] {strides = array<i32>} : memref<5120xf32, #tpu.memory_space<vmem>>, vector<16xf32>,
    %add3A_415 = arith.constant 0 : i32
    %add3A_416 = vector.broadcast %add3A_415 : i32 to vector<16xi32>
    %add3A_417 = arith.addi %iota3A, %add3A_416 : vector<16xi32>
    %gt3A = arith.cmpf ogt, %get3A_414, %broadcast_in_dim3A_5 : vector<16xf32>
    %gt3A_418 = arith.cmpf ogt, %get3A_414, %broadcast_in_dim3A_5 : vector<16xf32>
    %select_n3A = arith.select %gt3A_418, %get3A_414, %broadcast_in_dim3A_5 : vector<16xi1>, vector<16xf32>
    %select_n3A_419 = arith.select %gt3A, %broadcast_in_dim3A_5, %select_n3A : vector<16xi1>, vector<16xf32>
    %select_n3A_420 = arith.select %gt3A_418, %add3A_417, %broadcast_in_dim3A_413 : vector<16xi1>, vector<16xi32>
    %select_n3A_421 = arith.select %gt3A, %broadcast_in_dim3A_411, %select_n3A_420 : vector<16xi1>, vector<16xi32>
    %select_n3A_422 = arith.select %gt3A, %get3A_414, %broadcast_in_dim3A_5 : vector<16xi1>, vector<16xf32>
    %select_n3A_423 = arith.select %gt3A, %add3A_417, %broadcast_in_dim3A_411 : vector<16xi1>, vector<16xi32>
    %get3A_424 = arith.constant 16 : index
    %get3A_425 = tpu.vector_load %arg16[%get3A_424] {strides = array<i32>} : memref<5120xf32, #tpu.memory_space<vmem>>, vector<16xf32>,
    %add3A_426 = arith.constant 16 : i32
    %add3A_427 = vector.broadcast %add3A_426 : i32 to vector<16xi32>
    %add3A_428 = arith.addi %iota3A, %add3A_427 : vector<16xi32>
    %gt3A_429 = arith.cmpf ogt, %get3A_425, %select_n3A_422 : vector<16xf32>
    %gt3A_430 = arith.cmpf ogt, %get3A_425, %select_n3A_419 : vector<16xf32>
    %select_n3A_431 = arith.select %gt3A_430, %get3A_425, %select_n3A_419 : vector<16xi1>, vector<16xf32>
    %select_n3A_432 = arith.select %gt3A_429, %select_n3A_422, %select_n3A_431 : vector<16xi1>, vector<16xf32>
    %select_n3A_433 = arith.select %gt3A_430, %add3A_428, %select_n3A_421 : vector<16xi1>, vector<16xi32>
    %select_n3A_434 = arith.select %gt3A_429, %select_n3A_423, %select_n3A_433 : vector<16xi1>, vector<16xi32>
    %select_n3A_435 = arith.select %gt3A_429, %get3A_425, %select_n3A_422 : vector<16xi1>, vector<16xf32>
    %select_n3A_436 = arith.select %gt3A_429, %add3A_428, %select_n3A_423 : vector<16xi1>, vector<16xi32>
    %get3A_437 = arith.constant 32 : index
    %get3A_438 = tpu.vector_load %arg16[%get3A_437] {strides = array<i32>} : memref<5120xf32, #tpu.memory_space<vmem>>, vector<16xf32>,
    %add3A_439 = arith.constant 32 : i32
    %add3A_440 = vector.broadcast %add3A_439 : i32 to vector<16xi32>
    %add3A_441 = arith.addi %iota3A, %add3A_440 : vector<16xi32>
    %gt3A_442 = arith.cmpf ogt, %get3A_438, %select_n3A_435 : vector<16xf32>
    %gt3A_443 = arith.cmpf ogt, %get3A_438, %select_n3A_432 : vector<16xf32>
    %select_n3A_444 = arith.select %gt3A_443, %get3A_438, %select_n3A_432 : vector<16xi1>, vector<16xf32>
    %select_n3A_445 = arith.select %gt3A_442, %select_n3A_435, %select_n3A_444 : vector<16xi1>, vector<16xf32>
    %select_n3A_446 = arith.select %gt3A_443, %add3A_441, %select_n3A_434 : vector<16xi1>, vector<16xi32>
    %select_n3A_447 = arith.select %gt3A_442, %select_n3A_436, %select_n3A_446 : vector<16xi1>, vector<16xi32>
    %select_n3A_448 = arith.select %gt3A_442, %get3A_438, %select_n3A_435 : vector<16xi1>, vector<16xf32>
    %select_n3A_449 = arith.select %gt3A_442, %add3A_441, %select_n3A_436 : vector<16xi1>, vector<16xi32>
    %get3A_450 = arith.constant 48 : index
    %get3A_451 = tpu.vector_load %arg16[%get3A_450] {strides = array<i32>} : memref<5120xf32, #tpu.memory_space<vmem>>, vector<16xf32>,
    %add3A_452 = arith.constant 48 : i32
    %add3A_453 = vector.broadcast %add3A_452 : i32 to vector<16xi32>
    %add3A_454 = arith.addi %iota3A, %add3A_453 : vector<16xi32>
    %gt3A_455 = arith.cmpf ogt, %get3A_451, %select_n3A_448 : vector<16xf32>
    %gt3A_456 = arith.cmpf ogt, %get3A_451, %select_n3A_445 : vector<16xf32>
    %select_n3A_457 = arith.select %gt3A_456, %get3A_451, %select_n3A_445 : vector<16xi1>, vector<16xf32>
    %select_n3A_458 = arith.select %gt3A_455, %select_n3A_448, %select_n3A_457 : vector<16xi1>, vector<16xf32>
    %select_n3A_459 = arith.select %gt3A_456, %add3A_454, %select_n3A_447 : vector<16xi1>, vector<16xi32>
    %select_n3A_460 = arith.select %gt3A_455, %select_n3A_449, %select_n3A_459 : vector<16xi1>, vector<16xi32>
    %select_n3A_461 = arith.select %gt3A_455, %get3A_451, %select_n3A_448 : vector<16xi1>, vector<16xf32>
    %select_n3A_462 = arith.select %gt3A_455, %add3A_454, %select_n3A_449 : vector<16xi1>, vector<16xi32>
    %get3A_463 = arith.constant 64 : index
    %get3A_464 = tpu.vector_load %arg16[%get3A_463] {strides = array<i32>} : memref<5120xf32, #tpu.memory_space<vmem>>, vector<16xf32>,
    %add3A_465 = arith.constant 64 : i32
    %add3A_466 = vector.broadcast %add3A_465 : i32 to vector<16xi32>
    %add3A_467 = arith.addi %iota3A, %add3A_466 : vector<16xi32>
    %gt3A_468 = arith.cmpf ogt, %get3A_464, %select_n3A_461 : vector<16xf32>
    %gt3A_469 = arith.cmpf ogt, %get3A_464, %select_n3A_458 : vector<16xf32>
    %select_n3A_470 = arith.select %gt3A_469, %get3A_464, %select_n3A_458 : vector<16xi1>, vector<16xf32>
    %select_n3A_471 = arith.select %gt3A_468, %select_n3A_461, %select_n3A_470 : vector<16xi1>, vector<16xf32>
    %select_n3A_472 = arith.select %gt3A_469, %add3A_467, %select_n3A_460 : vector<16xi1>, vector<16xi32>
    %select_n3A_473 = arith.select %gt3A_468, %select_n3A_462, %select_n3A_472 : vector<16xi1>, vector<16xi32>
    %select_n3A_474 = arith.select %gt3A_468, %get3A_464, %select_n3A_461 : vector<16xi1>, vector<16xf32>
    %select_n3A_475 = arith.select %gt3A_468, %add3A_467, %select_n3A_462 : vector<16xi1>, vector<16xi32>
    %get3A_476 = arith.constant 80 : index
    %get3A_477 = tpu.vector_load %arg16[%get3A_476] {strides = array<i32>} : memref<5120xf32, #tpu.memory_space<vmem>>, vector<16xf32>,
    %add3A_478 = arith.constant 80 : i32
    %add3A_479 = vector.broadcast %add3A_478 : i32 to vector<16xi32>
    %add3A_480 = arith.addi %iota3A, %add3A_479 : vector<16xi32>
    %gt3A_481 = arith.cmpf ogt, %get3A_477, %select_n3A_474 : vector<16xf32>
    %gt3A_482 = arith.cmpf ogt, %get3A_477, %select_n3A_471 : vector<16xf32>
    %select_n3A_483 = arith.select %gt3A_482, %get3A_477, %select_n3A_471 : vector<16xi1>, vector<16xf32>
    %select_n3A_484 = arith.select %gt3A_481, %select_n3A_474, %select_n3A_483 : vector<16xi1>, vector<16xf32>
    %select_n3A_485 = arith.select %gt3A_482, %add3A_480, %select_n3A_473 : vector<16xi1>, vector<16xi32>
    %select_n3A_486 = arith.select %gt3A_481, %select_n3A_475, %select_n3A_485 : vector<16xi1>, vector<16xi32>
    %select_n3A_487 = arith.select %gt3A_481, %get3A_477, %select_n3A_474 : vector<16xi1>, vector<16xf32>
    %select_n3A_488 = arith.select %gt3A_481, %add3A_480, %select_n3A_475 : vector<16xi1>, vector<16xi32>
    %get3A_489 = arith.constant 96 : index
    %get3A_490 = tpu.vector_load %arg16[%get3A_489] {strides = array<i32>} : memref<5120xf32, #tpu.memory_space<vmem>>, vector<16xf32>,
    %add3A_491 = arith.constant 96 : i32
    %add3A_492 = vector.broadcast %add3A_491 : i32 to vector<16xi32>
    %add3A_493 = arith.addi %iota3A, %add3A_492 : vector<16xi32>
    %gt3A_494 = arith.cmpf ogt, %get3A_490, %select_n3A_487 : vector<16xf32>
    %gt3A_495 = arith.cmpf ogt, %get3A_490, %select_n3A_484 : vector<16xf32>
    %select_n3A_496 = arith.select %gt3A_495, %get3A_490, %select_n3A_484 : vector<16xi1>, vector<16xf32>
    %select_n3A_497 = arith.select %gt3A_494, %select_n3A_487, %select_n3A_496 : vector<16xi1>, vector<16xf32>
    %select_n3A_498 = arith.select %gt3A_495, %add3A_493, %select_n3A_486 : vector<16xi1>, vector<16xi32>
    %select_n3A_499 = arith.select %gt3A_494, %select_n3A_488, %select_n3A_498 : vector<16xi1>, vector<16xi32>
    %select_n3A_500 = arith.select %gt3A_494, %get3A_490, %select_n3A_487 : vector<16xi1>, vector<16xf32>
    %select_n3A_501 = arith.select %gt3A_494, %add3A_493, %select_n3A_488 : vector<16xi1>, vector<16xi32>
    %get3A_502 = arith.constant 112 : index
    %get3A_503 = tpu.vector_load %arg16[%get3A_502] {strides = array<i32>} : memref<5120xf32, #tpu.memory_space<vmem>>, vector<16xf32>,
    %add3A_504 = arith.constant 112 : i32
    %add3A_505 = vector.broadcast %add3A_504 : i32 to vector<16xi32>
    %add3A_506 = arith.addi %iota3A, %add3A_505 : vector<16xi32>
    %gt3A_507 = arith.cmpf ogt, %get3A_503, %select_n3A_500 : vector<16xf32>
    %gt3A_508 = arith.cmpf ogt, %get3A_503, %select_n3A_497 : vector<16xf32>
    %select_n3A_509 = arith.select %gt3A_508, %get3A_503, %select_n3A_497 : vector<16xi1>, vector<16xf32>
    %select_n3A_510 = arith.select %gt3A_507, %select_n3A_500, %select_n3A_509 : vector<16xi1>, vector<16xf32>
    %select_n3A_511 = arith.select %gt3A_508, %add3A_506, %select_n3A_499 : vector<16xi1>, vector<16xi32>
    %select_n3A_512 = arith.select %gt3A_507, %select_n3A_501, %select_n3A_511 : vector<16xi1>, vector<16xi32>
    %select_n3A_513 = arith.select %gt3A_507, %get3A_503, %select_n3A_500 : vector<16xi1>, vector<16xf32>
    %select_n3A_514 = arith.select %gt3A_507, %add3A_506, %select_n3A_501 : vector<16xi1>, vector<16xi32>
    %get3A_515 = arith.constant 128 : index
    %get3A_516 = tpu.vector_load %arg16[%get3A_515] {strides = array<i32>} : memref<5120xf32, #tpu.memory_space<vmem>>, vector<16xf32>,
    %add3A_517 = arith.constant 128 : i32
    %add3A_518 = vector.broadcast %add3A_517 : i32 to vector<16xi32>
    %add3A_519 = arith.addi %iota3A, %add3A_518 : vector<16xi32>
    %gt3A_520 = arith.cmpf ogt, %get3A_516, %select_n3A_513 : vector<16xf32>
    %gt3A_521 = arith.cmpf ogt, %get3A_516, %select_n3A_510 : vector<16xf32>
    %select_n3A_522 = arith.select %gt3A_521, %get3A_516, %select_n3A_510 : vector<16xi1>, vector<16xf32>
    %select_n3A_523 = arith.select %gt3A_520, %select_n3A_513, %select_n3A_522 : vector<16xi1>, vector<16xf32>
    %select_n3A_524 = arith.select %gt3A_521, %add3A_519, %select_n3A_512 : vector<16xi1>, vector<16xi32>
    %select_n3A_525 = arith.select %gt3A_520, %select_n3A_514, %select_n3A_524 : vector<16xi1>, vector<16xi32>
    %select_n3A_526 = arith.select %gt3A_520, %get3A_516, %select_n3A_513 : vector<16xi1>, vector<16xf32>
    %select_n3A_527 = arith.select %gt3A_520, %add3A_519, %select_n3A_514 : vector<16xi1>, vector<16xi32>
    %get3A_528 = arith.constant 144 : index
    %get3A_529 = tpu.vector_load %arg16[%get3A_528] {strides = array<i32>} : memref<5120xf32, #tpu.memory_space<vmem>>, vector<16xf32>,
    %add3A_530 = arith.constant 144 : i32
    %add3A_531 = vector.broadcast %add3A_530 : i32 to vector<16xi32>
    %add3A_532 = arith.addi %iota3A, %add3A_531 : vector<16xi32>
    %gt3A_533 = arith.cmpf ogt, %get3A_529, %select_n3A_526 : vector<16xf32>
    %gt3A_534 = arith.cmpf ogt, %get3A_529, %select_n3A_523 : vector<16xf32>
    %select_n3A_535 = arith.select %gt3A_534, %get3A_529, %select_n3A_523 : vector<16xi1>, vector<16xf32>
    %select_n3A_536 = arith.select %gt3A_533, %select_n3A_526, %select_n3A_535 : vector<16xi1>, vector<16xf32>
    %select_n3A_537 = arith.select %gt3A_534, %add3A_532, %select_n3A_525 : vector<16xi1>, vector<16xi32>
    %select_n3A_538 = arith.select %gt3A_533, %select_n3A_527, %select_n3A_537 : vector<16xi1>, vector<16xi32>
    %select_n3A_539 = arith.select %gt3A_533, %get3A_529, %select_n3A_526 : vector<16xi1>, vector<16xf32>
    %select_n3A_540 = arith.select %gt3A_533, %add3A_532, %select_n3A_527 : vector<16xi1>, vector<16xi32>
    %get3A_541 = arith.constant 160 : index
    %get3A_542 = tpu.vector_load %arg16[%get3A_541] {strides = array<i32>} : memref<5120xf32, #tpu.memory_space<vmem>>, vector<16xf32>,
    %add3A_543 = arith.constant 160 : i32
    %add3A_544 = vector.broadcast %add3A_543 : i32 to vector<16xi32>
    %add3A_545 = arith.addi %iota3A, %add3A_544 : vector<16xi32>
    %gt3A_546 = arith.cmpf ogt, %get3A_542, %select_n3A_539 : vector<16xf32>
    %gt3A_547 = arith.cmpf ogt, %get3A_542, %select_n3A_536 : vector<16xf32>
    %select_n3A_548 = arith.select %gt3A_547, %get3A_542, %select_n3A_536 : vector<16xi1>, vector<16xf32>
    %select_n3A_549 = arith.select %gt3A_546, %select_n3A_539, %select_n3A_548 : vector<16xi1>, vector<16xf32>
    %select_n3A_550 = arith.select %gt3A_547, %add3A_545, %select_n3A_538 : vector<16xi1>, vector<16xi32>
    %select_n3A_551 = arith.select %gt3A_546, %select_n3A_540, %select_n3A_550 : vector<16xi1>, vector<16xi32>
    %select_n3A_552 = arith.select %gt3A_546, %get3A_542, %select_n3A_539 : vector<16xi1>, vector<16xf32>
    %select_n3A_553 = arith.select %gt3A_546, %add3A_545, %select_n3A_540 : vector<16xi1>, vector<16xi32>
    %get3A_554 = arith.constant 176 : index
    %get3A_555 = tpu.vector_load %arg16[%get3A_554] {strides = array<i32>} : memref<5120xf32, #tpu.memory_space<vmem>>, vector<16xf32>,
    %add3A_556 = arith.constant 176 : i32
    %add3A_557 = vector.broadcast %add3A_556 : i32 to vector<16xi32>
    %add3A_558 = arith.addi %iota3A, %add3A_557 : vector<16xi32>
    %gt3A_559 = arith.cmpf ogt, %get3A_555, %select_n3A_552 : vector<16xf32>
    %gt3A_560 = arith.cmpf ogt, %get3A_555, %select_n3A_549 : vector<16xf32>
    %select_n3A_561 = arith.select %gt3A_560, %get3A_555, %select_n3A_549 : vector<16xi1>, vector<16xf32>
    %select_n3A_562 = arith.select %gt3A_559, %select_n3A_552, %select_n3A_561 : vector<16xi1>, vector<16xf32>
    %select_n3A_563 = arith.select %gt3A_560, %add3A_558, %select_n3A_551 : vector<16xi1>, vector<16xi32>
    %select_n3A_564 = arith.select %gt3A_559, %select_n3A_553, %select_n3A_563 : vector<16xi1>, vector<16xi32>
    %select_n3A_565 = arith.select %gt3A_559, %get3A_555, %select_n3A_552 : vector<16xi1>, vector<16xf32>
    %select_n3A_566 = arith.select %gt3A_559, %add3A_558, %select_n3A_553 : vector<16xi1>, vector<16xi32>
    %get3A_567 = arith.constant 192 : index
    %get3A_568 = tpu.vector_load %arg16[%get3A_567] {strides = array<i32>} : memref<5120xf32, #tpu.memory_space<vmem>>, vector<16xf32>,
    %add3A_569 = arith.constant 192 : i32
    %add3A_570 = vector.broadcast %add3A_569 : i32 to vector<16xi32>
    %add3A_571 = arith.addi %iota3A, %add3A_570 : vector<16xi32>
    %gt3A_572 = arith.cmpf ogt, %get3A_568, %select_n3A_565 : vector<16xf32>
    %gt3A_573 = arith.cmpf ogt, %get3A_568, %select_n3A_562 : vector<16xf32>
    %select_n3A_574 = arith.select %gt3A_573, %get3A_568, %select_n3A_562 : vector<16xi1>, vector<16xf32>
    %select_n3A_575 = arith.select %gt3A_572, %select_n3A_565, %select_n3A_574 : vector<16xi1>, vector<16xf32>
    %select_n3A_576 = arith.select %gt3A_573, %add3A_571, %select_n3A_564 : vector<16xi1>, vector<16xi32>
    %select_n3A_577 = arith.select %gt3A_572, %select_n3A_566, %select_n3A_576 : vector<16xi1>, vector<16xi32>
    %select_n3A_578 = arith.select %gt3A_572, %get3A_568, %select_n3A_565 : vector<16xi1>, vector<16xf32>
    %select_n3A_579 = arith.select %gt3A_572, %add3A_571, %select_n3A_566 : vector<16xi1>, vector<16xi32>
    %get3A_580 = arith.constant 208 : index
    %get3A_581 = tpu.vector_load %arg16[%get3A_580] {strides = array<i32>} : memref<5120xf32, #tpu.memory_space<vmem>>, vector<16xf32>,
    %add3A_582 = arith.constant 208 : i32
    %add3A_583 = vector.broadcast %add3A_582 : i32 to vector<16xi32>
    %add3A_584 = arith.addi %iota3A, %add3A_583 : vector<16xi32>
    %gt3A_585 = arith.cmpf ogt, %get3A_581, %select_n3A_578 : vector<16xf32>
    %gt3A_586 = arith.cmpf ogt, %get3A_581, %select_n3A_575 : vector<16xf32>
    %select_n3A_587 = arith.select %gt3A_586, %get3A_581, %select_n3A_575 : vector<16xi1>, vector<16xf32>
    %select_n3A_588 = arith.select %gt3A_585, %select_n3A_578, %select_n3A_587 : vector<16xi1>, vector<16xf32>
    %select_n3A_589 = arith.select %gt3A_586, %add3A_584, %select_n3A_577 : vector<16xi1>, vector<16xi32>
    %select_n3A_590 = arith.select %gt3A_585, %select_n3A_579, %select_n3A_589 : vector<16xi1>, vector<16xi32>
    %select_n3A_591 = arith.select %gt3A_585, %get3A_581, %select_n3A_578 : vector<16xi1>, vector<16xf32>
    %select_n3A_592 = arith.select %gt3A_585, %add3A_584, %select_n3A_579 : vector<16xi1>, vector<16xi32>
    %get3A_593 = arith.constant 224 : index
    %get3A_594 = tpu.vector_load %arg16[%get3A_593] {strides = array<i32>} : memref<5120xf32, #tpu.memory_space<vmem>>, vector<16xf32>,
    %add3A_595 = arith.constant 224 : i32
    %add3A_596 = vector.broadcast %add3A_595 : i32 to vector<16xi32>
    %add3A_597 = arith.addi %iota3A, %add3A_596 : vector<16xi32>
    %gt3A_598 = arith.cmpf ogt, %get3A_594, %select_n3A_591 : vector<16xf32>
    %gt3A_599 = arith.cmpf ogt, %get3A_594, %select_n3A_588 : vector<16xf32>
    %select_n3A_600 = arith.select %gt3A_599, %get3A_594, %select_n3A_588 : vector<16xi1>, vector<16xf32>
    %select_n3A_601 = arith.select %gt3A_598, %select_n3A_591, %select_n3A_600 : vector<16xi1>, vector<16xf32>
    %select_n3A_602 = arith.select %gt3A_599, %add3A_597, %select_n3A_590 : vector<16xi1>, vector<16xi32>
    %select_n3A_603 = arith.select %gt3A_598, %select_n3A_592, %select_n3A_602 : vector<16xi1>, vector<16xi32>
    %select_n3A_604 = arith.select %gt3A_598, %get3A_594, %select_n3A_591 : vector<16xi1>, vector<16xf32>
    %select_n3A_605 = arith.select %gt3A_598, %add3A_597, %select_n3A_592 : vector<16xi1>, vector<16xi32>
    %get3A_606 = arith.constant 240 : index
    %get3A_607 = tpu.vector_load %arg16[%get3A_606] {strides = array<i32>} : memref<5120xf32, #tpu.memory_space<vmem>>, vector<16xf32>,
    %add3A_608 = arith.constant 240 : i32
    %add3A_609 = vector.broadcast %add3A_608 : i32 to vector<16xi32>
    %add3A_610 = arith.addi %iota3A, %add3A_609 : vector<16xi32>
    %gt3A_611 = arith.cmpf ogt, %get3A_607, %select_n3A_604 : vector<16xf32>
    %gt3A_612 = arith.cmpf ogt, %get3A_607, %select_n3A_601 : vector<16xf32>
    %select_n3A_613 = arith.select %gt3A_612, %get3A_607, %select_n3A_601 : vector<16xi1>, vector<16xf32>
    %select_n3A_614 = arith.select %gt3A_611, %select_n3A_604, %select_n3A_613 : vector<16xi1>, vector<16xf32>
    %select_n3A_615 = arith.select %gt3A_612, %add3A_610, %select_n3A_603 : vector<16xi1>, vector<16xi32>
    %select_n3A_616 = arith.select %gt3A_611, %select_n3A_605, %select_n3A_615 : vector<16xi1>, vector<16xi32>
    %select_n3A_617 = arith.select %gt3A_611, %get3A_607, %select_n3A_604 : vector<16xi1>, vector<16xf32>
    %select_n3A_618 = arith.select %gt3A_611, %add3A_610, %select_n3A_605 : vector<16xi1>, vector<16xi32>
    %get3A_619 = arith.constant 256 : index
    %get3A_620 = tpu.vector_load %arg16[%get3A_619] {strides = array<i32>} : memref<5120xf32, #tpu.memory_space<vmem>>, vector<16xf32>,
    %add3A_621 = arith.constant 256 : i32
    %add3A_622 = vector.broadcast %add3A_621 : i32 to vector<16xi32>
    %add3A_623 = arith.addi %iota3A, %add3A_622 : vector<16xi32>
    %gt3A_624 = arith.cmpf ogt, %get3A_620, %select_n3A_617 : vector<16xf32>
    %gt3A_625 = arith.cmpf ogt, %get3A_620, %select_n3A_614 : vector<16xf32>
    %select_n3A_626 = arith.select %gt3A_625, %get3A_620, %select_n3A_614 : vector<16xi1>, vector<16xf32>
    %select_n3A_627 = arith.select %gt3A_624, %select_n3A_617, %select_n3A_626 : vector<16xi1>, vector<16xf32>
    %select_n3A_628 = arith.select %gt3A_625, %add3A_623, %select_n3A_616 : vector<16xi1>, vector<16xi32>
    %select_n3A_629 = arith.select %gt3A_624, %select_n3A_618, %select_n3A_628 : vector<16xi1>, vector<16xi32>
    %select_n3A_630 = arith.select %gt3A_624, %get3A_620, %select_n3A_617 : vector<16xi1>, vector<16xf32>
    %select_n3A_631 = arith.select %gt3A_624, %add3A_623, %select_n3A_618 : vector<16xi1>, vector<16xi32>
    %get3A_632 = arith.constant 272 : index
    %get3A_633 = tpu.vector_load %arg16[%get3A_632] {strides = array<i32>} : memref<5120xf32, #tpu.memory_space<vmem>>, vector<16xf32>,
    %add3A_634 = arith.constant 272 : i32
    %add3A_635 = vector.broadcast %add3A_634 : i32 to vector<16xi32>
    %add3A_636 = arith.addi %iota3A, %add3A_635 : vector<16xi32>
    %gt3A_637 = arith.cmpf ogt, %get3A_633, %select_n3A_630 : vector<16xf32>
    %gt3A_638 = arith.cmpf ogt, %get3A_633, %select_n3A_627 : vector<16xf32>
    %select_n3A_639 = arith.select %gt3A_638, %get3A_633, %select_n3A_627 : vector<16xi1>, vector<16xf32>
    %select_n3A_640 = arith.select %gt3A_637, %select_n3A_630, %select_n3A_639 : vector<16xi1>, vector<16xf32>
    %select_n3A_641 = arith.select %gt3A_638, %add3A_636, %select_n3A_629 : vector<16xi1>, vector<16xi32>
    %select_n3A_642 = arith.select %gt3A_637, %select_n3A_631, %select_n3A_641 : vector<16xi1>, vector<16xi32>
    %select_n3A_643 = arith.select %gt3A_637, %get3A_633, %select_n3A_630 : vector<16xi1>, vector<16xf32>
    %select_n3A_644 = arith.select %gt3A_637, %add3A_636, %select_n3A_631 : vector<16xi1>, vector<16xi32>
    %get3A_645 = arith.constant 288 : index
    %get3A_646 = tpu.vector_load %arg16[%get3A_645] {strides = array<i32>} : memref<5120xf32, #tpu.memory_space<vmem>>, vector<16xf32>,
    %add3A_647 = arith.constant 288 : i32
    %add3A_648 = vector.broadcast %add3A_647 : i32 to vector<16xi32>
    %add3A_649 = arith.addi %iota3A, %add3A_648 : vector<16xi32>
    %gt3A_650 = arith.cmpf ogt, %get3A_646, %select_n3A_643 : vector<16xf32>
    %gt3A_651 = arith.cmpf ogt, %get3A_646, %select_n3A_640 : vector<16xf32>
    %select_n3A_652 = arith.select %gt3A_651, %get3A_646, %select_n3A_640 : vector<16xi1>, vector<16xf32>
    %select_n3A_653 = arith.select %gt3A_650, %select_n3A_643, %select_n3A_652 : vector<16xi1>, vector<16xf32>
    %select_n3A_654 = arith.select %gt3A_651, %add3A_649, %select_n3A_642 : vector<16xi1>, vector<16xi32>
    %select_n3A_655 = arith.select %gt3A_650, %select_n3A_644, %select_n3A_654 : vector<16xi1>, vector<16xi32>
    %select_n3A_656 = arith.select %gt3A_650, %get3A_646, %select_n3A_643 : vector<16xi1>, vector<16xf32>
    %select_n3A_657 = arith.select %gt3A_650, %add3A_649, %select_n3A_644 : vector<16xi1>, vector<16xi32>
    %get3A_658 = arith.constant 304 : index
    %get3A_659 = tpu.vector_load %arg16[%get3A_658] {strides = array<i32>} : memref<5120xf32, #tpu.memory_space<vmem>>, vector<16xf32>,
    %add3A_660 = arith.constant 304 : i32
    %add3A_661 = vector.broadcast %add3A_660 : i32 to vector<16xi32>
    %add3A_662 = arith.addi %iota3A, %add3A_661 : vector<16xi32>
    %gt3A_663 = arith.cmpf ogt, %get3A_659, %select_n3A_656 : vector<16xf32>
    %gt3A_664 = arith.cmpf ogt, %get3A_659, %select_n3A_653 : vector<16xf32>
    %select_n3A_665 = arith.select %gt3A_664, %get3A_659, %select_n3A_653 : vector<16xi1>, vector<16xf32>
    %select_n3A_666 = arith.select %gt3A_663, %select_n3A_656, %select_n3A_665 : vector<16xi1>, vector<16xf32>
    %select_n3A_667 = arith.select %gt3A_664, %add3A_662, %select_n3A_655 : vector<16xi1>, vector<16xi32>
    %select_n3A_668 = arith.select %gt3A_663, %select_n3A_657, %select_n3A_667 : vector<16xi1>, vector<16xi32>
    %select_n3A_669 = arith.select %gt3A_663, %get3A_659, %select_n3A_656 : vector<16xi1>, vector<16xf32>
    %select_n3A_670 = arith.select %gt3A_663, %add3A_662, %select_n3A_657 : vector<16xi1>, vector<16xi32>
    %while3A = arith.constant 1073741824 : i32
    %while3A_671 = arith.constant 0 : i32
    %while3A_672 = arith.constant 1.000000e+00 : f32
    %while3A_673 = arith.constant 0 : i32
    %while3A_674:7 = scf.while (%while3A_678 = %select_n3A_669, %while3A_679 = %select_n3A_670, %while3A_680 = %select_n3A_666, %while3A_681 = %select_n3A_668, %while3A_682 = %while3A_671, %while3A_683 = %while3A_672, %while3A_684 = %while3A_673) : (vector<16xf32>, vector<16xi32>, vector<16xf32>, vector<16xi32>, i32, f32, i32) -> (vector<16xf32>, vector<16xi32>, vector<16xf32>, vector<16xi32>, i32, f32, i32) {
      %lt3A = arith.constant 300 : i32
      %lt3A_685 = arith.cmpi slt, %while3A_682, %lt3A : i32
      %gt3A_686 = arith.constant 0.000000e+00 : f32
      %gt3A_687 = arith.cmpf ogt, %while3A_683, %gt3A_686 : f32
      %and3A = arith.andi %lt3A_685, %gt3A_687 : i1
      scf.condition(%and3A) %while3A_678, %while3A_679, %while3A_680, %while3A_681, %while3A_682, %while3A_683, %while3A_684 : vector<16xf32>, vector<16xi32>, vector<16xf32>, vector<16xi32>, i32, f32, i32
    } do {
    ^bb0(%while3A_678: vector<16xf32>, %while3A_679: vector<16xi32>, %while3A_680: vector<16xf32>, %while3A_681: vector<16xi32>, %while3A_682: i32, %while3A_683: f32, %while3A_684: i32):
      %reduce_max3A = arith.constant true
      %reduce_max3A_685 = vector.broadcast %reduce_max3A : i1 to vector<16xi1>
      %reduce_max3A_686 = tpu.scan <max>, %while3A_678 masked %reduce_max3A_685 : vector<16xf32>, vector<16xi1> -> vector<16xf32>
      %reduce_max3A_687 = vector.extract %reduce_max3A_686[15] : f32 from vector<16xf32>
      %eq3A_688 = vector.broadcast %reduce_max3A_687 : f32 to vector<16xf32>
      %eq3A_689 = arith.cmpf oeq, %while3A_678, %eq3A_688 : vector<16xf32>
      %broadcast_in_dim3A_690 = vector.broadcast %while3A : i32 to vector<16xi32>
      %select_n3A_691 = arith.select %eq3A_689, %while3A_679, %broadcast_in_dim3A_690 : vector<16xi1>, vector<16xi32>
      %reduce_min3A = arith.constant true
      %reduce_min3A_692 = vector.broadcast %reduce_min3A : i1 to vector<16xi1>
      %reduce_min3A_693 = arith.constant -2147483648 : i32
      %reduce_min3A_694 = vector.broadcast %reduce_min3A_693 : i32 to vector<16xi32>
      %reduce_min3A_695 = arith.xori %select_n3A_691, %reduce_min3A_694 : vector<16xi32>
      %reduce_min3A_696 = tpu.scan <min>, %reduce_min3A_695 masked %reduce_min3A_692 : vector<16xi32>, vector<16xi1> -> vector<16xi32>
      %reduce_min3A_697 = arith.xori %reduce_min3A_696, %reduce_min3A_694 : vector<16xi32>
      %reduce_min3A_698 = vector.extract %reduce_min3A_697[15] : i32 from vector<16xi32>
      %eq3A_699 = vector.broadcast %reduce_max3A_687 : f32 to vector<16xf32>
      %eq3A_700 = arith.cmpf oeq, %while3A_678, %eq3A_699 : vector<16xf32>
      %eq3A_701 = vector.broadcast %reduce_min3A_698 : i32 to vector<16xi32>
      %eq3A_702 = arith.cmpi eq, %while3A_679, %eq3A_701 : vector<16xi32>
      %and3A = arith.andi %eq3A_700, %eq3A_702 : vector<16xi1>
      %select_n3A_703 = arith.select %and3A, %while3A_680, %while3A_678 : vector<16xi1>, vector<16xf32>
      %select_n3A_704 = arith.select %and3A, %while3A_681, %while3A_679 : vector<16xi1>, vector<16xi32>
      %reduce_max3A_705 = arith.constant true
      %reduce_max3A_706 = vector.broadcast %reduce_max3A_705 : i1 to vector<16xi1>
      %reduce_max3A_707 = tpu.scan <max>, %select_n3A_703 masked %reduce_max3A_706 : vector<16xf32>, vector<16xi1> -> vector<16xf32>
      %reduce_max3A_708 = vector.extract %reduce_max3A_707[15] : f32 from vector<16xf32>
      %eq3A_709 = vector.broadcast %reduce_max3A_708 : f32 to vector<16xf32>
      %eq3A_710 = arith.cmpf oeq, %select_n3A_703, %eq3A_709 : vector<16xf32>
      %broadcast_in_dim3A_711 = vector.broadcast %while3A : i32 to vector<16xi32>
      %select_n3A_712 = arith.select %eq3A_710, %select_n3A_704, %broadcast_in_dim3A_711 : vector<16xi1>, vector<16xi32>
      %reduce_min3A_713 = arith.constant true
      %reduce_min3A_714 = vector.broadcast %reduce_min3A_713 : i1 to vector<16xi1>
      %reduce_min3A_715 = arith.constant -2147483648 : i32
      %reduce_min3A_716 = vector.broadcast %reduce_min3A_715 : i32 to vector<16xi32>
      %reduce_min3A_717 = arith.xori %select_n3A_712, %reduce_min3A_716 : vector<16xi32>
      %reduce_min3A_718 = tpu.scan <min>, %reduce_min3A_717 masked %reduce_min3A_714 : vector<16xi32>, vector<16xi1> -> vector<16xi32>
      %reduce_min3A_719 = arith.xori %reduce_min3A_718, %reduce_min3A_716 : vector<16xi32>
      %reduce_min3A_720 = vector.extract %reduce_min3A_719[15] : i32 from vector<16xi32>
      %mul3A_721 = arith.constant 320 : i32
      %mul3A_722 = vector.broadcast %mul3A_721 : i32 to vector<16xi32>
      %mul3A_723 = arith.muli %iota3A, %mul3A_722 : vector<16xi32>
      %broadcast_in_dim3A_724 = vector.broadcast %reduce_min3A_698 : i32 to vector<16xi32>
      %add3A_725 = arith.addi %mul3A_723, %broadcast_in_dim3A_724 : vector<16xi32>
      %gather3A = tpu.vector_load_idx %arg16[%add3A_725] : memref<5120xf32, #tpu.memory_space<vmem>>[vector<16xi32>], vector<16xf32>,
      %mul3A_726 = arith.constant 320 : i32
      %mul3A_727 = vector.broadcast %mul3A_726 : i32 to vector<16xi32>
      %mul3A_728 = arith.muli %iota3A, %mul3A_727 : vector<16xi32>
      %broadcast_in_dim3A_729 = vector.broadcast %reduce_min3A_720 : i32 to vector<16xi32>
      %add3A_730 = arith.addi %mul3A_728, %broadcast_in_dim3A_729 : vector<16xi32>
      %gather3A_731 = tpu.vector_load_idx %arg16[%add3A_730] : memref<5120xf32, #tpu.memory_space<vmem>>[vector<16xi32>], vector<16xf32>,
      %swap3A_732 = arith.constant 0 : index
      %swap3A_733 = tpu.vector_load %arg17[%swap3A_732] {strides = array<i32>} : memref<32xf32, #tpu.memory_space<vmem>>, vector<16xf32>,
      tpu.vector_store %arg17[%swap3A_732], %gather3A {strides = array<i32>} : memref<32xf32, #tpu.memory_space<vmem>>, vector<16xf32>,
      %swap3A_734 = arith.constant 16 : index
      %swap3A_735 = tpu.vector_load %arg17[%swap3A_734] {strides = array<i32>} : memref<32xf32, #tpu.memory_space<vmem>>, vector<16xf32>,
      tpu.vector_store %arg17[%swap3A_734], %gather3A_731 {strides = array<i32>} : memref<32xf32, #tpu.memory_space<vmem>>, vector<16xf32>,
      %jit3A = arith.constant 2 : i32
      %eq3A_736 = arith.constant 0 : i32
      %eq3A_737 = arith.cmpi eq, %jit3A, %eq3A_736 : i32
      %jit3A_738 = arith.constant 1 : i32
      %select_n3A_739 = arith.select %eq3A_737, %jit3A_738, %jit3A : i32
      %rem3A = arith.remsi %while3A_684, %select_n3A_739 : i32
      %ne3A = arith.constant 0 : i32
      %ne3A_740 = arith.cmpi ne, %rem3A, %ne3A : i32
      %lt3A = arith.constant 0 : i32
      %lt3A_741 = arith.cmpi slt, %rem3A, %lt3A : i32
      %lt3A_742 = arith.constant 0 : i32
      %lt3A_743 = arith.cmpi slt, %select_n3A_739, %lt3A_742 : i32
      %ne3A_744 = arith.xori %lt3A_741, %lt3A_743 : i1
      %and3A_745 = arith.andi %ne3A_744, %ne3A_740 : i1
      %add3A_746 = arith.addi %rem3A, %select_n3A_739 : i32
      %select_n3A_747 = arith.select %and3A_745, %add3A_746, %rem3A : i32
      %mul3A_748 = arith.constant 512 : i32
      %mul3A_749 = arith.muli %select_n3A_747, %mul3A_748 : i32
      %mul3A_750 = arith.constant 32 : i32
      %mul3A_751 = arith.muli %arg1, %mul3A_750 : i32
      %add3A_752 = arith.addi %mul3A_749, %mul3A_751 : i32
      "tpu.region"() ({
        %run_scoped3A = tpu.sem_alloc : memref<!tpu.dma_semaphore, #tpu.memory_space<semaphore_mem>>
        %dma_start3A = tpu.memref_slice %arg22[%add3A_752] : memref<1024xf32, #tpu.memory_space<vmem_shared>> -> memref<32xf32, #tpu.memory_space<vmem_shared>>
        %dma_start3A_2391 = tpu.memref_slice %arg22[%add3A_752] : memref<1024xf32, #tpu.memory_space<vmem_shared>> -> memref<32xf32, #tpu.memory_space<vmem_shared>>
        tpu.enqueue_dma source(%arg17 : memref<32xf32, #tpu.memory_space<vmem>>) target(%dma_start3A_2391 : memref<32xf32, #tpu.memory_space<vmem_shared>>) target_semaphore(%run_scoped3A : memref<!tpu.dma_semaphore, #tpu.memory_space<semaphore_mem>>)
        %dma_wait3A = tpu.memref_slice %arg22[%add3A_752] : memref<1024xf32, #tpu.memory_space<vmem_shared>> -> memref<32xf32, #tpu.memory_space<vmem_shared>>
        %dma_wait3A_2392 = tpu.memref_slice %arg22[%add3A_752] : memref<1024xf32, #tpu.memory_space<vmem_shared>> -> memref<32xf32, #tpu.memory_space<vmem_shared>>
        tpu.wait_dma2 semaphore(%run_scoped3A : memref<!tpu.dma_semaphore, #tpu.memory_space<semaphore_mem>>) src(%arg17 : memref<32xf32, #tpu.memory_space<vmem>>) dst(%dma_wait3A_2392 : memref<32xf32, #tpu.memory_space<vmem_shared>>)
        tpu.yield
      }) : () -> ()
      %barrier3A = arith.constant 0 : index
      tpu.barrier barrier_id(%barrier3A)
      "tpu.region"() ({
        %run_scoped3A = tpu.sem_alloc : memref<!tpu.dma_semaphore, #tpu.memory_space<semaphore_mem>>
        %dma_start3A = tpu.memref_slice %arg22[%mul3A_749] : memref<1024xf32, #tpu.memory_space<vmem_shared>> -> memref<512xf32, #tpu.memory_space<vmem_shared>>
        %dma_start3A_2391 = tpu.memref_slice %arg22[%mul3A_749] : memref<1024xf32, #tpu.memory_space<vmem_shared>> -> memref<512xf32, #tpu.memory_space<vmem_shared>>
        tpu.enqueue_dma source(%dma_start3A_2391 : memref<512xf32, #tpu.memory_space<vmem_shared>>) target(%arg18 : memref<512xf32, #tpu.memory_space<vmem>>) target_semaphore(%run_scoped3A : memref<!tpu.dma_semaphore, #tpu.memory_space<semaphore_mem>>)
        %dma_wait3A = tpu.memref_slice %arg22[%mul3A_749] : memref<1024xf32, #tpu.memory_space<vmem_shared>> -> memref<512xf32, #tpu.memory_space<vmem_shared>>
        %dma_wait3A_2392 = tpu.memref_slice %arg22[%mul3A_749] : memref<1024xf32, #tpu.memory_space<vmem_shared>> -> memref<512xf32, #tpu.memory_space<vmem_shared>>
        tpu.wait_dma2 semaphore(%run_scoped3A : memref<!tpu.dma_semaphore, #tpu.memory_space<semaphore_mem>>) src(%dma_wait3A_2392 : memref<512xf32, #tpu.memory_space<vmem_shared>>) dst(%arg18 : memref<512xf32, #tpu.memory_space<vmem>>)
        tpu.yield
      }) : () -> ()
      %mul3A_753 = arith.constant 32 : i32
      %mul3A_754 = vector.broadcast %mul3A_753 : i32 to vector<16xi32>
      %mul3A_755 = arith.muli %iota3A, %mul3A_754 : vector<16xi32>
      %gather3A_756 = tpu.vector_load_idx %arg18[%mul3A_755] : memref<512xf32, #tpu.memory_space<vmem>>[vector<16xi32>], vector<16xf32>,
      %mul3A_757 = arith.constant 32 : i32
      %mul3A_758 = vector.broadcast %mul3A_757 : i32 to vector<16xi32>
      %mul3A_759 = arith.muli %iota3A, %mul3A_758 : vector<16xi32>
      %add3A_760 = arith.constant 16 : i32
      %add3A_761 = vector.broadcast %add3A_760 : i32 to vector<16xi32>
      %add3A_762 = arith.addi %mul3A_759, %add3A_761 : vector<16xi32>
      %gather3A_763 = tpu.vector_load_idx %arg18[%add3A_762] : memref<512xf32, #tpu.memory_space<vmem>>[vector<16xi32>], vector<16xf32>,
      %reduce_max3A_764 = arith.constant true
      %reduce_max3A_765 = vector.broadcast %reduce_max3A_764 : i1 to vector<16xi1>
      %reduce_max3A_766 = tpu.scan <max>, %gather3A_756 masked %reduce_max3A_765 : vector<16xf32>, vector<16xi1> -> vector<16xf32>
      %reduce_max3A_767 = vector.extract %reduce_max3A_766[15] : f32 from vector<16xf32>
      %eq3A_768 = vector.broadcast %reduce_max3A_767 : f32 to vector<16xf32>
      %eq3A_769 = arith.cmpf oeq, %gather3A_756, %eq3A_768 : vector<16xf32>
      %jit3A_770 = arith.constant 16 : i32
      %broadcast_in_dim3A_771 = vector.broadcast %jit3A_770 : i32 to vector<16xi32>
      %select_n3A_772 = arith.select %eq3A_769, %iota3A, %broadcast_in_dim3A_771 : vector<16xi1>, vector<16xi32>
      %reduce_min3A_773 = arith.constant true
      %reduce_min3A_774 = vector.broadcast %reduce_min3A_773 : i1 to vector<16xi1>
      %reduce_min3A_775 = arith.constant -2147483648 : i32
      %reduce_min3A_776 = vector.broadcast %reduce_min3A_775 : i32 to vector<16xi32>
      %reduce_min3A_777 = arith.xori %select_n3A_772, %reduce_min3A_776 : vector<16xi32>
      %reduce_min3A_778 = tpu.scan <min>, %reduce_min3A_777 masked %reduce_min3A_774 : vector<16xi32>, vector<16xi1> -> vector<16xi32>
      %reduce_min3A_779 = arith.xori %reduce_min3A_778, %reduce_min3A_776 : vector<16xi32>
      %reduce_min3A_780 = vector.extract %reduce_min3A_779[15] : i32 from vector<16xi32>
      %broadcast_in_dim3A_781 = vector.broadcast %reduce_min3A_780 : i32 to vector<16xi32>
      %mul3A_782 = arith.constant 32 : i32
      %mul3A_783 = vector.broadcast %mul3A_782 : i32 to vector<16xi32>
      %mul3A_784 = arith.muli %broadcast_in_dim3A_781, %mul3A_783 : vector<16xi32>
      %eq3A_785 = arith.cmpi eq, %iota3A, %broadcast_in_dim3A_781 : vector<16xi32>
      %select_n3A_786 = arith.select %eq3A_785, %gather3A_763, %gather3A_756 : vector<16xi1>, vector<16xf32>
      %reduce_max3A_787 = arith.constant true
      %reduce_max3A_788 = vector.broadcast %reduce_max3A_787 : i1 to vector<16xi1>
      %reduce_max3A_789 = tpu.scan <max>, %select_n3A_786 masked %reduce_max3A_788 : vector<16xf32>, vector<16xi1> -> vector<16xf32>
      %reduce_max3A_790 = vector.extract %reduce_max3A_789[15] : f32 from vector<16xf32>
      %eq3A_791 = vector.broadcast %reduce_max3A_790 : f32 to vector<16xf32>
      %eq3A_792 = arith.cmpf oeq, %select_n3A_786, %eq3A_791 : vector<16xf32>
      %jit3A_793 = arith.constant 16 : i32
      %broadcast_in_dim3A_794 = vector.broadcast %jit3A_793 : i32 to vector<16xi32>
      %select_n3A_795 = arith.select %eq3A_792, %iota3A, %broadcast_in_dim3A_794 : vector<16xi1>, vector<16xi32>
      %reduce_min3A_796 = arith.constant true
      %reduce_min3A_797 = vector.broadcast %reduce_min3A_796 : i1 to vector<16xi1>
      %reduce_min3A_798 = arith.constant -2147483648 : i32
      %reduce_min3A_799 = vector.broadcast %reduce_min3A_798 : i32 to vector<16xi32>
      %reduce_min3A_800 = arith.xori %select_n3A_795, %reduce_min3A_799 : vector<16xi32>
      %reduce_min3A_801 = tpu.scan <min>, %reduce_min3A_800 masked %reduce_min3A_797 : vector<16xi32>, vector<16xi1> -> vector<16xi32>
      %reduce_min3A_802 = arith.xori %reduce_min3A_801, %reduce_min3A_799 : vector<16xi32>
      %reduce_min3A_803 = vector.extract %reduce_min3A_802[15] : i32 from vector<16xi32>
      %mul3A_804 = arith.constant 32 : i32
      %mul3A_805 = arith.muli %reduce_min3A_803, %mul3A_804 : i32
      %eq3A_806 = arith.cmpi eq, %reduce_min3A_803, %reduce_min3A_780 : i32
      %jit3A_807 = arith.constant 16 : i32
      %jit3A_808 = arith.constant 0 : i32
      %select_n3A_809 = arith.select %eq3A_806, %jit3A_807, %jit3A_808 : i32
      %add3A_810 = arith.addi %mul3A_805, %select_n3A_809 : i32
      %broadcast_in_dim3A_811 = vector.broadcast %add3A_810 : i32 to vector<16xi32>
      %add3A_812 = arith.constant 1 : i32
      %add3A_813 = vector.broadcast %add3A_812 : i32 to vector<16xi32>
      %add3A_814 = arith.addi %mul3A_784, %add3A_813 : vector<16xi32>
      %gather3A_815 = tpu.vector_load_idx %arg18[%add3A_814] : memref<512xf32, #tpu.memory_space<vmem>>[vector<16xi32>], vector<16xf32>,
      %add3A_816 = arith.constant 2 : i32
      %add3A_817 = vector.broadcast %add3A_816 : i32 to vector<16xi32>
      %add3A_818 = arith.addi %mul3A_784, %add3A_817 : vector<16xi32>
      %gather3A_819 = tpu.vector_load_idx %arg18[%add3A_818] : memref<512xf32, #tpu.memory_space<vmem>>[vector<16xi32>], vector<16xf32>,
      %add3A_820 = arith.constant 3 : i32
      %add3A_821 = vector.broadcast %add3A_820 : i32 to vector<16xi32>
      %add3A_822 = arith.addi %mul3A_784, %add3A_821 : vector<16xi32>
      %gather3A_823 = tpu.vector_load_idx %arg18[%add3A_822] : memref<512xf32, #tpu.memory_space<vmem>>[vector<16xi32>], vector<16xf32>,
      %add3A_824 = arith.constant 4 : i32
      %add3A_825 = vector.broadcast %add3A_824 : i32 to vector<16xi32>
      %add3A_826 = arith.addi %mul3A_784, %add3A_825 : vector<16xi32>
      %gather3A_827 = tpu.vector_load_idx %arg18[%add3A_826] : memref<512xf32, #tpu.memory_space<vmem>>[vector<16xi32>], vector<16xf32>,
      %add3A_828 = arith.constant 5 : i32
      %add3A_829 = vector.broadcast %add3A_828 : i32 to vector<16xi32>
      %add3A_830 = arith.addi %mul3A_784, %add3A_829 : vector<16xi32>
      %gather3A_831 = tpu.vector_load_idx %arg18[%add3A_830] : memref<512xf32, #tpu.memory_space<vmem>>[vector<16xi32>], vector<16xf32>,
      %add3A_832 = arith.constant 1 : i32
      %add3A_833 = vector.broadcast %add3A_832 : i32 to vector<16xi32>
      %add3A_834 = arith.addi %broadcast_in_dim3A_811, %add3A_833 : vector<16xi32>
      %gather3A_835 = tpu.vector_load_idx %arg18[%add3A_834] : memref<512xf32, #tpu.memory_space<vmem>>[vector<16xi32>], vector<16xf32>,
      %add3A_836 = arith.constant 2 : i32
      %add3A_837 = vector.broadcast %add3A_836 : i32 to vector<16xi32>
      %add3A_838 = arith.addi %broadcast_in_dim3A_811, %add3A_837 : vector<16xi32>
      %gather3A_839 = tpu.vector_load_idx %arg18[%add3A_838] : memref<512xf32, #tpu.memory_space<vmem>>[vector<16xi32>], vector<16xf32>,
      %add3A_840 = arith.constant 3 : i32
      %add3A_841 = vector.broadcast %add3A_840 : i32 to vector<16xi32>
      %add3A_842 = arith.addi %broadcast_in_dim3A_811, %add3A_841 : vector<16xi32>
      %gather3A_843 = tpu.vector_load_idx %arg18[%add3A_842] : memref<512xf32, #tpu.memory_space<vmem>>[vector<16xi32>], vector<16xf32>,
      %add3A_844 = arith.constant 4 : i32
      %add3A_845 = vector.broadcast %add3A_844 : i32 to vector<16xi32>
      %add3A_846 = arith.addi %broadcast_in_dim3A_811, %add3A_845 : vector<16xi32>
      %gather3A_847 = tpu.vector_load_idx %arg18[%add3A_846] : memref<512xf32, #tpu.memory_space<vmem>>[vector<16xi32>], vector<16xf32>,
      %add3A_848 = arith.constant 5 : i32
      %add3A_849 = vector.broadcast %add3A_848 : i32 to vector<16xi32>
      %add3A_850 = arith.addi %broadcast_in_dim3A_811, %add3A_849 : vector<16xi32>
      %gather3A_851 = tpu.vector_load_idx %arg18[%add3A_850] : memref<512xf32, #tpu.memory_space<vmem>>[vector<16xi32>], vector<16xf32>,
      %min3A = arith.minimumf %gather3A_823, %gather3A_843 : vector<16xf32>
      %max3A = arith.maximumf %gather3A_815, %gather3A_835 : vector<16xf32>
      %sub3A = arith.subf %min3A, %max3A : vector<16xf32>
      %max3A_852 = arith.constant 0.000000e+00 : f32
      %max3A_853 = vector.broadcast %max3A_852 : f32 to vector<16xf32>
      %max3A_854 = arith.maximumf %sub3A, %max3A_853 : vector<16xf32>
      %min3A_855 = arith.minimumf %gather3A_827, %gather3A_847 : vector<16xf32>
      %max3A_856 = arith.maximumf %gather3A_819, %gather3A_839 : vector<16xf32>
      %sub3A_857 = arith.subf %min3A_855, %max3A_856 : vector<16xf32>
      %max3A_858 = arith.constant 0.000000e+00 : f32
      %max3A_859 = vector.broadcast %max3A_858 : f32 to vector<16xf32>
      %max3A_860 = arith.maximumf %sub3A_857, %max3A_859 : vector<16xf32>
      %mul3A_861 = arith.mulf %max3A_854, %max3A_860 : vector<16xf32>
      %add3A_862 = arith.addf %gather3A_831, %gather3A_851 : vector<16xf32>
      %sub3A_863 = arith.subf %add3A_862, %mul3A_861 : vector<16xf32>
      %max3A_864 = arith.constant 9.99999971E-10 : f32
      %max3A_865 = vector.broadcast %max3A_864 : f32 to vector<16xf32>
      %max3A_866 = arith.maximumf %sub3A_863, %max3A_865 : vector<16xf32>
      %div3A = arith.divf %mul3A_861, %max3A_866 : vector<16xf32>
      %broadcast_in_dim3A_867 = vector.broadcast %reduce_max3A_790 : f32 to vector<16xf32>
      %gt3A_868 = arith.constant 0.000000e+00 : f32
      %gt3A_869 = vector.broadcast %gt3A_868 : f32 to vector<16xf32>
      %gt3A_870 = arith.cmpf ogt, %broadcast_in_dim3A_867, %gt3A_869 : vector<16xf32>
      %gt3A_871 = arith.constant 0.00999999977 : f32
      %gt3A_872 = vector.broadcast %gt3A_871 : f32 to vector<16xf32>
      %gt3A_873 = arith.cmpf ogt, %div3A, %gt3A_872 : vector<16xf32>
      %not3A = arith.constant dense<true> : vector<16xi1>
      %not3A_874 = arith.xori %gt3A_873, %not3A : vector<16xi1>
      %and3A_875 = arith.andi %gt3A_870, %not3A_874 : vector<16xi1>
      %jit3A_876 = arith.constant 0.000000e+00 : f32
      %broadcast_in_dim3A_877 = vector.broadcast %jit3A_876 : f32 to vector<16xf32>
      %select_n3A_878 = arith.select %and3A_875, %gather3A_835, %broadcast_in_dim3A_877 : vector<16xi1>, vector<16xf32>
      %jit3A_879 = arith.constant 0.000000e+00 : f32
      %broadcast_in_dim3A_880 = vector.broadcast %jit3A_879 : f32 to vector<16xf32>
      %select_n3A_881 = arith.select %and3A_875, %gather3A_839, %broadcast_in_dim3A_880 : vector<16xi1>, vector<16xf32>
      %jit3A_882 = arith.constant 0.000000e+00 : f32
      %broadcast_in_dim3A_883 = vector.broadcast %jit3A_882 : f32 to vector<16xf32>
      %select_n3A_884 = arith.select %and3A_875, %gather3A_843, %broadcast_in_dim3A_883 : vector<16xi1>, vector<16xf32>
      %jit3A_885 = arith.constant 0.000000e+00 : f32
      %broadcast_in_dim3A_886 = vector.broadcast %jit3A_885 : f32 to vector<16xf32>
      %select_n3A_887 = arith.select %and3A_875, %gather3A_847, %broadcast_in_dim3A_886 : vector<16xi1>, vector<16xf32>
      %jit3A_888 = arith.constant 0.000000e+00 : f32
      %broadcast_in_dim3A_889 = vector.broadcast %jit3A_888 : f32 to vector<16xf32>
      %select_n3A_890 = arith.select %and3A_875, %gather3A_851, %broadcast_in_dim3A_889 : vector<16xi1>, vector<16xf32>
      %broadcast_in_dim3A_891 = arith.constant 0 : i32
      %broadcast_in_dim3A_892 = vector.broadcast %broadcast_in_dim3A_891 : i32 to vector<16xi32>
      %broadcast_in_dim3A_893 = arith.constant 0 : i32
      %broadcast_in_dim3A_894 = vector.broadcast %broadcast_in_dim3A_893 : i32 to vector<16xi32>
      %get3A_895 = arith.constant 320 : index
      %get3A_896 = tpu.vector_load %arg16[%get3A_895] {strides = array<i32>} : memref<5120xf32, #tpu.memory_space<vmem>>, vector<16xf32>,
      %get3A_897 = arith.constant 640 : index
      %get3A_898 = tpu.vector_load %arg16[%get3A_897] {strides = array<i32>} : memref<5120xf32, #tpu.memory_space<vmem>>, vector<16xf32>,
      %get3A_899 = arith.constant 960 : index
      %get3A_900 = tpu.vector_load %arg16[%get3A_899] {strides = array<i32>} : memref<5120xf32, #tpu.memory_space<vmem>>, vector<16xf32>,
      %get3A_901 = arith.constant 1280 : index
      %get3A_902 = tpu.vector_load %arg16[%get3A_901] {strides = array<i32>} : memref<5120xf32, #tpu.memory_space<vmem>>, vector<16xf32>,
      %get3A_903 = arith.constant 1600 : index
      %get3A_904 = tpu.vector_load %arg16[%get3A_903] {strides = array<i32>} : memref<5120xf32, #tpu.memory_space<vmem>>, vector<16xf32>,
      %get3A_905 = arith.constant 0 : index
      %get3A_906 = tpu.vector_load %arg16[%get3A_905] {strides = array<i32>} : memref<5120xf32, #tpu.memory_space<vmem>>, vector<16xf32>,
      %min3A_907 = arith.minimumf %get3A_900, %gather3A_823 : vector<16xf32>
      %max3A_908 = arith.maximumf %get3A_896, %gather3A_815 : vector<16xf32>
      %sub3A_909 = arith.subf %min3A_907, %max3A_908 : vector<16xf32>
      %max3A_910 = arith.constant 0.000000e+00 : f32
      %max3A_911 = vector.broadcast %max3A_910 : f32 to vector<16xf32>
      %max3A_912 = arith.maximumf %sub3A_909, %max3A_911 : vector<16xf32>
      %min3A_913 = arith.minimumf %get3A_902, %gather3A_827 : vector<16xf32>
      %max3A_914 = arith.maximumf %get3A_898, %gather3A_819 : vector<16xf32>
      %sub3A_915 = arith.subf %min3A_913, %max3A_914 : vector<16xf32>
      %max3A_916 = arith.constant 0.000000e+00 : f32
      %max3A_917 = vector.broadcast %max3A_916 : f32 to vector<16xf32>
      %max3A_918 = arith.maximumf %sub3A_915, %max3A_917 : vector<16xf32>
      %mul3A_919 = arith.mulf %max3A_912, %max3A_918 : vector<16xf32>
      %add3A_920 = arith.addf %gather3A_831, %get3A_904 : vector<16xf32>
      %sub3A_921 = arith.subf %add3A_920, %mul3A_919 : vector<16xf32>
      %max3A_922 = arith.constant 9.99999971E-10 : f32
      %max3A_923 = vector.broadcast %max3A_922 : f32 to vector<16xf32>
      %max3A_924 = arith.maximumf %sub3A_921, %max3A_923 : vector<16xf32>
      %div3A_925 = arith.divf %mul3A_919, %max3A_924 : vector<16xf32>
      %min3A_926 = arith.minimumf %get3A_900, %select_n3A_884 : vector<16xf32>
      %max3A_927 = arith.maximumf %get3A_896, %select_n3A_878 : vector<16xf32>
      %sub3A_928 = arith.subf %min3A_926, %max3A_927 : vector<16xf32>
      %max3A_929 = arith.constant 0.000000e+00 : f32
      %max3A_930 = vector.broadcast %max3A_929 : f32 to vector<16xf32>
      %max3A_931 = arith.maximumf %sub3A_928, %max3A_930 : vector<16xf32>
      %min3A_932 = arith.minimumf %get3A_902, %select_n3A_887 : vector<16xf32>
      %max3A_933 = arith.maximumf %get3A_898, %select_n3A_881 : vector<16xf32>
      %sub3A_934 = arith.subf %min3A_932, %max3A_933 : vector<16xf32>
      %max3A_935 = arith.constant 0.000000e+00 : f32
      %max3A_936 = vector.broadcast %max3A_935 : f32 to vector<16xf32>
      %max3A_937 = arith.maximumf %sub3A_934, %max3A_936 : vector<16xf32>
      %mul3A_938 = arith.mulf %max3A_931, %max3A_937 : vector<16xf32>
      %add3A_939 = arith.addf %select_n3A_890, %get3A_904 : vector<16xf32>
      %sub3A_940 = arith.subf %add3A_939, %mul3A_938 : vector<16xf32>
      %max3A_941 = arith.constant 9.99999971E-10 : f32
      %max3A_942 = vector.broadcast %max3A_941 : f32 to vector<16xf32>
      %max3A_943 = arith.maximumf %sub3A_940, %max3A_942 : vector<16xf32>
      %div3A_944 = arith.divf %mul3A_938, %max3A_943 : vector<16xf32>
      %gt3A_945 = arith.constant 0.00999999977 : f32
      %gt3A_946 = vector.broadcast %gt3A_945 : f32 to vector<16xf32>
      %gt3A_947 = arith.cmpf ogt, %div3A_925, %gt3A_946 : vector<16xf32>
      %gt3A_948 = arith.constant 0.00999999977 : f32
      %gt3A_949 = vector.broadcast %gt3A_948 : f32 to vector<16xf32>
      %gt3A_950 = arith.cmpf ogt, %div3A_944, %gt3A_949 : vector<16xf32>
      %or3A = arith.ori %gt3A_947, %gt3A_950 : vector<16xi1>
      %select_n3A_951 = arith.select %or3A, %broadcast_in_dim3A_5, %get3A_906 : vector<16xi1>, vector<16xf32>
      %swap3A_952 = arith.constant 0 : index
      %swap3A_953 = tpu.vector_load %arg16[%swap3A_952] {strides = array<i32>} : memref<5120xf32, #tpu.memory_space<vmem>>, vector<16xf32>,
      tpu.vector_store %arg16[%swap3A_952], %select_n3A_951 {strides = array<i32>} : memref<5120xf32, #tpu.memory_space<vmem>>, vector<16xf32>,
      %add3A_954 = arith.constant 0 : i32
      %add3A_955 = vector.broadcast %add3A_954 : i32 to vector<16xi32>
      %add3A_956 = arith.addi %iota3A, %add3A_955 : vector<16xi32>
      %gt3A_957 = arith.cmpf ogt, %select_n3A_951, %broadcast_in_dim3A_5 : vector<16xf32>
      %gt3A_958 = arith.cmpf ogt, %select_n3A_951, %broadcast_in_dim3A_5 : vector<16xf32>
      %select_n3A_959 = arith.select %gt3A_958, %select_n3A_951, %broadcast_in_dim3A_5 : vector<16xi1>, vector<16xf32>
      %select_n3A_960 = arith.select %gt3A_957, %broadcast_in_dim3A_5, %select_n3A_959 : vector<16xi1>, vector<16xf32>
      %select_n3A_961 = arith.select %gt3A_958, %add3A_956, %broadcast_in_dim3A_894 : vector<16xi1>, vector<16xi32>
      %select_n3A_962 = arith.select %gt3A_957, %broadcast_in_dim3A_892, %select_n3A_961 : vector<16xi1>, vector<16xi32>
      %select_n3A_963 = arith.select %gt3A_957, %select_n3A_951, %broadcast_in_dim3A_5 : vector<16xi1>, vector<16xf32>
      %select_n3A_964 = arith.select %gt3A_957, %add3A_956, %broadcast_in_dim3A_892 : vector<16xi1>, vector<16xi32>
      %get3A_965 = arith.constant 336 : index
      %get3A_966 = tpu.vector_load %arg16[%get3A_965] {strides = array<i32>} : memref<5120xf32, #tpu.memory_space<vmem>>, vector<16xf32>,
      %get3A_967 = arith.constant 656 : index
      %get3A_968 = tpu.vector_load %arg16[%get3A_967] {strides = array<i32>} : memref<5120xf32, #tpu.memory_space<vmem>>, vector<16xf32>,
      %get3A_969 = arith.constant 976 : index
      %get3A_970 = tpu.vector_load %arg16[%get3A_969] {strides = array<i32>} : memref<5120xf32, #tpu.memory_space<vmem>>, vector<16xf32>,
      %get3A_971 = arith.constant 1296 : index
      %get3A_972 = tpu.vector_load %arg16[%get3A_971] {strides = array<i32>} : memref<5120xf32, #tpu.memory_space<vmem>>, vector<16xf32>,
      %get3A_973 = arith.constant 1616 : index
      %get3A_974 = tpu.vector_load %arg16[%get3A_973] {strides = array<i32>} : memref<5120xf32, #tpu.memory_space<vmem>>, vector<16xf32>,
      %get3A_975 = arith.constant 16 : index
      %get3A_976 = tpu.vector_load %arg16[%get3A_975] {strides = array<i32>} : memref<5120xf32, #tpu.memory_space<vmem>>, vector<16xf32>,
      %min3A_977 = arith.minimumf %get3A_970, %gather3A_823 : vector<16xf32>
      %max3A_978 = arith.maximumf %get3A_966, %gather3A_815 : vector<16xf32>
      %sub3A_979 = arith.subf %min3A_977, %max3A_978 : vector<16xf32>
      %max3A_980 = arith.constant 0.000000e+00 : f32
      %max3A_981 = vector.broadcast %max3A_980 : f32 to vector<16xf32>
      %max3A_982 = arith.maximumf %sub3A_979, %max3A_981 : vector<16xf32>
      %min3A_983 = arith.minimumf %get3A_972, %gather3A_827 : vector<16xf32>
      %max3A_984 = arith.maximumf %get3A_968, %gather3A_819 : vector<16xf32>
      %sub3A_985 = arith.subf %min3A_983, %max3A_984 : vector<16xf32>
      %max3A_986 = arith.constant 0.000000e+00 : f32
      %max3A_987 = vector.broadcast %max3A_986 : f32 to vector<16xf32>
      %max3A_988 = arith.maximumf %sub3A_985, %max3A_987 : vector<16xf32>
      %mul3A_989 = arith.mulf %max3A_982, %max3A_988 : vector<16xf32>
      %add3A_990 = arith.addf %gather3A_831, %get3A_974 : vector<16xf32>
      %sub3A_991 = arith.subf %add3A_990, %mul3A_989 : vector<16xf32>
      %max3A_992 = arith.constant 9.99999971E-10 : f32
      %max3A_993 = vector.broadcast %max3A_992 : f32 to vector<16xf32>
      %max3A_994 = arith.maximumf %sub3A_991, %max3A_993 : vector<16xf32>
      %div3A_995 = arith.divf %mul3A_989, %max3A_994 : vector<16xf32>
      %min3A_996 = arith.minimumf %get3A_970, %select_n3A_884 : vector<16xf32>
      %max3A_997 = arith.maximumf %get3A_966, %select_n3A_878 : vector<16xf32>
      %sub3A_998 = arith.subf %min3A_996, %max3A_997 : vector<16xf32>
      %max3A_999 = arith.constant 0.000000e+00 : f32
      %max3A_1000 = vector.broadcast %max3A_999 : f32 to vector<16xf32>
      %max3A_1001 = arith.maximumf %sub3A_998, %max3A_1000 : vector<16xf32>
      %min3A_1002 = arith.minimumf %get3A_972, %select_n3A_887 : vector<16xf32>
      %max3A_1003 = arith.maximumf %get3A_968, %select_n3A_881 : vector<16xf32>
      %sub3A_1004 = arith.subf %min3A_1002, %max3A_1003 : vector<16xf32>
      %max3A_1005 = arith.constant 0.000000e+00 : f32
      %max3A_1006 = vector.broadcast %max3A_1005 : f32 to vector<16xf32>
      %max3A_1007 = arith.maximumf %sub3A_1004, %max3A_1006 : vector<16xf32>
      %mul3A_1008 = arith.mulf %max3A_1001, %max3A_1007 : vector<16xf32>
      %add3A_1009 = arith.addf %select_n3A_890, %get3A_974 : vector<16xf32>
      %sub3A_1010 = arith.subf %add3A_1009, %mul3A_1008 : vector<16xf32>
      %max3A_1011 = arith.constant 9.99999971E-10 : f32
      %max3A_1012 = vector.broadcast %max3A_1011 : f32 to vector<16xf32>
      %max3A_1013 = arith.maximumf %sub3A_1010, %max3A_1012 : vector<16xf32>
      %div3A_1014 = arith.divf %mul3A_1008, %max3A_1013 : vector<16xf32>
      %gt3A_1015 = arith.constant 0.00999999977 : f32
      %gt3A_1016 = vector.broadcast %gt3A_1015 : f32 to vector<16xf32>
      %gt3A_1017 = arith.cmpf ogt, %div3A_995, %gt3A_1016 : vector<16xf32>
      %gt3A_1018 = arith.constant 0.00999999977 : f32
      %gt3A_1019 = vector.broadcast %gt3A_1018 : f32 to vector<16xf32>
      %gt3A_1020 = arith.cmpf ogt, %div3A_1014, %gt3A_1019 : vector<16xf32>
      %or3A_1021 = arith.ori %gt3A_1017, %gt3A_1020 : vector<16xi1>
      %select_n3A_1022 = arith.select %or3A_1021, %broadcast_in_dim3A_5, %get3A_976 : vector<16xi1>, vector<16xf32>
      %swap3A_1023 = arith.constant 16 : index
      %swap3A_1024 = tpu.vector_load %arg16[%swap3A_1023] {strides = array<i32>} : memref<5120xf32, #tpu.memory_space<vmem>>, vector<16xf32>,
      tpu.vector_store %arg16[%swap3A_1023], %select_n3A_1022 {strides = array<i32>} : memref<5120xf32, #tpu.memory_space<vmem>>, vector<16xf32>,
      %add3A_1025 = arith.constant 16 : i32
      %add3A_1026 = vector.broadcast %add3A_1025 : i32 to vector<16xi32>
      %add3A_1027 = arith.addi %iota3A, %add3A_1026 : vector<16xi32>
      %gt3A_1028 = arith.cmpf ogt, %select_n3A_1022, %select_n3A_963 : vector<16xf32>
      %gt3A_1029 = arith.cmpf ogt, %select_n3A_1022, %select_n3A_960 : vector<16xf32>
      %select_n3A_1030 = arith.select %gt3A_1029, %select_n3A_1022, %select_n3A_960 : vector<16xi1>, vector<16xf32>
      %select_n3A_1031 = arith.select %gt3A_1028, %select_n3A_963, %select_n3A_1030 : vector<16xi1>, vector<16xf32>
      %select_n3A_1032 = arith.select %gt3A_1029, %add3A_1027, %select_n3A_962 : vector<16xi1>, vector<16xi32>
      %select_n3A_1033 = arith.select %gt3A_1028, %select_n3A_964, %select_n3A_1032 : vector<16xi1>, vector<16xi32>
      %select_n3A_1034 = arith.select %gt3A_1028, %select_n3A_1022, %select_n3A_963 : vector<16xi1>, vector<16xf32>
      %select_n3A_1035 = arith.select %gt3A_1028, %add3A_1027, %select_n3A_964 : vector<16xi1>, vector<16xi32>
      %get3A_1036 = arith.constant 352 : index
      %get3A_1037 = tpu.vector_load %arg16[%get3A_1036] {strides = array<i32>} : memref<5120xf32, #tpu.memory_space<vmem>>, vector<16xf32>,
      %get3A_1038 = arith.constant 672 : index
      %get3A_1039 = tpu.vector_load %arg16[%get3A_1038] {strides = array<i32>} : memref<5120xf32, #tpu.memory_space<vmem>>, vector<16xf32>,
      %get3A_1040 = arith.constant 992 : index
      %get3A_1041 = tpu.vector_load %arg16[%get3A_1040] {strides = array<i32>} : memref<5120xf32, #tpu.memory_space<vmem>>, vector<16xf32>,
      %get3A_1042 = arith.constant 1312 : index
      %get3A_1043 = tpu.vector_load %arg16[%get3A_1042] {strides = array<i32>} : memref<5120xf32, #tpu.memory_space<vmem>>, vector<16xf32>,
      %get3A_1044 = arith.constant 1632 : index
      %get3A_1045 = tpu.vector_load %arg16[%get3A_1044] {strides = array<i32>} : memref<5120xf32, #tpu.memory_space<vmem>>, vector<16xf32>,
      %get3A_1046 = arith.constant 32 : index
      %get3A_1047 = tpu.vector_load %arg16[%get3A_1046] {strides = array<i32>} : memref<5120xf32, #tpu.memory_space<vmem>>, vector<16xf32>,
      %min3A_1048 = arith.minimumf %get3A_1041, %gather3A_823 : vector<16xf32>
      %max3A_1049 = arith.maximumf %get3A_1037, %gather3A_815 : vector<16xf32>
      %sub3A_1050 = arith.subf %min3A_1048, %max3A_1049 : vector<16xf32>
      %max3A_1051 = arith.constant 0.000000e+00 : f32
      %max3A_1052 = vector.broadcast %max3A_1051 : f32 to vector<16xf32>
      %max3A_1053 = arith.maximumf %sub3A_1050, %max3A_1052 : vector<16xf32>
      %min3A_1054 = arith.minimumf %get3A_1043, %gather3A_827 : vector<16xf32>
      %max3A_1055 = arith.maximumf %get3A_1039, %gather3A_819 : vector<16xf32>
      %sub3A_1056 = arith.subf %min3A_1054, %max3A_1055 : vector<16xf32>
      %max3A_1057 = arith.constant 0.000000e+00 : f32
      %max3A_1058 = vector.broadcast %max3A_1057 : f32 to vector<16xf32>
      %max3A_1059 = arith.maximumf %sub3A_1056, %max3A_1058 : vector<16xf32>
      %mul3A_1060 = arith.mulf %max3A_1053, %max3A_1059 : vector<16xf32>
      %add3A_1061 = arith.addf %gather3A_831, %get3A_1045 : vector<16xf32>
      %sub3A_1062 = arith.subf %add3A_1061, %mul3A_1060 : vector<16xf32>
      %max3A_1063 = arith.constant 9.99999971E-10 : f32
      %max3A_1064 = vector.broadcast %max3A_1063 : f32 to vector<16xf32>
      %max3A_1065 = arith.maximumf %sub3A_1062, %max3A_1064 : vector<16xf32>
      %div3A_1066 = arith.divf %mul3A_1060, %max3A_1065 : vector<16xf32>
      %min3A_1067 = arith.minimumf %get3A_1041, %select_n3A_884 : vector<16xf32>
      %max3A_1068 = arith.maximumf %get3A_1037, %select_n3A_878 : vector<16xf32>
      %sub3A_1069 = arith.subf %min3A_1067, %max3A_1068 : vector<16xf32>
      %max3A_1070 = arith.constant 0.000000e+00 : f32
      %max3A_1071 = vector.broadcast %max3A_1070 : f32 to vector<16xf32>
      %max3A_1072 = arith.maximumf %sub3A_1069, %max3A_1071 : vector<16xf32>
      %min3A_1073 = arith.minimumf %get3A_1043, %select_n3A_887 : vector<16xf32>
      %max3A_1074 = arith.maximumf %get3A_1039, %select_n3A_881 : vector<16xf32>
      %sub3A_1075 = arith.subf %min3A_1073, %max3A_1074 : vector<16xf32>
      %max3A_1076 = arith.constant 0.000000e+00 : f32
      %max3A_1077 = vector.broadcast %max3A_1076 : f32 to vector<16xf32>
      %max3A_1078 = arith.maximumf %sub3A_1075, %max3A_1077 : vector<16xf32>
      %mul3A_1079 = arith.mulf %max3A_1072, %max3A_1078 : vector<16xf32>
      %add3A_1080 = arith.addf %select_n3A_890, %get3A_1045 : vector<16xf32>
      %sub3A_1081 = arith.subf %add3A_1080, %mul3A_1079 : vector<16xf32>
      %max3A_1082 = arith.constant 9.99999971E-10 : f32
      %max3A_1083 = vector.broadcast %max3A_1082 : f32 to vector<16xf32>
      %max3A_1084 = arith.maximumf %sub3A_1081, %max3A_1083 : vector<16xf32>
      %div3A_1085 = arith.divf %mul3A_1079, %max3A_1084 : vector<16xf32>
      %gt3A_1086 = arith.constant 0.00999999977 : f32
      %gt3A_1087 = vector.broadcast %gt3A_1086 : f32 to vector<16xf32>
      %gt3A_1088 = arith.cmpf ogt, %div3A_1066, %gt3A_1087 : vector<16xf32>
      %gt3A_1089 = arith.constant 0.00999999977 : f32
      %gt3A_1090 = vector.broadcast %gt3A_1089 : f32 to vector<16xf32>
      %gt3A_1091 = arith.cmpf ogt, %div3A_1085, %gt3A_1090 : vector<16xf32>
      %or3A_1092 = arith.ori %gt3A_1088, %gt3A_1091 : vector<16xi1>
      %select_n3A_1093 = arith.select %or3A_1092, %broadcast_in_dim3A_5, %get3A_1047 : vector<16xi1>, vector<16xf32>
      %swap3A_1094 = arith.constant 32 : index
      %swap3A_1095 = tpu.vector_load %arg16[%swap3A_1094] {strides = array<i32>} : memref<5120xf32, #tpu.memory_space<vmem>>, vector<16xf32>,
      tpu.vector_store %arg16[%swap3A_1094], %select_n3A_1093 {strides = array<i32>} : memref<5120xf32, #tpu.memory_space<vmem>>, vector<16xf32>,
      %add3A_1096 = arith.constant 32 : i32
      %add3A_1097 = vector.broadcast %add3A_1096 : i32 to vector<16xi32>
      %add3A_1098 = arith.addi %iota3A, %add3A_1097 : vector<16xi32>
      %gt3A_1099 = arith.cmpf ogt, %select_n3A_1093, %select_n3A_1034 : vector<16xf32>
      %gt3A_1100 = arith.cmpf ogt, %select_n3A_1093, %select_n3A_1031 : vector<16xf32>
      %select_n3A_1101 = arith.select %gt3A_1100, %select_n3A_1093, %select_n3A_1031 : vector<16xi1>, vector<16xf32>
      %select_n3A_1102 = arith.select %gt3A_1099, %select_n3A_1034, %select_n3A_1101 : vector<16xi1>, vector<16xf32>
      %select_n3A_1103 = arith.select %gt3A_1100, %add3A_1098, %select_n3A_1033 : vector<16xi1>, vector<16xi32>
      %select_n3A_1104 = arith.select %gt3A_1099, %select_n3A_1035, %select_n3A_1103 : vector<16xi1>, vector<16xi32>
      %select_n3A_1105 = arith.select %gt3A_1099, %select_n3A_1093, %select_n3A_1034 : vector<16xi1>, vector<16xf32>
      %select_n3A_1106 = arith.select %gt3A_1099, %add3A_1098, %select_n3A_1035 : vector<16xi1>, vector<16xi32>
      %get3A_1107 = arith.constant 368 : index
      %get3A_1108 = tpu.vector_load %arg16[%get3A_1107] {strides = array<i32>} : memref<5120xf32, #tpu.memory_space<vmem>>, vector<16xf32>,
      %get3A_1109 = arith.constant 688 : index
      %get3A_1110 = tpu.vector_load %arg16[%get3A_1109] {strides = array<i32>} : memref<5120xf32, #tpu.memory_space<vmem>>, vector<16xf32>,
      %get3A_1111 = arith.constant 1008 : index
      %get3A_1112 = tpu.vector_load %arg16[%get3A_1111] {strides = array<i32>} : memref<5120xf32, #tpu.memory_space<vmem>>, vector<16xf32>,
      %get3A_1113 = arith.constant 1328 : index
      %get3A_1114 = tpu.vector_load %arg16[%get3A_1113] {strides = array<i32>} : memref<5120xf32, #tpu.memory_space<vmem>>, vector<16xf32>,
      %get3A_1115 = arith.constant 1648 : index
      %get3A_1116 = tpu.vector_load %arg16[%get3A_1115] {strides = array<i32>} : memref<5120xf32, #tpu.memory_space<vmem>>, vector<16xf32>,
      %get3A_1117 = arith.constant 48 : index
      %get3A_1118 = tpu.vector_load %arg16[%get3A_1117] {strides = array<i32>} : memref<5120xf32, #tpu.memory_space<vmem>>, vector<16xf32>,
      %min3A_1119 = arith.minimumf %get3A_1112, %gather3A_823 : vector<16xf32>
      %max3A_1120 = arith.maximumf %get3A_1108, %gather3A_815 : vector<16xf32>
      %sub3A_1121 = arith.subf %min3A_1119, %max3A_1120 : vector<16xf32>
      %max3A_1122 = arith.constant 0.000000e+00 : f32
      %max3A_1123 = vector.broadcast %max3A_1122 : f32 to vector<16xf32>
      %max3A_1124 = arith.maximumf %sub3A_1121, %max3A_1123 : vector<16xf32>
      %min3A_1125 = arith.minimumf %get3A_1114, %gather3A_827 : vector<16xf32>
      %max3A_1126 = arith.maximumf %get3A_1110, %gather3A_819 : vector<16xf32>
      %sub3A_1127 = arith.subf %min3A_1125, %max3A_1126 : vector<16xf32>
      %max3A_1128 = arith.constant 0.000000e+00 : f32
      %max3A_1129 = vector.broadcast %max3A_1128 : f32 to vector<16xf32>
      %max3A_1130 = arith.maximumf %sub3A_1127, %max3A_1129 : vector<16xf32>
      %mul3A_1131 = arith.mulf %max3A_1124, %max3A_1130 : vector<16xf32>
      %add3A_1132 = arith.addf %gather3A_831, %get3A_1116 : vector<16xf32>
      %sub3A_1133 = arith.subf %add3A_1132, %mul3A_1131 : vector<16xf32>
      %max3A_1134 = arith.constant 9.99999971E-10 : f32
      %max3A_1135 = vector.broadcast %max3A_1134 : f32 to vector<16xf32>
      %max3A_1136 = arith.maximumf %sub3A_1133, %max3A_1135 : vector<16xf32>
      %div3A_1137 = arith.divf %mul3A_1131, %max3A_1136 : vector<16xf32>
      %min3A_1138 = arith.minimumf %get3A_1112, %select_n3A_884 : vector<16xf32>
      %max3A_1139 = arith.maximumf %get3A_1108, %select_n3A_878 : vector<16xf32>
      %sub3A_1140 = arith.subf %min3A_1138, %max3A_1139 : vector<16xf32>
      %max3A_1141 = arith.constant 0.000000e+00 : f32
      %max3A_1142 = vector.broadcast %max3A_1141 : f32 to vector<16xf32>
      %max3A_1143 = arith.maximumf %sub3A_1140, %max3A_1142 : vector<16xf32>
      %min3A_1144 = arith.minimumf %get3A_1114, %select_n3A_887 : vector<16xf32>
      %max3A_1145 = arith.maximumf %get3A_1110, %select_n3A_881 : vector<16xf32>
      %sub3A_1146 = arith.subf %min3A_1144, %max3A_1145 : vector<16xf32>
      %max3A_1147 = arith.constant 0.000000e+00 : f32
      %max3A_1148 = vector.broadcast %max3A_1147 : f32 to vector<16xf32>
      %max3A_1149 = arith.maximumf %sub3A_1146, %max3A_1148 : vector<16xf32>
      %mul3A_1150 = arith.mulf %max3A_1143, %max3A_1149 : vector<16xf32>
      %add3A_1151 = arith.addf %select_n3A_890, %get3A_1116 : vector<16xf32>
      %sub3A_1152 = arith.subf %add3A_1151, %mul3A_1150 : vector<16xf32>
      %max3A_1153 = arith.constant 9.99999971E-10 : f32
      %max3A_1154 = vector.broadcast %max3A_1153 : f32 to vector<16xf32>
      %max3A_1155 = arith.maximumf %sub3A_1152, %max3A_1154 : vector<16xf32>
      %div3A_1156 = arith.divf %mul3A_1150, %max3A_1155 : vector<16xf32>
      %gt3A_1157 = arith.constant 0.00999999977 : f32
      %gt3A_1158 = vector.broadcast %gt3A_1157 : f32 to vector<16xf32>
      %gt3A_1159 = arith.cmpf ogt, %div3A_1137, %gt3A_1158 : vector<16xf32>
      %gt3A_1160 = arith.constant 0.00999999977 : f32
      %gt3A_1161 = vector.broadcast %gt3A_1160 : f32 to vector<16xf32>
      %gt3A_1162 = arith.cmpf ogt, %div3A_1156, %gt3A_1161 : vector<16xf32>
      %or3A_1163 = arith.ori %gt3A_1159, %gt3A_1162 : vector<16xi1>
      %select_n3A_1164 = arith.select %or3A_1163, %broadcast_in_dim3A_5, %get3A_1118 : vector<16xi1>, vector<16xf32>
      %swap3A_1165 = arith.constant 48 : index
      %swap3A_1166 = tpu.vector_load %arg16[%swap3A_1165] {strides = array<i32>} : memref<5120xf32, #tpu.memory_space<vmem>>, vector<16xf32>,
      tpu.vector_store %arg16[%swap3A_1165], %select_n3A_1164 {strides = array<i32>} : memref<5120xf32, #tpu.memory_space<vmem>>, vector<16xf32>,
      %add3A_1167 = arith.constant 48 : i32
      %add3A_1168 = vector.broadcast %add3A_1167 : i32 to vector<16xi32>
      %add3A_1169 = arith.addi %iota3A, %add3A_1168 : vector<16xi32>
      %gt3A_1170 = arith.cmpf ogt, %select_n3A_1164, %select_n3A_1105 : vector<16xf32>
      %gt3A_1171 = arith.cmpf ogt, %select_n3A_1164, %select_n3A_1102 : vector<16xf32>
      %select_n3A_1172 = arith.select %gt3A_1171, %select_n3A_1164, %select_n3A_1102 : vector<16xi1>, vector<16xf32>
      %select_n3A_1173 = arith.select %gt3A_1170, %select_n3A_1105, %select_n3A_1172 : vector<16xi1>, vector<16xf32>
      %select_n3A_1174 = arith.select %gt3A_1171, %add3A_1169, %select_n3A_1104 : vector<16xi1>, vector<16xi32>
      %select_n3A_1175 = arith.select %gt3A_1170, %select_n3A_1106, %select_n3A_1174 : vector<16xi1>, vector<16xi32>
      %select_n3A_1176 = arith.select %gt3A_1170, %select_n3A_1164, %select_n3A_1105 : vector<16xi1>, vector<16xf32>
      %select_n3A_1177 = arith.select %gt3A_1170, %add3A_1169, %select_n3A_1106 : vector<16xi1>, vector<16xi32>
      %get3A_1178 = arith.constant 384 : index
      %get3A_1179 = tpu.vector_load %arg16[%get3A_1178] {strides = array<i32>} : memref<5120xf32, #tpu.memory_space<vmem>>, vector<16xf32>,
      %get3A_1180 = arith.constant 704 : index
      %get3A_1181 = tpu.vector_load %arg16[%get3A_1180] {strides = array<i32>} : memref<5120xf32, #tpu.memory_space<vmem>>, vector<16xf32>,
      %get3A_1182 = arith.constant 1024 : index
      %get3A_1183 = tpu.vector_load %arg16[%get3A_1182] {strides = array<i32>} : memref<5120xf32, #tpu.memory_space<vmem>>, vector<16xf32>,
      %get3A_1184 = arith.constant 1344 : index
      %get3A_1185 = tpu.vector_load %arg16[%get3A_1184] {strides = array<i32>} : memref<5120xf32, #tpu.memory_space<vmem>>, vector<16xf32>,
      %get3A_1186 = arith.constant 1664 : index
      %get3A_1187 = tpu.vector_load %arg16[%get3A_1186] {strides = array<i32>} : memref<5120xf32, #tpu.memory_space<vmem>>, vector<16xf32>,
      %get3A_1188 = arith.constant 64 : index
      %get3A_1189 = tpu.vector_load %arg16[%get3A_1188] {strides = array<i32>} : memref<5120xf32, #tpu.memory_space<vmem>>, vector<16xf32>,
      %min3A_1190 = arith.minimumf %get3A_1183, %gather3A_823 : vector<16xf32>
      %max3A_1191 = arith.maximumf %get3A_1179, %gather3A_815 : vector<16xf32>
      %sub3A_1192 = arith.subf %min3A_1190, %max3A_1191 : vector<16xf32>
      %max3A_1193 = arith.constant 0.000000e+00 : f32
      %max3A_1194 = vector.broadcast %max3A_1193 : f32 to vector<16xf32>
      %max3A_1195 = arith.maximumf %sub3A_1192, %max3A_1194 : vector<16xf32>
      %min3A_1196 = arith.minimumf %get3A_1185, %gather3A_827 : vector<16xf32>
      %max3A_1197 = arith.maximumf %get3A_1181, %gather3A_819 : vector<16xf32>
      %sub3A_1198 = arith.subf %min3A_1196, %max3A_1197 : vector<16xf32>
      %max3A_1199 = arith.constant 0.000000e+00 : f32
      %max3A_1200 = vector.broadcast %max3A_1199 : f32 to vector<16xf32>
      %max3A_1201 = arith.maximumf %sub3A_1198, %max3A_1200 : vector<16xf32>
      %mul3A_1202 = arith.mulf %max3A_1195, %max3A_1201 : vector<16xf32>
      %add3A_1203 = arith.addf %gather3A_831, %get3A_1187 : vector<16xf32>
      %sub3A_1204 = arith.subf %add3A_1203, %mul3A_1202 : vector<16xf32>
      %max3A_1205 = arith.constant 9.99999971E-10 : f32
      %max3A_1206 = vector.broadcast %max3A_1205 : f32 to vector<16xf32>
      %max3A_1207 = arith.maximumf %sub3A_1204, %max3A_1206 : vector<16xf32>
      %div3A_1208 = arith.divf %mul3A_1202, %max3A_1207 : vector<16xf32>
      %min3A_1209 = arith.minimumf %get3A_1183, %select_n3A_884 : vector<16xf32>
      %max3A_1210 = arith.maximumf %get3A_1179, %select_n3A_878 : vector<16xf32>
      %sub3A_1211 = arith.subf %min3A_1209, %max3A_1210 : vector<16xf32>
      %max3A_1212 = arith.constant 0.000000e+00 : f32
      %max3A_1213 = vector.broadcast %max3A_1212 : f32 to vector<16xf32>
      %max3A_1214 = arith.maximumf %sub3A_1211, %max3A_1213 : vector<16xf32>
      %min3A_1215 = arith.minimumf %get3A_1185, %select_n3A_887 : vector<16xf32>
      %max3A_1216 = arith.maximumf %get3A_1181, %select_n3A_881 : vector<16xf32>
      %sub3A_1217 = arith.subf %min3A_1215, %max3A_1216 : vector<16xf32>
      %max3A_1218 = arith.constant 0.000000e+00 : f32
      %max3A_1219 = vector.broadcast %max3A_1218 : f32 to vector<16xf32>
      %max3A_1220 = arith.maximumf %sub3A_1217, %max3A_1219 : vector<16xf32>
      %mul3A_1221 = arith.mulf %max3A_1214, %max3A_1220 : vector<16xf32>
      %add3A_1222 = arith.addf %select_n3A_890, %get3A_1187 : vector<16xf32>
      %sub3A_1223 = arith.subf %add3A_1222, %mul3A_1221 : vector<16xf32>
      %max3A_1224 = arith.constant 9.99999971E-10 : f32
      %max3A_1225 = vector.broadcast %max3A_1224 : f32 to vector<16xf32>
      %max3A_1226 = arith.maximumf %sub3A_1223, %max3A_1225 : vector<16xf32>
      %div3A_1227 = arith.divf %mul3A_1221, %max3A_1226 : vector<16xf32>
      %gt3A_1228 = arith.constant 0.00999999977 : f32
      %gt3A_1229 = vector.broadcast %gt3A_1228 : f32 to vector<16xf32>
      %gt3A_1230 = arith.cmpf ogt, %div3A_1208, %gt3A_1229 : vector<16xf32>
      %gt3A_1231 = arith.constant 0.00999999977 : f32
      %gt3A_1232 = vector.broadcast %gt3A_1231 : f32 to vector<16xf32>
      %gt3A_1233 = arith.cmpf ogt, %div3A_1227, %gt3A_1232 : vector<16xf32>
      %or3A_1234 = arith.ori %gt3A_1230, %gt3A_1233 : vector<16xi1>
      %select_n3A_1235 = arith.select %or3A_1234, %broadcast_in_dim3A_5, %get3A_1189 : vector<16xi1>, vector<16xf32>
      %swap3A_1236 = arith.constant 64 : index
      %swap3A_1237 = tpu.vector_load %arg16[%swap3A_1236] {strides = array<i32>} : memref<5120xf32, #tpu.memory_space<vmem>>, vector<16xf32>,
      tpu.vector_store %arg16[%swap3A_1236], %select_n3A_1235 {strides = array<i32>} : memref<5120xf32, #tpu.memory_space<vmem>>, vector<16xf32>,
      %add3A_1238 = arith.constant 64 : i32
      %add3A_1239 = vector.broadcast %add3A_1238 : i32 to vector<16xi32>
      %add3A_1240 = arith.addi %iota3A, %add3A_1239 : vector<16xi32>
      %gt3A_1241 = arith.cmpf ogt, %select_n3A_1235, %select_n3A_1176 : vector<16xf32>
      %gt3A_1242 = arith.cmpf ogt, %select_n3A_1235, %select_n3A_1173 : vector<16xf32>
      %select_n3A_1243 = arith.select %gt3A_1242, %select_n3A_1235, %select_n3A_1173 : vector<16xi1>, vector<16xf32>
      %select_n3A_1244 = arith.select %gt3A_1241, %select_n3A_1176, %select_n3A_1243 : vector<16xi1>, vector<16xf32>
      %select_n3A_1245 = arith.select %gt3A_1242, %add3A_1240, %select_n3A_1175 : vector<16xi1>, vector<16xi32>
      %select_n3A_1246 = arith.select %gt3A_1241, %select_n3A_1177, %select_n3A_1245 : vector<16xi1>, vector<16xi32>
      %select_n3A_1247 = arith.select %gt3A_1241, %select_n3A_1235, %select_n3A_1176 : vector<16xi1>, vector<16xf32>
      %select_n3A_1248 = arith.select %gt3A_1241, %add3A_1240, %select_n3A_1177 : vector<16xi1>, vector<16xi32>
      %get3A_1249 = arith.constant 400 : index
      %get3A_1250 = tpu.vector_load %arg16[%get3A_1249] {strides = array<i32>} : memref<5120xf32, #tpu.memory_space<vmem>>, vector<16xf32>,
      %get3A_1251 = arith.constant 720 : index
      %get3A_1252 = tpu.vector_load %arg16[%get3A_1251] {strides = array<i32>} : memref<5120xf32, #tpu.memory_space<vmem>>, vector<16xf32>,
      %get3A_1253 = arith.constant 1040 : index
      %get3A_1254 = tpu.vector_load %arg16[%get3A_1253] {strides = array<i32>} : memref<5120xf32, #tpu.memory_space<vmem>>, vector<16xf32>,
      %get3A_1255 = arith.constant 1360 : index
      %get3A_1256 = tpu.vector_load %arg16[%get3A_1255] {strides = array<i32>} : memref<5120xf32, #tpu.memory_space<vmem>>, vector<16xf32>,
      %get3A_1257 = arith.constant 1680 : index
      %get3A_1258 = tpu.vector_load %arg16[%get3A_1257] {strides = array<i32>} : memref<5120xf32, #tpu.memory_space<vmem>>, vector<16xf32>,
      %get3A_1259 = arith.constant 80 : index
      %get3A_1260 = tpu.vector_load %arg16[%get3A_1259] {strides = array<i32>} : memref<5120xf32, #tpu.memory_space<vmem>>, vector<16xf32>,
      %min3A_1261 = arith.minimumf %get3A_1254, %gather3A_823 : vector<16xf32>
      %max3A_1262 = arith.maximumf %get3A_1250, %gather3A_815 : vector<16xf32>
      %sub3A_1263 = arith.subf %min3A_1261, %max3A_1262 : vector<16xf32>
      %max3A_1264 = arith.constant 0.000000e+00 : f32
      %max3A_1265 = vector.broadcast %max3A_1264 : f32 to vector<16xf32>
      %max3A_1266 = arith.maximumf %sub3A_1263, %max3A_1265 : vector<16xf32>
      %min3A_1267 = arith.minimumf %get3A_1256, %gather3A_827 : vector<16xf32>
      %max3A_1268 = arith.maximumf %get3A_1252, %gather3A_819 : vector<16xf32>
      %sub3A_1269 = arith.subf %min3A_1267, %max3A_1268 : vector<16xf32>
      %max3A_1270 = arith.constant 0.000000e+00 : f32
      %max3A_1271 = vector.broadcast %max3A_1270 : f32 to vector<16xf32>
      %max3A_1272 = arith.maximumf %sub3A_1269, %max3A_1271 : vector<16xf32>
      %mul3A_1273 = arith.mulf %max3A_1266, %max3A_1272 : vector<16xf32>
      %add3A_1274 = arith.addf %gather3A_831, %get3A_1258 : vector<16xf32>
      %sub3A_1275 = arith.subf %add3A_1274, %mul3A_1273 : vector<16xf32>
      %max3A_1276 = arith.constant 9.99999971E-10 : f32
      %max3A_1277 = vector.broadcast %max3A_1276 : f32 to vector<16xf32>
      %max3A_1278 = arith.maximumf %sub3A_1275, %max3A_1277 : vector<16xf32>
      %div3A_1279 = arith.divf %mul3A_1273, %max3A_1278 : vector<16xf32>
      %min3A_1280 = arith.minimumf %get3A_1254, %select_n3A_884 : vector<16xf32>
      %max3A_1281 = arith.maximumf %get3A_1250, %select_n3A_878 : vector<16xf32>
      %sub3A_1282 = arith.subf %min3A_1280, %max3A_1281 : vector<16xf32>
      %max3A_1283 = arith.constant 0.000000e+00 : f32
      %max3A_1284 = vector.broadcast %max3A_1283 : f32 to vector<16xf32>
      %max3A_1285 = arith.maximumf %sub3A_1282, %max3A_1284 : vector<16xf32>
      %min3A_1286 = arith.minimumf %get3A_1256, %select_n3A_887 : vector<16xf32>
      %max3A_1287 = arith.maximumf %get3A_1252, %select_n3A_881 : vector<16xf32>
      %sub3A_1288 = arith.subf %min3A_1286, %max3A_1287 : vector<16xf32>
      %max3A_1289 = arith.constant 0.000000e+00 : f32
      %max3A_1290 = vector.broadcast %max3A_1289 : f32 to vector<16xf32>
      %max3A_1291 = arith.maximumf %sub3A_1288, %max3A_1290 : vector<16xf32>
      %mul3A_1292 = arith.mulf %max3A_1285, %max3A_1291 : vector<16xf32>
      %add3A_1293 = arith.addf %select_n3A_890, %get3A_1258 : vector<16xf32>
      %sub3A_1294 = arith.subf %add3A_1293, %mul3A_1292 : vector<16xf32>
      %max3A_1295 = arith.constant 9.99999971E-10 : f32
      %max3A_1296 = vector.broadcast %max3A_1295 : f32 to vector<16xf32>
      %max3A_1297 = arith.maximumf %sub3A_1294, %max3A_1296 : vector<16xf32>
      %div3A_1298 = arith.divf %mul3A_1292, %max3A_1297 : vector<16xf32>
      %gt3A_1299 = arith.constant 0.00999999977 : f32
      %gt3A_1300 = vector.broadcast %gt3A_1299 : f32 to vector<16xf32>
      %gt3A_1301 = arith.cmpf ogt, %div3A_1279, %gt3A_1300 : vector<16xf32>
      %gt3A_1302 = arith.constant 0.00999999977 : f32
      %gt3A_1303 = vector.broadcast %gt3A_1302 : f32 to vector<16xf32>
      %gt3A_1304 = arith.cmpf ogt, %div3A_1298, %gt3A_1303 : vector<16xf32>
      %or3A_1305 = arith.ori %gt3A_1301, %gt3A_1304 : vector<16xi1>
      %select_n3A_1306 = arith.select %or3A_1305, %broadcast_in_dim3A_5, %get3A_1260 : vector<16xi1>, vector<16xf32>
      %swap3A_1307 = arith.constant 80 : index
      %swap3A_1308 = tpu.vector_load %arg16[%swap3A_1307] {strides = array<i32>} : memref<5120xf32, #tpu.memory_space<vmem>>, vector<16xf32>,
      tpu.vector_store %arg16[%swap3A_1307], %select_n3A_1306 {strides = array<i32>} : memref<5120xf32, #tpu.memory_space<vmem>>, vector<16xf32>,
      %add3A_1309 = arith.constant 80 : i32
      %add3A_1310 = vector.broadcast %add3A_1309 : i32 to vector<16xi32>
      %add3A_1311 = arith.addi %iota3A, %add3A_1310 : vector<16xi32>
      %gt3A_1312 = arith.cmpf ogt, %select_n3A_1306, %select_n3A_1247 : vector<16xf32>
      %gt3A_1313 = arith.cmpf ogt, %select_n3A_1306, %select_n3A_1244 : vector<16xf32>
      %select_n3A_1314 = arith.select %gt3A_1313, %select_n3A_1306, %select_n3A_1244 : vector<16xi1>, vector<16xf32>
      %select_n3A_1315 = arith.select %gt3A_1312, %select_n3A_1247, %select_n3A_1314 : vector<16xi1>, vector<16xf32>
      %select_n3A_1316 = arith.select %gt3A_1313, %add3A_1311, %select_n3A_1246 : vector<16xi1>, vector<16xi32>
      %select_n3A_1317 = arith.select %gt3A_1312, %select_n3A_1248, %select_n3A_1316 : vector<16xi1>, vector<16xi32>
      %select_n3A_1318 = arith.select %gt3A_1312, %select_n3A_1306, %select_n3A_1247 : vector<16xi1>, vector<16xf32>
      %select_n3A_1319 = arith.select %gt3A_1312, %add3A_1311, %select_n3A_1248 : vector<16xi1>, vector<16xi32>
      %get3A_1320 = arith.constant 416 : index
      %get3A_1321 = tpu.vector_load %arg16[%get3A_1320] {strides = array<i32>} : memref<5120xf32, #tpu.memory_space<vmem>>, vector<16xf32>,
      %get3A_1322 = arith.constant 736 : index
      %get3A_1323 = tpu.vector_load %arg16[%get3A_1322] {strides = array<i32>} : memref<5120xf32, #tpu.memory_space<vmem>>, vector<16xf32>,
      %get3A_1324 = arith.constant 1056 : index
      %get3A_1325 = tpu.vector_load %arg16[%get3A_1324] {strides = array<i32>} : memref<5120xf32, #tpu.memory_space<vmem>>, vector<16xf32>,
      %get3A_1326 = arith.constant 1376 : index
      %get3A_1327 = tpu.vector_load %arg16[%get3A_1326] {strides = array<i32>} : memref<5120xf32, #tpu.memory_space<vmem>>, vector<16xf32>,
      %get3A_1328 = arith.constant 1696 : index
      %get3A_1329 = tpu.vector_load %arg16[%get3A_1328] {strides = array<i32>} : memref<5120xf32, #tpu.memory_space<vmem>>, vector<16xf32>,
      %get3A_1330 = arith.constant 96 : index
      %get3A_1331 = tpu.vector_load %arg16[%get3A_1330] {strides = array<i32>} : memref<5120xf32, #tpu.memory_space<vmem>>, vector<16xf32>,
      %min3A_1332 = arith.minimumf %get3A_1325, %gather3A_823 : vector<16xf32>
      %max3A_1333 = arith.maximumf %get3A_1321, %gather3A_815 : vector<16xf32>
      %sub3A_1334 = arith.subf %min3A_1332, %max3A_1333 : vector<16xf32>
      %max3A_1335 = arith.constant 0.000000e+00 : f32
      %max3A_1336 = vector.broadcast %max3A_1335 : f32 to vector<16xf32>
      %max3A_1337 = arith.maximumf %sub3A_1334, %max3A_1336 : vector<16xf32>
      %min3A_1338 = arith.minimumf %get3A_1327, %gather3A_827 : vector<16xf32>
      %max3A_1339 = arith.maximumf %get3A_1323, %gather3A_819 : vector<16xf32>
      %sub3A_1340 = arith.subf %min3A_1338, %max3A_1339 : vector<16xf32>
      %max3A_1341 = arith.constant 0.000000e+00 : f32
      %max3A_1342 = vector.broadcast %max3A_1341 : f32 to vector<16xf32>
      %max3A_1343 = arith.maximumf %sub3A_1340, %max3A_1342 : vector<16xf32>
      %mul3A_1344 = arith.mulf %max3A_1337, %max3A_1343 : vector<16xf32>
      %add3A_1345 = arith.addf %gather3A_831, %get3A_1329 : vector<16xf32>
      %sub3A_1346 = arith.subf %add3A_1345, %mul3A_1344 : vector<16xf32>
      %max3A_1347 = arith.constant 9.99999971E-10 : f32
      %max3A_1348 = vector.broadcast %max3A_1347 : f32 to vector<16xf32>
      %max3A_1349 = arith.maximumf %sub3A_1346, %max3A_1348 : vector<16xf32>
      %div3A_1350 = arith.divf %mul3A_1344, %max3A_1349 : vector<16xf32>
      %min3A_1351 = arith.minimumf %get3A_1325, %select_n3A_884 : vector<16xf32>
      %max3A_1352 = arith.maximumf %get3A_1321, %select_n3A_878 : vector<16xf32>
      %sub3A_1353 = arith.subf %min3A_1351, %max3A_1352 : vector<16xf32>
      %max3A_1354 = arith.constant 0.000000e+00 : f32
      %max3A_1355 = vector.broadcast %max3A_1354 : f32 to vector<16xf32>
      %max3A_1356 = arith.maximumf %sub3A_1353, %max3A_1355 : vector<16xf32>
      %min3A_1357 = arith.minimumf %get3A_1327, %select_n3A_887 : vector<16xf32>
      %max3A_1358 = arith.maximumf %get3A_1323, %select_n3A_881 : vector<16xf32>
      %sub3A_1359 = arith.subf %min3A_1357, %max3A_1358 : vector<16xf32>
      %max3A_1360 = arith.constant 0.000000e+00 : f32
      %max3A_1361 = vector.broadcast %max3A_1360 : f32 to vector<16xf32>
      %max3A_1362 = arith.maximumf %sub3A_1359, %max3A_1361 : vector<16xf32>
      %mul3A_1363 = arith.mulf %max3A_1356, %max3A_1362 : vector<16xf32>
      %add3A_1364 = arith.addf %select_n3A_890, %get3A_1329 : vector<16xf32>
      %sub3A_1365 = arith.subf %add3A_1364, %mul3A_1363 : vector<16xf32>
      %max3A_1366 = arith.constant 9.99999971E-10 : f32
      %max3A_1367 = vector.broadcast %max3A_1366 : f32 to vector<16xf32>
      %max3A_1368 = arith.maximumf %sub3A_1365, %max3A_1367 : vector<16xf32>
      %div3A_1369 = arith.divf %mul3A_1363, %max3A_1368 : vector<16xf32>
      %gt3A_1370 = arith.constant 0.00999999977 : f32
      %gt3A_1371 = vector.broadcast %gt3A_1370 : f32 to vector<16xf32>
      %gt3A_1372 = arith.cmpf ogt, %div3A_1350, %gt3A_1371 : vector<16xf32>
      %gt3A_1373 = arith.constant 0.00999999977 : f32
      %gt3A_1374 = vector.broadcast %gt3A_1373 : f32 to vector<16xf32>
      %gt3A_1375 = arith.cmpf ogt, %div3A_1369, %gt3A_1374 : vector<16xf32>
      %or3A_1376 = arith.ori %gt3A_1372, %gt3A_1375 : vector<16xi1>
      %select_n3A_1377 = arith.select %or3A_1376, %broadcast_in_dim3A_5, %get3A_1331 : vector<16xi1>, vector<16xf32>
      %swap3A_1378 = arith.constant 96 : index
      %swap3A_1379 = tpu.vector_load %arg16[%swap3A_1378] {strides = array<i32>} : memref<5120xf32, #tpu.memory_space<vmem>>, vector<16xf32>,
      tpu.vector_store %arg16[%swap3A_1378], %select_n3A_1377 {strides = array<i32>} : memref<5120xf32, #tpu.memory_space<vmem>>, vector<16xf32>,
      %add3A_1380 = arith.constant 96 : i32
      %add3A_1381 = vector.broadcast %add3A_1380 : i32 to vector<16xi32>
      %add3A_1382 = arith.addi %iota3A, %add3A_1381 : vector<16xi32>
      %gt3A_1383 = arith.cmpf ogt, %select_n3A_1377, %select_n3A_1318 : vector<16xf32>
      %gt3A_1384 = arith.cmpf ogt, %select_n3A_1377, %select_n3A_1315 : vector<16xf32>
      %select_n3A_1385 = arith.select %gt3A_1384, %select_n3A_1377, %select_n3A_1315 : vector<16xi1>, vector<16xf32>
      %select_n3A_1386 = arith.select %gt3A_1383, %select_n3A_1318, %select_n3A_1385 : vector<16xi1>, vector<16xf32>
      %select_n3A_1387 = arith.select %gt3A_1384, %add3A_1382, %select_n3A_1317 : vector<16xi1>, vector<16xi32>
      %select_n3A_1388 = arith.select %gt3A_1383, %select_n3A_1319, %select_n3A_1387 : vector<16xi1>, vector<16xi32>
      %select_n3A_1389 = arith.select %gt3A_1383, %select_n3A_1377, %select_n3A_1318 : vector<16xi1>, vector<16xf32>
      %select_n3A_1390 = arith.select %gt3A_1383, %add3A_1382, %select_n3A_1319 : vector<16xi1>, vector<16xi32>
      %get3A_1391 = arith.constant 432 : index
      %get3A_1392 = tpu.vector_load %arg16[%get3A_1391] {strides = array<i32>} : memref<5120xf32, #tpu.memory_space<vmem>>, vector<16xf32>,
      %get3A_1393 = arith.constant 752 : index
      %get3A_1394 = tpu.vector_load %arg16[%get3A_1393] {strides = array<i32>} : memref<5120xf32, #tpu.memory_space<vmem>>, vector<16xf32>,
      %get3A_1395 = arith.constant 1072 : index
      %get3A_1396 = tpu.vector_load %arg16[%get3A_1395] {strides = array<i32>} : memref<5120xf32, #tpu.memory_space<vmem>>, vector<16xf32>,
      %get3A_1397 = arith.constant 1392 : index
      %get3A_1398 = tpu.vector_load %arg16[%get3A_1397] {strides = array<i32>} : memref<5120xf32, #tpu.memory_space<vmem>>, vector<16xf32>,
      %get3A_1399 = arith.constant 1712 : index
      %get3A_1400 = tpu.vector_load %arg16[%get3A_1399] {strides = array<i32>} : memref<5120xf32, #tpu.memory_space<vmem>>, vector<16xf32>,
      %get3A_1401 = arith.constant 112 : index
      %get3A_1402 = tpu.vector_load %arg16[%get3A_1401] {strides = array<i32>} : memref<5120xf32, #tpu.memory_space<vmem>>, vector<16xf32>,
      %min3A_1403 = arith.minimumf %get3A_1396, %gather3A_823 : vector<16xf32>
      %max3A_1404 = arith.maximumf %get3A_1392, %gather3A_815 : vector<16xf32>
      %sub3A_1405 = arith.subf %min3A_1403, %max3A_1404 : vector<16xf32>
      %max3A_1406 = arith.constant 0.000000e+00 : f32
      %max3A_1407 = vector.broadcast %max3A_1406 : f32 to vector<16xf32>
      %max3A_1408 = arith.maximumf %sub3A_1405, %max3A_1407 : vector<16xf32>
      %min3A_1409 = arith.minimumf %get3A_1398, %gather3A_827 : vector<16xf32>
      %max3A_1410 = arith.maximumf %get3A_1394, %gather3A_819 : vector<16xf32>
      %sub3A_1411 = arith.subf %min3A_1409, %max3A_1410 : vector<16xf32>
      %max3A_1412 = arith.constant 0.000000e+00 : f32
      %max3A_1413 = vector.broadcast %max3A_1412 : f32 to vector<16xf32>
      %max3A_1414 = arith.maximumf %sub3A_1411, %max3A_1413 : vector<16xf32>
      %mul3A_1415 = arith.mulf %max3A_1408, %max3A_1414 : vector<16xf32>
      %add3A_1416 = arith.addf %gather3A_831, %get3A_1400 : vector<16xf32>
      %sub3A_1417 = arith.subf %add3A_1416, %mul3A_1415 : vector<16xf32>
      %max3A_1418 = arith.constant 9.99999971E-10 : f32
      %max3A_1419 = vector.broadcast %max3A_1418 : f32 to vector<16xf32>
      %max3A_1420 = arith.maximumf %sub3A_1417, %max3A_1419 : vector<16xf32>
      %div3A_1421 = arith.divf %mul3A_1415, %max3A_1420 : vector<16xf32>
      %min3A_1422 = arith.minimumf %get3A_1396, %select_n3A_884 : vector<16xf32>
      %max3A_1423 = arith.maximumf %get3A_1392, %select_n3A_878 : vector<16xf32>
      %sub3A_1424 = arith.subf %min3A_1422, %max3A_1423 : vector<16xf32>
      %max3A_1425 = arith.constant 0.000000e+00 : f32
      %max3A_1426 = vector.broadcast %max3A_1425 : f32 to vector<16xf32>
      %max3A_1427 = arith.maximumf %sub3A_1424, %max3A_1426 : vector<16xf32>
      %min3A_1428 = arith.minimumf %get3A_1398, %select_n3A_887 : vector<16xf32>
      %max3A_1429 = arith.maximumf %get3A_1394, %select_n3A_881 : vector<16xf32>
      %sub3A_1430 = arith.subf %min3A_1428, %max3A_1429 : vector<16xf32>
      %max3A_1431 = arith.constant 0.000000e+00 : f32
      %max3A_1432 = vector.broadcast %max3A_1431 : f32 to vector<16xf32>
      %max3A_1433 = arith.maximumf %sub3A_1430, %max3A_1432 : vector<16xf32>
      %mul3A_1434 = arith.mulf %max3A_1427, %max3A_1433 : vector<16xf32>
      %add3A_1435 = arith.addf %select_n3A_890, %get3A_1400 : vector<16xf32>
      %sub3A_1436 = arith.subf %add3A_1435, %mul3A_1434 : vector<16xf32>
      %max3A_1437 = arith.constant 9.99999971E-10 : f32
      %max3A_1438 = vector.broadcast %max3A_1437 : f32 to vector<16xf32>
      %max3A_1439 = arith.maximumf %sub3A_1436, %max3A_1438 : vector<16xf32>
      %div3A_1440 = arith.divf %mul3A_1434, %max3A_1439 : vector<16xf32>
      %gt3A_1441 = arith.constant 0.00999999977 : f32
      %gt3A_1442 = vector.broadcast %gt3A_1441 : f32 to vector<16xf32>
      %gt3A_1443 = arith.cmpf ogt, %div3A_1421, %gt3A_1442 : vector<16xf32>
      %gt3A_1444 = arith.constant 0.00999999977 : f32
      %gt3A_1445 = vector.broadcast %gt3A_1444 : f32 to vector<16xf32>
      %gt3A_1446 = arith.cmpf ogt, %div3A_1440, %gt3A_1445 : vector<16xf32>
      %or3A_1447 = arith.ori %gt3A_1443, %gt3A_1446 : vector<16xi1>
      %select_n3A_1448 = arith.select %or3A_1447, %broadcast_in_dim3A_5, %get3A_1402 : vector<16xi1>, vector<16xf32>
      %swap3A_1449 = arith.constant 112 : index
      %swap3A_1450 = tpu.vector_load %arg16[%swap3A_1449] {strides = array<i32>} : memref<5120xf32, #tpu.memory_space<vmem>>, vector<16xf32>,
      tpu.vector_store %arg16[%swap3A_1449], %select_n3A_1448 {strides = array<i32>} : memref<5120xf32, #tpu.memory_space<vmem>>, vector<16xf32>,
      %add3A_1451 = arith.constant 112 : i32
      %add3A_1452 = vector.broadcast %add3A_1451 : i32 to vector<16xi32>
      %add3A_1453 = arith.addi %iota3A, %add3A_1452 : vector<16xi32>
      %gt3A_1454 = arith.cmpf ogt, %select_n3A_1448, %select_n3A_1389 : vector<16xf32>
      %gt3A_1455 = arith.cmpf ogt, %select_n3A_1448, %select_n3A_1386 : vector<16xf32>
      %select_n3A_1456 = arith.select %gt3A_1455, %select_n3A_1448, %select_n3A_1386 : vector<16xi1>, vector<16xf32>
      %select_n3A_1457 = arith.select %gt3A_1454, %select_n3A_1389, %select_n3A_1456 : vector<16xi1>, vector<16xf32>
      %select_n3A_1458 = arith.select %gt3A_1455, %add3A_1453, %select_n3A_1388 : vector<16xi1>, vector<16xi32>
      %select_n3A_1459 = arith.select %gt3A_1454, %select_n3A_1390, %select_n3A_1458 : vector<16xi1>, vector<16xi32>
      %select_n3A_1460 = arith.select %gt3A_1454, %select_n3A_1448, %select_n3A_1389 : vector<16xi1>, vector<16xf32>
      %select_n3A_1461 = arith.select %gt3A_1454, %add3A_1453, %select_n3A_1390 : vector<16xi1>, vector<16xi32>
      %get3A_1462 = arith.constant 448 : index
      %get3A_1463 = tpu.vector_load %arg16[%get3A_1462] {strides = array<i32>} : memref<5120xf32, #tpu.memory_space<vmem>>, vector<16xf32>,
      %get3A_1464 = arith.constant 768 : index
      %get3A_1465 = tpu.vector_load %arg16[%get3A_1464] {strides = array<i32>} : memref<5120xf32, #tpu.memory_space<vmem>>, vector<16xf32>,
      %get3A_1466 = arith.constant 1088 : index
      %get3A_1467 = tpu.vector_load %arg16[%get3A_1466] {strides = array<i32>} : memref<5120xf32, #tpu.memory_space<vmem>>, vector<16xf32>,
      %get3A_1468 = arith.constant 1408 : index
      %get3A_1469 = tpu.vector_load %arg16[%get3A_1468] {strides = array<i32>} : memref<5120xf32, #tpu.memory_space<vmem>>, vector<16xf32>,
      %get3A_1470 = arith.constant 1728 : index
      %get3A_1471 = tpu.vector_load %arg16[%get3A_1470] {strides = array<i32>} : memref<5120xf32, #tpu.memory_space<vmem>>, vector<16xf32>,
      %get3A_1472 = arith.constant 128 : index
      %get3A_1473 = tpu.vector_load %arg16[%get3A_1472] {strides = array<i32>} : memref<5120xf32, #tpu.memory_space<vmem>>, vector<16xf32>,
      %min3A_1474 = arith.minimumf %get3A_1467, %gather3A_823 : vector<16xf32>
      %max3A_1475 = arith.maximumf %get3A_1463, %gather3A_815 : vector<16xf32>
      %sub3A_1476 = arith.subf %min3A_1474, %max3A_1475 : vector<16xf32>
      %max3A_1477 = arith.constant 0.000000e+00 : f32
      %max3A_1478 = vector.broadcast %max3A_1477 : f32 to vector<16xf32>
      %max3A_1479 = arith.maximumf %sub3A_1476, %max3A_1478 : vector<16xf32>
      %min3A_1480 = arith.minimumf %get3A_1469, %gather3A_827 : vector<16xf32>
      %max3A_1481 = arith.maximumf %get3A_1465, %gather3A_819 : vector<16xf32>
      %sub3A_1482 = arith.subf %min3A_1480, %max3A_1481 : vector<16xf32>
      %max3A_1483 = arith.constant 0.000000e+00 : f32
      %max3A_1484 = vector.broadcast %max3A_1483 : f32 to vector<16xf32>
      %max3A_1485 = arith.maximumf %sub3A_1482, %max3A_1484 : vector<16xf32>
      %mul3A_1486 = arith.mulf %max3A_1479, %max3A_1485 : vector<16xf32>
      %add3A_1487 = arith.addf %gather3A_831, %get3A_1471 : vector<16xf32>
      %sub3A_1488 = arith.subf %add3A_1487, %mul3A_1486 : vector<16xf32>
      %max3A_1489 = arith.constant 9.99999971E-10 : f32
      %max3A_1490 = vector.broadcast %max3A_1489 : f32 to vector<16xf32>
      %max3A_1491 = arith.maximumf %sub3A_1488, %max3A_1490 : vector<16xf32>
      %div3A_1492 = arith.divf %mul3A_1486, %max3A_1491 : vector<16xf32>
      %min3A_1493 = arith.minimumf %get3A_1467, %select_n3A_884 : vector<16xf32>
      %max3A_1494 = arith.maximumf %get3A_1463, %select_n3A_878 : vector<16xf32>
      %sub3A_1495 = arith.subf %min3A_1493, %max3A_1494 : vector<16xf32>
      %max3A_1496 = arith.constant 0.000000e+00 : f32
      %max3A_1497 = vector.broadcast %max3A_1496 : f32 to vector<16xf32>
      %max3A_1498 = arith.maximumf %sub3A_1495, %max3A_1497 : vector<16xf32>
      %min3A_1499 = arith.minimumf %get3A_1469, %select_n3A_887 : vector<16xf32>
      %max3A_1500 = arith.maximumf %get3A_1465, %select_n3A_881 : vector<16xf32>
      %sub3A_1501 = arith.subf %min3A_1499, %max3A_1500 : vector<16xf32>
      %max3A_1502 = arith.constant 0.000000e+00 : f32
      %max3A_1503 = vector.broadcast %max3A_1502 : f32 to vector<16xf32>
      %max3A_1504 = arith.maximumf %sub3A_1501, %max3A_1503 : vector<16xf32>
      %mul3A_1505 = arith.mulf %max3A_1498, %max3A_1504 : vector<16xf32>
      %add3A_1506 = arith.addf %select_n3A_890, %get3A_1471 : vector<16xf32>
      %sub3A_1507 = arith.subf %add3A_1506, %mul3A_1505 : vector<16xf32>
      %max3A_1508 = arith.constant 9.99999971E-10 : f32
      %max3A_1509 = vector.broadcast %max3A_1508 : f32 to vector<16xf32>
      %max3A_1510 = arith.maximumf %sub3A_1507, %max3A_1509 : vector<16xf32>
      %div3A_1511 = arith.divf %mul3A_1505, %max3A_1510 : vector<16xf32>
      %gt3A_1512 = arith.constant 0.00999999977 : f32
      %gt3A_1513 = vector.broadcast %gt3A_1512 : f32 to vector<16xf32>
      %gt3A_1514 = arith.cmpf ogt, %div3A_1492, %gt3A_1513 : vector<16xf32>
      %gt3A_1515 = arith.constant 0.00999999977 : f32
      %gt3A_1516 = vector.broadcast %gt3A_1515 : f32 to vector<16xf32>
      %gt3A_1517 = arith.cmpf ogt, %div3A_1511, %gt3A_1516 : vector<16xf32>
      %or3A_1518 = arith.ori %gt3A_1514, %gt3A_1517 : vector<16xi1>
      %select_n3A_1519 = arith.select %or3A_1518, %broadcast_in_dim3A_5, %get3A_1473 : vector<16xi1>, vector<16xf32>
      %swap3A_1520 = arith.constant 128 : index
      %swap3A_1521 = tpu.vector_load %arg16[%swap3A_1520] {strides = array<i32>} : memref<5120xf32, #tpu.memory_space<vmem>>, vector<16xf32>,
      tpu.vector_store %arg16[%swap3A_1520], %select_n3A_1519 {strides = array<i32>} : memref<5120xf32, #tpu.memory_space<vmem>>, vector<16xf32>,
      %add3A_1522 = arith.constant 128 : i32
      %add3A_1523 = vector.broadcast %add3A_1522 : i32 to vector<16xi32>
      %add3A_1524 = arith.addi %iota3A, %add3A_1523 : vector<16xi32>
      %gt3A_1525 = arith.cmpf ogt, %select_n3A_1519, %select_n3A_1460 : vector<16xf32>
      %gt3A_1526 = arith.cmpf ogt, %select_n3A_1519, %select_n3A_1457 : vector<16xf32>
      %select_n3A_1527 = arith.select %gt3A_1526, %select_n3A_1519, %select_n3A_1457 : vector<16xi1>, vector<16xf32>
      %select_n3A_1528 = arith.select %gt3A_1525, %select_n3A_1460, %select_n3A_1527 : vector<16xi1>, vector<16xf32>
      %select_n3A_1529 = arith.select %gt3A_1526, %add3A_1524, %select_n3A_1459 : vector<16xi1>, vector<16xi32>
      %select_n3A_1530 = arith.select %gt3A_1525, %select_n3A_1461, %select_n3A_1529 : vector<16xi1>, vector<16xi32>
      %select_n3A_1531 = arith.select %gt3A_1525, %select_n3A_1519, %select_n3A_1460 : vector<16xi1>, vector<16xf32>
      %select_n3A_1532 = arith.select %gt3A_1525, %add3A_1524, %select_n3A_1461 : vector<16xi1>, vector<16xi32>
      %get3A_1533 = arith.constant 464 : index
      %get3A_1534 = tpu.vector_load %arg16[%get3A_1533] {strides = array<i32>} : memref<5120xf32, #tpu.memory_space<vmem>>, vector<16xf32>,
      %get3A_1535 = arith.constant 784 : index
      %get3A_1536 = tpu.vector_load %arg16[%get3A_1535] {strides = array<i32>} : memref<5120xf32, #tpu.memory_space<vmem>>, vector<16xf32>,
      %get3A_1537 = arith.constant 1104 : index
      %get3A_1538 = tpu.vector_load %arg16[%get3A_1537] {strides = array<i32>} : memref<5120xf32, #tpu.memory_space<vmem>>, vector<16xf32>,
      %get3A_1539 = arith.constant 1424 : index
      %get3A_1540 = tpu.vector_load %arg16[%get3A_1539] {strides = array<i32>} : memref<5120xf32, #tpu.memory_space<vmem>>, vector<16xf32>,
      %get3A_1541 = arith.constant 1744 : index
      %get3A_1542 = tpu.vector_load %arg16[%get3A_1541] {strides = array<i32>} : memref<5120xf32, #tpu.memory_space<vmem>>, vector<16xf32>,
      %get3A_1543 = arith.constant 144 : index
      %get3A_1544 = tpu.vector_load %arg16[%get3A_1543] {strides = array<i32>} : memref<5120xf32, #tpu.memory_space<vmem>>, vector<16xf32>,
      %min3A_1545 = arith.minimumf %get3A_1538, %gather3A_823 : vector<16xf32>
      %max3A_1546 = arith.maximumf %get3A_1534, %gather3A_815 : vector<16xf32>
      %sub3A_1547 = arith.subf %min3A_1545, %max3A_1546 : vector<16xf32>
      %max3A_1548 = arith.constant 0.000000e+00 : f32
      %max3A_1549 = vector.broadcast %max3A_1548 : f32 to vector<16xf32>
      %max3A_1550 = arith.maximumf %sub3A_1547, %max3A_1549 : vector<16xf32>
      %min3A_1551 = arith.minimumf %get3A_1540, %gather3A_827 : vector<16xf32>
      %max3A_1552 = arith.maximumf %get3A_1536, %gather3A_819 : vector<16xf32>
      %sub3A_1553 = arith.subf %min3A_1551, %max3A_1552 : vector<16xf32>
      %max3A_1554 = arith.constant 0.000000e+00 : f32
      %max3A_1555 = vector.broadcast %max3A_1554 : f32 to vector<16xf32>
      %max3A_1556 = arith.maximumf %sub3A_1553, %max3A_1555 : vector<16xf32>
      %mul3A_1557 = arith.mulf %max3A_1550, %max3A_1556 : vector<16xf32>
      %add3A_1558 = arith.addf %gather3A_831, %get3A_1542 : vector<16xf32>
      %sub3A_1559 = arith.subf %add3A_1558, %mul3A_1557 : vector<16xf32>
      %max3A_1560 = arith.constant 9.99999971E-10 : f32
      %max3A_1561 = vector.broadcast %max3A_1560 : f32 to vector<16xf32>
      %max3A_1562 = arith.maximumf %sub3A_1559, %max3A_1561 : vector<16xf32>
      %div3A_1563 = arith.divf %mul3A_1557, %max3A_1562 : vector<16xf32>
      %min3A_1564 = arith.minimumf %get3A_1538, %select_n3A_884 : vector<16xf32>
      %max3A_1565 = arith.maximumf %get3A_1534, %select_n3A_878 : vector<16xf32>
      %sub3A_1566 = arith.subf %min3A_1564, %max3A_1565 : vector<16xf32>
      %max3A_1567 = arith.constant 0.000000e+00 : f32
      %max3A_1568 = vector.broadcast %max3A_1567 : f32 to vector<16xf32>
      %max3A_1569 = arith.maximumf %sub3A_1566, %max3A_1568 : vector<16xf32>
      %min3A_1570 = arith.minimumf %get3A_1540, %select_n3A_887 : vector<16xf32>
      %max3A_1571 = arith.maximumf %get3A_1536, %select_n3A_881 : vector<16xf32>
      %sub3A_1572 = arith.subf %min3A_1570, %max3A_1571 : vector<16xf32>
      %max3A_1573 = arith.constant 0.000000e+00 : f32
      %max3A_1574 = vector.broadcast %max3A_1573 : f32 to vector<16xf32>
      %max3A_1575 = arith.maximumf %sub3A_1572, %max3A_1574 : vector<16xf32>
      %mul3A_1576 = arith.mulf %max3A_1569, %max3A_1575 : vector<16xf32>
      %add3A_1577 = arith.addf %select_n3A_890, %get3A_1542 : vector<16xf32>
      %sub3A_1578 = arith.subf %add3A_1577, %mul3A_1576 : vector<16xf32>
      %max3A_1579 = arith.constant 9.99999971E-10 : f32
      %max3A_1580 = vector.broadcast %max3A_1579 : f32 to vector<16xf32>
      %max3A_1581 = arith.maximumf %sub3A_1578, %max3A_1580 : vector<16xf32>
      %div3A_1582 = arith.divf %mul3A_1576, %max3A_1581 : vector<16xf32>
      %gt3A_1583 = arith.constant 0.00999999977 : f32
      %gt3A_1584 = vector.broadcast %gt3A_1583 : f32 to vector<16xf32>
      %gt3A_1585 = arith.cmpf ogt, %div3A_1563, %gt3A_1584 : vector<16xf32>
      %gt3A_1586 = arith.constant 0.00999999977 : f32
      %gt3A_1587 = vector.broadcast %gt3A_1586 : f32 to vector<16xf32>
      %gt3A_1588 = arith.cmpf ogt, %div3A_1582, %gt3A_1587 : vector<16xf32>
      %or3A_1589 = arith.ori %gt3A_1585, %gt3A_1588 : vector<16xi1>
      %select_n3A_1590 = arith.select %or3A_1589, %broadcast_in_dim3A_5, %get3A_1544 : vector<16xi1>, vector<16xf32>
      %swap3A_1591 = arith.constant 144 : index
      %swap3A_1592 = tpu.vector_load %arg16[%swap3A_1591] {strides = array<i32>} : memref<5120xf32, #tpu.memory_space<vmem>>, vector<16xf32>,
      tpu.vector_store %arg16[%swap3A_1591], %select_n3A_1590 {strides = array<i32>} : memref<5120xf32, #tpu.memory_space<vmem>>, vector<16xf32>,
      %add3A_1593 = arith.constant 144 : i32
      %add3A_1594 = vector.broadcast %add3A_1593 : i32 to vector<16xi32>
      %add3A_1595 = arith.addi %iota3A, %add3A_1594 : vector<16xi32>
      %gt3A_1596 = arith.cmpf ogt, %select_n3A_1590, %select_n3A_1531 : vector<16xf32>
      %gt3A_1597 = arith.cmpf ogt, %select_n3A_1590, %select_n3A_1528 : vector<16xf32>
      %select_n3A_1598 = arith.select %gt3A_1597, %select_n3A_1590, %select_n3A_1528 : vector<16xi1>, vector<16xf32>
      %select_n3A_1599 = arith.select %gt3A_1596, %select_n3A_1531, %select_n3A_1598 : vector<16xi1>, vector<16xf32>
      %select_n3A_1600 = arith.select %gt3A_1597, %add3A_1595, %select_n3A_1530 : vector<16xi1>, vector<16xi32>
      %select_n3A_1601 = arith.select %gt3A_1596, %select_n3A_1532, %select_n3A_1600 : vector<16xi1>, vector<16xi32>
      %select_n3A_1602 = arith.select %gt3A_1596, %select_n3A_1590, %select_n3A_1531 : vector<16xi1>, vector<16xf32>
      %select_n3A_1603 = arith.select %gt3A_1596, %add3A_1595, %select_n3A_1532 : vector<16xi1>, vector<16xi32>
      %get3A_1604 = arith.constant 480 : index
      %get3A_1605 = tpu.vector_load %arg16[%get3A_1604] {strides = array<i32>} : memref<5120xf32, #tpu.memory_space<vmem>>, vector<16xf32>,
      %get3A_1606 = arith.constant 800 : index
      %get3A_1607 = tpu.vector_load %arg16[%get3A_1606] {strides = array<i32>} : memref<5120xf32, #tpu.memory_space<vmem>>, vector<16xf32>,
      %get3A_1608 = arith.constant 1120 : index
      %get3A_1609 = tpu.vector_load %arg16[%get3A_1608] {strides = array<i32>} : memref<5120xf32, #tpu.memory_space<vmem>>, vector<16xf32>,
      %get3A_1610 = arith.constant 1440 : index
      %get3A_1611 = tpu.vector_load %arg16[%get3A_1610] {strides = array<i32>} : memref<5120xf32, #tpu.memory_space<vmem>>, vector<16xf32>,
      %get3A_1612 = arith.constant 1760 : index
      %get3A_1613 = tpu.vector_load %arg16[%get3A_1612] {strides = array<i32>} : memref<5120xf32, #tpu.memory_space<vmem>>, vector<16xf32>,
      %get3A_1614 = arith.constant 160 : index
      %get3A_1615 = tpu.vector_load %arg16[%get3A_1614] {strides = array<i32>} : memref<5120xf32, #tpu.memory_space<vmem>>, vector<16xf32>,
      %min3A_1616 = arith.minimumf %get3A_1609, %gather3A_823 : vector<16xf32>
      %max3A_1617 = arith.maximumf %get3A_1605, %gather3A_815 : vector<16xf32>
      %sub3A_1618 = arith.subf %min3A_1616, %max3A_1617 : vector<16xf32>
      %max3A_1619 = arith.constant 0.000000e+00 : f32
      %max3A_1620 = vector.broadcast %max3A_1619 : f32 to vector<16xf32>
      %max3A_1621 = arith.maximumf %sub3A_1618, %max3A_1620 : vector<16xf32>
      %min3A_1622 = arith.minimumf %get3A_1611, %gather3A_827 : vector<16xf32>
      %max3A_1623 = arith.maximumf %get3A_1607, %gather3A_819 : vector<16xf32>
      %sub3A_1624 = arith.subf %min3A_1622, %max3A_1623 : vector<16xf32>
      %max3A_1625 = arith.constant 0.000000e+00 : f32
      %max3A_1626 = vector.broadcast %max3A_1625 : f32 to vector<16xf32>
      %max3A_1627 = arith.maximumf %sub3A_1624, %max3A_1626 : vector<16xf32>
      %mul3A_1628 = arith.mulf %max3A_1621, %max3A_1627 : vector<16xf32>
      %add3A_1629 = arith.addf %gather3A_831, %get3A_1613 : vector<16xf32>
      %sub3A_1630 = arith.subf %add3A_1629, %mul3A_1628 : vector<16xf32>
      %max3A_1631 = arith.constant 9.99999971E-10 : f32
      %max3A_1632 = vector.broadcast %max3A_1631 : f32 to vector<16xf32>
      %max3A_1633 = arith.maximumf %sub3A_1630, %max3A_1632 : vector<16xf32>
      %div3A_1634 = arith.divf %mul3A_1628, %max3A_1633 : vector<16xf32>
      %min3A_1635 = arith.minimumf %get3A_1609, %select_n3A_884 : vector<16xf32>
      %max3A_1636 = arith.maximumf %get3A_1605, %select_n3A_878 : vector<16xf32>
      %sub3A_1637 = arith.subf %min3A_1635, %max3A_1636 : vector<16xf32>
      %max3A_1638 = arith.constant 0.000000e+00 : f32
      %max3A_1639 = vector.broadcast %max3A_1638 : f32 to vector<16xf32>
      %max3A_1640 = arith.maximumf %sub3A_1637, %max3A_1639 : vector<16xf32>
      %min3A_1641 = arith.minimumf %get3A_1611, %select_n3A_887 : vector<16xf32>
      %max3A_1642 = arith.maximumf %get3A_1607, %select_n3A_881 : vector<16xf32>
      %sub3A_1643 = arith.subf %min3A_1641, %max3A_1642 : vector<16xf32>
      %max3A_1644 = arith.constant 0.000000e+00 : f32
      %max3A_1645 = vector.broadcast %max3A_1644 : f32 to vector<16xf32>
      %max3A_1646 = arith.maximumf %sub3A_1643, %max3A_1645 : vector<16xf32>
      %mul3A_1647 = arith.mulf %max3A_1640, %max3A_1646 : vector<16xf32>
      %add3A_1648 = arith.addf %select_n3A_890, %get3A_1613 : vector<16xf32>
      %sub3A_1649 = arith.subf %add3A_1648, %mul3A_1647 : vector<16xf32>
      %max3A_1650 = arith.constant 9.99999971E-10 : f32
      %max3A_1651 = vector.broadcast %max3A_1650 : f32 to vector<16xf32>
      %max3A_1652 = arith.maximumf %sub3A_1649, %max3A_1651 : vector<16xf32>
      %div3A_1653 = arith.divf %mul3A_1647, %max3A_1652 : vector<16xf32>
      %gt3A_1654 = arith.constant 0.00999999977 : f32
      %gt3A_1655 = vector.broadcast %gt3A_1654 : f32 to vector<16xf32>
      %gt3A_1656 = arith.cmpf ogt, %div3A_1634, %gt3A_1655 : vector<16xf32>
      %gt3A_1657 = arith.constant 0.00999999977 : f32
      %gt3A_1658 = vector.broadcast %gt3A_1657 : f32 to vector<16xf32>
      %gt3A_1659 = arith.cmpf ogt, %div3A_1653, %gt3A_1658 : vector<16xf32>
      %or3A_1660 = arith.ori %gt3A_1656, %gt3A_1659 : vector<16xi1>
      %select_n3A_1661 = arith.select %or3A_1660, %broadcast_in_dim3A_5, %get3A_1615 : vector<16xi1>, vector<16xf32>
      %swap3A_1662 = arith.constant 160 : index
      %swap3A_1663 = tpu.vector_load %arg16[%swap3A_1662] {strides = array<i32>} : memref<5120xf32, #tpu.memory_space<vmem>>, vector<16xf32>,
      tpu.vector_store %arg16[%swap3A_1662], %select_n3A_1661 {strides = array<i32>} : memref<5120xf32, #tpu.memory_space<vmem>>, vector<16xf32>,
      %add3A_1664 = arith.constant 160 : i32
      %add3A_1665 = vector.broadcast %add3A_1664 : i32 to vector<16xi32>
      %add3A_1666 = arith.addi %iota3A, %add3A_1665 : vector<16xi32>
      %gt3A_1667 = arith.cmpf ogt, %select_n3A_1661, %select_n3A_1602 : vector<16xf32>
      %gt3A_1668 = arith.cmpf ogt, %select_n3A_1661, %select_n3A_1599 : vector<16xf32>
      %select_n3A_1669 = arith.select %gt3A_1668, %select_n3A_1661, %select_n3A_1599 : vector<16xi1>, vector<16xf32>
      %select_n3A_1670 = arith.select %gt3A_1667, %select_n3A_1602, %select_n3A_1669 : vector<16xi1>, vector<16xf32>
      %select_n3A_1671 = arith.select %gt3A_1668, %add3A_1666, %select_n3A_1601 : vector<16xi1>, vector<16xi32>
      %select_n3A_1672 = arith.select %gt3A_1667, %select_n3A_1603, %select_n3A_1671 : vector<16xi1>, vector<16xi32>
      %select_n3A_1673 = arith.select %gt3A_1667, %select_n3A_1661, %select_n3A_1602 : vector<16xi1>, vector<16xf32>
      %select_n3A_1674 = arith.select %gt3A_1667, %add3A_1666, %select_n3A_1603 : vector<16xi1>, vector<16xi32>
      %get3A_1675 = arith.constant 496 : index
      %get3A_1676 = tpu.vector_load %arg16[%get3A_1675] {strides = array<i32>} : memref<5120xf32, #tpu.memory_space<vmem>>, vector<16xf32>,
      %get3A_1677 = arith.constant 816 : index
      %get3A_1678 = tpu.vector_load %arg16[%get3A_1677] {strides = array<i32>} : memref<5120xf32, #tpu.memory_space<vmem>>, vector<16xf32>,
      %get3A_1679 = arith.constant 1136 : index
      %get3A_1680 = tpu.vector_load %arg16[%get3A_1679] {strides = array<i32>} : memref<5120xf32, #tpu.memory_space<vmem>>, vector<16xf32>,
      %get3A_1681 = arith.constant 1456 : index
      %get3A_1682 = tpu.vector_load %arg16[%get3A_1681] {strides = array<i32>} : memref<5120xf32, #tpu.memory_space<vmem>>, vector<16xf32>,
      %get3A_1683 = arith.constant 1776 : index
      %get3A_1684 = tpu.vector_load %arg16[%get3A_1683] {strides = array<i32>} : memref<5120xf32, #tpu.memory_space<vmem>>, vector<16xf32>,
      %get3A_1685 = arith.constant 176 : index
      %get3A_1686 = tpu.vector_load %arg16[%get3A_1685] {strides = array<i32>} : memref<5120xf32, #tpu.memory_space<vmem>>, vector<16xf32>,
      %min3A_1687 = arith.minimumf %get3A_1680, %gather3A_823 : vector<16xf32>
      %max3A_1688 = arith.maximumf %get3A_1676, %gather3A_815 : vector<16xf32>
      %sub3A_1689 = arith.subf %min3A_1687, %max3A_1688 : vector<16xf32>
      %max3A_1690 = arith.constant 0.000000e+00 : f32
      %max3A_1691 = vector.broadcast %max3A_1690 : f32 to vector<16xf32>
      %max3A_1692 = arith.maximumf %sub3A_1689, %max3A_1691 : vector<16xf32>
      %min3A_1693 = arith.minimumf %get3A_1682, %gather3A_827 : vector<16xf32>
      %max3A_1694 = arith.maximumf %get3A_1678, %gather3A_819 : vector<16xf32>
      %sub3A_1695 = arith.subf %min3A_1693, %max3A_1694 : vector<16xf32>
      %max3A_1696 = arith.constant 0.000000e+00 : f32
      %max3A_1697 = vector.broadcast %max3A_1696 : f32 to vector<16xf32>
      %max3A_1698 = arith.maximumf %sub3A_1695, %max3A_1697 : vector<16xf32>
      %mul3A_1699 = arith.mulf %max3A_1692, %max3A_1698 : vector<16xf32>
      %add3A_1700 = arith.addf %gather3A_831, %get3A_1684 : vector<16xf32>
      %sub3A_1701 = arith.subf %add3A_1700, %mul3A_1699 : vector<16xf32>
      %max3A_1702 = arith.constant 9.99999971E-10 : f32
      %max3A_1703 = vector.broadcast %max3A_1702 : f32 to vector<16xf32>
      %max3A_1704 = arith.maximumf %sub3A_1701, %max3A_1703 : vector<16xf32>
      %div3A_1705 = arith.divf %mul3A_1699, %max3A_1704 : vector<16xf32>
      %min3A_1706 = arith.minimumf %get3A_1680, %select_n3A_884 : vector<16xf32>
      %max3A_1707 = arith.maximumf %get3A_1676, %select_n3A_878 : vector<16xf32>
      %sub3A_1708 = arith.subf %min3A_1706, %max3A_1707 : vector<16xf32>
      %max3A_1709 = arith.constant 0.000000e+00 : f32
      %max3A_1710 = vector.broadcast %max3A_1709 : f32 to vector<16xf32>
      %max3A_1711 = arith.maximumf %sub3A_1708, %max3A_1710 : vector<16xf32>
      %min3A_1712 = arith.minimumf %get3A_1682, %select_n3A_887 : vector<16xf32>
      %max3A_1713 = arith.maximumf %get3A_1678, %select_n3A_881 : vector<16xf32>
      %sub3A_1714 = arith.subf %min3A_1712, %max3A_1713 : vector<16xf32>
      %max3A_1715 = arith.constant 0.000000e+00 : f32
      %max3A_1716 = vector.broadcast %max3A_1715 : f32 to vector<16xf32>
      %max3A_1717 = arith.maximumf %sub3A_1714, %max3A_1716 : vector<16xf32>
      %mul3A_1718 = arith.mulf %max3A_1711, %max3A_1717 : vector<16xf32>
      %add3A_1719 = arith.addf %select_n3A_890, %get3A_1684 : vector<16xf32>
      %sub3A_1720 = arith.subf %add3A_1719, %mul3A_1718 : vector<16xf32>
      %max3A_1721 = arith.constant 9.99999971E-10 : f32
      %max3A_1722 = vector.broadcast %max3A_1721 : f32 to vector<16xf32>
      %max3A_1723 = arith.maximumf %sub3A_1720, %max3A_1722 : vector<16xf32>
      %div3A_1724 = arith.divf %mul3A_1718, %max3A_1723 : vector<16xf32>
      %gt3A_1725 = arith.constant 0.00999999977 : f32
      %gt3A_1726 = vector.broadcast %gt3A_1725 : f32 to vector<16xf32>
      %gt3A_1727 = arith.cmpf ogt, %div3A_1705, %gt3A_1726 : vector<16xf32>
      %gt3A_1728 = arith.constant 0.00999999977 : f32
      %gt3A_1729 = vector.broadcast %gt3A_1728 : f32 to vector<16xf32>
      %gt3A_1730 = arith.cmpf ogt, %div3A_1724, %gt3A_1729 : vector<16xf32>
      %or3A_1731 = arith.ori %gt3A_1727, %gt3A_1730 : vector<16xi1>
      %select_n3A_1732 = arith.select %or3A_1731, %broadcast_in_dim3A_5, %get3A_1686 : vector<16xi1>, vector<16xf32>
      %swap3A_1733 = arith.constant 176 : index
      %swap3A_1734 = tpu.vector_load %arg16[%swap3A_1733] {strides = array<i32>} : memref<5120xf32, #tpu.memory_space<vmem>>, vector<16xf32>,
      tpu.vector_store %arg16[%swap3A_1733], %select_n3A_1732 {strides = array<i32>} : memref<5120xf32, #tpu.memory_space<vmem>>, vector<16xf32>,
      %add3A_1735 = arith.constant 176 : i32
      %add3A_1736 = vector.broadcast %add3A_1735 : i32 to vector<16xi32>
      %add3A_1737 = arith.addi %iota3A, %add3A_1736 : vector<16xi32>
      %gt3A_1738 = arith.cmpf ogt, %select_n3A_1732, %select_n3A_1673 : vector<16xf32>
      %gt3A_1739 = arith.cmpf ogt, %select_n3A_1732, %select_n3A_1670 : vector<16xf32>
      %select_n3A_1740 = arith.select %gt3A_1739, %select_n3A_1732, %select_n3A_1670 : vector<16xi1>, vector<16xf32>
      %select_n3A_1741 = arith.select %gt3A_1738, %select_n3A_1673, %select_n3A_1740 : vector<16xi1>, vector<16xf32>
      %select_n3A_1742 = arith.select %gt3A_1739, %add3A_1737, %select_n3A_1672 : vector<16xi1>, vector<16xi32>
      %select_n3A_1743 = arith.select %gt3A_1738, %select_n3A_1674, %select_n3A_1742 : vector<16xi1>, vector<16xi32>
      %select_n3A_1744 = arith.select %gt3A_1738, %select_n3A_1732, %select_n3A_1673 : vector<16xi1>, vector<16xf32>
      %select_n3A_1745 = arith.select %gt3A_1738, %add3A_1737, %select_n3A_1674 : vector<16xi1>, vector<16xi32>
      %get3A_1746 = arith.constant 512 : index
      %get3A_1747 = tpu.vector_load %arg16[%get3A_1746] {strides = array<i32>} : memref<5120xf32, #tpu.memory_space<vmem>>, vector<16xf32>,
      %get3A_1748 = arith.constant 832 : index
      %get3A_1749 = tpu.vector_load %arg16[%get3A_1748] {strides = array<i32>} : memref<5120xf32, #tpu.memory_space<vmem>>, vector<16xf32>,
      %get3A_1750 = arith.constant 1152 : index
      %get3A_1751 = tpu.vector_load %arg16[%get3A_1750] {strides = array<i32>} : memref<5120xf32, #tpu.memory_space<vmem>>, vector<16xf32>,
      %get3A_1752 = arith.constant 1472 : index
      %get3A_1753 = tpu.vector_load %arg16[%get3A_1752] {strides = array<i32>} : memref<5120xf32, #tpu.memory_space<vmem>>, vector<16xf32>,
      %get3A_1754 = arith.constant 1792 : index
      %get3A_1755 = tpu.vector_load %arg16[%get3A_1754] {strides = array<i32>} : memref<5120xf32, #tpu.memory_space<vmem>>, vector<16xf32>,
      %get3A_1756 = arith.constant 192 : index
      %get3A_1757 = tpu.vector_load %arg16[%get3A_1756] {strides = array<i32>} : memref<5120xf32, #tpu.memory_space<vmem>>, vector<16xf32>,
      %min3A_1758 = arith.minimumf %get3A_1751, %gather3A_823 : vector<16xf32>
      %max3A_1759 = arith.maximumf %get3A_1747, %gather3A_815 : vector<16xf32>
      %sub3A_1760 = arith.subf %min3A_1758, %max3A_1759 : vector<16xf32>
      %max3A_1761 = arith.constant 0.000000e+00 : f32
      %max3A_1762 = vector.broadcast %max3A_1761 : f32 to vector<16xf32>
      %max3A_1763 = arith.maximumf %sub3A_1760, %max3A_1762 : vector<16xf32>
      %min3A_1764 = arith.minimumf %get3A_1753, %gather3A_827 : vector<16xf32>
      %max3A_1765 = arith.maximumf %get3A_1749, %gather3A_819 : vector<16xf32>
      %sub3A_1766 = arith.subf %min3A_1764, %max3A_1765 : vector<16xf32>
      %max3A_1767 = arith.constant 0.000000e+00 : f32
      %max3A_1768 = vector.broadcast %max3A_1767 : f32 to vector<16xf32>
      %max3A_1769 = arith.maximumf %sub3A_1766, %max3A_1768 : vector<16xf32>
      %mul3A_1770 = arith.mulf %max3A_1763, %max3A_1769 : vector<16xf32>
      %add3A_1771 = arith.addf %gather3A_831, %get3A_1755 : vector<16xf32>
      %sub3A_1772 = arith.subf %add3A_1771, %mul3A_1770 : vector<16xf32>
      %max3A_1773 = arith.constant 9.99999971E-10 : f32
      %max3A_1774 = vector.broadcast %max3A_1773 : f32 to vector<16xf32>
      %max3A_1775 = arith.maximumf %sub3A_1772, %max3A_1774 : vector<16xf32>
      %div3A_1776 = arith.divf %mul3A_1770, %max3A_1775 : vector<16xf32>
      %min3A_1777 = arith.minimumf %get3A_1751, %select_n3A_884 : vector<16xf32>
      %max3A_1778 = arith.maximumf %get3A_1747, %select_n3A_878 : vector<16xf32>
      %sub3A_1779 = arith.subf %min3A_1777, %max3A_1778 : vector<16xf32>
      %max3A_1780 = arith.constant 0.000000e+00 : f32
      %max3A_1781 = vector.broadcast %max3A_1780 : f32 to vector<16xf32>
      %max3A_1782 = arith.maximumf %sub3A_1779, %max3A_1781 : vector<16xf32>
      %min3A_1783 = arith.minimumf %get3A_1753, %select_n3A_887 : vector<16xf32>
      %max3A_1784 = arith.maximumf %get3A_1749, %select_n3A_881 : vector<16xf32>
      %sub3A_1785 = arith.subf %min3A_1783, %max3A_1784 : vector<16xf32>
      %max3A_1786 = arith.constant 0.000000e+00 : f32
      %max3A_1787 = vector.broadcast %max3A_1786 : f32 to vector<16xf32>
      %max3A_1788 = arith.maximumf %sub3A_1785, %max3A_1787 : vector<16xf32>
      %mul3A_1789 = arith.mulf %max3A_1782, %max3A_1788 : vector<16xf32>
      %add3A_1790 = arith.addf %select_n3A_890, %get3A_1755 : vector<16xf32>
      %sub3A_1791 = arith.subf %add3A_1790, %mul3A_1789 : vector<16xf32>
      %max3A_1792 = arith.constant 9.99999971E-10 : f32
      %max3A_1793 = vector.broadcast %max3A_1792 : f32 to vector<16xf32>
      %max3A_1794 = arith.maximumf %sub3A_1791, %max3A_1793 : vector<16xf32>
      %div3A_1795 = arith.divf %mul3A_1789, %max3A_1794 : vector<16xf32>
      %gt3A_1796 = arith.constant 0.00999999977 : f32
      %gt3A_1797 = vector.broadcast %gt3A_1796 : f32 to vector<16xf32>
      %gt3A_1798 = arith.cmpf ogt, %div3A_1776, %gt3A_1797 : vector<16xf32>
      %gt3A_1799 = arith.constant 0.00999999977 : f32
      %gt3A_1800 = vector.broadcast %gt3A_1799 : f32 to vector<16xf32>
      %gt3A_1801 = arith.cmpf ogt, %div3A_1795, %gt3A_1800 : vector<16xf32>
      %or3A_1802 = arith.ori %gt3A_1798, %gt3A_1801 : vector<16xi1>
      %select_n3A_1803 = arith.select %or3A_1802, %broadcast_in_dim3A_5, %get3A_1757 : vector<16xi1>, vector<16xf32>
      %swap3A_1804 = arith.constant 192 : index
      %swap3A_1805 = tpu.vector_load %arg16[%swap3A_1804] {strides = array<i32>} : memref<5120xf32, #tpu.memory_space<vmem>>, vector<16xf32>,
      tpu.vector_store %arg16[%swap3A_1804], %select_n3A_1803 {strides = array<i32>} : memref<5120xf32, #tpu.memory_space<vmem>>, vector<16xf32>,
      %add3A_1806 = arith.constant 192 : i32
      %add3A_1807 = vector.broadcast %add3A_1806 : i32 to vector<16xi32>
      %add3A_1808 = arith.addi %iota3A, %add3A_1807 : vector<16xi32>
      %gt3A_1809 = arith.cmpf ogt, %select_n3A_1803, %select_n3A_1744 : vector<16xf32>
      %gt3A_1810 = arith.cmpf ogt, %select_n3A_1803, %select_n3A_1741 : vector<16xf32>
      %select_n3A_1811 = arith.select %gt3A_1810, %select_n3A_1803, %select_n3A_1741 : vector<16xi1>, vector<16xf32>
      %select_n3A_1812 = arith.select %gt3A_1809, %select_n3A_1744, %select_n3A_1811 : vector<16xi1>, vector<16xf32>
      %select_n3A_1813 = arith.select %gt3A_1810, %add3A_1808, %select_n3A_1743 : vector<16xi1>, vector<16xi32>
      %select_n3A_1814 = arith.select %gt3A_1809, %select_n3A_1745, %select_n3A_1813 : vector<16xi1>, vector<16xi32>
      %select_n3A_1815 = arith.select %gt3A_1809, %select_n3A_1803, %select_n3A_1744 : vector<16xi1>, vector<16xf32>
      %select_n3A_1816 = arith.select %gt3A_1809, %add3A_1808, %select_n3A_1745 : vector<16xi1>, vector<16xi32>
      %get3A_1817 = arith.constant 528 : index
      %get3A_1818 = tpu.vector_load %arg16[%get3A_1817] {strides = array<i32>} : memref<5120xf32, #tpu.memory_space<vmem>>, vector<16xf32>,
      %get3A_1819 = arith.constant 848 : index
      %get3A_1820 = tpu.vector_load %arg16[%get3A_1819] {strides = array<i32>} : memref<5120xf32, #tpu.memory_space<vmem>>, vector<16xf32>,
      %get3A_1821 = arith.constant 1168 : index
      %get3A_1822 = tpu.vector_load %arg16[%get3A_1821] {strides = array<i32>} : memref<5120xf32, #tpu.memory_space<vmem>>, vector<16xf32>,
      %get3A_1823 = arith.constant 1488 : index
      %get3A_1824 = tpu.vector_load %arg16[%get3A_1823] {strides = array<i32>} : memref<5120xf32, #tpu.memory_space<vmem>>, vector<16xf32>,
      %get3A_1825 = arith.constant 1808 : index
      %get3A_1826 = tpu.vector_load %arg16[%get3A_1825] {strides = array<i32>} : memref<5120xf32, #tpu.memory_space<vmem>>, vector<16xf32>,
      %get3A_1827 = arith.constant 208 : index
      %get3A_1828 = tpu.vector_load %arg16[%get3A_1827] {strides = array<i32>} : memref<5120xf32, #tpu.memory_space<vmem>>, vector<16xf32>,
      %min3A_1829 = arith.minimumf %get3A_1822, %gather3A_823 : vector<16xf32>
      %max3A_1830 = arith.maximumf %get3A_1818, %gather3A_815 : vector<16xf32>
      %sub3A_1831 = arith.subf %min3A_1829, %max3A_1830 : vector<16xf32>
      %max3A_1832 = arith.constant 0.000000e+00 : f32
      %max3A_1833 = vector.broadcast %max3A_1832 : f32 to vector<16xf32>
      %max3A_1834 = arith.maximumf %sub3A_1831, %max3A_1833 : vector<16xf32>
      %min3A_1835 = arith.minimumf %get3A_1824, %gather3A_827 : vector<16xf32>
      %max3A_1836 = arith.maximumf %get3A_1820, %gather3A_819 : vector<16xf32>
      %sub3A_1837 = arith.subf %min3A_1835, %max3A_1836 : vector<16xf32>
      %max3A_1838 = arith.constant 0.000000e+00 : f32
      %max3A_1839 = vector.broadcast %max3A_1838 : f32 to vector<16xf32>
      %max3A_1840 = arith.maximumf %sub3A_1837, %max3A_1839 : vector<16xf32>
      %mul3A_1841 = arith.mulf %max3A_1834, %max3A_1840 : vector<16xf32>
      %add3A_1842 = arith.addf %gather3A_831, %get3A_1826 : vector<16xf32>
      %sub3A_1843 = arith.subf %add3A_1842, %mul3A_1841 : vector<16xf32>
      %max3A_1844 = arith.constant 9.99999971E-10 : f32
      %max3A_1845 = vector.broadcast %max3A_1844 : f32 to vector<16xf32>
      %max3A_1846 = arith.maximumf %sub3A_1843, %max3A_1845 : vector<16xf32>
      %div3A_1847 = arith.divf %mul3A_1841, %max3A_1846 : vector<16xf32>
      %min3A_1848 = arith.minimumf %get3A_1822, %select_n3A_884 : vector<16xf32>
      %max3A_1849 = arith.maximumf %get3A_1818, %select_n3A_878 : vector<16xf32>
      %sub3A_1850 = arith.subf %min3A_1848, %max3A_1849 : vector<16xf32>
      %max3A_1851 = arith.constant 0.000000e+00 : f32
      %max3A_1852 = vector.broadcast %max3A_1851 : f32 to vector<16xf32>
      %max3A_1853 = arith.maximumf %sub3A_1850, %max3A_1852 : vector<16xf32>
      %min3A_1854 = arith.minimumf %get3A_1824, %select_n3A_887 : vector<16xf32>
      %max3A_1855 = arith.maximumf %get3A_1820, %select_n3A_881 : vector<16xf32>
      %sub3A_1856 = arith.subf %min3A_1854, %max3A_1855 : vector<16xf32>
      %max3A_1857 = arith.constant 0.000000e+00 : f32
      %max3A_1858 = vector.broadcast %max3A_1857 : f32 to vector<16xf32>
      %max3A_1859 = arith.maximumf %sub3A_1856, %max3A_1858 : vector<16xf32>
      %mul3A_1860 = arith.mulf %max3A_1853, %max3A_1859 : vector<16xf32>
      %add3A_1861 = arith.addf %select_n3A_890, %get3A_1826 : vector<16xf32>
      %sub3A_1862 = arith.subf %add3A_1861, %mul3A_1860 : vector<16xf32>
      %max3A_1863 = arith.constant 9.99999971E-10 : f32
      %max3A_1864 = vector.broadcast %max3A_1863 : f32 to vector<16xf32>
      %max3A_1865 = arith.maximumf %sub3A_1862, %max3A_1864 : vector<16xf32>
      %div3A_1866 = arith.divf %mul3A_1860, %max3A_1865 : vector<16xf32>
      %gt3A_1867 = arith.constant 0.00999999977 : f32
      %gt3A_1868 = vector.broadcast %gt3A_1867 : f32 to vector<16xf32>
      %gt3A_1869 = arith.cmpf ogt, %div3A_1847, %gt3A_1868 : vector<16xf32>
      %gt3A_1870 = arith.constant 0.00999999977 : f32
      %gt3A_1871 = vector.broadcast %gt3A_1870 : f32 to vector<16xf32>
      %gt3A_1872 = arith.cmpf ogt, %div3A_1866, %gt3A_1871 : vector<16xf32>
      %or3A_1873 = arith.ori %gt3A_1869, %gt3A_1872 : vector<16xi1>
      %select_n3A_1874 = arith.select %or3A_1873, %broadcast_in_dim3A_5, %get3A_1828 : vector<16xi1>, vector<16xf32>
      %swap3A_1875 = arith.constant 208 : index
      %swap3A_1876 = tpu.vector_load %arg16[%swap3A_1875] {strides = array<i32>} : memref<5120xf32, #tpu.memory_space<vmem>>, vector<16xf32>,
      tpu.vector_store %arg16[%swap3A_1875], %select_n3A_1874 {strides = array<i32>} : memref<5120xf32, #tpu.memory_space<vmem>>, vector<16xf32>,
      %add3A_1877 = arith.constant 208 : i32
      %add3A_1878 = vector.broadcast %add3A_1877 : i32 to vector<16xi32>
      %add3A_1879 = arith.addi %iota3A, %add3A_1878 : vector<16xi32>
      %gt3A_1880 = arith.cmpf ogt, %select_n3A_1874, %select_n3A_1815 : vector<16xf32>
      %gt3A_1881 = arith.cmpf ogt, %select_n3A_1874, %select_n3A_1812 : vector<16xf32>
      %select_n3A_1882 = arith.select %gt3A_1881, %select_n3A_1874, %select_n3A_1812 : vector<16xi1>, vector<16xf32>
      %select_n3A_1883 = arith.select %gt3A_1880, %select_n3A_1815, %select_n3A_1882 : vector<16xi1>, vector<16xf32>
      %select_n3A_1884 = arith.select %gt3A_1881, %add3A_1879, %select_n3A_1814 : vector<16xi1>, vector<16xi32>
      %select_n3A_1885 = arith.select %gt3A_1880, %select_n3A_1816, %select_n3A_1884 : vector<16xi1>, vector<16xi32>
      %select_n3A_1886 = arith.select %gt3A_1880, %select_n3A_1874, %select_n3A_1815 : vector<16xi1>, vector<16xf32>
      %select_n3A_1887 = arith.select %gt3A_1880, %add3A_1879, %select_n3A_1816 : vector<16xi1>, vector<16xi32>
      %get3A_1888 = arith.constant 544 : index
      %get3A_1889 = tpu.vector_load %arg16[%get3A_1888] {strides = array<i32>} : memref<5120xf32, #tpu.memory_space<vmem>>, vector<16xf32>,
      %get3A_1890 = arith.constant 864 : index
      %get3A_1891 = tpu.vector_load %arg16[%get3A_1890] {strides = array<i32>} : memref<5120xf32, #tpu.memory_space<vmem>>, vector<16xf32>,
      %get3A_1892 = arith.constant 1184 : index
      %get3A_1893 = tpu.vector_load %arg16[%get3A_1892] {strides = array<i32>} : memref<5120xf32, #tpu.memory_space<vmem>>, vector<16xf32>,
      %get3A_1894 = arith.constant 1504 : index
      %get3A_1895 = tpu.vector_load %arg16[%get3A_1894] {strides = array<i32>} : memref<5120xf32, #tpu.memory_space<vmem>>, vector<16xf32>,
      %get3A_1896 = arith.constant 1824 : index
      %get3A_1897 = tpu.vector_load %arg16[%get3A_1896] {strides = array<i32>} : memref<5120xf32, #tpu.memory_space<vmem>>, vector<16xf32>,
      %get3A_1898 = arith.constant 224 : index
      %get3A_1899 = tpu.vector_load %arg16[%get3A_1898] {strides = array<i32>} : memref<5120xf32, #tpu.memory_space<vmem>>, vector<16xf32>,
      %min3A_1900 = arith.minimumf %get3A_1893, %gather3A_823 : vector<16xf32>
      %max3A_1901 = arith.maximumf %get3A_1889, %gather3A_815 : vector<16xf32>
      %sub3A_1902 = arith.subf %min3A_1900, %max3A_1901 : vector<16xf32>
      %max3A_1903 = arith.constant 0.000000e+00 : f32
      %max3A_1904 = vector.broadcast %max3A_1903 : f32 to vector<16xf32>
      %max3A_1905 = arith.maximumf %sub3A_1902, %max3A_1904 : vector<16xf32>
      %min3A_1906 = arith.minimumf %get3A_1895, %gather3A_827 : vector<16xf32>
      %max3A_1907 = arith.maximumf %get3A_1891, %gather3A_819 : vector<16xf32>
      %sub3A_1908 = arith.subf %min3A_1906, %max3A_1907 : vector<16xf32>
      %max3A_1909 = arith.constant 0.000000e+00 : f32
      %max3A_1910 = vector.broadcast %max3A_1909 : f32 to vector<16xf32>
      %max3A_1911 = arith.maximumf %sub3A_1908, %max3A_1910 : vector<16xf32>
      %mul3A_1912 = arith.mulf %max3A_1905, %max3A_1911 : vector<16xf32>
      %add3A_1913 = arith.addf %gather3A_831, %get3A_1897 : vector<16xf32>
      %sub3A_1914 = arith.subf %add3A_1913, %mul3A_1912 : vector<16xf32>
      %max3A_1915 = arith.constant 9.99999971E-10 : f32
      %max3A_1916 = vector.broadcast %max3A_1915 : f32 to vector<16xf32>
      %max3A_1917 = arith.maximumf %sub3A_1914, %max3A_1916 : vector<16xf32>
      %div3A_1918 = arith.divf %mul3A_1912, %max3A_1917 : vector<16xf32>
      %min3A_1919 = arith.minimumf %get3A_1893, %select_n3A_884 : vector<16xf32>
      %max3A_1920 = arith.maximumf %get3A_1889, %select_n3A_878 : vector<16xf32>
      %sub3A_1921 = arith.subf %min3A_1919, %max3A_1920 : vector<16xf32>
      %max3A_1922 = arith.constant 0.000000e+00 : f32
      %max3A_1923 = vector.broadcast %max3A_1922 : f32 to vector<16xf32>
      %max3A_1924 = arith.maximumf %sub3A_1921, %max3A_1923 : vector<16xf32>
      %min3A_1925 = arith.minimumf %get3A_1895, %select_n3A_887 : vector<16xf32>
      %max3A_1926 = arith.maximumf %get3A_1891, %select_n3A_881 : vector<16xf32>
      %sub3A_1927 = arith.subf %min3A_1925, %max3A_1926 : vector<16xf32>
      %max3A_1928 = arith.constant 0.000000e+00 : f32
      %max3A_1929 = vector.broadcast %max3A_1928 : f32 to vector<16xf32>
      %max3A_1930 = arith.maximumf %sub3A_1927, %max3A_1929 : vector<16xf32>
      %mul3A_1931 = arith.mulf %max3A_1924, %max3A_1930 : vector<16xf32>
      %add3A_1932 = arith.addf %select_n3A_890, %get3A_1897 : vector<16xf32>
      %sub3A_1933 = arith.subf %add3A_1932, %mul3A_1931 : vector<16xf32>
      %max3A_1934 = arith.constant 9.99999971E-10 : f32
      %max3A_1935 = vector.broadcast %max3A_1934 : f32 to vector<16xf32>
      %max3A_1936 = arith.maximumf %sub3A_1933, %max3A_1935 : vector<16xf32>
      %div3A_1937 = arith.divf %mul3A_1931, %max3A_1936 : vector<16xf32>
      %gt3A_1938 = arith.constant 0.00999999977 : f32
      %gt3A_1939 = vector.broadcast %gt3A_1938 : f32 to vector<16xf32>
      %gt3A_1940 = arith.cmpf ogt, %div3A_1918, %gt3A_1939 : vector<16xf32>
      %gt3A_1941 = arith.constant 0.00999999977 : f32
      %gt3A_1942 = vector.broadcast %gt3A_1941 : f32 to vector<16xf32>
      %gt3A_1943 = arith.cmpf ogt, %div3A_1937, %gt3A_1942 : vector<16xf32>
      %or3A_1944 = arith.ori %gt3A_1940, %gt3A_1943 : vector<16xi1>
      %select_n3A_1945 = arith.select %or3A_1944, %broadcast_in_dim3A_5, %get3A_1899 : vector<16xi1>, vector<16xf32>
      %swap3A_1946 = arith.constant 224 : index
      %swap3A_1947 = tpu.vector_load %arg16[%swap3A_1946] {strides = array<i32>} : memref<5120xf32, #tpu.memory_space<vmem>>, vector<16xf32>,
      tpu.vector_store %arg16[%swap3A_1946], %select_n3A_1945 {strides = array<i32>} : memref<5120xf32, #tpu.memory_space<vmem>>, vector<16xf32>,
      %add3A_1948 = arith.constant 224 : i32
      %add3A_1949 = vector.broadcast %add3A_1948 : i32 to vector<16xi32>
      %add3A_1950 = arith.addi %iota3A, %add3A_1949 : vector<16xi32>
      %gt3A_1951 = arith.cmpf ogt, %select_n3A_1945, %select_n3A_1886 : vector<16xf32>
      %gt3A_1952 = arith.cmpf ogt, %select_n3A_1945, %select_n3A_1883 : vector<16xf32>
      %select_n3A_1953 = arith.select %gt3A_1952, %select_n3A_1945, %select_n3A_1883 : vector<16xi1>, vector<16xf32>
      %select_n3A_1954 = arith.select %gt3A_1951, %select_n3A_1886, %select_n3A_1953 : vector<16xi1>, vector<16xf32>
      %select_n3A_1955 = arith.select %gt3A_1952, %add3A_1950, %select_n3A_1885 : vector<16xi1>, vector<16xi32>
      %select_n3A_1956 = arith.select %gt3A_1951, %select_n3A_1887, %select_n3A_1955 : vector<16xi1>, vector<16xi32>
      %select_n3A_1957 = arith.select %gt3A_1951, %select_n3A_1945, %select_n3A_1886 : vector<16xi1>, vector<16xf32>
      %select_n3A_1958 = arith.select %gt3A_1951, %add3A_1950, %select_n3A_1887 : vector<16xi1>, vector<16xi32>
      %get3A_1959 = arith.constant 560 : index
      %get3A_1960 = tpu.vector_load %arg16[%get3A_1959] {strides = array<i32>} : memref<5120xf32, #tpu.memory_space<vmem>>, vector<16xf32>,
      %get3A_1961 = arith.constant 880 : index
      %get3A_1962 = tpu.vector_load %arg16[%get3A_1961] {strides = array<i32>} : memref<5120xf32, #tpu.memory_space<vmem>>, vector<16xf32>,
      %get3A_1963 = arith.constant 1200 : index
      %get3A_1964 = tpu.vector_load %arg16[%get3A_1963] {strides = array<i32>} : memref<5120xf32, #tpu.memory_space<vmem>>, vector<16xf32>,
      %get3A_1965 = arith.constant 1520 : index
      %get3A_1966 = tpu.vector_load %arg16[%get3A_1965] {strides = array<i32>} : memref<5120xf32, #tpu.memory_space<vmem>>, vector<16xf32>,
      %get3A_1967 = arith.constant 1840 : index
      %get3A_1968 = tpu.vector_load %arg16[%get3A_1967] {strides = array<i32>} : memref<5120xf32, #tpu.memory_space<vmem>>, vector<16xf32>,
      %get3A_1969 = arith.constant 240 : index
      %get3A_1970 = tpu.vector_load %arg16[%get3A_1969] {strides = array<i32>} : memref<5120xf32, #tpu.memory_space<vmem>>, vector<16xf32>,
      %min3A_1971 = arith.minimumf %get3A_1964, %gather3A_823 : vector<16xf32>
      %max3A_1972 = arith.maximumf %get3A_1960, %gather3A_815 : vector<16xf32>
      %sub3A_1973 = arith.subf %min3A_1971, %max3A_1972 : vector<16xf32>
      %max3A_1974 = arith.constant 0.000000e+00 : f32
      %max3A_1975 = vector.broadcast %max3A_1974 : f32 to vector<16xf32>
      %max3A_1976 = arith.maximumf %sub3A_1973, %max3A_1975 : vector<16xf32>
      %min3A_1977 = arith.minimumf %get3A_1966, %gather3A_827 : vector<16xf32>
      %max3A_1978 = arith.maximumf %get3A_1962, %gather3A_819 : vector<16xf32>
      %sub3A_1979 = arith.subf %min3A_1977, %max3A_1978 : vector<16xf32>
      %max3A_1980 = arith.constant 0.000000e+00 : f32
      %max3A_1981 = vector.broadcast %max3A_1980 : f32 to vector<16xf32>
      %max3A_1982 = arith.maximumf %sub3A_1979, %max3A_1981 : vector<16xf32>
      %mul3A_1983 = arith.mulf %max3A_1976, %max3A_1982 : vector<16xf32>
      %add3A_1984 = arith.addf %gather3A_831, %get3A_1968 : vector<16xf32>
      %sub3A_1985 = arith.subf %add3A_1984, %mul3A_1983 : vector<16xf32>
      %max3A_1986 = arith.constant 9.99999971E-10 : f32
      %max3A_1987 = vector.broadcast %max3A_1986 : f32 to vector<16xf32>
      %max3A_1988 = arith.maximumf %sub3A_1985, %max3A_1987 : vector<16xf32>
      %div3A_1989 = arith.divf %mul3A_1983, %max3A_1988 : vector<16xf32>
      %min3A_1990 = arith.minimumf %get3A_1964, %select_n3A_884 : vector<16xf32>
      %max3A_1991 = arith.maximumf %get3A_1960, %select_n3A_878 : vector<16xf32>
      %sub3A_1992 = arith.subf %min3A_1990, %max3A_1991 : vector<16xf32>
      %max3A_1993 = arith.constant 0.000000e+00 : f32
      %max3A_1994 = vector.broadcast %max3A_1993 : f32 to vector<16xf32>
      %max3A_1995 = arith.maximumf %sub3A_1992, %max3A_1994 : vector<16xf32>
      %min3A_1996 = arith.minimumf %get3A_1966, %select_n3A_887 : vector<16xf32>
      %max3A_1997 = arith.maximumf %get3A_1962, %select_n3A_881 : vector<16xf32>
      %sub3A_1998 = arith.subf %min3A_1996, %max3A_1997 : vector<16xf32>
      %max3A_1999 = arith.constant 0.000000e+00 : f32
      %max3A_2000 = vector.broadcast %max3A_1999 : f32 to vector<16xf32>
      %max3A_2001 = arith.maximumf %sub3A_1998, %max3A_2000 : vector<16xf32>
      %mul3A_2002 = arith.mulf %max3A_1995, %max3A_2001 : vector<16xf32>
      %add3A_2003 = arith.addf %select_n3A_890, %get3A_1968 : vector<16xf32>
      %sub3A_2004 = arith.subf %add3A_2003, %mul3A_2002 : vector<16xf32>
      %max3A_2005 = arith.constant 9.99999971E-10 : f32
      %max3A_2006 = vector.broadcast %max3A_2005 : f32 to vector<16xf32>
      %max3A_2007 = arith.maximumf %sub3A_2004, %max3A_2006 : vector<16xf32>
      %div3A_2008 = arith.divf %mul3A_2002, %max3A_2007 : vector<16xf32>
      %gt3A_2009 = arith.constant 0.00999999977 : f32
      %gt3A_2010 = vector.broadcast %gt3A_2009 : f32 to vector<16xf32>
      %gt3A_2011 = arith.cmpf ogt, %div3A_1989, %gt3A_2010 : vector<16xf32>
      %gt3A_2012 = arith.constant 0.00999999977 : f32
      %gt3A_2013 = vector.broadcast %gt3A_2012 : f32 to vector<16xf32>
      %gt3A_2014 = arith.cmpf ogt, %div3A_2008, %gt3A_2013 : vector<16xf32>
      %or3A_2015 = arith.ori %gt3A_2011, %gt3A_2014 : vector<16xi1>
      %select_n3A_2016 = arith.select %or3A_2015, %broadcast_in_dim3A_5, %get3A_1970 : vector<16xi1>, vector<16xf32>
      %swap3A_2017 = arith.constant 240 : index
      %swap3A_2018 = tpu.vector_load %arg16[%swap3A_2017] {strides = array<i32>} : memref<5120xf32, #tpu.memory_space<vmem>>, vector<16xf32>,
      tpu.vector_store %arg16[%swap3A_2017], %select_n3A_2016 {strides = array<i32>} : memref<5120xf32, #tpu.memory_space<vmem>>, vector<16xf32>,
      %add3A_2019 = arith.constant 240 : i32
      %add3A_2020 = vector.broadcast %add3A_2019 : i32 to vector<16xi32>
      %add3A_2021 = arith.addi %iota3A, %add3A_2020 : vector<16xi32>
      %gt3A_2022 = arith.cmpf ogt, %select_n3A_2016, %select_n3A_1957 : vector<16xf32>
      %gt3A_2023 = arith.cmpf ogt, %select_n3A_2016, %select_n3A_1954 : vector<16xf32>
      %select_n3A_2024 = arith.select %gt3A_2023, %select_n3A_2016, %select_n3A_1954 : vector<16xi1>, vector<16xf32>
      %select_n3A_2025 = arith.select %gt3A_2022, %select_n3A_1957, %select_n3A_2024 : vector<16xi1>, vector<16xf32>
      %select_n3A_2026 = arith.select %gt3A_2023, %add3A_2021, %select_n3A_1956 : vector<16xi1>, vector<16xi32>
      %select_n3A_2027 = arith.select %gt3A_2022, %select_n3A_1958, %select_n3A_2026 : vector<16xi1>, vector<16xi32>
      %select_n3A_2028 = arith.select %gt3A_2022, %select_n3A_2016, %select_n3A_1957 : vector<16xi1>, vector<16xf32>
      %select_n3A_2029 = arith.select %gt3A_2022, %add3A_2021, %select_n3A_1958 : vector<16xi1>, vector<16xi32>
      %get3A_2030 = arith.constant 576 : index
      %get3A_2031 = tpu.vector_load %arg16[%get3A_2030] {strides = array<i32>} : memref<5120xf32, #tpu.memory_space<vmem>>, vector<16xf32>,
      %get3A_2032 = arith.constant 896 : index
      %get3A_2033 = tpu.vector_load %arg16[%get3A_2032] {strides = array<i32>} : memref<5120xf32, #tpu.memory_space<vmem>>, vector<16xf32>,
      %get3A_2034 = arith.constant 1216 : index
      %get3A_2035 = tpu.vector_load %arg16[%get3A_2034] {strides = array<i32>} : memref<5120xf32, #tpu.memory_space<vmem>>, vector<16xf32>,
      %get3A_2036 = arith.constant 1536 : index
      %get3A_2037 = tpu.vector_load %arg16[%get3A_2036] {strides = array<i32>} : memref<5120xf32, #tpu.memory_space<vmem>>, vector<16xf32>,
      %get3A_2038 = arith.constant 1856 : index
      %get3A_2039 = tpu.vector_load %arg16[%get3A_2038] {strides = array<i32>} : memref<5120xf32, #tpu.memory_space<vmem>>, vector<16xf32>,
      %get3A_2040 = arith.constant 256 : index
      %get3A_2041 = tpu.vector_load %arg16[%get3A_2040] {strides = array<i32>} : memref<5120xf32, #tpu.memory_space<vmem>>, vector<16xf32>,
      %min3A_2042 = arith.minimumf %get3A_2035, %gather3A_823 : vector<16xf32>
      %max3A_2043 = arith.maximumf %get3A_2031, %gather3A_815 : vector<16xf32>
      %sub3A_2044 = arith.subf %min3A_2042, %max3A_2043 : vector<16xf32>
      %max3A_2045 = arith.constant 0.000000e+00 : f32
      %max3A_2046 = vector.broadcast %max3A_2045 : f32 to vector<16xf32>
      %max3A_2047 = arith.maximumf %sub3A_2044, %max3A_2046 : vector<16xf32>
      %min3A_2048 = arith.minimumf %get3A_2037, %gather3A_827 : vector<16xf32>
      %max3A_2049 = arith.maximumf %get3A_2033, %gather3A_819 : vector<16xf32>
      %sub3A_2050 = arith.subf %min3A_2048, %max3A_2049 : vector<16xf32>
      %max3A_2051 = arith.constant 0.000000e+00 : f32
      %max3A_2052 = vector.broadcast %max3A_2051 : f32 to vector<16xf32>
      %max3A_2053 = arith.maximumf %sub3A_2050, %max3A_2052 : vector<16xf32>
      %mul3A_2054 = arith.mulf %max3A_2047, %max3A_2053 : vector<16xf32>
      %add3A_2055 = arith.addf %gather3A_831, %get3A_2039 : vector<16xf32>
      %sub3A_2056 = arith.subf %add3A_2055, %mul3A_2054 : vector<16xf32>
      %max3A_2057 = arith.constant 9.99999971E-10 : f32
      %max3A_2058 = vector.broadcast %max3A_2057 : f32 to vector<16xf32>
      %max3A_2059 = arith.maximumf %sub3A_2056, %max3A_2058 : vector<16xf32>
      %div3A_2060 = arith.divf %mul3A_2054, %max3A_2059 : vector<16xf32>
      %min3A_2061 = arith.minimumf %get3A_2035, %select_n3A_884 : vector<16xf32>
      %max3A_2062 = arith.maximumf %get3A_2031, %select_n3A_878 : vector<16xf32>
      %sub3A_2063 = arith.subf %min3A_2061, %max3A_2062 : vector<16xf32>
      %max3A_2064 = arith.constant 0.000000e+00 : f32
      %max3A_2065 = vector.broadcast %max3A_2064 : f32 to vector<16xf32>
      %max3A_2066 = arith.maximumf %sub3A_2063, %max3A_2065 : vector<16xf32>
      %min3A_2067 = arith.minimumf %get3A_2037, %select_n3A_887 : vector<16xf32>
      %max3A_2068 = arith.maximumf %get3A_2033, %select_n3A_881 : vector<16xf32>
      %sub3A_2069 = arith.subf %min3A_2067, %max3A_2068 : vector<16xf32>
      %max3A_2070 = arith.constant 0.000000e+00 : f32
      %max3A_2071 = vector.broadcast %max3A_2070 : f32 to vector<16xf32>
      %max3A_2072 = arith.maximumf %sub3A_2069, %max3A_2071 : vector<16xf32>
      %mul3A_2073 = arith.mulf %max3A_2066, %max3A_2072 : vector<16xf32>
      %add3A_2074 = arith.addf %select_n3A_890, %get3A_2039 : vector<16xf32>
      %sub3A_2075 = arith.subf %add3A_2074, %mul3A_2073 : vector<16xf32>
      %max3A_2076 = arith.constant 9.99999971E-10 : f32
      %max3A_2077 = vector.broadcast %max3A_2076 : f32 to vector<16xf32>
      %max3A_2078 = arith.maximumf %sub3A_2075, %max3A_2077 : vector<16xf32>
      %div3A_2079 = arith.divf %mul3A_2073, %max3A_2078 : vector<16xf32>
      %gt3A_2080 = arith.constant 0.00999999977 : f32
      %gt3A_2081 = vector.broadcast %gt3A_2080 : f32 to vector<16xf32>
      %gt3A_2082 = arith.cmpf ogt, %div3A_2060, %gt3A_2081 : vector<16xf32>
      %gt3A_2083 = arith.constant 0.00999999977 : f32
      %gt3A_2084 = vector.broadcast %gt3A_2083 : f32 to vector<16xf32>
      %gt3A_2085 = arith.cmpf ogt, %div3A_2079, %gt3A_2084 : vector<16xf32>
      %or3A_2086 = arith.ori %gt3A_2082, %gt3A_2085 : vector<16xi1>
      %select_n3A_2087 = arith.select %or3A_2086, %broadcast_in_dim3A_5, %get3A_2041 : vector<16xi1>, vector<16xf32>
      %swap3A_2088 = arith.constant 256 : index
      %swap3A_2089 = tpu.vector_load %arg16[%swap3A_2088] {strides = array<i32>} : memref<5120xf32, #tpu.memory_space<vmem>>, vector<16xf32>,
      tpu.vector_store %arg16[%swap3A_2088], %select_n3A_2087 {strides = array<i32>} : memref<5120xf32, #tpu.memory_space<vmem>>, vector<16xf32>,
      %add3A_2090 = arith.constant 256 : i32
      %add3A_2091 = vector.broadcast %add3A_2090 : i32 to vector<16xi32>
      %add3A_2092 = arith.addi %iota3A, %add3A_2091 : vector<16xi32>
      %gt3A_2093 = arith.cmpf ogt, %select_n3A_2087, %select_n3A_2028 : vector<16xf32>
      %gt3A_2094 = arith.cmpf ogt, %select_n3A_2087, %select_n3A_2025 : vector<16xf32>
      %select_n3A_2095 = arith.select %gt3A_2094, %select_n3A_2087, %select_n3A_2025 : vector<16xi1>, vector<16xf32>
      %select_n3A_2096 = arith.select %gt3A_2093, %select_n3A_2028, %select_n3A_2095 : vector<16xi1>, vector<16xf32>
      %select_n3A_2097 = arith.select %gt3A_2094, %add3A_2092, %select_n3A_2027 : vector<16xi1>, vector<16xi32>
      %select_n3A_2098 = arith.select %gt3A_2093, %select_n3A_2029, %select_n3A_2097 : vector<16xi1>, vector<16xi32>
      %select_n3A_2099 = arith.select %gt3A_2093, %select_n3A_2087, %select_n3A_2028 : vector<16xi1>, vector<16xf32>
      %select_n3A_2100 = arith.select %gt3A_2093, %add3A_2092, %select_n3A_2029 : vector<16xi1>, vector<16xi32>
      %get3A_2101 = arith.constant 592 : index
      %get3A_2102 = tpu.vector_load %arg16[%get3A_2101] {strides = array<i32>} : memref<5120xf32, #tpu.memory_space<vmem>>, vector<16xf32>,
      %get3A_2103 = arith.constant 912 : index
      %get3A_2104 = tpu.vector_load %arg16[%get3A_2103] {strides = array<i32>} : memref<5120xf32, #tpu.memory_space<vmem>>, vector<16xf32>,
      %get3A_2105 = arith.constant 1232 : index
      %get3A_2106 = tpu.vector_load %arg16[%get3A_2105] {strides = array<i32>} : memref<5120xf32, #tpu.memory_space<vmem>>, vector<16xf32>,
      %get3A_2107 = arith.constant 1552 : index
      %get3A_2108 = tpu.vector_load %arg16[%get3A_2107] {strides = array<i32>} : memref<5120xf32, #tpu.memory_space<vmem>>, vector<16xf32>,
      %get3A_2109 = arith.constant 1872 : index
      %get3A_2110 = tpu.vector_load %arg16[%get3A_2109] {strides = array<i32>} : memref<5120xf32, #tpu.memory_space<vmem>>, vector<16xf32>,
      %get3A_2111 = arith.constant 272 : index
      %get3A_2112 = tpu.vector_load %arg16[%get3A_2111] {strides = array<i32>} : memref<5120xf32, #tpu.memory_space<vmem>>, vector<16xf32>,
      %min3A_2113 = arith.minimumf %get3A_2106, %gather3A_823 : vector<16xf32>
      %max3A_2114 = arith.maximumf %get3A_2102, %gather3A_815 : vector<16xf32>
      %sub3A_2115 = arith.subf %min3A_2113, %max3A_2114 : vector<16xf32>
      %max3A_2116 = arith.constant 0.000000e+00 : f32
      %max3A_2117 = vector.broadcast %max3A_2116 : f32 to vector<16xf32>
      %max3A_2118 = arith.maximumf %sub3A_2115, %max3A_2117 : vector<16xf32>
      %min3A_2119 = arith.minimumf %get3A_2108, %gather3A_827 : vector<16xf32>
      %max3A_2120 = arith.maximumf %get3A_2104, %gather3A_819 : vector<16xf32>
      %sub3A_2121 = arith.subf %min3A_2119, %max3A_2120 : vector<16xf32>
      %max3A_2122 = arith.constant 0.000000e+00 : f32
      %max3A_2123 = vector.broadcast %max3A_2122 : f32 to vector<16xf32>
      %max3A_2124 = arith.maximumf %sub3A_2121, %max3A_2123 : vector<16xf32>
      %mul3A_2125 = arith.mulf %max3A_2118, %max3A_2124 : vector<16xf32>
      %add3A_2126 = arith.addf %gather3A_831, %get3A_2110 : vector<16xf32>
      %sub3A_2127 = arith.subf %add3A_2126, %mul3A_2125 : vector<16xf32>
      %max3A_2128 = arith.constant 9.99999971E-10 : f32
      %max3A_2129 = vector.broadcast %max3A_2128 : f32 to vector<16xf32>
      %max3A_2130 = arith.maximumf %sub3A_2127, %max3A_2129 : vector<16xf32>
      %div3A_2131 = arith.divf %mul3A_2125, %max3A_2130 : vector<16xf32>
      %min3A_2132 = arith.minimumf %get3A_2106, %select_n3A_884 : vector<16xf32>
      %max3A_2133 = arith.maximumf %get3A_2102, %select_n3A_878 : vector<16xf32>
      %sub3A_2134 = arith.subf %min3A_2132, %max3A_2133 : vector<16xf32>
      %max3A_2135 = arith.constant 0.000000e+00 : f32
      %max3A_2136 = vector.broadcast %max3A_2135 : f32 to vector<16xf32>
      %max3A_2137 = arith.maximumf %sub3A_2134, %max3A_2136 : vector<16xf32>
      %min3A_2138 = arith.minimumf %get3A_2108, %select_n3A_887 : vector<16xf32>
      %max3A_2139 = arith.maximumf %get3A_2104, %select_n3A_881 : vector<16xf32>
      %sub3A_2140 = arith.subf %min3A_2138, %max3A_2139 : vector<16xf32>
      %max3A_2141 = arith.constant 0.000000e+00 : f32
      %max3A_2142 = vector.broadcast %max3A_2141 : f32 to vector<16xf32>
      %max3A_2143 = arith.maximumf %sub3A_2140, %max3A_2142 : vector<16xf32>
      %mul3A_2144 = arith.mulf %max3A_2137, %max3A_2143 : vector<16xf32>
      %add3A_2145 = arith.addf %select_n3A_890, %get3A_2110 : vector<16xf32>
      %sub3A_2146 = arith.subf %add3A_2145, %mul3A_2144 : vector<16xf32>
      %max3A_2147 = arith.constant 9.99999971E-10 : f32
      %max3A_2148 = vector.broadcast %max3A_2147 : f32 to vector<16xf32>
      %max3A_2149 = arith.maximumf %sub3A_2146, %max3A_2148 : vector<16xf32>
      %div3A_2150 = arith.divf %mul3A_2144, %max3A_2149 : vector<16xf32>
      %gt3A_2151 = arith.constant 0.00999999977 : f32
      %gt3A_2152 = vector.broadcast %gt3A_2151 : f32 to vector<16xf32>
      %gt3A_2153 = arith.cmpf ogt, %div3A_2131, %gt3A_2152 : vector<16xf32>
      %gt3A_2154 = arith.constant 0.00999999977 : f32
      %gt3A_2155 = vector.broadcast %gt3A_2154 : f32 to vector<16xf32>
      %gt3A_2156 = arith.cmpf ogt, %div3A_2150, %gt3A_2155 : vector<16xf32>
      %or3A_2157 = arith.ori %gt3A_2153, %gt3A_2156 : vector<16xi1>
      %select_n3A_2158 = arith.select %or3A_2157, %broadcast_in_dim3A_5, %get3A_2112 : vector<16xi1>, vector<16xf32>
      %swap3A_2159 = arith.constant 272 : index
      %swap3A_2160 = tpu.vector_load %arg16[%swap3A_2159] {strides = array<i32>} : memref<5120xf32, #tpu.memory_space<vmem>>, vector<16xf32>,
      tpu.vector_store %arg16[%swap3A_2159], %select_n3A_2158 {strides = array<i32>} : memref<5120xf32, #tpu.memory_space<vmem>>, vector<16xf32>,
      %add3A_2161 = arith.constant 272 : i32
      %add3A_2162 = vector.broadcast %add3A_2161 : i32 to vector<16xi32>
      %add3A_2163 = arith.addi %iota3A, %add3A_2162 : vector<16xi32>
      %gt3A_2164 = arith.cmpf ogt, %select_n3A_2158, %select_n3A_2099 : vector<16xf32>
      %gt3A_2165 = arith.cmpf ogt, %select_n3A_2158, %select_n3A_2096 : vector<16xf32>
      %select_n3A_2166 = arith.select %gt3A_2165, %select_n3A_2158, %select_n3A_2096 : vector<16xi1>, vector<16xf32>
      %select_n3A_2167 = arith.select %gt3A_2164, %select_n3A_2099, %select_n3A_2166 : vector<16xi1>, vector<16xf32>
      %select_n3A_2168 = arith.select %gt3A_2165, %add3A_2163, %select_n3A_2098 : vector<16xi1>, vector<16xi32>
      %select_n3A_2169 = arith.select %gt3A_2164, %select_n3A_2100, %select_n3A_2168 : vector<16xi1>, vector<16xi32>
      %select_n3A_2170 = arith.select %gt3A_2164, %select_n3A_2158, %select_n3A_2099 : vector<16xi1>, vector<16xf32>
      %select_n3A_2171 = arith.select %gt3A_2164, %add3A_2163, %select_n3A_2100 : vector<16xi1>, vector<16xi32>
      %get3A_2172 = arith.constant 608 : index
      %get3A_2173 = tpu.vector_load %arg16[%get3A_2172] {strides = array<i32>} : memref<5120xf32, #tpu.memory_space<vmem>>, vector<16xf32>,
      %get3A_2174 = arith.constant 928 : index
      %get3A_2175 = tpu.vector_load %arg16[%get3A_2174] {strides = array<i32>} : memref<5120xf32, #tpu.memory_space<vmem>>, vector<16xf32>,
      %get3A_2176 = arith.constant 1248 : index
      %get3A_2177 = tpu.vector_load %arg16[%get3A_2176] {strides = array<i32>} : memref<5120xf32, #tpu.memory_space<vmem>>, vector<16xf32>,
      %get3A_2178 = arith.constant 1568 : index
      %get3A_2179 = tpu.vector_load %arg16[%get3A_2178] {strides = array<i32>} : memref<5120xf32, #tpu.memory_space<vmem>>, vector<16xf32>,
      %get3A_2180 = arith.constant 1888 : index
      %get3A_2181 = tpu.vector_load %arg16[%get3A_2180] {strides = array<i32>} : memref<5120xf32, #tpu.memory_space<vmem>>, vector<16xf32>,
      %get3A_2182 = arith.constant 288 : index
      %get3A_2183 = tpu.vector_load %arg16[%get3A_2182] {strides = array<i32>} : memref<5120xf32, #tpu.memory_space<vmem>>, vector<16xf32>,
      %min3A_2184 = arith.minimumf %get3A_2177, %gather3A_823 : vector<16xf32>
      %max3A_2185 = arith.maximumf %get3A_2173, %gather3A_815 : vector<16xf32>
      %sub3A_2186 = arith.subf %min3A_2184, %max3A_2185 : vector<16xf32>
      %max3A_2187 = arith.constant 0.000000e+00 : f32
      %max3A_2188 = vector.broadcast %max3A_2187 : f32 to vector<16xf32>
      %max3A_2189 = arith.maximumf %sub3A_2186, %max3A_2188 : vector<16xf32>
      %min3A_2190 = arith.minimumf %get3A_2179, %gather3A_827 : vector<16xf32>
      %max3A_2191 = arith.maximumf %get3A_2175, %gather3A_819 : vector<16xf32>
      %sub3A_2192 = arith.subf %min3A_2190, %max3A_2191 : vector<16xf32>
      %max3A_2193 = arith.constant 0.000000e+00 : f32
      %max3A_2194 = vector.broadcast %max3A_2193 : f32 to vector<16xf32>
      %max3A_2195 = arith.maximumf %sub3A_2192, %max3A_2194 : vector<16xf32>
      %mul3A_2196 = arith.mulf %max3A_2189, %max3A_2195 : vector<16xf32>
      %add3A_2197 = arith.addf %gather3A_831, %get3A_2181 : vector<16xf32>
      %sub3A_2198 = arith.subf %add3A_2197, %mul3A_2196 : vector<16xf32>
      %max3A_2199 = arith.constant 9.99999971E-10 : f32
      %max3A_2200 = vector.broadcast %max3A_2199 : f32 to vector<16xf32>
      %max3A_2201 = arith.maximumf %sub3A_2198, %max3A_2200 : vector<16xf32>
      %div3A_2202 = arith.divf %mul3A_2196, %max3A_2201 : vector<16xf32>
      %min3A_2203 = arith.minimumf %get3A_2177, %select_n3A_884 : vector<16xf32>
      %max3A_2204 = arith.maximumf %get3A_2173, %select_n3A_878 : vector<16xf32>
      %sub3A_2205 = arith.subf %min3A_2203, %max3A_2204 : vector<16xf32>
      %max3A_2206 = arith.constant 0.000000e+00 : f32
      %max3A_2207 = vector.broadcast %max3A_2206 : f32 to vector<16xf32>
      %max3A_2208 = arith.maximumf %sub3A_2205, %max3A_2207 : vector<16xf32>
      %min3A_2209 = arith.minimumf %get3A_2179, %select_n3A_887 : vector<16xf32>
      %max3A_2210 = arith.maximumf %get3A_2175, %select_n3A_881 : vector<16xf32>
      %sub3A_2211 = arith.subf %min3A_2209, %max3A_2210 : vector<16xf32>
      %max3A_2212 = arith.constant 0.000000e+00 : f32
      %max3A_2213 = vector.broadcast %max3A_2212 : f32 to vector<16xf32>
      %max3A_2214 = arith.maximumf %sub3A_2211, %max3A_2213 : vector<16xf32>
      %mul3A_2215 = arith.mulf %max3A_2208, %max3A_2214 : vector<16xf32>
      %add3A_2216 = arith.addf %select_n3A_890, %get3A_2181 : vector<16xf32>
      %sub3A_2217 = arith.subf %add3A_2216, %mul3A_2215 : vector<16xf32>
      %max3A_2218 = arith.constant 9.99999971E-10 : f32
      %max3A_2219 = vector.broadcast %max3A_2218 : f32 to vector<16xf32>
      %max3A_2220 = arith.maximumf %sub3A_2217, %max3A_2219 : vector<16xf32>
      %div3A_2221 = arith.divf %mul3A_2215, %max3A_2220 : vector<16xf32>
      %gt3A_2222 = arith.constant 0.00999999977 : f32
      %gt3A_2223 = vector.broadcast %gt3A_2222 : f32 to vector<16xf32>
      %gt3A_2224 = arith.cmpf ogt, %div3A_2202, %gt3A_2223 : vector<16xf32>
      %gt3A_2225 = arith.constant 0.00999999977 : f32
      %gt3A_2226 = vector.broadcast %gt3A_2225 : f32 to vector<16xf32>
      %gt3A_2227 = arith.cmpf ogt, %div3A_2221, %gt3A_2226 : vector<16xf32>
      %or3A_2228 = arith.ori %gt3A_2224, %gt3A_2227 : vector<16xi1>
      %select_n3A_2229 = arith.select %or3A_2228, %broadcast_in_dim3A_5, %get3A_2183 : vector<16xi1>, vector<16xf32>
      %swap3A_2230 = arith.constant 288 : index
      %swap3A_2231 = tpu.vector_load %arg16[%swap3A_2230] {strides = array<i32>} : memref<5120xf32, #tpu.memory_space<vmem>>, vector<16xf32>,
      tpu.vector_store %arg16[%swap3A_2230], %select_n3A_2229 {strides = array<i32>} : memref<5120xf32, #tpu.memory_space<vmem>>, vector<16xf32>,
      %add3A_2232 = arith.constant 288 : i32
      %add3A_2233 = vector.broadcast %add3A_2232 : i32 to vector<16xi32>
      %add3A_2234 = arith.addi %iota3A, %add3A_2233 : vector<16xi32>
      %gt3A_2235 = arith.cmpf ogt, %select_n3A_2229, %select_n3A_2170 : vector<16xf32>
      %gt3A_2236 = arith.cmpf ogt, %select_n3A_2229, %select_n3A_2167 : vector<16xf32>
      %select_n3A_2237 = arith.select %gt3A_2236, %select_n3A_2229, %select_n3A_2167 : vector<16xi1>, vector<16xf32>
      %select_n3A_2238 = arith.select %gt3A_2235, %select_n3A_2170, %select_n3A_2237 : vector<16xi1>, vector<16xf32>
      %select_n3A_2239 = arith.select %gt3A_2236, %add3A_2234, %select_n3A_2169 : vector<16xi1>, vector<16xi32>
      %select_n3A_2240 = arith.select %gt3A_2235, %select_n3A_2171, %select_n3A_2239 : vector<16xi1>, vector<16xi32>
      %select_n3A_2241 = arith.select %gt3A_2235, %select_n3A_2229, %select_n3A_2170 : vector<16xi1>, vector<16xf32>
      %select_n3A_2242 = arith.select %gt3A_2235, %add3A_2234, %select_n3A_2171 : vector<16xi1>, vector<16xi32>
      %get3A_2243 = arith.constant 624 : index
      %get3A_2244 = tpu.vector_load %arg16[%get3A_2243] {strides = array<i32>} : memref<5120xf32, #tpu.memory_space<vmem>>, vector<16xf32>,
      %get3A_2245 = arith.constant 944 : index
      %get3A_2246 = tpu.vector_load %arg16[%get3A_2245] {strides = array<i32>} : memref<5120xf32, #tpu.memory_space<vmem>>, vector<16xf32>,
      %get3A_2247 = arith.constant 1264 : index
      %get3A_2248 = tpu.vector_load %arg16[%get3A_2247] {strides = array<i32>} : memref<5120xf32, #tpu.memory_space<vmem>>, vector<16xf32>,
      %get3A_2249 = arith.constant 1584 : index
      %get3A_2250 = tpu.vector_load %arg16[%get3A_2249] {strides = array<i32>} : memref<5120xf32, #tpu.memory_space<vmem>>, vector<16xf32>,
      %get3A_2251 = arith.constant 1904 : index
      %get3A_2252 = tpu.vector_load %arg16[%get3A_2251] {strides = array<i32>} : memref<5120xf32, #tpu.memory_space<vmem>>, vector<16xf32>,
      %get3A_2253 = arith.constant 304 : index
      %get3A_2254 = tpu.vector_load %arg16[%get3A_2253] {strides = array<i32>} : memref<5120xf32, #tpu.memory_space<vmem>>, vector<16xf32>,
      %min3A_2255 = arith.minimumf %get3A_2248, %gather3A_823 : vector<16xf32>
      %max3A_2256 = arith.maximumf %get3A_2244, %gather3A_815 : vector<16xf32>
      %sub3A_2257 = arith.subf %min3A_2255, %max3A_2256 : vector<16xf32>
      %max3A_2258 = arith.constant 0.000000e+00 : f32
      %max3A_2259 = vector.broadcast %max3A_2258 : f32 to vector<16xf32>
      %max3A_2260 = arith.maximumf %sub3A_2257, %max3A_2259 : vector<16xf32>
      %min3A_2261 = arith.minimumf %get3A_2250, %gather3A_827 : vector<16xf32>
      %max3A_2262 = arith.maximumf %get3A_2246, %gather3A_819 : vector<16xf32>
      %sub3A_2263 = arith.subf %min3A_2261, %max3A_2262 : vector<16xf32>
      %max3A_2264 = arith.constant 0.000000e+00 : f32
      %max3A_2265 = vector.broadcast %max3A_2264 : f32 to vector<16xf32>
      %max3A_2266 = arith.maximumf %sub3A_2263, %max3A_2265 : vector<16xf32>
      %mul3A_2267 = arith.mulf %max3A_2260, %max3A_2266 : vector<16xf32>
      %add3A_2268 = arith.addf %gather3A_831, %get3A_2252 : vector<16xf32>
      %sub3A_2269 = arith.subf %add3A_2268, %mul3A_2267 : vector<16xf32>
      %max3A_2270 = arith.constant 9.99999971E-10 : f32
      %max3A_2271 = vector.broadcast %max3A_2270 : f32 to vector<16xf32>
      %max3A_2272 = arith.maximumf %sub3A_2269, %max3A_2271 : vector<16xf32>
      %div3A_2273 = arith.divf %mul3A_2267, %max3A_2272 : vector<16xf32>
      %min3A_2274 = arith.minimumf %get3A_2248, %select_n3A_884 : vector<16xf32>
      %max3A_2275 = arith.maximumf %get3A_2244, %select_n3A_878 : vector<16xf32>
      %sub3A_2276 = arith.subf %min3A_2274, %max3A_2275 : vector<16xf32>
      %max3A_2277 = arith.constant 0.000000e+00 : f32
      %max3A_2278 = vector.broadcast %max3A_2277 : f32 to vector<16xf32>
      %max3A_2279 = arith.maximumf %sub3A_2276, %max3A_2278 : vector<16xf32>
      %min3A_2280 = arith.minimumf %get3A_2250, %select_n3A_887 : vector<16xf32>
      %max3A_2281 = arith.maximumf %get3A_2246, %select_n3A_881 : vector<16xf32>
      %sub3A_2282 = arith.subf %min3A_2280, %max3A_2281 : vector<16xf32>
      %max3A_2283 = arith.constant 0.000000e+00 : f32
      %max3A_2284 = vector.broadcast %max3A_2283 : f32 to vector<16xf32>
      %max3A_2285 = arith.maximumf %sub3A_2282, %max3A_2284 : vector<16xf32>
      %mul3A_2286 = arith.mulf %max3A_2279, %max3A_2285 : vector<16xf32>
      %add3A_2287 = arith.addf %select_n3A_890, %get3A_2252 : vector<16xf32>
      %sub3A_2288 = arith.subf %add3A_2287, %mul3A_2286 : vector<16xf32>
      %max3A_2289 = arith.constant 9.99999971E-10 : f32
      %max3A_2290 = vector.broadcast %max3A_2289 : f32 to vector<16xf32>
      %max3A_2291 = arith.maximumf %sub3A_2288, %max3A_2290 : vector<16xf32>
      %div3A_2292 = arith.divf %mul3A_2286, %max3A_2291 : vector<16xf32>
      %gt3A_2293 = arith.constant 0.00999999977 : f32
      %gt3A_2294 = vector.broadcast %gt3A_2293 : f32 to vector<16xf32>
      %gt3A_2295 = arith.cmpf ogt, %div3A_2273, %gt3A_2294 : vector<16xf32>
      %gt3A_2296 = arith.constant 0.00999999977 : f32
      %gt3A_2297 = vector.broadcast %gt3A_2296 : f32 to vector<16xf32>
      %gt3A_2298 = arith.cmpf ogt, %div3A_2292, %gt3A_2297 : vector<16xf32>
      %or3A_2299 = arith.ori %gt3A_2295, %gt3A_2298 : vector<16xi1>
      %select_n3A_2300 = arith.select %or3A_2299, %broadcast_in_dim3A_5, %get3A_2254 : vector<16xi1>, vector<16xf32>
      %swap3A_2301 = arith.constant 304 : index
      %swap3A_2302 = tpu.vector_load %arg16[%swap3A_2301] {strides = array<i32>} : memref<5120xf32, #tpu.memory_space<vmem>>, vector<16xf32>,
      tpu.vector_store %arg16[%swap3A_2301], %select_n3A_2300 {strides = array<i32>} : memref<5120xf32, #tpu.memory_space<vmem>>, vector<16xf32>,
      %add3A_2303 = arith.constant 304 : i32
      %add3A_2304 = vector.broadcast %add3A_2303 : i32 to vector<16xi32>
      %add3A_2305 = arith.addi %iota3A, %add3A_2304 : vector<16xi32>
      %gt3A_2306 = arith.cmpf ogt, %select_n3A_2300, %select_n3A_2241 : vector<16xf32>
      %gt3A_2307 = arith.cmpf ogt, %select_n3A_2300, %select_n3A_2238 : vector<16xf32>
      %select_n3A_2308 = arith.select %gt3A_2307, %select_n3A_2300, %select_n3A_2238 : vector<16xi1>, vector<16xf32>
      %select_n3A_2309 = arith.select %gt3A_2306, %select_n3A_2241, %select_n3A_2308 : vector<16xi1>, vector<16xf32>
      %select_n3A_2310 = arith.select %gt3A_2307, %add3A_2305, %select_n3A_2240 : vector<16xi1>, vector<16xi32>
      %select_n3A_2311 = arith.select %gt3A_2306, %select_n3A_2242, %select_n3A_2310 : vector<16xi1>, vector<16xi32>
      %select_n3A_2312 = arith.select %gt3A_2306, %select_n3A_2300, %select_n3A_2241 : vector<16xi1>, vector<16xf32>
      %select_n3A_2313 = arith.select %gt3A_2306, %add3A_2305, %select_n3A_2242 : vector<16xi1>, vector<16xi32>
      %broadcast_in_dim3A_2314 = vector.broadcast %reduce_max3A_767 : f32 to vector<16xf32>
      %gt3A_2315 = arith.constant 0.000000e+00 : f32
      %gt3A_2316 = vector.broadcast %gt3A_2315 : f32 to vector<16xf32>
      %gt3A_2317 = arith.cmpf ogt, %broadcast_in_dim3A_2314, %gt3A_2316 : vector<16xf32>
      %add3A_2318 = arith.constant 10 : i32
      %add3A_2319 = vector.broadcast %add3A_2318 : i32 to vector<16xi32>
      %add3A_2320 = arith.addi %mul3A_784, %add3A_2319 : vector<16xi32>
      %gather3A_2321 = tpu.vector_load_idx %arg18[%add3A_2320] : memref<512xf32, #tpu.memory_space<vmem>>[vector<16xi32>], vector<16xf32>,
      %add3A_2322 = arith.constant 6 : i32
      %add3A_2323 = vector.broadcast %add3A_2322 : i32 to vector<16xi32>
      %add3A_2324 = arith.addi %iota3A, %add3A_2323 : vector<16xi32>
      %min3A_2325 = arith.constant 15 : i32
      %min3A_2326 = vector.broadcast %min3A_2325 : i32 to vector<16xi32>
      %min3A_2327 = arith.minsi %add3A_2324, %min3A_2326 : vector<16xi32>
      %add3A_2328 = arith.addi %mul3A_784, %min3A_2327 : vector<16xi32>
      %gather3A_2329 = tpu.vector_load_idx %arg18[%add3A_2328] : memref<512xf32, #tpu.memory_space<vmem>>[vector<16xi32>], vector<16xf32>,
      %add3A_2330 = arith.constant 10 : i32
      %add3A_2331 = vector.broadcast %add3A_2330 : i32 to vector<16xi32>
      %add3A_2332 = arith.addi %broadcast_in_dim3A_811, %add3A_2331 : vector<16xi32>
      %gather3A_2333 = tpu.vector_load_idx %arg18[%add3A_2332] : memref<512xf32, #tpu.memory_space<vmem>>[vector<16xi32>], vector<16xf32>,
      %add3A_2334 = arith.constant 6 : i32
      %add3A_2335 = vector.broadcast %add3A_2334 : i32 to vector<16xi32>
      %add3A_2336 = arith.addi %iota3A, %add3A_2335 : vector<16xi32>
      %min3A_2337 = arith.constant 15 : i32
      %min3A_2338 = vector.broadcast %min3A_2337 : i32 to vector<16xi32>
      %min3A_2339 = arith.minsi %add3A_2336, %min3A_2338 : vector<16xi32>
      %add3A_2340 = arith.addi %broadcast_in_dim3A_811, %min3A_2339 : vector<16xi32>
      %gather3A_2341 = tpu.vector_load_idx %arg18[%add3A_2340] : memref<512xf32, #tpu.memory_space<vmem>>[vector<16xi32>], vector<16xf32>,
      %broadcast_in_dim3A_2342 = vector.broadcast %while3A_682 : i32 to vector<16xi32>
      %add3A_2343 = arith.constant 1 : i32
      %add3A_2344 = vector.broadcast %add3A_2343 : i32 to vector<16xi32>
      %add3A_2345 = arith.addi %broadcast_in_dim3A_2342, %add3A_2344 : vector<16xi32>
      %eq3A_2346 = arith.constant 0 : i32
      %eq3A_2347 = vector.broadcast %eq3A_2346 : i32 to vector<16xi32>
      %eq3A_2348 = arith.cmpi eq, %iota3A, %eq3A_2347 : vector<16xi32>
      %and3A_2349 = arith.andi %and3A_875, %gt3A_2317 : vector<16xi1>
      %and3A_2350 = arith.andi %eq3A_2348, %gt3A_2317 : vector<16xi1>
      tpu.vector_store_idx %arg19[%broadcast_in_dim3A_2342], %broadcast_in_dim3A_2314 masked %and3A_2350 : memref<304xf32, #tpu.memory_space<vmem>>[vector<16xi32>], vector<16xf32>, vector<16xi1>
      %and3A_2351 = arith.andi %eq3A_2348, %gt3A_2317 : vector<16xi1>
      tpu.vector_store_idx %arg21[%broadcast_in_dim3A_2342], %gather3A_2321 masked %and3A_2351 : memref<304xf32, #tpu.memory_space<vmem>>[vector<16xi32>], vector<16xf32>, vector<16xi1>
      %mul3A_2352 = arith.constant 4 : i32
      %mul3A_2353 = vector.broadcast %mul3A_2352 : i32 to vector<16xi32>
      %mul3A_2354 = arith.muli %broadcast_in_dim3A_2342, %mul3A_2353 : vector<16xi32>
      %add3A_2355 = arith.addi %mul3A_2354, %iota3A : vector<16xi32>
      %lt3A_2356 = arith.constant 4 : i32
      %lt3A_2357 = vector.broadcast %lt3A_2356 : i32 to vector<16xi32>
      %lt3A_2358 = arith.cmpi slt, %iota3A, %lt3A_2357 : vector<16xi32>
      %and3A_2359 = arith.andi %lt3A_2358, %gt3A_2317 : vector<16xi1>
      tpu.vector_store_idx %arg20[%add3A_2355], %gather3A_2329 masked %and3A_2359 : memref<1216xf32, #tpu.memory_space<vmem>>[vector<16xi32>], vector<16xf32>, vector<16xi1>
      %and3A_2360 = arith.andi %eq3A_2348, %and3A_2349 : vector<16xi1>
      tpu.vector_store_idx %arg19[%add3A_2345], %broadcast_in_dim3A_867 masked %and3A_2360 : memref<304xf32, #tpu.memory_space<vmem>>[vector<16xi32>], vector<16xf32>, vector<16xi1>
      %and3A_2361 = arith.andi %eq3A_2348, %and3A_2349 : vector<16xi1>
      tpu.vector_store_idx %arg21[%add3A_2345], %gather3A_2333 masked %and3A_2361 : memref<304xf32, #tpu.memory_space<vmem>>[vector<16xi32>], vector<16xf32>, vector<16xi1>
      %mul3A_2362 = arith.constant 4 : i32
      %mul3A_2363 = vector.broadcast %mul3A_2362 : i32 to vector<16xi32>
      %mul3A_2364 = arith.muli %add3A_2345, %mul3A_2363 : vector<16xi32>
      %add3A_2365 = arith.addi %mul3A_2364, %iota3A : vector<16xi32>
      %lt3A_2366 = arith.constant 4 : i32
      %lt3A_2367 = vector.broadcast %lt3A_2366 : i32 to vector<16xi32>
      %lt3A_2368 = arith.cmpi slt, %iota3A, %lt3A_2367 : vector<16xi32>
      %and3A_2369 = arith.andi %lt3A_2368, %and3A_2349 : vector<16xi1>
      tpu.vector_store_idx %arg20[%add3A_2365], %gather3A_2341 masked %and3A_2369 : memref<1216xf32, #tpu.memory_space<vmem>>[vector<16xi32>], vector<16xf32>, vector<16xi1>
      %gt3A_2370 = arith.constant 0.000000e+00 : f32
      %gt3A_2371 = arith.cmpf ogt, %reduce_max3A_767, %gt3A_2370 : f32
      %convert_element_type3A_2372 = arith.extui %gt3A_2371 : i1 to i32
      %jit3A_2373 = arith.constant 1 : i32
      %jit3A_2374 = arith.constant 0 : i32
      %broadcast_in_dim3A_2375 = vector.broadcast %jit3A_2373 : i32 to vector<16xi32>
      %broadcast_in_dim3A_2376 = vector.broadcast %jit3A_2374 : i32 to vector<16xi32>
      %select_n3A_2377 = arith.select %and3A_2349, %broadcast_in_dim3A_2375, %broadcast_in_dim3A_2376 : vector<16xi1>, vector<16xi32>
      %reduce_max3A_2378 = arith.constant true
      %reduce_max3A_2379 = vector.broadcast %reduce_max3A_2378 : i1 to vector<16xi1>
      %reduce_max3A_2380 = arith.constant -2147483648 : i32
      %reduce_max3A_2381 = vector.broadcast %reduce_max3A_2380 : i32 to vector<16xi32>
      %reduce_max3A_2382 = arith.xori %select_n3A_2377, %reduce_max3A_2381 : vector<16xi32>
      %reduce_max3A_2383 = tpu.scan <max>, %reduce_max3A_2382 masked %reduce_max3A_2379 : vector<16xi32>, vector<16xi1> -> vector<16xi32>
      %reduce_max3A_2384 = arith.xori %reduce_max3A_2383, %reduce_max3A_2381 : vector<16xi32>
      %reduce_max3A_2385 = vector.extract %reduce_max3A_2384[15] : i32 from vector<16xi32>
      %add3A_2386 = arith.addi %while3A_682, %convert_element_type3A_2372 : i32
      %mul3A_2387 = arith.muli %convert_element_type3A_2372, %reduce_max3A_2385 : i32
      %add3A_2388 = arith.addi %add3A_2386, %mul3A_2387 : i32
      %add3A_2389 = arith.constant 1 : i32
      %add3A_2390 = arith.addi %while3A_684, %add3A_2389 : i32
      scf.yield %select_n3A_2312, %select_n3A_2313, %select_n3A_2309, %select_n3A_2311, %add3A_2388, %reduce_max3A_767, %add3A_2390 : vector<16xf32>, vector<16xi32>, vector<16xf32>, vector<16xi32>, i32, f32, i32
    }
    %eq3A = arith.constant 0 : i32
    %eq3A_675 = arith.cmpi eq, %arg1, %eq3A : i32
    %convert_element_type3A_676 = arith.extui %eq3A_675 : i1 to i32
    %cond3A = arith.constant 0 : i32
    %cond3A_677 = arith.cmpi ne, %convert_element_type3A_676, %cond3A : i32
    scf.if %cond3A_677 {
      %mul3A_678 = arith.constant 304 : i32
      %mul3A_679 = arith.muli %arg0, %mul3A_678 : i32
      "tpu.region"() ({
        %run_scoped3A = tpu.sem_alloc : memref<!tpu.dma_semaphore, #tpu.memory_space<semaphore_mem>>
        %dma_start3A = tpu.memref_slice %arg13[%mul3A_679] : memref<608xf32, #tpu.memory_space<hbm>> -> memref<304xf32, #tpu.memory_space<hbm>>
        %dma_start3A_686 = tpu.memref_slice %arg13[%mul3A_679] : memref<608xf32, #tpu.memory_space<hbm>> -> memref<304xf32, #tpu.memory_space<hbm>>
        tpu.enqueue_dma source(%arg19 : memref<304xf32, #tpu.memory_space<vmem>>) target(%dma_start3A_686 : memref<304xf32, #tpu.memory_space<hbm>>) target_semaphore(%run_scoped3A : memref<!tpu.dma_semaphore, #tpu.memory_space<semaphore_mem>>)
        %dma_wait3A = tpu.memref_slice %arg13[%mul3A_679] : memref<608xf32, #tpu.memory_space<hbm>> -> memref<304xf32, #tpu.memory_space<hbm>>
        %dma_wait3A_687 = tpu.memref_slice %arg13[%mul3A_679] : memref<608xf32, #tpu.memory_space<hbm>> -> memref<304xf32, #tpu.memory_space<hbm>>
        tpu.wait_dma2 semaphore(%run_scoped3A : memref<!tpu.dma_semaphore, #tpu.memory_space<semaphore_mem>>) src(%arg19 : memref<304xf32, #tpu.memory_space<vmem>>) dst(%dma_wait3A_687 : memref<304xf32, #tpu.memory_space<hbm>>)
        tpu.yield
      }) : () -> ()
      %mul3A_680 = arith.constant 304 : i32
      %mul3A_681 = arith.muli %arg0, %mul3A_680 : i32
      %mul3A_682 = arith.constant 4 : i32
      %mul3A_683 = arith.muli %mul3A_681, %mul3A_682 : i32
      "tpu.region"() ({
        %run_scoped3A = tpu.sem_alloc : memref<!tpu.dma_semaphore, #tpu.memory_space<semaphore_mem>>
        %dma_start3A = tpu.memref_slice %arg14[%mul3A_683] : memref<2432xf32, #tpu.memory_space<hbm>> -> memref<1216xf32, #tpu.memory_space<hbm>>
        %dma_start3A_686 = tpu.memref_slice %arg14[%mul3A_683] : memref<2432xf32, #tpu.memory_space<hbm>> -> memref<1216xf32, #tpu.memory_space<hbm>>
        tpu.enqueue_dma source(%arg20 : memref<1216xf32, #tpu.memory_space<vmem>>) target(%dma_start3A_686 : memref<1216xf32, #tpu.memory_space<hbm>>) target_semaphore(%run_scoped3A : memref<!tpu.dma_semaphore, #tpu.memory_space<semaphore_mem>>)
        %dma_wait3A = tpu.memref_slice %arg14[%mul3A_683] : memref<2432xf32, #tpu.memory_space<hbm>> -> memref<1216xf32, #tpu.memory_space<hbm>>
        %dma_wait3A_687 = tpu.memref_slice %arg14[%mul3A_683] : memref<2432xf32, #tpu.memory_space<hbm>> -> memref<1216xf32, #tpu.memory_space<hbm>>
        tpu.wait_dma2 semaphore(%run_scoped3A : memref<!tpu.dma_semaphore, #tpu.memory_space<semaphore_mem>>) src(%arg20 : memref<1216xf32, #tpu.memory_space<vmem>>) dst(%dma_wait3A_687 : memref<1216xf32, #tpu.memory_space<hbm>>)
        tpu.yield
      }) : () -> ()
      %mul3A_684 = arith.constant 304 : i32
      %mul3A_685 = arith.muli %arg0, %mul3A_684 : i32
      "tpu.region"() ({
        %run_scoped3A = tpu.sem_alloc : memref<!tpu.dma_semaphore, #tpu.memory_space<semaphore_mem>>
        %dma_start3A = tpu.memref_slice %arg15[%mul3A_685] : memref<608xf32, #tpu.memory_space<hbm>> -> memref<304xf32, #tpu.memory_space<hbm>>
        %dma_start3A_686 = tpu.memref_slice %arg15[%mul3A_685] : memref<608xf32, #tpu.memory_space<hbm>> -> memref<304xf32, #tpu.memory_space<hbm>>
        tpu.enqueue_dma source(%arg21 : memref<304xf32, #tpu.memory_space<vmem>>) target(%dma_start3A_686 : memref<304xf32, #tpu.memory_space<hbm>>) target_semaphore(%run_scoped3A : memref<!tpu.dma_semaphore, #tpu.memory_space<semaphore_mem>>)
        %dma_wait3A = tpu.memref_slice %arg15[%mul3A_685] : memref<608xf32, #tpu.memory_space<hbm>> -> memref<304xf32, #tpu.memory_space<hbm>>
        %dma_wait3A_687 = tpu.memref_slice %arg15[%mul3A_685] : memref<608xf32, #tpu.memory_space<hbm>> -> memref<304xf32, #tpu.memory_space<hbm>>
        tpu.wait_dma2 semaphore(%run_scoped3A : memref<!tpu.dma_semaphore, #tpu.memory_space<semaphore_mem>>) src(%arg21 : memref<304xf32, #tpu.memory_space<vmem>>) dst(%dma_wait3A_687 : memref<304xf32, #tpu.memory_space<hbm>>)
        tpu.yield
      }) : () -> ()
    } else {
    }
    return
  }
}

module attributes {stable_mosaic.version = 14 : i64} {
  func.func @_prep_body(%arg0: memref<80x10000xf32, #tpu.memory_space<vmem>>, %arg1: memref<4x10000xf32, #tpu.memory_space<vmem>>, %arg2: memref<10240xf32, #tpu.memory_space<vmem>>, %arg3: memref<10240xf32, #tpu.memory_space<vmem>>, %arg4: memref<10240xf32, #tpu.memory_space<vmem>>, %arg5: memref<10240xf32, #tpu.memory_space<vmem>>, %arg6: memref<10240xf32, #tpu.memory_space<vmem>>, %arg7: memref<10240xf32, #tpu.memory_space<vmem>>, %arg8: memref<10240xf32, #tpu.memory_space<vmem>>, %arg9: memref<10240xf32, #tpu.memory_space<vmem>>, %arg10: memref<10240xf32, #tpu.memory_space<vmem>>, %arg11: memref<10240xf32, #tpu.memory_space<vmem>>, %arg12: memref<10240xf32, #tpu.memory_space<vmem>>) attributes {dimension_semantics = [], scalar_prefetch = 0 : i64, scratch_operands = 0 : i64, tpu.core_type = #tpu.core_type<tc>} {
    %get3A = arith.constant 0 : index
    %get3A_0 = arith.constant 0 : index
    %get3A_1 = vector.load %arg0[%get3A, %get3A_0] : memref<80x10000xf32, #tpu.memory_space<vmem>>, vector<80x10000xf32>
    %reduce_max3A = arith.constant dense<0xFF800000> : vector<10000xf32>
    %reduce_max3A_2 = vector.multi_reduction <maximumf>, %get3A_1, %reduce_max3A [0] : vector<80x10000xf32> to vector<10000xf32>
    %iota3A = tpu.iota {dimensions = array<i32: 0>} : vector<80x10000xi32>
    %broadcast_in_dim3A = vector.shape_cast %reduce_max3A_2 : vector<10000xf32> to vector<1x10000xf32>
    %eq3A = vector.broadcast %broadcast_in_dim3A : vector<1x10000xf32> to vector<80x10000xf32>
    %eq3A_3 = arith.cmpf oeq, %get3A_1, %eq3A : vector<80x10000xf32>
    %jit3A = arith.constant 80 : i32
    %broadcast_in_dim3A_4 = vector.broadcast %jit3A : i32 to vector<80x10000xi32>
    %select_n3A = arith.select %eq3A_3, %iota3A, %broadcast_in_dim3A_4 : vector<80x10000xi1>, vector<80x10000xi32>
    %reduce_min3A = arith.constant dense<2147483647> : vector<10000xi32>
    %reduce_min3A_5 = vector.multi_reduction <minsi>, %select_n3A, %reduce_min3A [0] : vector<80x10000xi32> to vector<10000xi32>
    %convert_element_type3A = arith.sitofp %reduce_min3A_5 : vector<10000xi32> to vector<10000xf32>
    %get3A_6 = arith.constant 0 : index
    %get3A_7 = arith.constant 0 : index
    %get3A_8 = vector.load %arg1[%get3A_6, %get3A_7] : memref<4x10000xf32, #tpu.memory_space<vmem>>, vector<1x10000xf32>
    %get3A_9 = vector.shape_cast %get3A_8 : vector<1x10000xf32> to vector<10000xf32>
    %get3A_10 = arith.constant 1 : index
    %get3A_11 = arith.constant 0 : index
    %get3A_12 = vector.load %arg1[%get3A_10, %get3A_11] : memref<4x10000xf32, #tpu.memory_space<vmem>>, vector<1x10000xf32>
    %get3A_13 = vector.shape_cast %get3A_12 : vector<1x10000xf32> to vector<10000xf32>
    %get3A_14 = arith.constant 2 : index
    %get3A_15 = arith.constant 0 : index
    %get3A_16 = vector.load %arg1[%get3A_14, %get3A_15] : memref<4x10000xf32, #tpu.memory_space<vmem>>, vector<1x10000xf32>
    %get3A_17 = vector.shape_cast %get3A_16 : vector<1x10000xf32> to vector<10000xf32>
    %get3A_18 = arith.constant 3 : index
    %get3A_19 = arith.constant 0 : index
    %get3A_20 = vector.load %arg1[%get3A_18, %get3A_19] : memref<4x10000xf32, #tpu.memory_space<vmem>>, vector<1x10000xf32>
    %get3A_21 = vector.shape_cast %get3A_20 : vector<1x10000xf32> to vector<10000xf32>
    %mul3A = arith.constant 5.000000e-01 : f32
    %mul3A_22 = vector.broadcast %mul3A : f32 to vector<10000xf32>
    %mul3A_23 = arith.mulf %mul3A_22, %get3A_17 : vector<10000xf32>
    %sub3A = arith.subf %get3A_9, %mul3A_23 : vector<10000xf32>
    %mul3A_24 = arith.constant 6.400000e+02 : f32
    %mul3A_25 = vector.broadcast %mul3A_24 : f32 to vector<10000xf32>
    %mul3A_26 = arith.mulf %sub3A, %mul3A_25 : vector<10000xf32>
    %mul3A_27 = arith.constant 5.000000e-01 : f32
    %mul3A_28 = vector.broadcast %mul3A_27 : f32 to vector<10000xf32>
    %mul3A_29 = arith.mulf %mul3A_28, %get3A_21 : vector<10000xf32>
    %sub3A_30 = arith.subf %get3A_13, %mul3A_29 : vector<10000xf32>
    %mul3A_31 = arith.constant 6.400000e+02 : f32
    %mul3A_32 = vector.broadcast %mul3A_31 : f32 to vector<10000xf32>
    %mul3A_33 = arith.mulf %sub3A_30, %mul3A_32 : vector<10000xf32>
    %mul3A_34 = arith.constant 5.000000e-01 : f32
    %mul3A_35 = vector.broadcast %mul3A_34 : f32 to vector<10000xf32>
    %mul3A_36 = arith.mulf %mul3A_35, %get3A_17 : vector<10000xf32>
    %add3A = arith.addf %get3A_9, %mul3A_36 : vector<10000xf32>
    %mul3A_37 = arith.constant 6.400000e+02 : f32
    %mul3A_38 = vector.broadcast %mul3A_37 : f32 to vector<10000xf32>
    %mul3A_39 = arith.mulf %add3A, %mul3A_38 : vector<10000xf32>
    %mul3A_40 = arith.constant 5.000000e-01 : f32
    %mul3A_41 = vector.broadcast %mul3A_40 : f32 to vector<10000xf32>
    %mul3A_42 = arith.mulf %mul3A_41, %get3A_21 : vector<10000xf32>
    %add3A_43 = arith.addf %get3A_13, %mul3A_42 : vector<10000xf32>
    %mul3A_44 = arith.constant 6.400000e+02 : f32
    %mul3A_45 = vector.broadcast %mul3A_44 : f32 to vector<10000xf32>
    %mul3A_46 = arith.mulf %add3A_43, %mul3A_45 : vector<10000xf32>
    %mul3A_47 = arith.constant 1.281000e+03 : f32
    %mul3A_48 = vector.broadcast %mul3A_47 : f32 to vector<10000xf32>
    %mul3A_49 = arith.mulf %convert_element_type3A, %mul3A_48 : vector<10000xf32>
    %add3A_50 = arith.addf %mul3A_26, %mul3A_49 : vector<10000xf32>
    %add3A_51 = arith.addf %mul3A_33, %mul3A_49 : vector<10000xf32>
    %add3A_52 = arith.addf %mul3A_39, %mul3A_49 : vector<10000xf32>
    %add3A_53 = arith.addf %mul3A_46, %mul3A_49 : vector<10000xf32>
    %sub3A_54 = arith.subf %add3A_52, %add3A_50 : vector<10000xf32>
    %max3A = arith.constant 0.000000e+00 : f32
    %max3A_55 = vector.broadcast %max3A : f32 to vector<10000xf32>
    %max3A_56 = arith.maximumf %sub3A_54, %max3A_55 : vector<10000xf32>
    %sub3A_57 = arith.subf %add3A_53, %add3A_51 : vector<10000xf32>
    %max3A_58 = arith.constant 0.000000e+00 : f32
    %max3A_59 = vector.broadcast %max3A_58 : f32 to vector<10000xf32>
    %max3A_60 = arith.maximumf %sub3A_57, %max3A_59 : vector<10000xf32>
    %mul3A_61 = arith.mulf %max3A_56, %max3A_60 : vector<10000xf32>
    %slice3A = vector.extract_strided_slice %reduce_max3A_2 {offsets = [0], sizes = [5000], strides = [1]} : vector<10000xf32> to vector<5000xf32>
    %swap3A = arith.constant 0 : index
    %swap3A_62 = vector.load %arg2[%swap3A] : memref<10240xf32, #tpu.memory_space<vmem>>, vector<5000xf32>
    tpu.vector_store %arg2[%swap3A], %slice3A {strides = array<i32>} : memref<10240xf32, #tpu.memory_space<vmem>>, vector<5000xf32>,
    %broadcast_in_dim3A_63 = arith.constant -1.000000e+09 : f32
    %broadcast_in_dim3A_64 = vector.broadcast %broadcast_in_dim3A_63 : f32 to vector<120xf32>
    %swap3A_65 = arith.constant 5000 : index
    %swap3A_66 = vector.load %arg2[%swap3A_65] : memref<10240xf32, #tpu.memory_space<vmem>>, vector<120xf32>
    tpu.vector_store %arg2[%swap3A_65], %broadcast_in_dim3A_64 {strides = array<i32>} : memref<10240xf32, #tpu.memory_space<vmem>>, vector<120xf32>,
    %slice3A_67 = vector.extract_strided_slice %reduce_max3A_2 {offsets = [5000], sizes = [5000], strides = [1]} : vector<10000xf32> to vector<5000xf32>
    %swap3A_68 = arith.constant 5120 : index
    %swap3A_69 = vector.load %arg2[%swap3A_68] : memref<10240xf32, #tpu.memory_space<vmem>>, vector<5000xf32>
    tpu.vector_store %arg2[%swap3A_68], %slice3A_67 {strides = array<i32>} : memref<10240xf32, #tpu.memory_space<vmem>>, vector<5000xf32>,
    %broadcast_in_dim3A_70 = arith.constant -1.000000e+09 : f32
    %broadcast_in_dim3A_71 = vector.broadcast %broadcast_in_dim3A_70 : f32 to vector<120xf32>
    %swap3A_72 = arith.constant 10120 : index
    %swap3A_73 = vector.load %arg2[%swap3A_72] : memref<10240xf32, #tpu.memory_space<vmem>>, vector<120xf32>
    tpu.vector_store %arg2[%swap3A_72], %broadcast_in_dim3A_71 {strides = array<i32>} : memref<10240xf32, #tpu.memory_space<vmem>>, vector<120xf32>,
    %slice3A_74 = vector.extract_strided_slice %convert_element_type3A {offsets = [0], sizes = [5000], strides = [1]} : vector<10000xf32> to vector<5000xf32>
    %swap3A_75 = arith.constant 0 : index
    %swap3A_76 = vector.load %arg3[%swap3A_75] : memref<10240xf32, #tpu.memory_space<vmem>>, vector<5000xf32>
    tpu.vector_store %arg3[%swap3A_75], %slice3A_74 {strides = array<i32>} : memref<10240xf32, #tpu.memory_space<vmem>>, vector<5000xf32>,
    %broadcast_in_dim3A_77 = arith.constant 0.000000e+00 : f32
    %broadcast_in_dim3A_78 = vector.broadcast %broadcast_in_dim3A_77 : f32 to vector<120xf32>
    %swap3A_79 = arith.constant 5000 : index
    %swap3A_80 = vector.load %arg3[%swap3A_79] : memref<10240xf32, #tpu.memory_space<vmem>>, vector<120xf32>
    tpu.vector_store %arg3[%swap3A_79], %broadcast_in_dim3A_78 {strides = array<i32>} : memref<10240xf32, #tpu.memory_space<vmem>>, vector<120xf32>,
    %slice3A_81 = vector.extract_strided_slice %convert_element_type3A {offsets = [5000], sizes = [5000], strides = [1]} : vector<10000xf32> to vector<5000xf32>
    %swap3A_82 = arith.constant 5120 : index
    %swap3A_83 = vector.load %arg3[%swap3A_82] : memref<10240xf32, #tpu.memory_space<vmem>>, vector<5000xf32>
    tpu.vector_store %arg3[%swap3A_82], %slice3A_81 {strides = array<i32>} : memref<10240xf32, #tpu.memory_space<vmem>>, vector<5000xf32>,
    %broadcast_in_dim3A_84 = arith.constant 0.000000e+00 : f32
    %broadcast_in_dim3A_85 = vector.broadcast %broadcast_in_dim3A_84 : f32 to vector<120xf32>
    %swap3A_86 = arith.constant 10120 : index
    %swap3A_87 = vector.load %arg3[%swap3A_86] : memref<10240xf32, #tpu.memory_space<vmem>>, vector<120xf32>
    tpu.vector_store %arg3[%swap3A_86], %broadcast_in_dim3A_85 {strides = array<i32>} : memref<10240xf32, #tpu.memory_space<vmem>>, vector<120xf32>,
    %slice3A_88 = vector.extract_strided_slice %mul3A_26 {offsets = [0], sizes = [5000], strides = [1]} : vector<10000xf32> to vector<5000xf32>
    %swap3A_89 = arith.constant 0 : index
    %swap3A_90 = vector.load %arg4[%swap3A_89] : memref<10240xf32, #tpu.memory_space<vmem>>, vector<5000xf32>
    tpu.vector_store %arg4[%swap3A_89], %slice3A_88 {strides = array<i32>} : memref<10240xf32, #tpu.memory_space<vmem>>, vector<5000xf32>,
    %broadcast_in_dim3A_91 = arith.constant 0.000000e+00 : f32
    %broadcast_in_dim3A_92 = vector.broadcast %broadcast_in_dim3A_91 : f32 to vector<120xf32>
    %swap3A_93 = arith.constant 5000 : index
    %swap3A_94 = vector.load %arg4[%swap3A_93] : memref<10240xf32, #tpu.memory_space<vmem>>, vector<120xf32>
    tpu.vector_store %arg4[%swap3A_93], %broadcast_in_dim3A_92 {strides = array<i32>} : memref<10240xf32, #tpu.memory_space<vmem>>, vector<120xf32>,
    %slice3A_95 = vector.extract_strided_slice %mul3A_26 {offsets = [5000], sizes = [5000], strides = [1]} : vector<10000xf32> to vector<5000xf32>
    %swap3A_96 = arith.constant 5120 : index
    %swap3A_97 = vector.load %arg4[%swap3A_96] : memref<10240xf32, #tpu.memory_space<vmem>>, vector<5000xf32>
    tpu.vector_store %arg4[%swap3A_96], %slice3A_95 {strides = array<i32>} : memref<10240xf32, #tpu.memory_space<vmem>>, vector<5000xf32>,
    %broadcast_in_dim3A_98 = arith.constant 0.000000e+00 : f32
    %broadcast_in_dim3A_99 = vector.broadcast %broadcast_in_dim3A_98 : f32 to vector<120xf32>
    %swap3A_100 = arith.constant 10120 : index
    %swap3A_101 = vector.load %arg4[%swap3A_100] : memref<10240xf32, #tpu.memory_space<vmem>>, vector<120xf32>
    tpu.vector_store %arg4[%swap3A_100], %broadcast_in_dim3A_99 {strides = array<i32>} : memref<10240xf32, #tpu.memory_space<vmem>>, vector<120xf32>,
    %slice3A_102 = vector.extract_strided_slice %mul3A_33 {offsets = [0], sizes = [5000], strides = [1]} : vector<10000xf32> to vector<5000xf32>
    %swap3A_103 = arith.constant 0 : index
    %swap3A_104 = vector.load %arg5[%swap3A_103] : memref<10240xf32, #tpu.memory_space<vmem>>, vector<5000xf32>
    tpu.vector_store %arg5[%swap3A_103], %slice3A_102 {strides = array<i32>} : memref<10240xf32, #tpu.memory_space<vmem>>, vector<5000xf32>,
    %broadcast_in_dim3A_105 = arith.constant 0.000000e+00 : f32
    %broadcast_in_dim3A_106 = vector.broadcast %broadcast_in_dim3A_105 : f32 to vector<120xf32>
    %swap3A_107 = arith.constant 5000 : index
    %swap3A_108 = vector.load %arg5[%swap3A_107] : memref<10240xf32, #tpu.memory_space<vmem>>, vector<120xf32>
    tpu.vector_store %arg5[%swap3A_107], %broadcast_in_dim3A_106 {strides = array<i32>} : memref<10240xf32, #tpu.memory_space<vmem>>, vector<120xf32>,
    %slice3A_109 = vector.extract_strided_slice %mul3A_33 {offsets = [5000], sizes = [5000], strides = [1]} : vector<10000xf32> to vector<5000xf32>
    %swap3A_110 = arith.constant 5120 : index
    %swap3A_111 = vector.load %arg5[%swap3A_110] : memref<10240xf32, #tpu.memory_space<vmem>>, vector<5000xf32>
    tpu.vector_store %arg5[%swap3A_110], %slice3A_109 {strides = array<i32>} : memref<10240xf32, #tpu.memory_space<vmem>>, vector<5000xf32>,
    %broadcast_in_dim3A_112 = arith.constant 0.000000e+00 : f32
    %broadcast_in_dim3A_113 = vector.broadcast %broadcast_in_dim3A_112 : f32 to vector<120xf32>
    %swap3A_114 = arith.constant 10120 : index
    %swap3A_115 = vector.load %arg5[%swap3A_114] : memref<10240xf32, #tpu.memory_space<vmem>>, vector<120xf32>
    tpu.vector_store %arg5[%swap3A_114], %broadcast_in_dim3A_113 {strides = array<i32>} : memref<10240xf32, #tpu.memory_space<vmem>>, vector<120xf32>,
    %slice3A_116 = vector.extract_strided_slice %mul3A_39 {offsets = [0], sizes = [5000], strides = [1]} : vector<10000xf32> to vector<5000xf32>
    %swap3A_117 = arith.constant 0 : index
    %swap3A_118 = vector.load %arg6[%swap3A_117] : memref<10240xf32, #tpu.memory_space<vmem>>, vector<5000xf32>
    tpu.vector_store %arg6[%swap3A_117], %slice3A_116 {strides = array<i32>} : memref<10240xf32, #tpu.memory_space<vmem>>, vector<5000xf32>,
    %broadcast_in_dim3A_119 = arith.constant 0.000000e+00 : f32
    %broadcast_in_dim3A_120 = vector.broadcast %broadcast_in_dim3A_119 : f32 to vector<120xf32>
    %swap3A_121 = arith.constant 5000 : index
    %swap3A_122 = vector.load %arg6[%swap3A_121] : memref<10240xf32, #tpu.memory_space<vmem>>, vector<120xf32>
    tpu.vector_store %arg6[%swap3A_121], %broadcast_in_dim3A_120 {strides = array<i32>} : memref<10240xf32, #tpu.memory_space<vmem>>, vector<120xf32>,
    %slice3A_123 = vector.extract_strided_slice %mul3A_39 {offsets = [5000], sizes = [5000], strides = [1]} : vector<10000xf32> to vector<5000xf32>
    %swap3A_124 = arith.constant 5120 : index
    %swap3A_125 = vector.load %arg6[%swap3A_124] : memref<10240xf32, #tpu.memory_space<vmem>>, vector<5000xf32>
    tpu.vector_store %arg6[%swap3A_124], %slice3A_123 {strides = array<i32>} : memref<10240xf32, #tpu.memory_space<vmem>>, vector<5000xf32>,
    %broadcast_in_dim3A_126 = arith.constant 0.000000e+00 : f32
    %broadcast_in_dim3A_127 = vector.broadcast %broadcast_in_dim3A_126 : f32 to vector<120xf32>
    %swap3A_128 = arith.constant 10120 : index
    %swap3A_129 = vector.load %arg6[%swap3A_128] : memref<10240xf32, #tpu.memory_space<vmem>>, vector<120xf32>
    tpu.vector_store %arg6[%swap3A_128], %broadcast_in_dim3A_127 {strides = array<i32>} : memref<10240xf32, #tpu.memory_space<vmem>>, vector<120xf32>,
    %slice3A_130 = vector.extract_strided_slice %mul3A_46 {offsets = [0], sizes = [5000], strides = [1]} : vector<10000xf32> to vector<5000xf32>
    %swap3A_131 = arith.constant 0 : index
    %swap3A_132 = vector.load %arg7[%swap3A_131] : memref<10240xf32, #tpu.memory_space<vmem>>, vector<5000xf32>
    tpu.vector_store %arg7[%swap3A_131], %slice3A_130 {strides = array<i32>} : memref<10240xf32, #tpu.memory_space<vmem>>, vector<5000xf32>,
    %broadcast_in_dim3A_133 = arith.constant 0.000000e+00 : f32
    %broadcast_in_dim3A_134 = vector.broadcast %broadcast_in_dim3A_133 : f32 to vector<120xf32>
    %swap3A_135 = arith.constant 5000 : index
    %swap3A_136 = vector.load %arg7[%swap3A_135] : memref<10240xf32, #tpu.memory_space<vmem>>, vector<120xf32>
    tpu.vector_store %arg7[%swap3A_135], %broadcast_in_dim3A_134 {strides = array<i32>} : memref<10240xf32, #tpu.memory_space<vmem>>, vector<120xf32>,
    %slice3A_137 = vector.extract_strided_slice %mul3A_46 {offsets = [5000], sizes = [5000], strides = [1]} : vector<10000xf32> to vector<5000xf32>
    %swap3A_138 = arith.constant 5120 : index
    %swap3A_139 = vector.load %arg7[%swap3A_138] : memref<10240xf32, #tpu.memory_space<vmem>>, vector<5000xf32>
    tpu.vector_store %arg7[%swap3A_138], %slice3A_137 {strides = array<i32>} : memref<10240xf32, #tpu.memory_space<vmem>>, vector<5000xf32>,
    %broadcast_in_dim3A_140 = arith.constant 0.000000e+00 : f32
    %broadcast_in_dim3A_141 = vector.broadcast %broadcast_in_dim3A_140 : f32 to vector<120xf32>
    %swap3A_142 = arith.constant 10120 : index
    %swap3A_143 = vector.load %arg7[%swap3A_142] : memref<10240xf32, #tpu.memory_space<vmem>>, vector<120xf32>
    tpu.vector_store %arg7[%swap3A_142], %broadcast_in_dim3A_141 {strides = array<i32>} : memref<10240xf32, #tpu.memory_space<vmem>>, vector<120xf32>,
    %slice3A_144 = vector.extract_strided_slice %add3A_50 {offsets = [0], sizes = [5000], strides = [1]} : vector<10000xf32> to vector<5000xf32>
    %swap3A_145 = arith.constant 0 : index
    %swap3A_146 = vector.load %arg8[%swap3A_145] : memref<10240xf32, #tpu.memory_space<vmem>>, vector<5000xf32>
    tpu.vector_store %arg8[%swap3A_145], %slice3A_144 {strides = array<i32>} : memref<10240xf32, #tpu.memory_space<vmem>>, vector<5000xf32>,
    %broadcast_in_dim3A_147 = arith.constant 0.000000e+00 : f32
    %broadcast_in_dim3A_148 = vector.broadcast %broadcast_in_dim3A_147 : f32 to vector<120xf32>
    %swap3A_149 = arith.constant 5000 : index
    %swap3A_150 = vector.load %arg8[%swap3A_149] : memref<10240xf32, #tpu.memory_space<vmem>>, vector<120xf32>
    tpu.vector_store %arg8[%swap3A_149], %broadcast_in_dim3A_148 {strides = array<i32>} : memref<10240xf32, #tpu.memory_space<vmem>>, vector<120xf32>,
    %slice3A_151 = vector.extract_strided_slice %add3A_50 {offsets = [5000], sizes = [5000], strides = [1]} : vector<10000xf32> to vector<5000xf32>
    %swap3A_152 = arith.constant 5120 : index
    %swap3A_153 = vector.load %arg8[%swap3A_152] : memref<10240xf32, #tpu.memory_space<vmem>>, vector<5000xf32>
    tpu.vector_store %arg8[%swap3A_152], %slice3A_151 {strides = array<i32>} : memref<10240xf32, #tpu.memory_space<vmem>>, vector<5000xf32>,
    %broadcast_in_dim3A_154 = arith.constant 0.000000e+00 : f32
    %broadcast_in_dim3A_155 = vector.broadcast %broadcast_in_dim3A_154 : f32 to vector<120xf32>
    %swap3A_156 = arith.constant 10120 : index
    %swap3A_157 = vector.load %arg8[%swap3A_156] : memref<10240xf32, #tpu.memory_space<vmem>>, vector<120xf32>
    tpu.vector_store %arg8[%swap3A_156], %broadcast_in_dim3A_155 {strides = array<i32>} : memref<10240xf32, #tpu.memory_space<vmem>>, vector<120xf32>,
    %slice3A_158 = vector.extract_strided_slice %add3A_51 {offsets = [0], sizes = [5000], strides = [1]} : vector<10000xf32> to vector<5000xf32>
    %swap3A_159 = arith.constant 0 : index
    %swap3A_160 = vector.load %arg9[%swap3A_159] : memref<10240xf32, #tpu.memory_space<vmem>>, vector<5000xf32>
    tpu.vector_store %arg9[%swap3A_159], %slice3A_158 {strides = array<i32>} : memref<10240xf32, #tpu.memory_space<vmem>>, vector<5000xf32>,
    %broadcast_in_dim3A_161 = arith.constant 0.000000e+00 : f32
    %broadcast_in_dim3A_162 = vector.broadcast %broadcast_in_dim3A_161 : f32 to vector<120xf32>
    %swap3A_163 = arith.constant 5000 : index
    %swap3A_164 = vector.load %arg9[%swap3A_163] : memref<10240xf32, #tpu.memory_space<vmem>>, vector<120xf32>
    tpu.vector_store %arg9[%swap3A_163], %broadcast_in_dim3A_162 {strides = array<i32>} : memref<10240xf32, #tpu.memory_space<vmem>>, vector<120xf32>,
    %slice3A_165 = vector.extract_strided_slice %add3A_51 {offsets = [5000], sizes = [5000], strides = [1]} : vector<10000xf32> to vector<5000xf32>
    %swap3A_166 = arith.constant 5120 : index
    %swap3A_167 = vector.load %arg9[%swap3A_166] : memref<10240xf32, #tpu.memory_space<vmem>>, vector<5000xf32>
    tpu.vector_store %arg9[%swap3A_166], %slice3A_165 {strides = array<i32>} : memref<10240xf32, #tpu.memory_space<vmem>>, vector<5000xf32>,
    %broadcast_in_dim3A_168 = arith.constant 0.000000e+00 : f32
    %broadcast_in_dim3A_169 = vector.broadcast %broadcast_in_dim3A_168 : f32 to vector<120xf32>
    %swap3A_170 = arith.constant 10120 : index
    %swap3A_171 = vector.load %arg9[%swap3A_170] : memref<10240xf32, #tpu.memory_space<vmem>>, vector<120xf32>
    tpu.vector_store %arg9[%swap3A_170], %broadcast_in_dim3A_169 {strides = array<i32>} : memref<10240xf32, #tpu.memory_space<vmem>>, vector<120xf32>,
    %slice3A_172 = vector.extract_strided_slice %add3A_52 {offsets = [0], sizes = [5000], strides = [1]} : vector<10000xf32> to vector<5000xf32>
    %swap3A_173 = arith.constant 0 : index
    %swap3A_174 = vector.load %arg10[%swap3A_173] : memref<10240xf32, #tpu.memory_space<vmem>>, vector<5000xf32>
    tpu.vector_store %arg10[%swap3A_173], %slice3A_172 {strides = array<i32>} : memref<10240xf32, #tpu.memory_space<vmem>>, vector<5000xf32>,
    %broadcast_in_dim3A_175 = arith.constant 0.000000e+00 : f32
    %broadcast_in_dim3A_176 = vector.broadcast %broadcast_in_dim3A_175 : f32 to vector<120xf32>
    %swap3A_177 = arith.constant 5000 : index
    %swap3A_178 = vector.load %arg10[%swap3A_177] : memref<10240xf32, #tpu.memory_space<vmem>>, vector<120xf32>
    tpu.vector_store %arg10[%swap3A_177], %broadcast_in_dim3A_176 {strides = array<i32>} : memref<10240xf32, #tpu.memory_space<vmem>>, vector<120xf32>,
    %slice3A_179 = vector.extract_strided_slice %add3A_52 {offsets = [5000], sizes = [5000], strides = [1]} : vector<10000xf32> to vector<5000xf32>
    %swap3A_180 = arith.constant 5120 : index
    %swap3A_181 = vector.load %arg10[%swap3A_180] : memref<10240xf32, #tpu.memory_space<vmem>>, vector<5000xf32>
    tpu.vector_store %arg10[%swap3A_180], %slice3A_179 {strides = array<i32>} : memref<10240xf32, #tpu.memory_space<vmem>>, vector<5000xf32>,
    %broadcast_in_dim3A_182 = arith.constant 0.000000e+00 : f32
    %broadcast_in_dim3A_183 = vector.broadcast %broadcast_in_dim3A_182 : f32 to vector<120xf32>
    %swap3A_184 = arith.constant 10120 : index
    %swap3A_185 = vector.load %arg10[%swap3A_184] : memref<10240xf32, #tpu.memory_space<vmem>>, vector<120xf32>
    tpu.vector_store %arg10[%swap3A_184], %broadcast_in_dim3A_183 {strides = array<i32>} : memref<10240xf32, #tpu.memory_space<vmem>>, vector<120xf32>,
    %slice3A_186 = vector.extract_strided_slice %add3A_53 {offsets = [0], sizes = [5000], strides = [1]} : vector<10000xf32> to vector<5000xf32>
    %swap3A_187 = arith.constant 0 : index
    %swap3A_188 = vector.load %arg11[%swap3A_187] : memref<10240xf32, #tpu.memory_space<vmem>>, vector<5000xf32>
    tpu.vector_store %arg11[%swap3A_187], %slice3A_186 {strides = array<i32>} : memref<10240xf32, #tpu.memory_space<vmem>>, vector<5000xf32>,
    %broadcast_in_dim3A_189 = arith.constant 0.000000e+00 : f32
    %broadcast_in_dim3A_190 = vector.broadcast %broadcast_in_dim3A_189 : f32 to vector<120xf32>
    %swap3A_191 = arith.constant 5000 : index
    %swap3A_192 = vector.load %arg11[%swap3A_191] : memref<10240xf32, #tpu.memory_space<vmem>>, vector<120xf32>
    tpu.vector_store %arg11[%swap3A_191], %broadcast_in_dim3A_190 {strides = array<i32>} : memref<10240xf32, #tpu.memory_space<vmem>>, vector<120xf32>,
    %slice3A_193 = vector.extract_strided_slice %add3A_53 {offsets = [5000], sizes = [5000], strides = [1]} : vector<10000xf32> to vector<5000xf32>
    %swap3A_194 = arith.constant 5120 : index
    %swap3A_195 = vector.load %arg11[%swap3A_194] : memref<10240xf32, #tpu.memory_space<vmem>>, vector<5000xf32>
    tpu.vector_store %arg11[%swap3A_194], %slice3A_193 {strides = array<i32>} : memref<10240xf32, #tpu.memory_space<vmem>>, vector<5000xf32>,
    %broadcast_in_dim3A_196 = arith.constant 0.000000e+00 : f32
    %broadcast_in_dim3A_197 = vector.broadcast %broadcast_in_dim3A_196 : f32 to vector<120xf32>
    %swap3A_198 = arith.constant 10120 : index
    %swap3A_199 = vector.load %arg11[%swap3A_198] : memref<10240xf32, #tpu.memory_space<vmem>>, vector<120xf32>
    tpu.vector_store %arg11[%swap3A_198], %broadcast_in_dim3A_197 {strides = array<i32>} : memref<10240xf32, #tpu.memory_space<vmem>>, vector<120xf32>,
    %slice3A_200 = vector.extract_strided_slice %mul3A_61 {offsets = [0], sizes = [5000], strides = [1]} : vector<10000xf32> to vector<5000xf32>
    %swap3A_201 = arith.constant 0 : index
    %swap3A_202 = vector.load %arg12[%swap3A_201] : memref<10240xf32, #tpu.memory_space<vmem>>, vector<5000xf32>
    tpu.vector_store %arg12[%swap3A_201], %slice3A_200 {strides = array<i32>} : memref<10240xf32, #tpu.memory_space<vmem>>, vector<5000xf32>,
    %broadcast_in_dim3A_203 = arith.constant 0.000000e+00 : f32
    %broadcast_in_dim3A_204 = vector.broadcast %broadcast_in_dim3A_203 : f32 to vector<120xf32>
    %swap3A_205 = arith.constant 5000 : index
    %swap3A_206 = vector.load %arg12[%swap3A_205] : memref<10240xf32, #tpu.memory_space<vmem>>, vector<120xf32>
    tpu.vector_store %arg12[%swap3A_205], %broadcast_in_dim3A_204 {strides = array<i32>} : memref<10240xf32, #tpu.memory_space<vmem>>, vector<120xf32>,
    %slice3A_207 = vector.extract_strided_slice %mul3A_61 {offsets = [5000], sizes = [5000], strides = [1]} : vector<10000xf32> to vector<5000xf32>
    %swap3A_208 = arith.constant 5120 : index
    %swap3A_209 = vector.load %arg12[%swap3A_208] : memref<10240xf32, #tpu.memory_space<vmem>>, vector<5000xf32>
    tpu.vector_store %arg12[%swap3A_208], %slice3A_207 {strides = array<i32>} : memref<10240xf32, #tpu.memory_space<vmem>>, vector<5000xf32>,
    %broadcast_in_dim3A_210 = arith.constant 0.000000e+00 : f32
    %broadcast_in_dim3A_211 = vector.broadcast %broadcast_in_dim3A_210 : f32 to vector<120xf32>
    %swap3A_212 = arith.constant 10120 : index
    %swap3A_213 = vector.load %arg12[%swap3A_212] : memref<10240xf32, #tpu.memory_space<vmem>>, vector<120xf32>
    tpu.vector_store %arg12[%swap3A_212], %broadcast_in_dim3A_211 {strides = array<i32>} : memref<10240xf32, #tpu.memory_space<vmem>>, vector<120xf32>,
    return
  }
}

</mosaic_0001>

<sc_bundles>
// kernel: kernel.4.cloned.1.call-start
scs
__scs_entry_jumppad:
0x0: {  	(pc) =	sbr.rel $0x88, $3  }
0x1: {  	(tag) =	ssettag $0x0;
	lr =	simm.s32 $0x1  }
0x2: {  	[smem:$0x3F9F] =	sst lr;
	_ =	strace $0xD0000000  }
0x3: {  	_ = 	snop  }
0x4: {  	_ = 	snop  }
0x5: {  	_ = 	snop  }
0x6: {  	_ = 	snop  }
0x7: {  	_ = 	snop  }
__scs_overlays_trampoline_lowered:
0x8: {  	[smem:$0x3FAE] =	sst s0  }
0x9: {  	[smem:$0x3FAF] =	sst s1  }
0xa: {  	[smem:$0x3FB0] =	sst s2  }
0xb: {  	[smem:$0x3FB1] =	sst s3  }
0xc: {  	[smem:$0x3FB2] =	sst s4  }
0xd: {  	[smem:$0x3FB3] =	sst s5  }
0xe: {  	[smem:$0x3FB4] =	sst s6  }
0xf: {  	[smem:$0x3FB5] =	sst s7  }
0x10: {  	[smem:$0x3FB6] =	sst s8  }
0x11: {  	[smem:$0x3FB7] =	sst s9;
	s0 =	simm.s32 @!p0 $0x0  }
0x12: {  	s1 =	sld [smem:$0x3F9D];
	s0 =	simm.s32 @p0 $0x1  }
0x13: {  	[smem:$0x3FB8] =	sst s0;
	s0 =	simm.s32 @!p1 $0x0  }
0x14: {  	s2 =	sld [smem:$0x3F9C];
	s0 =	simm.s32 @p1 $0x1  }
0x15: {  	[smem:$0x3FB9] =	sst s0;
	s0 =	simm.s32 @!p2 $0x0  }
0x16: {  	s3 =	sld [smem:$0x3FDB];
	s0 =	simm.s32 @p2 $0x1  }
0x17: {  	s4 =	simm.s32 $0x1BF5;
	[smem:$0x3FBB] =	sst s0  }
0x18: {  	s0 =	sld [smem:$0x3F9E];
	_ =	swait.ge [sflag:s4], $0x0  }
0x19: {  	s7 =	sld [smem:$0x3F9F]  }
0x1a: {  	s8 =	sadd.s32 $0xFFFFE003, lr  }
0x1b: {  	s9 =	sadd.s32 $0xFFFFFEF7, lr;
	s5 =	simm.s32 $0xFFFFFFFF;
	p2 =	slt.u32 s8, $0xFFFFF086  }
0x1c: {  	p1 =	slt.u32 s9, $0xF7A;
	s5 =	simm.s32 @!p2 $0x0  }
0x1d: {  	s5 =	simm.s32 @p1 $0x1;
	p0 =	seq.s32 s7, s2  }
0x1e: {  	s7 =	smul.u32 @!p0 $0xF7A, s2;
	p2 =	seq.s32 @!p0 s5, $0x0  }
0x1f: {  	s9 =	smul.u32 $0xF7A, s1;
	s8 =	simm.s32 @!p0 $0x1BF5;
	p2 =	por !p2, p0  }
0x20: {  	[sflag:s8] =	ssyncset.s32 @!p0 $0xFFFFF086;
	s6 =	sadd.s32 @!p0 s3, s7;
	s7 =	simm.s32 @!p0 $0x108  }
0x21: {  	s3 =	sadd.s32 s3, s9;
	s6 =	sadd.s32 @!p0 $0x88, s6;
	s7 =	simm.s32 @p2 $0x1082  }
0x22: {  	[simem:s7], [sflag:s8] =	dma.local @!p0 [hbm:s6], $0xF7A  }
0x23: {  	s9 =	sor.u32 $0xD0000000, s2;
	s6 =	simm.s32 $0x108;
	_ =	swait.ge @!p0 [sflag:s8], $0x0  }
0x24: {  	s3 =	sadd.s32 $0x88, s3;
	s6 =	simm.s32 @!p1 $0x1082;
	[sflag:s4] =	ssyncset.s32 $0xFFFFF086  }
0x25: {  	[simem:s6], [sflag:s4] =	dma.local [hbm:s3], $0xF7A  }
0x26: {  	[smem:$0x3F9F] =	sst s1;
	(tag) =	ssettag s2;
	_ =	strace s9  }
0x27: {  	s1 =	sld [smem:$0x3FAF]  }
0x28: {  	s2 =	sld [smem:$0x3FB0]  }
0x29: {  	s4 =	sld [smem:$0x3FB2]  }
0x2a: {  	p0 =	seq.s32 s5, $0x0;
	s5 =	sld [smem:$0x3FB3]  }
0x2b: {  	s6 =	sld [smem:$0x3FB4]  }
0x2c: {  	s7 =	sld [smem:$0x3FB5]  }
0x2d: {  	s3 =	simm.s32 $0x108;
	s8 =	sld [smem:$0x3FB6]  }
0x2e: {  	s3 =	simm.s32 @!p0 $0x1082;
	s9 =	sld [smem:$0x3FB7]  }
0x2f: {  	lr =	sadd.s32 s0, s3;
	s0 =	sld [smem:$0x3FAE]  }
0x30: {  	s3 =	sld [smem:$0x3FB1]  }
0x31: {  	[smem:$0x3FBA] =	sst s10  }
0x32: {  	s10 =	sld [smem:$0x3FB8];
	_ =	sdelay $0x3  }
0x33: {  	p0 =	seq.s32 s10, $0x1;
	s10 =	sld [smem:$0x3FBA];
	_ =	sdelay $0x3  }
0x34: {  	[smem:$0x3FBA] =	sst s10  }
0x35: {  	s10 =	sld [smem:$0x3FB9];
	_ =	sdelay $0x3  }
0x36: {  	p1 =	seq.s32 s10, $0x1;
	s10 =	sld [smem:$0x3FBA];
	_ =	sdelay $0x3  }
0x37: {  	[smem:$0x3FBA] =	sst s10  }
0x38: {  	s10 =	sld [smem:$0x3FBB]  }
0x39: {  	_ = 	snop;
	(pc) =	sbr.ind lr, $3  }
0x3a: {  	_ = 	snop  }
0x3b: {  	_ = 	snop  }
0x3c: {  	p2 =	seq.s32 s10, $0x1;
	s10 =	sld [smem:$0x3FBA]  }
0x3d: {  	_ =	shalt  }
0x3e: {  	_ =	shalt  }
0x3f: {  	_ =	shalt  }
0x40: {  	_ =	shalt  }
0x41: {  	_ =	shalt  }
0x42: {  	_ =	shalt  }
0x43: {  	_ =	shalt  }
0x44: {  	_ =	shalt  }
0x45: {  	_ =	shalt  }
0x46: {  	_ =	shalt  }
0x47: {  	_ =	shalt  }
0x48: {  	_ =	shalt  }
0x49: {  	_ =	shalt  }
0x4a: {  	_ =	shalt  }
0x4b: {  	_ =	shalt  }
0x4c: {  	_ =	shalt  }
0x4d: {  	_ =	shalt  }
0x4e: {  	_ =	shalt  }
0x4f: {  	_ =	shalt  }
0x50: {  	_ =	shalt  }
0x51: {  	_ =	shalt  }
0x52: {  	_ =	shalt  }
0x53: {  	_ =	shalt  }
0x54: {  	_ =	shalt  }
0x55: {  	_ =	shalt  }
0x56: {  	_ =	shalt  }
0x57: {  	_ =	shalt  }
0x58: {  	_ =	shalt  }
0x59: {  	_ =	shalt  }
0x5a: {  	_ =	shalt  }
0x5b: {  	_ =	shalt  }
0x5c: {  	_ =	shalt  }
0x5d: {  	_ =	shalt  }
0x5e: {  	_ =	shalt  }
0x5f: {  	_ =	shalt  }
0x60: {  	_ =	shalt  }
0x61: {  	_ =	shalt  }
0x62: {  	_ =	shalt  }
0x63: {  	_ =	shalt  }
0x64: {  	_ =	shalt  }
0x65: {  	_ =	shalt  }
0x66: {  	_ =	shalt  }
0x67: {  	_ =	shalt  }
0x68: {  	_ =	shalt  }
0x69: {  	_ =	shalt  }
0x6a: {  	_ =	shalt  }
0x6b: {  	_ =	shalt  }
0x6c: {  	_ =	shalt  }
0x6d: {  	_ =	shalt  }
0x6e: {  	_ =	shalt  }
0x6f: {  	_ =	shalt  }
0x70: {  	_ =	shalt  }
0x71: {  	_ =	shalt  }
0x72: {  	_ =	shalt  }
0x73: {  	_ =	shalt  }
0x74: {  	_ =	shalt  }
0x75: {  	_ =	shalt  }
0x76: {  	_ =	shalt  }
0x77: {  	_ =	shalt  }
0x78: {  	_ =	shalt  }
0x79: {  	_ =	shalt  }
0x7a: {  	_ =	shalt  }
0x7b: {  	_ =	shalt  }
0x7c: {  	_ =	shalt  }
0x7d: {  	_ =	shalt  }
0x7e: {  	_ =	shalt  }
0x7f: {  	_ =	shalt  }
0x80: {  	_ =	shalt  }
0x81: {  	_ =	shalt  }
0x82: {  	_ =	shalt  }
0x83: {  	_ =	shalt  }
0x84: {  	_ =	shalt  }
0x85: {  	_ =	shalt  }
0x86: {  	_ =	shalt  }
0x87: {  	_ =	shalt  }
.Lfunc_end0:
.L_simem_size_0:
called_computation_lowered:
.L_overlay_start_0:
0x88: {  	s2 =	sld [smem:$0x3FD9]  }
0x89: {  	s3 =	sld [smem:$0x3FFE];
	_ =	sdelay $0x1  }
0x8a: {  	s1 =	srdreg.scid  }
0x8b: {  	s0 =	sand.u32 $0x1, s1  }
0x8c: {  	s14 =	sshll.u32 s0, $0xA;
	s2 =	sadd.s32 s3, s2  }
0x8d: {  	s2 =	sadd.s32 s2, s14  }
0x8e: {  	[smem:$0x3FC6] =	sst s2  }
0x8f: {  	_ = 	snop  }
0x90: {  	s2 =	sld [smem:$0x3FD0];
	_ =	sdelay $0x2  }
0x91: {  	s15 =	simm.s32 $0xA;
	s4 =	simm.s32 $0x10  }
0x92: {  	[smem:s4], [sflag:s15] =	dma.local [hbm:s2], $0x1  }
0x93: {  	_ =	swait.eq [sflag:s15], $0x1  }
0x94: {  	[sflag:s15] =	ssyncset.done $0x0  }
0x95: {  	[sflag:s15] =	ssyncadd.s32 $0xFFFFFFFF  }
0x96: {  	s16 =	sld [smem:$0x10];
	(tm) =	ssettm $0x1  }
0x97: {  	s17 =	sld [smem:$0x3FFB];
	_ =	sdelay $0x3  }
0x98: {  	_ =	strace s17  }
0x99: {  	s3 =	sld [smem:$0x3FFC];
	_ =	sdelay $0x3  }
0x9a: {  	_ =	strace s3  }
0x9b: {  	s3 =	sld [smem:$0x3FFD];
	_ =	sdelay $0x3  }
0x9c: {  	_ =	strace s3  }
0x9d: {  	_ =	strace $0x8FFFFFFF  }
0x9e: {  	s18 =	sld [smem:$0x3FDB];
	_ =	sdelay $0x1  }
0x9f: {  	s19 =	simm.s32 $_scs_section_size  }
0xa0: {  	s5 =	simm.s32 $_size__tile_overlayer_lowered;
	s6 =	simm.s32 $_tile_overlayer_lowered  }
0xa1: {  	s22 =	simm.s32 $0x1BFF;
	s21 =	sshll.u32 s6, $0x1;
	s3 =	sadd.s32 s19, s18  }
0xa2: {  	s7 =	simm.s32 $0x0;
	s20 =	sshll.u32 s5, $0x1;
	s5 =	sadd.s32 s21, s3  }
0xa3: {  	[timem:s7], [sflag:s22] =	dma.local [hbm:s5], s20  }
0xa4: {  	_ =	swait.ge [sflag:s22], s20  }
0xa5: {  	s4 =	ssub.s32 $0x0, s20;
	[sflag:s22] =	ssyncset.done $0x0  }
0xa6: {  	[sflag:s22] =	ssyncadd.s32 s4;
	_ =	sdelay $0x1  }
0xa7: {  	s23 =	simm.s32 $0x1B8B  }
0xa8: {  	_ =	swait.ge [sflag:s23], $0x1  }
0xa9: {  	[sflag:s23] =	ssyncset.done $0x0  }
0xaa: {  	s25 =	simm.s32 $0x1B8E;
	s24 =	sld [smem:$0x3FFE];
	[sflag:s23] =	ssyncadd.s32 $0xFFFFFFFF  }
0xab: {  	s26 =	simm.s32 $execute0_lowered;
	[smem:$0x3FD2] =	sst s25  }
0xac: {  	s5 =	sshll.u32 s26, $0x1;
	_ =	strace $0x80000046;
	[dreg:$0x1] =	wrdreg $0xFFFFFFFF  }
0xad: {  	s28 =	simm.s32 $_size_execute0_lowered;
	s3 =	sadd.s32 s3, s5;
	[dreg:$0x0] =	wrdreg $0x0  }
0xae: {  	s5 =	sshll.u32 s28, $0x1;
	[dreg:$0x2] =	wrdreg s3  }
0xaf: {  	[dreg:$0x3] =	wrdreg s5  }
0xb0: {  	[dreg:$0x4] =	wrdreg $0xC0  }
0xb1: {  	_ =	task [dreg:s7], $0x5FFFF  }
0xb2: {  	[dreg:$0x1] =	wrdreg $0xFFFFFFFF  }
0xb3: {  	[dreg:$0x0] =	wrdreg $0x60  }
0xb4: {  	[dreg:$0x2] =	wrdreg s24  }
0xb5: {  	[dreg:$0x3] =	wrdreg s16  }
0xb6: {  	[dreg:$0x4] =	wrdreg $0x1E800  }
0xb7: {  	[dreg:$0x5] =	wrdreg $0x9  }
0xb8: {  	_ =	task.clear_ibuf [dreg:s7], $0x6FFFF;
	_ =	strace $0x90000046  }
0xb9: {  	s29 =	simm.s32 $0x9;
	_ =	strace $0x80000048  }
0xba: {  	_ =	swait.ge [sflag:s29], $0x1  }
0xbb: {  	[sflag:s29] =	ssyncadd.s32 $0xFFFFFFFF  }
0xbc: {  	_ =	strace $0x90000048  }
0xbd: {  	_ =	sfence  }
0xbe: {  	s30 =	sld [smem:$0x0];
	_ =	sdelay $0x2  }
0xbf: {  	s31 =	sshll.u32 s1, $0xD;
	s1 =	sshrl.u32 s1, $0x2  }
0xc0: {  	s3 =	sand.u32 $0x4000, s31;
	s1 =	sadd.s32 s1, s30  }
0xc1: {  	s0 =	sor.u32 s3, s0;
	s1 =	sshll.u32 s1, $0x11  }
0xc2: {  	s0 =	sor.u32 s1, s0  }
0xc3: {  	s0 =	sadd.s32 $0x8F2B, s0  }
0xc4: {  	[sflag:s0] =	ssyncadd.remote.s32 $0x1  }
0xc5: {  	_ =	sfence.sel $0xFFFF  }
0xc6: {  	[dreg:$0x0] =	wrdreg $0xFFFFFFFF;
	(pc) =	sbr.abs _section_cstart, $3  }
0xc7: {  	[dreg:$0x1] =	wrdreg $0xFFFFFFFF  }
0xc8: {  	_ =	task.clear_ibuf [dreg:s7], $0x2FFFF;
	_ =	strace $0x9FFFFFFF  }
0xc9: {  	(tm) =	ssettm $0x7FFFFFFF  }
tec
execute0_lowered:
.L_overlay_start_1:
0x0: {  	(tag) =	ssettag $0x1  }
0x1: {  	s0 =	srdreg.scid;
	s1 =	stileid.u32  }
0x2: {  	s11 =	sand.u32 $0x1, s0;
	s2 =	smul.u32 $0x140, s1  }
0x3: {  	s0 =	smul.u32 $0x1400, s11;
	_ =	sdelay $0x1  }
0x4: {  	v30 =	vlaneseq.u32;
	s3 =	sadd.s32 s2, s0  }
0x5: {  	v1 =	vor.u32 s3, v30  }
0x6: {  	s0 =	sor.u32 $0x10, s3;
	v1 =	vcvt.s32.f32 v1  }
0x7: {  	v2 =	vor.u32 s0, v30  }
0x8: {  	[tilespmem:$0x1FE80] =	vst v1;
	v1 =	vcvt.s32.f32 v2  }
0x9: {  	s10 =	sor.u32 $0x20, s3  }
0xa: {  	[tilespmem:$0x1FE90] =	vst v1;
	v1 =	vor.u32 s10, v30  }
0xb: {  	v1 =	vcvt.s32.f32 v1  }
0xc: {  	s12 =	sor.u32 $0x30, s3  }
0xd: {  	[tilespmem:$0x1FEA0] =	vst v1;
	v1 =	vor.u32 s12, v30  }
0xe: {  	s2 =	sadd.s32 $0x40, s3;
	v1 =	vcvt.s32.f32 v1  }
0xf: {  	v2 =	vor.u32 s2, v30  }
0x10: {  	[tilespmem:$0x1FEB0] =	vst v1;
	v1 =	vcvt.s32.f32 v2  }
0x11: {  	s13 =	sadd.s32 $0x50, s3  }
0x12: {  	[tilespmem:$0x1FEC0] =	vst v1;
	v1 =	vor.u32 s13, v30  }
0x13: {  	v1 =	vcvt.s32.f32 v1  }
0x14: {  	s5 =	sadd.s32 $0x60, s3  }
0x15: {  	[tilespmem:$0x1FED0] =	vst v1;
	v1 =	vor.u32 s5, v30  }
0x16: {  	s6 =	sadd.s32 $0x70, s3;
	v1 =	vcvt.s32.f32 v1  }
0x17: {  	v2 =	vor.u32 s6, v30  }
0x18: {  	[tilespmem:$0x1FEE0] =	vst v1;
	v1 =	vcvt.s32.f32 v2  }
0x19: {  	s14 =	sadd.s32 $0x80, s3  }
0x1a: {  	s4 =	rddreg [dreg:$0x0];
	[tilespmem:$0x1FEF0] =	vst v1;
	v1 =	vor.u32 s14, v30  }
0x1b: {  	s15 =	rddreg [dreg:$0x1];
	s2 =	simm.s32 $0x0;
	v1 =	vcvt.s32.f32 v1  }
0x1c: {  	s16 =	sadd.s32 $0x90, s3;
	[smem:$0x7FF] =	sst s2  }
0x1d: {  	s0 =	rddreg [dreg:$0x2];
	_ =	strace $0x80000047;
	[tilespmem:$0x1FF00] =	vst v1;
	v1 =	vor.u32 s16, v30  }
0x1e: {  	s17 =	sadd.s32 $0xA0, s3;
	v1 =	vcvt.s32.f32 v1  }
0x1f: {  	v2 =	vor.u32 s17, v30  }
0x20: {  	[tilespmem:$0x1FF10] =	vst v1;
	v1 =	vcvt.s32.f32 v2  }
0x21: {  	s18 =	sadd.s32 $0xB0, s3  }
0x22: {  	[tilespmem:$0x1FF20] =	vst v1;
	v1 =	vor.u32 s18, v30  }
0x23: {  	v1 =	vcvt.s32.f32 v1  }
0x24: {  	s20 =	sadd.s32 $0xC0, s3  }
0x25: {  	[tilespmem:$0x1FF30] =	vst v1;
	v1 =	vor.u32 s20, v30  }
0x26: {  	s7 =	sadd.s32 $0xD0, s3;
	v1 =	vcvt.s32.f32 v1  }
0x27: {  	v2 =	vor.u32 s7, v30  }
0x28: {  	[tilespmem:$0x1FF40] =	vst v1;
	v1 =	vcvt.s32.f32 v2  }
0x29: {  	s22 =	sadd.s32 $0xE0, s3  }
0x2a: {  	[tilespmem:$0x1FF50] =	vst v1;
	v1 =	vor.u32 s22, v30  }
0x2b: {  	v1 =	vcvt.s32.f32 v1  }
0x2c: {  	s24 =	sadd.s32 $0xF0, s3  }
0x2d: {  	[tilespmem:$0x1FF60] =	vst v1;
	v1 =	vor.u32 s24, v30  }
0x2e: {  	s8 =	sadd.s32 $0x100, s3;
	v1 =	vcvt.s32.f32 v1  }
0x2f: {  	v2 =	vor.u32 s8, v30  }
0x30: {  	[tilespmem:$0x1FF70] =	vst v1;
	v1 =	vcvt.s32.f32 v2  }
0x31: {  	s26 =	sadd.s32 $0x110, s3  }
0x32: {  	[tilespmem:$0x1FF80] =	vst v1;
	v1 =	vor.u32 s26, v30  }
0x33: {  	v1 =	vcvt.s32.f32 v1  }
0x34: {  	s28 =	sadd.s32 $0x120, s3  }
0x35: {  	[tilespmem:$0x1FF90] =	vst v1;
	v1 =	vor.u32 s28, v30  }
0x36: {  	s30 =	simm.s32 $0xC80;
	s29 =	sadd.s32 $0x130, s3;
	v1 =	vcvt.s32.f32 v1  }
0x37: {  	vm0 =	vcmask $0x1F00;
	vm15 =	vcmask $0x2320;
	s31 =	simm.s32 $0x1400;
	p0 =	sne.s32 s1, $0x0;
	s23 =	ssub.s32 $0x2, s11;
	v2 =	vor.u32 s29, v30  }
0x38: {  	v27 =	vor.u32 $0x10, v30;
	v28 =	vor.u32 $0x20, v30;
	s21 =	smul.u32 $0x26, s11;
	s25 =	sshrl.u32 s23, $0x1;
	s19 =	sshrl.u32 s3, $0x3;
	[tilespmem:$0x1FFA0] =	vst v1;
	v1 =	vcvt.s32.f32 v2  }
0x39: {  	v29 =	vor.u32 $0x30, v30;
	v15 =	vor.u32 $0x40, v30;
	v31 =	vor.u32 $0x50, v30;
	s13 =	sadd.s32 s19, s4;
	s19 =	sshll.u32 s1, $0x7;
	s1 =	simm.s32 $0x1480  }
0x3a: {  	s3 =	sadd.s32 $0x5C00, s13;
	s6 =	sadd.s32 $0x3E00, s13;
	s9 =	sadd.s32 $0x5600, s13;
	[tilespmem:$0x1FFB0] =	vst v1;
	v1 =	vimm.s32 $0xDCBA9876  }
0x3b: {  	v32 =	vor.u32 $0x60, v30;
	v33 =	vor.u32 $0x70, v30;
	s10 =	sadd.s32 $0x2000, s13;
	s12 =	sadd.s32 $0x2C00, s13;
	s5 =	sadd.s32 $0x3800, s13;
	v1 =	vunpack.c.l.s4.s8 v1  }
0x3c: {  	v42 =	vor.u32 $0x80, v30;
	v34 =	vor.u32 $0x90, v30;
	v0 =	vor.u32 $0xA0, v30;
	s17 =	ssub.s32 s23, s25;
	s25 =	sshrl.u32 s19, $0x2;
	s19 =	simm.s32 $0x1680  }
0x3d: {  	v9 =	vor.u32 $0xB0, v30;
	v11 =	vor.u32 $0x130, v30;
	s17 =	smax.u32 s17, $0x1;
	s16 =	sadd.s32 s21, s4;
	s4 =	sadd.s32 $0x3200, s13;
	v1 =	vunpack.c.0.s8.s32 v1  }
0x3e: {  	v10 =	vor.u32 $0xC0, v30;
	v26 =	vor.u32 $0xD0, v30;
	[tilespmem:$0x1FFC0] =	vst v11;
	s21 =	simm.s32 $0x1800;
	s14 =	sadd.s32 $0x6400, s16;
	s18 =	smul.u32 $0x98, s11  }
0x3f: {  	v39 =	vor.u32 $0xE0, v30;
	[tilespmem:$0x1FFD0] =	vst v0;
	s16 =	sadd.s32 $0x6200, s16;
	s7 =	sadd.s32 $0x4400, s13;
	s11 =	sadd.s32 $0x2600, s13;
	v1 =	vand.u32 $0xF, v1  }
0x40: {  	v40 =	vor.u32 $0xF0, v30;
	v41 =	vor.u32 $0x100, v30;
	[tilespmem:$0x1FFE0] =	vst v9;
	s15 =	sadd.s32 s15, s18;
	s18 =	simm.s32 $0x1;
	s20 =	simm.s32 $0x1D00;
	v1 =	vnsel vm0, $0xF, v1  }
0x41: {  	v24 =	vor.u32 $0x110, v30;
	v35 =	vor.u32 $0x120, v30;
	[tilespmem:$0x1FFF0] =	vst v10;
	s8 =	sadd.s32 $0x4A00, s13;
	s13 =	sadd.s32 $0x5000, s13;
	s22 =	simm.s32 $0x0;
	v36 =	vsel vm15, $0xE, v1  }
.LBB2_1:
0x42: {  	[tilespmem:s2], [sflag:$0x1] =	stream.linear.gather [hbm4b:s3+s2], $0x140, $0x38;
	[tilespmem:$0x1EC0] =	vst v63  }
0x43: {  	_ =	swait.ge [sflag:s18], $0x140  }
0x44: {  	[sflag:s18] =	ssyncset.done $0x0  }
0x45: {  	s23 =	simm.s32 $0x140;
	[sflag:s18] =	ssyncadd.s32 $0xFFFFFEC0  }
0x46: {  	[tilespmem:s23], [sflag:$0x1] =	stream.linear.gather [hbm4b:s4+s2], $0x140, $0x38;
	[tilespmem:$0x1EC0] =	vst v63  }
0x47: {  	_ =	swait.ge [sflag:s18], $0x140  }
0x48: {  	[sflag:s18] =	ssyncset.done $0x0  }
0x49: {  	s24 =	simm.s32 $0x280;
	[sflag:s18] =	ssyncadd.s32 $0xFFFFFEC0  }
0x4a: {  	[tilespmem:s24], [sflag:$0x1] =	stream.linear.gather [hbm4b:s5+s2], $0x140, $0x38;
	[tilespmem:$0x1EC0] =	vst v63  }
0x4b: {  	_ =	swait.ge [sflag:s18], $0x140  }
0x4c: {  	[sflag:s18] =	ssyncset.done $0x0  }
0x4d: {  	s26 =	simm.s32 $0x3C0;
	[sflag:s18] =	ssyncadd.s32 $0xFFFFFEC0  }
0x4e: {  	[tilespmem:s26], [sflag:$0x1] =	stream.linear.gather [hbm4b:s6+s2], $0x140, $0x38;
	[tilespmem:$0x1EC0] =	vst v63  }
0x4f: {  	_ =	swait.ge [sflag:s18], $0x140  }
0x50: {  	[sflag:s18] =	ssyncset.done $0x0  }
0x51: {  	s28 =	simm.s32 $0x500;
	[sflag:s18] =	ssyncadd.s32 $0xFFFFFEC0  }
0x52: {  	[tilespmem:s28], [sflag:$0x1] =	stream.linear.gather [hbm4b:s7+s2], $0x140, $0x38;
	[tilespmem:$0x1EC0] =	vst v63  }
0x53: {  	_ =	swait.ge [sflag:s18], $0x140  }
0x54: {  	[sflag:s18] =	ssyncset.done $0x0  }
0x55: {  	s29 =	simm.s32 $0x640;
	[sflag:s18] =	ssyncadd.s32 $0xFFFFFEC0  }
0x56: {  	[tilespmem:s29], [sflag:$0x1] =	stream.linear.gather [hbm4b:s8+s2], $0x140, $0x38;
	[tilespmem:$0x1EC0] =	vst v63  }
0x57: {  	_ =	swait.ge [sflag:s18], $0x140  }
0x58: {  	[sflag:s18] =	ssyncset.done $0x0  }
0x59: {  	s24 =	simm.s32 $0x780;
	[sflag:s18] =	ssyncadd.s32 $0xFFFFFEC0  }
0x5a: {  	[tilespmem:s24], [sflag:$0x1] =	stream.linear.gather [hbm4b:s9+s2], $0x140, $0x38;
	[tilespmem:$0x1EC0] =	vst v63  }
0x5b: {  	_ =	swait.ge [sflag:s18], $0x140  }
0x5c: {  	[sflag:s18] =	ssyncset.done $0x0  }
0x5d: {  	s26 =	simm.s32 $0x8C0;
	[sflag:s18] =	ssyncadd.s32 $0xFFFFFEC0  }
0x5e: {  	[tilespmem:s26], [sflag:$0x1] =	stream.linear.gather [hbm4b:s10+s2], $0x140, $0x38;
	[tilespmem:$0x1EC0] =	vst v63  }
0x5f: {  	_ =	swait.ge [sflag:s18], $0x140  }
0x60: {  	[sflag:s18] =	ssyncset.done $0x0  }
0x61: {  	s28 =	simm.s32 $0xA00;
	[sflag:s18] =	ssyncadd.s32 $0xFFFFFEC0  }
0x62: {  	[tilespmem:s28], [sflag:$0x1] =	stream.linear.gather [hbm4b:s11+s2], $0x140, $0x38;
	[tilespmem:$0x1EC0] =	vst v63  }
0x63: {  	_ =	swait.ge [sflag:s18], $0x140  }
0x64: {  	[sflag:s18] =	ssyncset.done $0x0  }
0x65: {  	s29 =	simm.s32 $0xB40;
	[sflag:s18] =	ssyncadd.s32 $0xFFFFFEC0  }
0x66: {  	[tilespmem:s29], [sflag:$0x1] =	stream.linear.gather [hbm4b:s12+s2], $0x140, $0x38;
	[tilespmem:$0x1EC0] =	vst v63  }
0x67: {  	_ =	swait.ge [sflag:s18], $0x140  }
0x68: {  	[sflag:s18] =	ssyncset.done $0x0  }
0x69: {  	[sflag:s18] =	ssyncadd.s32 $0xFFFFFEC0  }
0x6a: {  	[tilespmem:s30], [sflag:$0x1] =	stream.linear.gather [hbm4b:s13+s2], $0x140, $0x38;
	[tilespmem:$0x1EC0] =	vst v63  }
0x6b: {  	_ =	swait.ge [sflag:s18], $0x140  }
0x6c: {  	v1 =	vld [tilespmem:$0x1FE80];
	_ =	sdelay $0x2  }
0x6d: {  	[sflag:s18] =	ssyncset.done $0x0  }
0x6e: {  	[sflag:s18] =	ssyncadd.s32 $0xFFFFFEC0  }
0x6f: {  	[tilespmem:$0xDC0] =	vst v1;
	v1 =	vld [tilespmem:$0x1FE90];
	_ =	sdelay $0x4  }
0x70: {  	[tilespmem:$0xDD0] =	vst v1;
	v1 =	vld [tilespmem:$0x1FEA0];
	_ =	sdelay $0x4  }
0x71: {  	[tilespmem:$0xDE0] =	vst v1;
	v1 =	vld [tilespmem:$0x1FEB0];
	_ =	sdelay $0x4  }
0x72: {  	[tilespmem:$0xDF0] =	vst v1;
	v1 =	vld [tilespmem:$0x1FEC0];
	_ =	sdelay $0x4  }
0x73: {  	[tilespmem:$0xE00] =	vst v1;
	v1 =	vld [tilespmem:$0x1FED0];
	_ =	sdelay $0x4  }
0x74: {  	[tilespmem:$0xE10] =	vst v1;
	v1 =	vld [tilespmem:$0x1FEE0];
	_ =	sdelay $0x4  }
0x75: {  	[tilespmem:$0xE20] =	vst v1;
	v1 =	vld [tilespmem:$0x1FEF0];
	_ =	sdelay $0x4  }
0x76: {  	[tilespmem:$0xE30] =	vst v1;
	v1 =	vld [tilespmem:$0x1FF00];
	_ =	sdelay $0x4  }
0x77: {  	[tilespmem:$0xE40] =	vst v1;
	v1 =	vld [tilespmem:$0x1FF10];
	_ =	sdelay $0x4  }
0x78: {  	[tilespmem:$0xE50] =	vst v1;
	v1 =	vld [tilespmem:$0x1FF20];
	_ =	sdelay $0x4  }
0x79: {  	[tilespmem:$0xE60] =	vst v1;
	v1 =	vld [tilespmem:$0x1FF30];
	_ =	sdelay $0x4  }
0x7a: {  	v8 =	vimm.f32 $0.0e+00;
	[tilespmem:$0xE70] =	vst v1;
	v1 =	vld [tilespmem:$0x1FF40]  }
0x7b: {  	[tilespmem:$0x1680] =	vst v8  }
0x7c: {  	[tilespmem:$0x1690] =	vst v8  }
0x7d: {  	[tilespmem:$0x16A0] =	vst v8  }
0x7e: {  	[tilespmem:$0x16B0] =	vst v8  }
0x7f: {  	[tilespmem:$0xE80] =	vst v1;
	v1 =	vld [tilespmem:$0x1FF50]  }
0x80: {  	[tilespmem:$0x16C0] =	vst v8  }
0x81: {  	[tilespmem:$0x16D0] =	vst v8  }
0x82: {  	[tilespmem:$0x16E0] =	vst v8  }
0x83: {  	[tilespmem:$0x16F0] =	vst v8  }
0x84: {  	[tilespmem:$0xE90] =	vst v1;
	v1 =	vld [tilespmem:$0x1FF60]  }
0x85: {  	[tilespmem:$0x1700] =	vst v8  }
0x86: {  	[tilespmem:$0x1710] =	vst v8  }
0x87: {  	[tilespmem:$0x1720] =	vst v8  }
0x88: {  	[tilespmem:$0x1730] =	vst v8  }
0x89: {  	[tilespmem:$0xEA0] =	vst v1;
	v1 =	vld [tilespmem:$0x1FF70]  }
0x8a: {  	[tilespmem:$0x1740] =	vst v8  }
0x8b: {  	[tilespmem:$0x1750] =	vst v8  }
0x8c: {  	[tilespmem:$0x1760] =	vst v8  }
0x8d: {  	[tilespmem:$0x1770] =	vst v8  }
0x8e: {  	[tilespmem:$0xEB0] =	vst v1;
	v1 =	vld [tilespmem:$0x1FF80]  }
0x8f: {  	[tilespmem:$0x1780] =	vst v8  }
0x90: {  	[tilespmem:$0x1790] =	vst v8  }
0x91: {  	[tilespmem:$0x17A0] =	vst v8  }
0x92: {  	[tilespmem:$0x1800] =	vst v8  }
0x93: {  	[tilespmem:$0xEC0] =	vst v1;
	v1 =	vld [tilespmem:$0x1FF90]  }
0x94: {  	[tilespmem:$0x1810] =	vst v8  }
0x95: {  	[tilespmem:$0x1820] =	vst v8  }
0x96: {  	[tilespmem:$0x1830] =	vst v8  }
0x97: {  	[tilespmem:$0x1840] =	vst v8  }
0x98: {  	[tilespmem:$0xED0] =	vst v1;
	v1 =	vld [tilespmem:$0x1FFA0]  }
0x99: {  	[tilespmem:$0x1850] =	vst v8  }
0x9a: {  	[tilespmem:$0x1860] =	vst v8  }
0x9b: {  	[tilespmem:$0x1870] =	vst v8  }
0x9c: {  	[tilespmem:$0x1880] =	vst v8  }
0x9d: {  	[tilespmem:$0xEE0] =	vst v1;
	v1 =	vld [tilespmem:$0x1FFB0]  }
0x9e: {  	[tilespmem:$0x1890] =	vst v8  }
0x9f: {  	[tilespmem:$0x18A0] =	vst v8  }
0xa0: {  	[tilespmem:$0x18B0] =	vst v8  }
0xa1: {  	[tilespmem:$0x18C0] =	vst v8  }
0xa2: {  	[tilespmem:$0xEF0] =	vst v1;
	v1 =	vimm.f32 $-1.000000000e+00  }
0xa3: {  	[tilespmem:$0x1D00] =	vst v1  }
0xa4: {  	[tilespmem:$0x1D10] =	vst v1  }
0xa5: {  	[tilespmem:$0x1D20] =	vst v1  }
0xa6: {  	[tilespmem:$0x1D30] =	vst v1  }
0xa7: {  	[tilespmem:$0x1D40] =	vst v1  }
0xa8: {  	[tilespmem:$0x1D50] =	vst v1  }
0xa9: {  	[tilespmem:$0x1D60] =	vst v1  }
0xaa: {  	[tilespmem:$0x1D70] =	vst v1  }
0xab: {  	[tilespmem:$0x1D80] =	vst v1  }
0xac: {  	[tilespmem:$0x1D90] =	vst v1  }
0xad: {  	[tilespmem:$0x1DA0] =	vst v1  }
0xae: {  	[tilespmem:$0x1DB0] =	vst v1  }
0xaf: {  	[tilespmem:$0x1DC0] =	vst v1  }
0xb0: {  	[tilespmem:$0x1DD0] =	vst v1  }
0xb1: {  	[tilespmem:$0x1DE0] =	vst v1  }
0xb2: {  	[tilespmem:$0x1DF0] =	vst v1  }
0xb3: {  	[tilespmem:$0x1E00] =	vst v1  }
0xb4: {  	[tilespmem:$0x1E10] =	vst v1  }
0xb5: {  	[tilespmem:$0x1E20] =	vst v1;
	v1 =	vld [tilespmem:$0x0]  }
0xb6: {  	[tilespmem:$0x18D0] =	vst v8;
	v2 =	vld [tilespmem:$0x10]  }
0xb7: {  	[tilespmem:$0x18E0] =	vst v8  }
0xb8: {  	[tilespmem:$0x18F0] =	vst v8  }
0xb9: {  	[tilespmem:$0x1900] =	vst v8;
	v3 =	vld [tilespmem:$0x20]  }
0xba: {  	[tilespmem:$0x1910] =	vst v8;
	vm0 =	vgt.f32 v1, $-1.000000000e+09  }
0xbb: {  	[tilespmem:$0x1920] =	vst v8;
	vm1 =	vgt.f32 v2, $-1.000000000e+09;
	v1 =	vnsel vm0, $0xCE6E6B28, v1  }
0xbc: {  	[tilespmem:$0x1930] =	vst v8;
	v5 =	vld [tilespmem:$0x30];
	v4 =	vnsel vm1, $0xCE6E6B28, v2;
	vm2 =	vgt.f32 v2, v1  }
0xbd: {  	[tilespmem:$0x1940] =	vst v8;
	v4 =	vsel vm2, v1, v4  }
0xbe: {  	[tilespmem:$0x1950] =	vst v8;
	v1 =	vsel vm2, v2, v1;
	vm3 =	vgt.f32 v3, v4  }
0xbf: {  	[tilespmem:$0x1960] =	vst v8;
	vm4 =	vgt.f32 v3, v1;
	v2 =	vsel vm3, v3, v4;
	v4 =	vld [tilespmem:$0x40]  }
0xc0: {  	[tilespmem:$0x1970] =	vst v8;
	v6 =	vnsel vm0, $0x0, v30;
	v2 =	vsel vm4, v1, v2;
	v1 =	vsel vm4, v3, v1  }
0xc1: {  	[tilespmem:$0x1980] =	vst v8;
	v3 =	vnsel vm1, $0x0, v27;
	vm15 =	vgt.f32 v5, v2;
	vm8 =	vgt.f32 v5, v1  }
0xc2: {  	[tilespmem:$0x1990] =	vst v8;
	v7 =	vld [tilespmem:$0x50];
	v3 =	vsel vm2, v6, v3;
	v6 =	vsel vm2, v27, v6;
	v2 =	vsel vm15, v5, v2  }
0xc3: {  	[tilespmem:$0x19A0] =	vst v8;
	v3 =	vsel vm3, v28, v3;
	v2 =	vsel vm8, v1, v2;
	v1 =	vsel vm8, v5, v1  }
0xc4: {  	[tilespmem:$0x19B0] =	vst v8;
	v3 =	vsel vm4, v6, v3;
	v6 =	vsel vm4, v28, v6;
	vm9 =	vgt.f32 v4, v2  }
0xc5: {  	[tilespmem:$0x19C0] =	vst v8;
	v5 =	vld [tilespmem:$0x60];
	vm10 =	vgt.f32 v4, v1;
	v3 =	vsel vm15, v29, v3;
	v2 =	vsel vm9, v4, v2  }
0xc6: {  	[tilespmem:$0x19D0] =	vst v8;
	v3 =	vsel vm8, v6, v3;
	v2 =	vsel vm10, v1, v2  }
0xc7: {  	[tilespmem:$0x19E0] =	vst v8;
	v6 =	vsel vm8, v29, v6;
	v1 =	vsel vm10, v4, v1;
	vm11 =	vgt.f32 v7, v2  }
0xc8: {  	[tilespmem:$0x19F0] =	vst v8;
	v4 =	vld [tilespmem:$0x70];
	v3 =	vsel vm9, v15, v3;
	vm12 =	vgt.f32 v7, v1;
	v2 =	vsel vm11, v7, v2  }
0xc9: {  	[tilespmem:$0x1A00] =	vst v8;
	v3 =	vsel vm10, v6, v3;
	v2 =	vsel vm12, v1, v2  }
0xca: {  	[tilespmem:$0x1A10] =	vst v8;
	v6 =	vsel vm10, v15, v6;
	v1 =	vsel vm12, v7, v1;
	vm13 =	vgt.f32 v5, v2  }
0xcb: {  	[tilespmem:$0x1A20] =	vst v8;
	v3 =	vsel vm11, v31, v3;
	v7 =	vld [tilespmem:$0x80];
	vm14 =	vgt.f32 v5, v1;
	v2 =	vsel vm13, v5, v2  }
0xcc: {  	[tilespmem:$0x1A30] =	vst v8;
	v3 =	vsel vm12, v6, v3;
	v2 =	vsel vm14, v1, v2  }
0xcd: {  	[tilespmem:$0x1A40] =	vst v8;
	v6 =	vsel vm12, v31, v6;
	v1 =	vsel vm14, v5, v1;
	vm15 =	vgt.f32 v4, v2  }
0xce: {  	[tilespmem:$0x1A50] =	vst v8;
	v3 =	vsel vm13, v32, v3;
	v5 =	vld [tilespmem:$0x90];
	vm8 =	vgt.f32 v4, v1;
	v2 =	vsel vm15, v4, v2  }
0xcf: {  	[tilespmem:$0x1A60] =	vst v8;
	v3 =	vsel vm14, v6, v3;
	v2 =	vsel vm8, v1, v2  }
0xd0: {  	[tilespmem:$0x1A70] =	vst v8;
	v6 =	vsel vm14, v32, v6;
	v1 =	vsel vm8, v4, v1;
	vm9 =	vgt.f32 v7, v2  }
0xd1: {  	[tilespmem:$0x1A80] =	vst v8;
	v3 =	vsel vm15, v33, v3;
	v4 =	vld [tilespmem:$0xA0];
	vm10 =	vgt.f32 v7, v1;
	v2 =	vsel vm9, v7, v2  }
0xd2: {  	[tilespmem:$0x1A90] =	vst v8;
	v3 =	vsel vm8, v6, v3;
	v2 =	vsel vm10, v1, v2  }
0xd3: {  	[tilespmem:$0x1AA0] =	vst v8;
	v6 =	vsel vm8, v33, v6;
	v1 =	vsel vm10, v7, v1;
	vm11 =	vgt.f32 v5, v2  }
0xd4: {  	[tilespmem:$0x1AB0] =	vst v8;
	v3 =	vsel vm9, v42, v3;
	v7 =	vld [tilespmem:$0xB0];
	vm12 =	vgt.f32 v5, v1;
	v2 =	vsel vm11, v5, v2  }
0xd5: {  	[tilespmem:$0x1AC0] =	vst v8;
	v3 =	vsel vm10, v6, v3;
	v2 =	vsel vm12, v1, v2  }
0xd6: {  	[tilespmem:$0x1AD0] =	vst v8;
	v6 =	vsel vm10, v42, v6;
	v1 =	vsel vm12, v5, v1;
	vm13 =	vgt.f32 v4, v2  }
0xd7: {  	[tilespmem:$0x1AE0] =	vst v8;
	v3 =	vsel vm11, v34, v3;
	v5 =	vld [tilespmem:$0xC0];
	vm14 =	vgt.f32 v4, v1;
	v2 =	vsel vm13, v4, v2  }
0xd8: {  	[tilespmem:$0x1AF0] =	vst v8;
	v3 =	vsel vm12, v6, v3;
	v2 =	vsel vm14, v1, v2  }
0xd9: {  	[tilespmem:$0x1B00] =	vst v8;
	v6 =	vsel vm12, v34, v6;
	v1 =	vsel vm14, v4, v1;
	vm15 =	vgt.f32 v7, v2  }
0xda: {  	[tilespmem:$0x1B10] =	vst v8;
	v3 =	vsel vm13, v0, v3;
	v4 =	vld [tilespmem:$0xD0];
	vm8 =	vgt.f32 v7, v1;
	v2 =	vsel vm15, v7, v2  }
0xdb: {  	[tilespmem:$0x1B20] =	vst v8;
	v3 =	vsel vm14, v6, v3;
	v2 =	vsel vm8, v1, v2  }
0xdc: {  	[tilespmem:$0x1B30] =	vst v8;
	v6 =	vsel vm14, v0, v6;
	v1 =	vsel vm8, v7, v1;
	vm9 =	vgt.f32 v5, v2  }
0xdd: {  	[tilespmem:$0x1B40] =	vst v8;
	v3 =	vsel vm15, v9, v3;
	v7 =	vld [tilespmem:$0xE0];
	vm10 =	vgt.f32 v5, v1;
	v2 =	vsel vm9, v5, v2  }
0xde: {  	[tilespmem:$0x1B50] =	vst v8;
	v3 =	vsel vm8, v6, v3;
	v2 =	vsel vm10, v1, v2  }
0xdf: {  	[tilespmem:$0x1B60] =	vst v8;
	v6 =	vsel vm8, v9, v6;
	v1 =	vsel vm10, v5, v1;
	vm11 =	vgt.f32 v4, v2  }
0xe0: {  	[tilespmem:$0x1B70] =	vst v8;
	v3 =	vsel vm9, v10, v3;
	v5 =	vld [tilespmem:$0xF0];
	vm12 =	vgt.f32 v4, v1;
	v2 =	vsel vm11, v4, v2  }
0xe1: {  	[tilespmem:$0x1B80] =	vst v8;
	v3 =	vsel vm10, v6, v3;
	v2 =	vsel vm12, v1, v2  }
0xe2: {  	[tilespmem:$0x1B90] =	vst v8;
	v6 =	vsel vm10, v10, v6;
	v1 =	vsel vm12, v4, v1;
	vm13 =	vgt.f32 v7, v2  }
0xe3: {  	[tilespmem:$0x1BA0] =	vst v8;
	v3 =	vsel vm11, v26, v3;
	v4 =	vld [tilespmem:$0x100];
	vm14 =	vgt.f32 v7, v1;
	v2 =	vsel vm13, v7, v2  }
0xe4: {  	[tilespmem:$0x1BB0] =	vst v8;
	v3 =	vsel vm12, v6, v3;
	v2 =	vsel vm14, v1, v2  }
0xe5: {  	[tilespmem:$0x1BC0] =	vst v8;
	v6 =	vsel vm12, v26, v6;
	v1 =	vsel vm14, v7, v1;
	vm15 =	vgt.f32 v5, v2  }
0xe6: {  	[tilespmem:$0x1BD0] =	vst v8;
	v3 =	vsel vm13, v39, v3;
	v7 =	vld [tilespmem:$0x110];
	vm7 =	vgt.f32 v5, v1;
	v2 =	vsel vm15, v5, v2  }
0xe7: {  	[tilespmem:$0x1BE0] =	vst v8;
	v3 =	vsel vm14, v6, v3;
	v2 =	vsel vm7, v1, v2  }
0xe8: {  	[tilespmem:$0x1BF0] =	vst v8;
	v6 =	vsel vm14, v39, v6;
	v1 =	vsel vm7, v5, v1;
	vm8 =	vgt.f32 v4, v2  }
0xe9: {  	[tilespmem:$0x1C00] =	vst v8;
	v3 =	vsel vm15, v40, v3;
	v5 =	vld [tilespmem:$0x120];
	vm9 =	vgt.f32 v4, v1;
	v2 =	vsel vm8, v4, v2  }
0xea: {  	[tilespmem:$0x1C10] =	vst v8;
	v3 =	vsel vm7, v6, v3;
	v2 =	vsel vm9, v1, v2  }
0xeb: {  	[tilespmem:$0x1C20] =	vst v8;
	v3 =	vsel vm8, v41, v3;
	v1 =	vsel vm9, v4, v1;
	vm10 =	vgt.f32 v7, v2  }
0xec: {  	[tilespmem:$0x1C30] =	vst v8;
	v4 =	vsel vm7, v40, v6;
	v6 =	vld [tilespmem:$0x130];
	vm11 =	vgt.f32 v7, v1;
	v2 =	vsel vm10, v7, v2  }
0xed: {  	[tilespmem:$0x1C40] =	vst v8;
	v3 =	vsel vm9, v4, v3;
	v2 =	vsel vm11, v1, v2  }
0xee: {  	[tilespmem:$0x1C50] =	vst v8;
	v4 =	vsel vm9, v41, v4;
	v1 =	vsel vm11, v7, v1;
	vm12 =	vgt.f32 v5, v2  }
0xef: {  	[tilespmem:$0x1C60] =	vst v8;
	v3 =	vsel vm10, v24, v3;
	vm13 =	vgt.f32 v5, v1;
	v2 =	vsel vm12, v5, v2  }
0xf0: {  	[tilespmem:$0x1C70] =	vst v8;
	v5 =	vsel vm13, v5, v1;
	v2 =	vsel vm13, v1, v2;
	v1 =	vsel vm11, v4, v3  }
0xf1: {  	[tilespmem:$0x1C80] =	vst v8;
	v3 =	vsel vm11, v24, v4;
	vm15 =	vgt.f32 v6, v5;
	v1 =	vsel vm12, v35, v1  }
0xf2: {  	[tilespmem:$0x1C90] =	vst v8;
	vm14 =	vgt.f32 v6, v2;
	v4 =	vsel vm15, v6, v5;
	v1 =	vsel vm13, v3, v1  }
0xf3: {  	[tilespmem:$0x1CA0] =	vst v8;
	v2 =	vsel vm14, v6, v2;
	v3 =	vsel vm13, v35, v3;
	v1 =	vsel vm14, v11, v1  }
0xf4: {  	s23 =	simm.s32 $0x0;
	s24 =	simm.s32 $0x0;
	[tilespmem:$0x1CB0] =	vst v8;
	v2 =	vsel vm15, v5, v2;
	v1 =	vsel vm15, v3, v1;
	v3 =	vsel vm15, v11, v3  }
.LBB2_2:
0xf5: {  	(xrf0) =	vmax.scan.msk.f32 $0xffff, v4;
	_ =	sdelay $0x5  }
0xf6: {  	v5, _, _ =	vpop (xrf0)  }
0xf7: {  	v5 =	vbroadcast v5, $0xF;
	_ =	sdelay $0x1  }
0xf8: {  	vm0 =	veq.f32 v4, v5;
	v5 =	vxor.u32 $0x80000000, v3  }
0xf9: {  	v5 =	vnsel vm0, $0xC0000000, v5  }
0xfa: {  	(xrf0) =	vmin.scan.msk.u32 $0xffff, v5;
	_ =	sdelay $0x5  }
0xfb: {  	v5, _, _ =	vpop (xrf0)  }
0xfc: {  	(v2sf) =	vpush v5, $0xF;
	_ =	sdelay $0xe  }
0xfd: {  	s26 =	spop (v2sf)  }
0xfe: {  	s26 =	sxor.u32 $0x80000000, s26  }
0xff: {  	vm1 =	veq.s32 v3, s26  }
0x100: {  	vm0 =	vmand vm0, vm1  }
0x101: {  	v2 =	vsel vm0, v2, v4  }
0x102: {  	(xrf0) =	vmax.scan.msk.f32 $0xffff, v2;
	_ =	sdelay $0x5  }
0x103: {  	v4, _, _ =	vpop (xrf0)  }
0x104: {  	v4 =	vbroadcast v4, $0xF  }
0x105: {  	v1 =	vsel vm0, v1, v3  }
0x106: {  	v1 =	vxor.u32 $0x80000000, v1;
	vm12 =	veq.f32 v2, v4  }
0x107: {  	v1 =	vnsel vm12, $0xC0000000, v1  }
0x108: {  	(xrf0) =	vmin.scan.msk.u32 $0xffff, v1;
	_ =	sdelay $0x5  }
0x109: {  	v1, _, _ =	vpop (xrf0)  }
0x10a: {  	(v2sf) =	vpush v1, $0xF;
	_ =	sdelay $0xd  }
0x10b: {  	v1 =	vmul.u32 $0x140, v30  }
0x10c: {  	s28 =	spop (v2sf)  }
0x10d: {  	v2 =	vadd.s32 s26, v1;
	s28 =	sxor.u32 $0x80000000, s28  }
0x10e: {  	v1 =	vadd.s32 s28, v1;
	_ =	sdelay $0x3  }
0x10f: {  	v2 =	vld.idx.msk [tilespmem:v2+s2+$0x0], $0xffff  }
0x110: {  	v1 =	vld.idx.msk [tilespmem:v1+s2+$0x0], $0xffff;
	_ =	sdelay $0x2  }
0x111: {  	s28 =	sand.u32 $0x200, s23  }
0x112: {  	s26 =	sadd.s32 s28, s0;
	[tilespmem:$0x1400] =	vst v2  }
0x113: {  	s29 =	sadd.s32 s25, s26;
	[tilespmem:$0x1410] =	vst v1  }
0x114: {  	[spmem:s29] =	stream.linear.scatter [tilespmem:s31], [sflag:$0x1], $0x20, $0x38;
	[tilespmem:$0x1EC0] =	vst v63  }
0x115: {  	_ =	swait.ge [sflag:s18], $0x20  }
0x116: {  	[sflag:s18] =	ssyncset.done $0x0  }
0x117: {  	v1 =	vmul.u32 $0x20, v30;
	[sflag:s18] =	ssyncadd.s32 $0xFFFFFFE0  }
0x118: {  	[bflag:$0x0] =	sbarrier.arrive $0xFFFF  }
0x119: {  	[tilespmem:s1], [sflag:$0x1] =	stream.linear.gather [spmem:s26], $0x200, $0x38;
	[tilespmem:$0x1EC0] =	vst v63  }
0x11a: {  	_ =	swait.ge [sflag:s18], $0x200  }
0x11b: {  	[sflag:s18] =	ssyncset.done $0x0  }
0x11c: {  	[sflag:s18] =	ssyncadd.s32 $0xFFFFFE00  }
0x11d: {  	v2 =	vld.idx.msk [tilespmem:v1+s1+$0x0], $0xffff;
	_ =	sdelay $0x4  }
0x11e: {  	(xrf0) =	vmax.scan.msk.f32 $0xffff, v2;
	_ =	sdelay $0x5  }
0x11f: {  	v3, _, _ =	vpop (xrf0)  }
0x120: {  	v44 =	vbroadcast v3, $0xF;
	_ =	sdelay $0x1  }
0x121: {  	v4 =	vor.u32 $0x80000000, v30;
	vm13 =	veq.f32 v2, v44  }
0x122: {  	v5 =	vnsel vm13, $0x80000010, v4  }
0x123: {  	(xrf0) =	vmin.scan.msk.u32 $0xffff, v5;
	_ =	sdelay $0x5  }
0x124: {  	(v2sf) =	vpush v3, $0xF;
	v3, _, _ =	vpop (xrf0)  }
0x125: {  	(v2sf) =	vpush v3, $0xF;
	_ =	sdelay $0x8  }
0x126: {  	v1 =	vor.u32 $0x10, v1;
	_ =	sdelay $0x4  }
0x127: {  	v1 =	vld.idx.msk [tilespmem:v1+s1+$0x0], $0xffff;
	s26 =	spop (v2sf)  }
0x128: {  	s28 =	spop (v2sf)  }
0x129: {  	s29 =	sxor.u32 $0x80000000, s28  }
0x12a: {  	v3 =	vmov s29  }
0x12b: {  	vm14 =	veq.s32 v3, v30  }
0x12c: {  	v1 =	vsel vm14, v1, v2  }
0x12d: {  	(xrf0) =	vmax.scan.msk.f32 $0xffff, v1;
	_ =	sdelay $0x5  }
0x12e: {  	v2, _, _ =	vpop (xrf0)  }
0x12f: {  	v45 =	vbroadcast v2, $0xF;
	_ =	sdelay $0x1  }
0x130: {  	vm0 =	veq.f32 v1, v45  }
0x131: {  	v1 =	vnsel vm0, $0x80000010, v4  }
0x132: {  	(xrf0) =	vmin.scan.msk.u32 $0xffff, v1;
	_ =	sdelay $0x5  }
0x133: {  	v1, _, _ =	vpop (xrf0)  }
0x134: {  	(v2sf) =	vpush v1, $0xF;
	_ =	sdelay $0xe  }
0x135: {  	v46 =	vshll.u32 v3, $0x5;
	s29 =	spop (v2sf)  }
0x136: {  	v1 =	vor.u32 $0x1, v46;
	p1 =	seq.s32 s29, s28;
	s28 =	simm.s32 $0x10  }
0x137: {  	v2 =	vor.u32 $0x2, v46;
	s29 =	sshll.u32 s29, $0x5;
	s28 =	simm.s32 @!p1 $0x0  }
0x138: {  	v3 =	vor.u32 $0x3, v46;
	s28 =	sor.u32 s29, s28  }
0x139: {  	v4 =	vor.u32 $0x4, v46;
	v47 =	vmov s28  }
0x13a: {  	v5 =	vor.u32 $0x1, v47  }
0x13b: {  	v51 =	vld.idx.msk [tilespmem:v1+s1+$0x0], $0xffff;
	v1 =	vor.u32 $0x2, v47  }
0x13c: {  	v49 =	vld.idx.msk [tilespmem:v2+s1+$0x0], $0xffff;
	v2 =	vor.u32 $0x3, v47  }
0x13d: {  	v52 =	vld.idx.msk [tilespmem:v3+s1+$0x0], $0xffff;
	v3 =	vor.u32 $0x4, v47  }
0x13e: {  	v50 =	vld.idx.msk [tilespmem:v4+s1+$0x0], $0xffff  }
0x13f: {  	v4 =	vld.idx.msk [tilespmem:v5+s1+$0x0], $0xffff  }
0x140: {  	v5 =	vor.u32 $0x5, v46;
	v1 =	vld.idx.msk [tilespmem:v1+s1+$0x0], $0xffff  }
0x141: {  	v6 =	vor.u32 $0x5, v47;
	v2 =	vld.idx.msk [tilespmem:v2+s1+$0x0], $0xffff  }
0x142: {  	v3 =	vld.idx.msk [tilespmem:v3+s1+$0x0], $0xffff;
	_ =	sdelay $0x2  }
0x143: {  	v48 =	vld.idx.msk [tilespmem:v5+s1+$0x0], $0xffff  }
0x144: {  	v5 =	vld.idx.msk [tilespmem:v6+s1+$0x0], $0xffff;
	v6 =	vmin.f32 v52, v2  }
0x145: {  	v7 =	vmax.f32 v51, v4;
	v8 =	vmin.f32 v50, v3;
	v9 =	vmax.f32 v49, v1  }
0x146: {  	v6 =	vsub.f32 v6, v7;
	v7 =	vsub.f32 v8, v9;
	_ =	sdelay $0x1  }
0x147: {  	v6 =	vmax.f32 v6, $0.0e+00;
	v7 =	vmax.f32 v7, $0.0e+00  }
0x148: {  	v6 =	vmul.f32 v7, v6;
	v7 =	vadd.f32 v5, v48;
	_ =	sdelay $0x1  }
0x149: {  	v7 =	vsub.f32 v7, v6;
	_ =	sdelay $0x1  }
0x14a: {  	v7 =	vmax.f32 v7, $9.999999710e-10  }
0x14b: {  	(erf) = vrcp.f32 v7;
	_ =	sdelay $0x4  }
0x14c: {  	v11 =	vld [tilespmem:$0x500]  }
0x14d: {  	v8 =	vld [tilespmem:$0x280]  }
0x14e: {  	v9 =	vld [tilespmem:$0x3C0]  }
0x14f: {  	v7 =	vld [tilespmem:$0x140]  }
0x150: {  	v10 =	vpop (erf)  }
0x151: {  	v6 =	vmul.f32 v10, v6  }
0x152: {  	vm4 =	vgt.f32 v45, $0.0e+00  }
0x153: {  	v54 =	vmin.f32 v11, v50;
	v55 =	vmax.f32 v8, v49;
	vm15 =	vgt.f32 v6, $9.999999770e-03  }
0x154: {  	v53 =	vmax.f32 v7, v51;
	v10 =	vmin.f32 v9, v52;
	v6 =	vld [tilespmem:$0x640];
	vm0 =	vmneg vm15  }
0x155: {  	v63 =	vsub.f32 v54, v55;
	v10 =	vsub.f32 v10, v53;
	vm0 =	vmand vm4, vm0  }
0x156: {  	v56 =	vnsel vm0, $0x0, v4;
	v54 =	vnsel vm0, $0x0, v1;
	v57 =	vnsel vm0, $0x0, v2  }
0x157: {  	v55 =	vnsel vm0, $0x0, v3;
	v1 =	vmax.f32 v10, $0.0e+00;
	v2 =	vmax.f32 v63, $0.0e+00;
	v4 =	vld [tilespmem:$0x150]  }
0x158: {  	v10 =	vld [tilespmem:$0x3D0];
	v1 =	vmul.f32 v2, v1;
	v3 =	vmin.f32 v9, v57;
	v7 =	vmax.f32 v7, v56  }
0x159: {  	v9 =	vmin.f32 v11, v55;
	v8 =	vmax.f32 v8, v54;
	v2 =	vadd.f32 v6, v48  }
0x15a: {  	v53 =	vnsel vm0, $0x0, v5;
	v3 =	vsub.f32 v3, v7;
	v7 =	vsub.f32 v9, v8;
	v8 =	vld [tilespmem:$0x290]  }
0x15b: {  	v9 =	vld [tilespmem:$0x510];
	v5 =	vadd.f32 v53, v6  }
0x15c: {  	v2 =	vsub.f32 v2, v1;
	v3 =	vmax.f32 v3, $0.0e+00;
	v7 =	vmax.f32 v7, $0.0e+00  }
0x15d: {  	v3 =	vmul.f32 v7, v3;
	v6 =	vmin.f32 v10, v52;
	v7 =	vmax.f32 v4, v51  }
0x15e: {  	v10 =	vmin.f32 v10, v57;
	v4 =	vmax.f32 v4, v56;
	v2 =	vmax.f32 v2, $9.999999710e-10  }
0x15f: {  	v6 =	vsub.f32 v6, v7;
	v4 =	vsub.f32 v10, v4;
	(erf) = vrcp.f32 v2;
	v2 =	vld [tilespmem:$0x650]  }
0x160: {  	v5 =	vsub.f32 v5, v3;
	v7 =	vmin.f32 v9, v50;
	v11 =	vmax.f32 v8, v49  }
0x161: {  	v9 =	vmin.f32 v9, v55;
	v8 =	vmax.f32 v8, v54;
	v7 =	vsub.f32 v7, v11  }
0x162: {  	v6 =	vmax.f32 v6, $0.0e+00;
	v8 =	vsub.f32 v9, v8;
	v5 =	vmax.f32 v5, $9.999999710e-10  }
0x163: {  	v9 =	vld [tilespmem:$0x160];
	v4 =	vmax.f32 v4, $0.0e+00;
	v7 =	vmax.f32 v7, $0.0e+00;
	(erf) = vrcp.f32 v5  }
0x164: {  	v5 =	vmax.f32 v8, $0.0e+00;
	v8 =	vld [tilespmem:$0x3E0];
	v6 =	vmul.f32 v7, v6;
	v7 =	vadd.f32 v2, v48  }
0x165: {  	v4 =	vmul.f32 v5, v4;
	v5 =	vld [tilespmem:$0x2A0];
	v2 =	vadd.f32 v2, v53  }
0x166: {  	v10 =	vld [tilespmem:$0x520];
	v7 =	vsub.f32 v7, v6  }
0x167: {  	v2 =	vsub.f32 v2, v4  }
0x168: {  	v11 =	vmax.f32 v9, v51;
	v9 =	vmax.f32 v9, v56;
	v7 =	vmax.f32 v7, $9.999999710e-10  }
0x169: {  	v2 =	vmax.f32 v2, $9.999999710e-10;
	(erf) = vrcp.f32 v7;
	v7 =	vmin.f32 v8, v52  }
0x16a: {  	v18 =	vmax.f32 v5, v49;
	(erf) = vrcp.f32 v2;
	v2 =	vsub.f32 v7, v11;
	v7 =	vld [tilespmem:$0x660]  }
0x16b: {  	v5 =	vmax.f32 v5, v54;
	v8 =	vmin.f32 v8, v57;
	v11 =	vmin.f32 v10, v50  }
0x16c: {  	v58 =	vpop (erf);
	v10 =	vmin.f32 v10, v55;
	v8 =	vsub.f32 v8, v9;
	v11 =	vsub.f32 v11, v18  }
0x16d: {  	v22 =	vld [tilespmem:$0x2C0];
	v1 =	vmul.f32 v58, v1;
	v19 =	vpop (erf);
	v5 =	vsub.f32 v10, v5;
	v2 =	vmax.f32 v2, $0.0e+00  }
0x16e: {  	v9 =	vld [tilespmem:$0x0];
	v3 =	vmul.f32 v19, v3;
	v8 =	vmax.f32 v8, $0.0e+00;
	v11 =	vmax.f32 v11, $0.0e+00  }
0x16f: {  	v5 =	vmax.f32 v5, $0.0e+00;
	v2 =	vmul.f32 v11, v2;
	v10 =	vadd.f32 v7, v48  }
0x170: {  	v5 =	vmul.f32 v5, v8;
	v7 =	vadd.f32 v7, v53  }
0x171: {  	vm5 =	vgt.f32 v1, $9.999999770e-03;
	vm2 =	vgt.f32 v3, $9.999999770e-03;
	v11 =	vld [tilespmem:$0x170];
	v8 =	vsub.f32 v10, v2  }
0x172: {  	v23 =	vmax.f32 v22, v49;
	v1 =	vld [tilespmem:$0x10];
	vm1 =	vmor vm5, vm2;
	v7 =	vsub.f32 v7, v5;
	v3 =	vpop (erf)  }
0x173: {  	v58 =	vsel vm1, $0xCE6E6B28, v9;
	v10 =	vpop (erf);
	v3 =	vmul.f32 v3, v6;
	v6 =	vmax.f32 v8, $9.999999710e-10;
	v8 =	vld [tilespmem:$0x3F0]  }
0x174: {  	v60 =	vld [tilespmem:$0x670];
	v4 =	vmul.f32 v10, v4;
	(erf) = vrcp.f32 v6;
	v6 =	vmax.f32 v7, $9.999999710e-10  }
0x175: {  	v37 =	vmax.f32 v22, v54;
	vm3 =	vgt.f32 v58, $-1.000000000e+09;
	v7 =	vld [tilespmem:$0x2B0];
	(erf) = vrcp.f32 v6  }
0x176: {  	v9 =	vmax.f32 v11, v51;
	vm6 =	vgt.f32 v3, $9.999999770e-03;
	v3 =	vld [tilespmem:$0x530];
	vm7 =	vgt.f32 v4, $9.999999770e-03  }
0x177: {  	v11 =	vmax.f32 v11, v56;
	v6 =	vnsel vm3, $0x0, v30;
	vm1 =	vmor vm6, vm7  }
0x178: {  	v4 =	vnsel vm3, $0xCE6E6B28, v58;
	v59 =	vsel vm1, $0xCE6E6B28, v1;
	v1 =	vmin.f32 v8, v52  }
0x179: {  	v8 =	vmin.f32 v8, v57;
	vm8 =	vgt.f32 v59, $-1.000000000e+09;
	v1 =	vsub.f32 v1, v9  }
0x17a: {  	v62 =	vmax.f32 v7, v49;
	v7 =	vmax.f32 v7, v54;
	v8 =	vsub.f32 v8, v11  }
0x17b: {  	v11 =	vadd.f32 v60, v48;
	v61 =	vmin.f32 v3, v50;
	v3 =	vmin.f32 v3, v55  }
0x17c: {  	vm1 =	vgt.f32 v59, v4;
	v61 =	vsub.f32 v61, v62;
	v3 =	vsub.f32 v3, v7  }
0x17d: {  	v10 =	vnsel vm8, $0xCE6E6B28, v59;
	v9 =	vnsel vm8, $0x0, v27;
	v1 =	vmax.f32 v1, $0.0e+00;
	v63 =	vpop (erf)  }
0x17e: {  	v21 =	vld [tilespmem:$0x180];
	v61 =	vmax.f32 v61, $0.0e+00;
	v3 =	vmax.f32 v3, $0.0e+00;
	v2 =	vmul.f32 v63, v2;
	v7 =	vpop (erf)  }
0x17f: {  	v1 =	vmul.f32 v61, v1;
	v5 =	vmul.f32 v7, v5;
	v7 =	vmax.f32 v8, $0.0e+00  }
0x180: {  	v10 =	vsel vm1, v4, v10;
	v8 =	vld [tilespmem:$0x400];
	v3 =	vmul.f32 v3, v7;
	v7 =	vadd.f32 v60, v53  }
0x181: {  	v9 =	vsel vm1, v6, v9;
	v11 =	vsub.f32 v11, v1;
	vm9 =	vgt.f32 v2, $9.999999770e-03;
	v2 =	vld [tilespmem:$0x540]  }
0x182: {  	v20 =	vld [tilespmem:$0x20];
	v4 =	vsel vm1, v59, v4;
	v6 =	vsel vm1, v27, v6;
	v7 =	vsub.f32 v7, v3  }
0x183: {  	v38 =	vld [tilespmem:$0x190];
	v61 =	vmax.f32 v21, v56;
	vm10 =	vgt.f32 v5, $9.999999770e-03;
	v5 =	vmax.f32 v11, $9.999999710e-10  }
0x184: {  	vm2 =	vmor vm9, vm10;
	(erf) = vrcp.f32 v5;
	v5 =	vmax.f32 v7, $9.999999710e-10  }
0x185: {  	v11 =	vmax.f32 v21, v51;
	v7 =	vmin.f32 v8, v52;
	(erf) = vrcp.f32 v5;
	v5 =	vld [tilespmem:$0x680]  }
0x186: {  	v8 =	vmin.f32 v8, v57;
	v7 =	vsub.f32 v7, v11;
	v11 =	vmin.f32 v2, v50  }
0x187: {  	v2 =	vmin.f32 v2, v55;
	v8 =	vsub.f32 v8, v61;
	v11 =	vsub.f32 v11, v23  }
0x188: {  	v60 =	vsel vm2, $0xCE6E6B28, v20;
	v20 =	vmax.f32 v38, v51;
	v2 =	vsub.f32 v2, v37  }
0x189: {  	v7 =	vmax.f32 v7, $0.0e+00;
	v8 =	vmax.f32 v8, $0.0e+00;
	v11 =	vmax.f32 v11, $0.0e+00  }
0x18a: {  	v2 =	vmax.f32 v2, $0.0e+00;
	v7 =	vmul.f32 v11, v7;
	v11 =	vadd.f32 v5, v48  }
0x18b: {  	v43 =	vld [tilespmem:$0x410];
	vm11 =	vgt.f32 v60, v10;
	v2 =	vmul.f32 v2, v8;
	v5 =	vadd.f32 v5, v53  }
0x18c: {  	v12 =	vld [tilespmem:$0x550];
	vm2 =	vgt.f32 v60, v4;
	v10 =	vsel vm11, v60, v10;
	v11 =	vsub.f32 v11, v7  }
0x18d: {  	v9 =	vsel vm11, v28, v9;
	v61 =	vmax.f32 v38, v56;
	v8 =	vld [tilespmem:$0x2D0];
	v18 =	vpop (erf);
	v5 =	vsub.f32 v5, v2  }
0x18e: {  	v10 =	vsel vm2, v4, v10;
	v1 =	vmul.f32 v18, v1;
	v19 =	vpop (erf);
	v11 =	vmax.f32 v11, $9.999999710e-10  }
0x18f: {  	v5 =	vmax.f32 v5, $9.999999710e-10;
	v3 =	vmul.f32 v19, v3;
	(erf) = vrcp.f32 v11  }
0x190: {  	v11 =	vmin.f32 v43, v52;
	vm12 =	vgt.f32 v1, $9.999999770e-03;
	(erf) = vrcp.f32 v5  }
0x191: {  	v1 =	vsub.f32 v11, v20;
	v5 =	vmin.f32 v12, v50;
	vm13 =	vgt.f32 v3, $9.999999770e-03;
	v3 =	vld [tilespmem:$0x690]  }
0x192: {  	v11 =	vmax.f32 v8, v49;
	v12 =	vmin.f32 v12, v55;
	v8 =	vmax.f32 v8, v54  }
0x193: {  	v21 =	vld [tilespmem:$0x30];
	v5 =	vsub.f32 v5, v11;
	v11 =	vmin.f32 v43, v57;
	v8 =	vsub.f32 v12, v8  }
0x194: {  	v9 =	vsel vm2, v6, v9;
	v4 =	vsel vm2, v60, v4;
	v11 =	vsub.f32 v11, v61  }
0x195: {  	v1 =	vmax.f32 v1, $0.0e+00;
	v5 =	vmax.f32 v5, $0.0e+00;
	v8 =	vmax.f32 v8, $0.0e+00  }
0x196: {  	v1 =	vmul.f32 v5, v1;
	v11 =	vmax.f32 v11, $0.0e+00;
	v5 =	vadd.f32 v3, v48  }
0x197: {  	vm1 =	vmor vm12, vm13;
	v8 =	vmul.f32 v8, v11;
	v3 =	vadd.f32 v3, v53  }
0x198: {  	v6 =	vsel vm2, v28, v6;
	v23 =	vld [tilespmem:$0x1A0];
	v61 =	vsel vm1, $0xCE6E6B28, v21;
	v12 =	vpop (erf);
	v5 =	vsub.f32 v5, v1  }
0x199: {  	vm1 =	vgt.f32 v61, v10;
	vm14 =	vgt.f32 v61, v4;
	v11 =	vld [tilespmem:$0x40];
	v3 =	vsub.f32 v3, v8;
	v22 =	vpop (erf)  }
0x19a: {  	v7 =	vmul.f32 v12, v7;
	v12 =	vld [tilespmem:$0x420];
	v2 =	vmul.f32 v22, v2;
	v5 =	vmax.f32 v5, $9.999999710e-10  }
0x19b: {  	v10 =	vsel vm1, v61, v10;
	v3 =	vmax.f32 v3, $9.999999710e-10;
	(erf) = vrcp.f32 v5;
	v5 =	vld [tilespmem:$0x2E0]  }
0x19c: {  	v9 =	vsel vm1, v29, v9;
	vm6 =	vgt.f32 v2, $9.999999770e-03;
	(erf) = vrcp.f32 v3;
	v2 =	vld [tilespmem:$0x560]  }
0x19d: {  	vm15 =	vgt.f32 v7, $9.999999770e-03;
	v7 =	vsel vm14, v6, v9;
	v6 =	vsel vm14, v29, v6  }
0x19e: {  	v3 =	vsel vm14, v4, v10;
	v4 =	vsel vm14, v61, v4;
	vm1 =	vmor vm15, vm6  }
0x19f: {  	v10 =	vmax.f32 v23, v51;
	v62 =	vsel vm1, $0xCE6E6B28, v11;
	v9 =	vmin.f32 v12, v52  }
0x1a0: {  	v12 =	vmin.f32 v12, v57;
	vm7 =	vgt.f32 v62, v3;
	vm1 =	vgt.f32 v62, v4  }
0x1a1: {  	v11 =	vld [tilespmem:$0x6A0];
	v9 =	vsub.f32 v9, v10;
	v13 =	vmax.f32 v5, v49;
	v10 =	vmin.f32 v2, v50  }
0x1a2: {  	v5 =	vmax.f32 v5, v54;
	v2 =	vmin.f32 v2, v55;
	v10 =	vsub.f32 v10, v13  }
0x1a3: {  	v3 =	vsel vm7, v62, v3;
	v13 =	vmax.f32 v23, v56;
	v2 =	vsub.f32 v2, v5  }
0x1a4: {  	v9 =	vmax.f32 v9, $0.0e+00;
	v12 =	vsub.f32 v12, v13;
	v14 =	vpop (erf);
	v10 =	vmax.f32 v10, $0.0e+00  }
0x1a5: {  	v13 =	vld [tilespmem:$0x1B0];
	v2 =	vmax.f32 v2, $0.0e+00;
	v1 =	vmul.f32 v14, v1;
	v5 =	vpop (erf);
	v9 =	vmul.f32 v10, v9  }
0x1a6: {  	v10 =	vadd.f32 v11, v48;
	v5 =	vmul.f32 v5, v8;
	v8 =	vmax.f32 v12, $0.0e+00;
	v12 =	vld [tilespmem:$0x430]  }
0x1a7: {  	v7 =	vsel vm7, v15, v7;
	v2 =	vmul.f32 v2, v8;
	v8 =	vadd.f32 v11, v53;
	v11 =	vld [tilespmem:$0x2F0]  }
0x1a8: {  	v3 =	vsel vm1, v4, v3;
	v10 =	vsub.f32 v10, v9;
	vm8 =	vgt.f32 v1, $9.999999770e-03;
	v1 =	vld [tilespmem:$0x570]  }
0x1a9: {  	v7 =	vsel vm1, v6, v7;
	v4 =	vsel vm1, v62, v4;
	v8 =	vsub.f32 v8, v2  }
0x1aa: {  	vm9 =	vgt.f32 v5, $9.999999770e-03;
	v5 =	vmax.f32 v10, $9.999999710e-10;
	v10 =	vmax.f32 v13, v51  }
0x1ab: {  	v37 =	vld [tilespmem:$0x50];
	v13 =	vmax.f32 v13, v56;
	(erf) = vrcp.f32 v5;
	v5 =	vmax.f32 v8, $9.999999710e-10  }
0x1ac: {  	v8 =	vmin.f32 v12, v52;
	v12 =	vmin.f32 v12, v57;
	(erf) = vrcp.f32 v5  }
0x1ad: {  	v5 =	vld [tilespmem:$0x6B0];
	v8 =	vsub.f32 v8, v10;
	v10 =	vmin.f32 v1, v50;
	v14 =	vmax.f32 v11, v49  }
0x1ae: {  	v1 =	vmin.f32 v1, v55;
	v11 =	vmax.f32 v11, v54;
	v10 =	vsub.f32 v10, v14  }
0x1af: {  	vm2 =	vmor vm8, vm9;
	v12 =	vsub.f32 v12, v13;
	v1 =	vsub.f32 v1, v11  }
0x1b0: {  	v63 =	vsel vm2, $0xCE6E6B28, v37;
	v8 =	vmax.f32 v8, $0.0e+00;
	v10 =	vmax.f32 v10, $0.0e+00  }
0x1b1: {  	v13 =	vld [tilespmem:$0x440];
	v12 =	vmax.f32 v12, $0.0e+00;
	v1 =	vmax.f32 v1, $0.0e+00;
	v8 =	vmul.f32 v10, v8  }
0x1b2: {  	v11 =	vld [tilespmem:$0x1C0];
	v12 =	vmul.f32 v1, v12;
	v10 =	vadd.f32 v5, v48;
	v1 =	vadd.f32 v5, v53  }
0x1b3: {  	v30 =	vmovc v15;
	v6 =	vsel vm1, v15, v6;
	v15 =	vld [tilespmem:$0x580];
	vm2 =	vgt.f32 v63, v4;
	vm10 =	vgt.f32 v63, v3  }
0x1b4: {  	v3 =	vsel vm10, v63, v3;
	v5 =	vld [tilespmem:$0x300];
	v10 =	vsub.f32 v10, v8;
	v14 =	vpop (erf);
	v1 =	vsub.f32 v1, v12  }
0x1b5: {  	v7 =	vsel vm10, v31, v7;
	v3 =	vsel vm2, v4, v3;
	v9 =	vmul.f32 v14, v9;
	v14 =	vpop (erf)  }
0x1b6: {  	v10 =	vmax.f32 v10, $9.999999710e-10;
	v1 =	vmax.f32 v1, $9.999999710e-10;
	v2 =	vmul.f32 v14, v2  }
0x1b7: {  	(erf) = vrcp.f32 v10;
	v10 =	vmin.f32 v13, v52;
	v14 =	vmax.f32 v11, v51  }
0x1b8: {  	vm11 =	vgt.f32 v9, $9.999999770e-03;
	v9 =	vmin.f32 v15, v50;
	(erf) = vrcp.f32 v1  }
0x1b9: {  	v1 =	vsub.f32 v10, v14;
	v10 =	vmax.f32 v5, v49;
	vm12 =	vgt.f32 v2, $9.999999770e-03;
	v2 =	vld [tilespmem:$0x6C0]  }
0x1ba: {  	v11 =	vmax.f32 v11, v56;
	v5 =	vmax.f32 v5, v54;
	v9 =	vsub.f32 v9, v10  }
0x1bb: {  	v14 =	vld [tilespmem:$0x60];
	v10 =	vmin.f32 v13, v57;
	v13 =	vmin.f32 v15, v55;
	v1 =	vmax.f32 v1, $0.0e+00  }
0x1bc: {  	v10 =	vsub.f32 v10, v11;
	v5 =	vsub.f32 v13, v5;
	v9 =	vmax.f32 v9, $0.0e+00  }
0x1bd: {  	v7 =	vsel vm2, v6, v7;
	v4 =	vsel vm2, v63, v4;
	v9 =	vmul.f32 v9, v1  }
0x1be: {  	v10 =	vmax.f32 v10, $0.0e+00;
	v5 =	vmax.f32 v5, $0.0e+00;
	v11 =	vadd.f32 v2, v48  }
0x1bf: {  	vm1 =	vmor vm11, vm12;
	v5 =	vmul.f32 v5, v10;
	v2 =	vadd.f32 v2, v53  }
0x1c0: {  	v6 =	vsel vm2, v31, v6;
	v15 =	vld [tilespmem:$0x1D0];
	v1 =	vsel vm1, $0xCE6E6B28, v14;
	v11 =	vsub.f32 v11, v9  }
0x1c1: {  	v10 =	vld [tilespmem:$0x70];
	vm1 =	vgt.f32 v1, v3;
	vm13 =	vgt.f32 v1, v4;
	v13 =	vpop (erf);
	v2 =	vsub.f32 v2, v5  }
0x1c2: {  	v3 =	vsel vm1, v1, v3;
	v14 =	vpop (erf);
	v8 =	vmul.f32 v13, v8;
	v13 =	vld [tilespmem:$0x450];
	v11 =	vmax.f32 v11, $9.999999710e-10  }
0x1c3: {  	v12 =	vmul.f32 v14, v12;
	v2 =	vmax.f32 v2, $9.999999710e-10;
	(erf) = vrcp.f32 v11;
	v11 =	vld [tilespmem:$0x310]  }
0x1c4: {  	v7 =	vsel vm1, v32, v7;
	vm14 =	vgt.f32 v8, $9.999999770e-03;
	v8 =	vld [tilespmem:$0x590];
	(erf) = vrcp.f32 v2  }
0x1c5: {  	v3 =	vsel vm13, v4, v3;
	v7 =	vsel vm13, v6, v7;
	vm15 =	vgt.f32 v12, $9.999999770e-03  }
0x1c6: {  	v4 =	vsel vm13, v1, v4;
	v6 =	vsel vm13, v32, v6;
	vm1 =	vmor vm14, vm15  }
0x1c7: {  	v12 =	vmax.f32 v15, v51;
	v15 =	vmax.f32 v15, v56;
	v2 =	vsel vm1, $0xCE6E6B28, v10  }
0x1c8: {  	v14 =	vld [tilespmem:$0x6D0];
	v10 =	vmin.f32 v13, v52;
	v13 =	vmin.f32 v13, v57;
	vm5 =	vgt.f32 v2, v3  }
0x1c9: {  	v10 =	vsub.f32 v10, v12;
	v12 =	vmin.f32 v8, v50;
	v16 =	vmax.f32 v11, v49  }
0x1ca: {  	v8 =	vmin.f32 v8, v55;
	v11 =	vmax.f32 v11, v54;
	v12 =	vsub.f32 v12, v16  }
0x1cb: {  	vm1 =	vgt.f32 v2, v4;
	v13 =	vsub.f32 v13, v15;
	v8 =	vsub.f32 v8, v11  }
0x1cc: {  	v15 =	vld [tilespmem:$0x1E0];
	v3 =	vsel vm5, v2, v3;
	v10 =	vmax.f32 v10, $0.0e+00;
	v12 =	vmax.f32 v12, $0.0e+00;
	v17 =	vpop (erf)  }
0x1cd: {  	v16 =	vld [tilespmem:$0x80];
	v8 =	vmax.f32 v8, $0.0e+00;
	v10 =	vmul.f32 v12, v10;
	v12 =	vadd.f32 v14, v48;
	v11 =	vpop (erf)  }
0x1ce: {  	v9 =	vmul.f32 v17, v9;
	v5 =	vmul.f32 v11, v5;
	v11 =	vmax.f32 v13, $0.0e+00;
	v13 =	vld [tilespmem:$0x460]  }
0x1cf: {  	v12 =	vsub.f32 v12, v10;
	v8 =	vmul.f32 v8, v11;
	v11 =	vadd.f32 v14, v53;
	v14 =	vld [tilespmem:$0x320]  }
0x1d0: {  	v7 =	vsel vm5, v33, v7;
	v17 =	vsel vm1, v4, v3;
	vm6 =	vgt.f32 v9, $9.999999770e-03;
	v9 =	vld [tilespmem:$0x5A0]  }
0x1d1: {  	vm7 =	vgt.f32 v5, $9.999999770e-03;
	v3 =	vmax.f32 v12, $9.999999710e-10;
	v5 =	vsub.f32 v11, v8  }
0x1d2: {  	v12 =	vmax.f32 v15, v51;
	vm2 =	vmor vm6, vm7;
	(erf) = vrcp.f32 v3  }
0x1d3: {  	v15 =	vmax.f32 v15, v56;
	v3 =	vsel vm2, $0xCE6E6B28, v16;
	v5 =	vmax.f32 v5, $9.999999710e-10  }
0x1d4: {  	v11 =	vmin.f32 v13, v52;
	v13 =	vmin.f32 v13, v57;
	(erf) = vrcp.f32 v5  }
0x1d5: {  	v5 =	vld [tilespmem:$0x6E0];
	v11 =	vsub.f32 v11, v12;
	v12 =	vmin.f32 v9, v50;
	v16 =	vmax.f32 v14, v49  }
0x1d6: {  	v9 =	vmin.f32 v9, v55;
	v14 =	vmax.f32 v14, v54;
	v12 =	vsub.f32 v12, v16  }
0x1d7: {  	v4 =	vsel vm1, v2, v4;
	v13 =	vsub.f32 v13, v15;
	v9 =	vsub.f32 v9, v14  }
0x1d8: {  	vm8 =	vgt.f32 v3, v17;
	v11 =	vmax.f32 v11, $0.0e+00;
	v12 =	vmax.f32 v12, $0.0e+00  }
0x1d9: {  	v18 =	vld [tilespmem:$0x5B0];
	v13 =	vmax.f32 v13, $0.0e+00;
	v9 =	vmax.f32 v9, $0.0e+00;
	v11 =	vmul.f32 v12, v11  }
0x1da: {  	v14 =	vld [tilespmem:$0x1F0];
	v9 =	vmul.f32 v9, v13;
	v12 =	vadd.f32 v5, v48;
	v5 =	vadd.f32 v5, v53  }
0x1db: {  	v7 =	vsel vm1, v6, v7;
	vm2 =	vgt.f32 v3, v4;
	v15 =	vsel vm8, v3, v17;
	v16 =	vld [tilespmem:$0x470];
	v17 =	vpop (erf)  }
0x1dc: {  	v13 =	vld [tilespmem:$0x330];
	v12 =	vsub.f32 v12, v11;
	v10 =	vmul.f32 v17, v10;
	v5 =	vsub.f32 v5, v9  }
0x1dd: {  	v6 =	vsel vm1, v33, v6;
	v7 =	vsel vm8, v42, v7;
	v15 =	vsel vm2, v4, v15  }
0x1de: {  	v17 =	vpop (erf);
	v12 =	vmax.f32 v12, $9.999999710e-10;
	v5 =	vmax.f32 v5, $9.999999710e-10;
	vm9 =	vgt.f32 v10, $9.999999770e-03  }
0x1df: {  	v10 =	vmin.f32 v18, v50;
	v8 =	vmul.f32 v17, v8;
	(erf) = vrcp.f32 v12  }
0x1e0: {  	v12 =	vmin.f32 v16, v52;
	v17 =	vmax.f32 v14, v51;
	(erf) = vrcp.f32 v5  }
0x1e1: {  	v5 =	vsub.f32 v12, v17;
	v12 =	vmax.f32 v13, v49;
	vm10 =	vgt.f32 v8, $9.999999770e-03;
	v8 =	vld [tilespmem:$0x6F0]  }
0x1e2: {  	v14 =	vmax.f32 v14, v56;
	v13 =	vmax.f32 v13, v54;
	v10 =	vsub.f32 v10, v12  }
0x1e3: {  	v17 =	vld [tilespmem:$0x90];
	v12 =	vmin.f32 v16, v57;
	v16 =	vmin.f32 v18, v55;
	v5 =	vmax.f32 v5, $0.0e+00  }
0x1e4: {  	v38 =	vld [tilespmem:$0x200];
	v12 =	vsub.f32 v12, v14;
	v13 =	vsub.f32 v16, v13;
	v10 =	vmax.f32 v10, $0.0e+00  }
0x1e5: {  	v7 =	vsel vm2, v6, v7;
	v6 =	vsel vm2, v42, v6;
	v10 =	vmul.f32 v10, v5  }
0x1e6: {  	v12 =	vmax.f32 v12, $0.0e+00;
	v13 =	vmax.f32 v13, $0.0e+00;
	v5 =	vadd.f32 v8, v48  }
0x1e7: {  	vm1 =	vmor vm9, vm10;
	v12 =	vmul.f32 v13, v12;
	v8 =	vadd.f32 v8, v53  }
0x1e8: {  	v14 =	vsel vm2, v3, v4;
	v4 =	vsel vm1, $0xCE6E6B28, v17;
	v16 =	vpop (erf);
	v5 =	vsub.f32 v5, v10  }
0x1e9: {  	v18 =	vmax.f32 v38, v56;
	v13 =	vld [tilespmem:$0xA0];
	vm1 =	vgt.f32 v4, v15;
	v8 =	vsub.f32 v8, v12;
	v17 =	vpop (erf)  }
0x1ea: {  	v11 =	vmul.f32 v16, v11;
	v16 =	vld [tilespmem:$0x480];
	v9 =	vmul.f32 v17, v9;
	v5 =	vmax.f32 v5, $9.999999710e-10  }
0x1eb: {  	vm11 =	vgt.f32 v4, v14;
	v17 =	vld [tilespmem:$0x340];
	(erf) = vrcp.f32 v5;
	v5 =	vmax.f32 v8, $9.999999710e-10  }
0x1ec: {  	v15 =	vsel vm1, v4, v15;
	vm13 =	vgt.f32 v9, $9.999999770e-03;
	(erf) = vrcp.f32 v5;
	v9 =	vld [tilespmem:$0x5C0]  }
0x1ed: {  	v7 =	vsel vm1, v34, v7;
	vm12 =	vgt.f32 v11, $9.999999770e-03;
	v8 =	vsel vm11, v14, v15  }
0x1ee: {  	v15 =	vsel vm11, v6, v7;
	v14 =	vsel vm11, v4, v14;
	vm1 =	vmor vm12, vm13  }
0x1ef: {  	v7 =	vsel vm11, v34, v6;
	v11 =	vmax.f32 v38, v51;
	v5 =	vsel vm1, $0xCE6E6B28, v13  }
0x1f0: {  	v6 =	vmin.f32 v16, v52;
	v13 =	vld [tilespmem:$0x700];
	v16 =	vmin.f32 v16, v57;
	vm14 =	vgt.f32 v5, v8  }
0x1f1: {  	v6 =	vsub.f32 v6, v11;
	v19 =	vmax.f32 v17, v49;
	v11 =	vmin.f32 v9, v50  }
0x1f2: {  	vm1 =	vgt.f32 v5, v14;
	v17 =	vmax.f32 v17, v54;
	v11 =	vsub.f32 v11, v19  }
0x1f3: {  	v43 =	vld [tilespmem:$0xB0];
	v16 =	vsub.f32 v16, v18;
	v8 =	vsel vm14, v5, v8;
	v9 =	vmin.f32 v9, v55  }
0x1f4: {  	v22 =	vld [tilespmem:$0x350];
	v6 =	vmax.f32 v6, $0.0e+00;
	v17 =	vsub.f32 v9, v17;
	v20 =	vpop (erf);
	v11 =	vmax.f32 v11, $0.0e+00  }
0x1f5: {  	v18 =	vld [tilespmem:$0x210];
	v10 =	vmul.f32 v20, v10;
	v38 =	vpop (erf);
	v9 =	vmul.f32 v11, v6;
	v6 =	vadd.f32 v13, v48  }
0x1f6: {  	v11 =	vmax.f32 v16, $0.0e+00;
	v16 =	vmax.f32 v17, $0.0e+00;
	v17 =	vld [tilespmem:$0x490];
	v12 =	vmul.f32 v38, v12  }
0x1f7: {  	v13 =	vadd.f32 v13, v53;
	v20 =	vld [tilespmem:$0x220];
	v11 =	vmul.f32 v16, v11;
	v6 =	vsub.f32 v6, v9  }
0x1f8: {  	v8 =	vsel vm1, v14, v8;
	v16 =	vld [tilespmem:$0x5D0];
	vm15 =	vgt.f32 v10, $9.999999770e-03;
	vm6 =	vgt.f32 v12, $9.999999770e-03  }
0x1f9: {  	v13 =	vsub.f32 v13, v11;
	vm2 =	vmor vm15, vm6;
	v12 =	vmax.f32 v6, $9.999999710e-10  }
0x1fa: {  	v10 =	vsel vm1, v5, v14;
	v6 =	vsel vm2, $0xCE6E6B28, v43;
	(erf) = vrcp.f32 v12  }
0x1fb: {  	v13 =	vmax.f32 v13, $9.999999710e-10;
	v14 =	vmin.f32 v17, v52;
	v43 =	vmax.f32 v18, v51  }
0x1fc: {  	v21 =	vld [tilespmem:$0x4A0];
	v17 =	vmin.f32 v17, v57;
	v18 =	vmax.f32 v18, v56;
	v23 =	vmax.f32 v20, v51  }
0x1fd: {  	v12 =	vld [tilespmem:$0x710];
	v14 =	vsub.f32 v14, v43;
	v38 =	vmin.f32 v16, v50;
	v43 =	vmax.f32 v22, v49  }
0x1fe: {  	v16 =	vmin.f32 v16, v55;
	v19 =	vsub.f32 v38, v43;
	v43 =	vld [tilespmem:$0x360];
	v38 =	vmax.f32 v22, v54  }
0x1ff: {  	v20 =	vmax.f32 v20, v56;
	v17 =	vsub.f32 v17, v18;
	v22 =	vld [tilespmem:$0x5E0];
	v16 =	vsub.f32 v16, v38  }
0x200: {  	(erf) = vrcp.f32 v13;
	v14 =	vmax.f32 v14, $0.0e+00;
	v19 =	vmax.f32 v19, $0.0e+00  }
0x201: {  	v13 =	vmul.f32 v19, v14;
	v14 =	vmax.f32 v17, $0.0e+00;
	v16 =	vmax.f32 v16, $0.0e+00  }
0x202: {  	v17 =	vmin.f32 v21, v52;
	v19 =	vadd.f32 v12, v48;
	v12 =	vadd.f32 v12, v53  }
0x203: {  	v21 =	vmin.f32 v21, v57;
	v14 =	vmul.f32 v16, v14;
	v16 =	vsub.f32 v17, v23  }
0x204: {  	v17 =	vld [tilespmem:$0x720];
	v20 =	vsub.f32 v21, v20;
	v38 =	vmin.f32 v22, v50;
	v23 =	vmax.f32 v43, v49  }
0x205: {  	v22 =	vmin.f32 v22, v55;
	v43 =	vmax.f32 v43, v54;
	v19 =	vsub.f32 v19, v13  }
0x206: {  	v18 =	vsub.f32 v38, v23;
	v23 =	vld [tilespmem:$0x230];
	v21 =	vsub.f32 v22, v43  }
0x207: {  	v16 =	vmax.f32 v16, $0.0e+00;
	v22 =	vld [tilespmem:$0x4B0];
	v12 =	vsub.f32 v12, v14;
	v20 =	vmax.f32 v20, $0.0e+00  }
0x208: {  	v0 =	vmovc v24;
	v24 =	vld [tilespmem:$0x370];
	v19 =	vmax.f32 v19, $9.999999710e-10;
	v18 =	vmax.f32 v18, $0.0e+00;
	v21 =	vmax.f32 v21, $0.0e+00  }
0x209: {  	(erf) = vrcp.f32 v19;
	v16 =	vmul.f32 v18, v16;
	v18 =	vld [tilespmem:$0x5F0];
	v38 =	vadd.f32 v17, v48  }
0x20a: {  	v12 =	vmax.f32 v12, $9.999999710e-10;
	v20 =	vmul.f32 v21, v20;
	v17 =	vadd.f32 v17, v53  }
0x20b: {  	(erf) = vrcp.f32 v12;
	v19 =	vsub.f32 v38, v16;
	v38 =	vmax.f32 v23, v51  }
0x20c: {  	v17 =	vsub.f32 v17, v20;
	v21 =	vmin.f32 v22, v52;
	v22 =	vmin.f32 v22, v57  }
0x20d: {  	v37 =	vld [tilespmem:$0x1FFD0];
	v23 =	vmax.f32 v23, v56;
	v21 =	vsub.f32 v21, v38;
	v12 =	vmax.f32 v19, $9.999999710e-10  }
0x20e: {  	v25 =	vld [tilespmem:$0x730];
	v43 =	vmin.f32 v18, v50;
	v38 =	vmovc v26;
	v26 =	vmax.f32 v24, v49;
	(erf) = vrcp.f32 v12  }
0x20f: {  	v12 =	vmax.f32 v17, $9.999999710e-10;
	v17 =	vmax.f32 v21, $0.0e+00;
	v21 =	vld [tilespmem:$0x380];
	v43 =	vsub.f32 v43, v26  }
0x210: {  	v22 =	vsub.f32 v22, v23;
	v26 =	vld [tilespmem:$0x240]  }
0x211: {  	v23 =	vmax.f32 v24, v54;
	v18 =	vmin.f32 v18, v55;
	v19 =	vmax.f32 v43, $0.0e+00;
	v43 =	vld [tilespmem:$0x4C0]  }
0x212: {  	v15 =	vsel vm14, v37, v15;
	v24 =	vld [tilespmem:$0x600];
	v18 =	vsub.f32 v18, v23  }
0x213: {  	v15 =	vsel vm1, v7, v15;
	v17 =	vmul.f32 v19, v17;
	v19 =	vadd.f32 v25, v48  }
0x214: {  	(erf) = vrcp.f32 v12;
	v23 =	vmax.f32 v22, $0.0e+00;
	v18 =	vmax.f32 v18, $0.0e+00  }
0x215: {  	v18 =	vmul.f32 v18, v23;
	v23 =	vmax.f32 v21, v49;
	v12 =	vsub.f32 v19, v17  }
0x216: {  	v22 =	vmax.f32 v26, v51;
	v26 =	vmax.f32 v26, v56;
	v19 =	vmin.f32 v43, v52  }
0x217: {  	v43 =	vmin.f32 v43, v57;
	v19 =	vsub.f32 v19, v22;
	v22 =	vmin.f32 v24, v50  }
0x218: {  	vm2 =	vgt.f32 v6, v10;
	v26 =	vsub.f32 v43, v26;
	v22 =	vsub.f32 v22, v23;
	v23 =	vld [tilespmem:$0x740]  }
0x219: {  	v25 =	vadd.f32 v25, v53;
	v21 =	vmax.f32 v21, v54;
	v24 =	vmin.f32 v24, v55  }
0x21a: {  	v12 =	vmax.f32 v12, $9.999999710e-10;
	v21 =	vsub.f32 v24, v21;
	v24 =	vmax.f32 v26, $0.0e+00  }
0x21b: {  	vm7 =	vgt.f32 v6, v8;
	(erf) = vrcp.f32 v12;
	v12 =	vsub.f32 v25, v18  }
0x21c: {  	v19 =	vmax.f32 v19, $0.0e+00;
	v22 =	vmax.f32 v22, $0.0e+00;
	v21 =	vmax.f32 v21, $0.0e+00  }
0x21d: {  	v19 =	vmul.f32 v22, v19;
	v21 =	vmul.f32 v21, v24;
	v24 =	vpop (erf);
	v43 =	vadd.f32 v23, v48  }
0x21e: {  	v12 =	vmax.f32 v12, $9.999999710e-10;
	v26 =	vld [tilespmem:$0x1FFE0];
	v23 =	vadd.f32 v23, v53;
	v9 =	vmul.f32 v24, v9  }
0x21f: {  	v8 =	vsel vm7, v6, v8;
	(erf) = vrcp.f32 v12;
	v12 =	vsub.f32 v43, v19  }
0x220: {  	v7 =	vsel vm1, v37, v7;
	v8 =	vsel vm2, v10, v8;
	v25 =	vpop (erf);
	v43 =	vld [tilespmem:$0xC0];
	v23 =	vsub.f32 v23, v21  }
0x221: {  	v37 =	vld [tilespmem:$0x1FFF0];
	v10 =	vsel vm2, v6, v10;
	v11 =	vmul.f32 v25, v11;
	v12 =	vmax.f32 v12, $9.999999710e-10  }
0x222: {  	v24 =	vld [tilespmem:$0x4D0];
	vm8 =	vgt.f32 v9, $9.999999770e-03;
	v9 =	vpop (erf);
	(erf) = vrcp.f32 v12;
	v12 =	vmax.f32 v23, $9.999999710e-10  }
0x223: {  	v15 =	vsel vm7, v26, v15;
	vm9 =	vgt.f32 v11, $9.999999770e-03;
	v11 =	vld [tilespmem:$0x390];
	v9 =	vmul.f32 v9, v13  }
0x224: {  	v26 =	vsel vm2, v26, v7;
	v15 =	vsel vm2, v7, v15;
	vm1 =	vmor vm8, vm9;
	v13 =	vld [tilespmem:$0x610]  }
0x225: {  	(erf) = vrcp.f32 v12;
	v7 =	vsel vm1, $0xCE6E6B28, v43;
	vm10 =	vgt.f32 v9, $9.999999770e-03;
	v12 =	vpop (erf)  }
0x226: {  	v23 =	vld [tilespmem:$0x250];
	vm1 =	vgt.f32 v7, v8;
	vm14 =	vgt.f32 v7, v10;
	v25 =	vpop (erf);
	v12 =	vmul.f32 v12, v14  }
0x227: {  	v22 =	vsel vm1, v7, v8;
	v15 =	vsel vm1, v37, v15;
	v14 =	vmul.f32 v25, v16  }
0x228: {  	v16 =	vpop (erf);
	v25 =	vmax.f32 v11, v49;
	v11 =	vmax.f32 v11, v54;
	vm6 =	vgt.f32 v12, $9.999999770e-03  }
0x229: {  	v43 =	vld [tilespmem:$0x3A0];
	v8 =	vpop (erf);
	v9 =	vmul.f32 v16, v20;
	v16 =	vmin.f32 v24, v52;
	v20 =	vmin.f32 v13, v50  }
0x22a: {  	v13 =	vmin.f32 v13, v55;
	vm11 =	vgt.f32 v14, $9.999999770e-03;
	v14 =	vld [tilespmem:$0x750];
	v8 =	vmul.f32 v8, v17;
	v12 =	vpop (erf)  }
0x22b: {  	v17 =	vld [tilespmem:$0x260];
	v11 =	vsub.f32 v13, v11;
	v12 =	vmul.f32 v12, v18;
	v18 =	vmax.f32 v23, v51  }
0x22c: {  	vm5 =	vgt.f32 v9, $9.999999770e-03;
	v16 =	vsub.f32 v16, v18;
	v18 =	vsub.f32 v20, v25;
	v20 =	vld [tilespmem:$0x4E0]  }
0x22d: {  	vm12 =	vgt.f32 v8, $9.999999770e-03;
	v11 =	vmax.f32 v11, $0.0e+00;
	v9 =	vpop (erf);
	vm4 =	vgt.f32 v12, $9.999999770e-03;
	v12 =	vld [tilespmem:$0x620]  }
0x22e: {  	v25 =	vmax.f32 v43, v49;
	v8 =	vmul.f32 v9, v19;
	v9 =	vpop (erf);
	v19 =	vmin.f32 v24, v57  }
0x22f: {  	v9 =	vmul.f32 v9, v21;
	v16 =	vmax.f32 v16, $0.0e+00;
	v18 =	vmax.f32 v18, $0.0e+00  }
0x230: {  	v21 =	vmax.f32 v23, v56;
	v23 =	vmax.f32 v17, v51;
	v17 =	vmax.f32 v17, v56  }
0x231: {  	v16 =	vmul.f32 v18, v16;
	v18 =	vadd.f32 v14, v48;
	v19 =	vsub.f32 v19, v21;
	v21 =	vld [tilespmem:$0x760]  }
0x232: {  	v14 =	vadd.f32 v14, v53;
	v13 =	vmin.f32 v20, v52;
	v24 =	vmin.f32 v12, v50  }
0x233: {  	vm13 =	vgt.f32 v8, $9.999999770e-03;
	v13 =	vsub.f32 v13, v23;
	v23 =	vsub.f32 v24, v25  }
0x234: {  	v18 =	vsub.f32 v18, v16;
	v8 =	vmax.f32 v19, $0.0e+00;
	v20 =	vmin.f32 v20, v57  }
0x235: {  	v11 =	vmul.f32 v11, v8;
	v13 =	vmax.f32 v13, $0.0e+00;
	v23 =	vmax.f32 v23, $0.0e+00  }
0x236: {  	v17 =	vsub.f32 v20, v17;
	v20 =	vld [tilespmem:$0xD0];
	v19 =	vadd.f32 v21, v48;
	v8 =	vmul.f32 v23, v13  }
0x237: {  	v15 =	vsel vm14, v26, v15;
	v12 =	vmin.f32 v12, v55;
	v14 =	vsub.f32 v14, v11;
	v13 =	vld [tilespmem:$0x270]  }
0x238: {  	v18 =	vmax.f32 v18, $9.999999710e-10;
	v24 =	vmax.f32 v43, v54;
	v23 =	vld [tilespmem:$0x4F0];
	v19 =	vsub.f32 v19, v8  }
0x239: {  	(erf) = vrcp.f32 v18;
	v12 =	vsub.f32 v12, v24;
	v18 =	vld [tilespmem:$0x3B0];
	v14 =	vmax.f32 v14, $9.999999710e-10  }
0x23a: {  	vm6 =	vmor vm10, vm6;
	(erf) = vrcp.f32 v14;
	v14 =	vmax.f32 v19, $9.999999710e-10;
	v19 =	vld [tilespmem:$0x630]  }
0x23b: {  	vm1 =	vmor vm11, vm5;
	v17 =	vmax.f32 v17, $0.0e+00;
	v12 =	vmax.f32 v12, $0.0e+00  }
0x23c: {  	vm9 =	vgt.f32 v9, $9.999999770e-03;
	v43 =	vsel vm14, v37, v26;
	v12 =	vmul.f32 v12, v17  }
0x23d: {  	v17 =	vsel vm6, $0xCE6E6B28, v20;
	v24 =	vmin.f32 v23, v52;
	v25 =	vmax.f32 v13, v51  }
0x23e: {  	(erf) = vrcp.f32 v14;
	v51 =	vadd.f32 v21, v53;
	v52 =	vsel vm14, v10, v22  }
0x23f: {  	v14 =	vsub.f32 v24, v25;
	v25 =	vmax.f32 v18, v49;
	v24 =	vmin.f32 v19, v50  }
0x240: {  	v9 =	vmin.f32 v23, v57;
	v13 =	vmax.f32 v13, v56;
	v24 =	vsub.f32 v24, v25;
	v25 =	vld [tilespmem:$0xE0]  }
0x241: {  	v10 =	vsel vm14, v7, v10;
	vm15 =	vgt.f32 v17, v52;
	v9 =	vsub.f32 v9, v13  }
0x242: {  	vm10 =	vgt.f32 v17, v10;
	v20 =	vsub.f32 v51, v12;
	v21 =	vsel vm15, v17, v52  }
0x243: {  	v18 =	vmax.f32 v18, v54;
	v15 =	vsel vm15, v38, v15;
	v52 =	vsel vm10, v10, v21  }
0x244: {  	v15 =	vsel vm10, v43, v15;
	v9 =	vmax.f32 v9, $0.0e+00;
	v20 =	vmax.f32 v20, $9.999999710e-10  }
0x245: {  	v13 =	vmin.f32 v19, v55;
	(erf) = vrcp.f32 v20;
	v54 =	vsel vm1, $0xCE6E6B28, v25  }
0x246: {  	v55 =	vld [tilespmem:$0x770];
	v13 =	vsub.f32 v13, v18;
	v50 =	vmax.f32 v24, $0.0e+00;
	vm1 =	vgt.f32 v54, v52  }
0x247: {  	v20 =	vsel vm1, v54, v52;
	v15 =	vsel vm1, v39, v15;
	vm1 =	vgt.f32 v44, $0.0e+00  }
0x248: {  	v24 =	vimm.s32 $0x0;
	v13 =	vmax.f32 v13, $0.0e+00;
	vm0 =	vmand vm1, vm0  }
0x249: {  	v9 =	vmul.f32 v13, v9;
	v13 =	vsel vm0, $0x1, v24  }
0x24a: {  	v51 =	vld [tilespmem:$0xF0];
	v13 =	vor.u32 $0x80000000, v13  }
0x24b: {  	v14 =	vmax.f32 v14, $0.0e+00;
	v18 =	vadd.f32 v55, v53;
	(xrf0) =	vmax.scan.msk.u32 $0xffff, v13  }
0x24c: {  	[tilespmem:$0x10] =	vst v59;
	vm3 =	vmor vm12, vm4;
	v59 =	vpop (erf);
	v14 =	vmul.f32 v50, v14;
	v56 =	vadd.f32 v55, v48  }
0x24d: {  	[tilespmem:$0x30] =	vst v61;
	vm2 =	vmor vm13, vm9;
	v10 =	vsel vm10, v17, v10;
	v61 =	vpop (erf);
	v18 =	vsub.f32 v18, v9  }
0x24e: {  	v16 =	vmul.f32 v59, v16;
	v11 =	vmul.f32 v61, v11;
	v57 =	vsub.f32 v56, v14  }
0x24f: {  	v19 =	vsel vm3, $0xCE6E6B28, v51;
	vm11 =	vgt.f32 v54, v10;
	v18 =	vmax.f32 v18, $9.999999710e-10;
	v24 =	vld [tilespmem:$0x100]  }
0x250: {  	[tilespmem:$0x0] =	vst v58;
	v13 =	vsel vm11, v10, v20;
	v10 =	vsel vm11, v54, v10;
	v20 =	vmax.f32 v57, $9.999999710e-10  }
0x251: {  	[tilespmem:$0x50] =	vst v63;
	vm12 =	vgt.f32 v19, v13;
	(erf) = vrcp.f32 v20;
	vm13 =	vgt.f32 v19, v10;
	v63, _, _ =	vpop (xrf0)  }
0x252: {  	[tilespmem:$0x40] =	vst v62;
	v62 =	vld [tilespmem:$0x110];
	v13 =	vsel vm12, v19, v13;
	(erf) = vrcp.f32 v18;
	(v2sf) =	vpush v63, $0xF  }
0x253: {  	[tilespmem:$0x80] =	vst v3;
	v22 =	vsel vm10, v38, v43;
	vm9 =	vgt.f32 v16, $9.999999770e-03;
	v3 =	vpop (erf);
	v13 =	vsel vm13, v10, v13  }
0x254: {  	[tilespmem:$0x20] =	vst v60;
	vm10 =	vgt.f32 v11, $9.999999770e-03;
	v3 =	vmul.f32 v3, v8;
	v60 =	vsel vm2, $0xCE6E6B28, v24  }
0x255: {  	[tilespmem:$0x60] =	vst v1;
	v15 =	vsel vm11, v22, v15;
	v22 =	vsel vm11, v39, v22;
	vm15 =	vgt.f32 v60, v13  }
0x256: {  	[tilespmem:$0x70] =	vst v2;
	vm11 =	vmor vm9, vm10;
	vm9 =	vmmov $0x1;
	v1 =	vsel vm15, v60, v13;
	v13 =	vpop (erf)  }
0x257: {  	[tilespmem:$0xB0] =	vst v6;
	v11 =	vsel vm11, $0xCE6E6B28, v62;
	vm10 =	vmand vm1, vm9;
	v6 =	vmul.f32 v13, v12  }
0x258: {  	[tilespmem:$0x90] =	vst v4;
	v15 =	vsel vm12, v40, v15;
	v2 =	vsel vm13, v40, v22;
	v10 =	vsel vm13, v19, v10  }
0x259: {  	[tilespmem:$0xA0] =	vst v5;
	v15 =	vsel vm13, v22, v15;
	vm13 =	vgt.f32 v3, $9.999999770e-03;
	vm14 =	vgt.f32 v60, v10  }
0x25a: {  	v5 =	vld [tilespmem:$0x120];
	[tilespmem:$0xC0] =	vst v7;
	v4 =	vsel vm15, v41, v15;
	v1 =	vsel vm14, v10, v1;
	v10 =	vsel vm14, v60, v10;
	v8 =	vpop (erf)  }
0x25b: {  	[tilespmem:$0xD0] =	vst v17;
	v3 =	vld [tilespmem:$0x130];
	v4 =	vsel vm14, v2, v4;
	v2 =	vsel vm14, v41, v2;
	vm14 =	vgt.f32 v6, $9.999999770e-03;
	v6 =	vpop (erf)  }
0x25c: {  	[tilespmem:$0xF0] =	vst v19;
	vm12 =	vgt.f32 v11, v1;
	v7 =	vmul.f32 v8, v14;
	v6 =	vmul.f32 v6, v9  }
0x25d: {  	[tilespmem:$0xE0] =	vst v54;
	vm2 =	vgt.f32 v11, v10;
	v1 =	vsel vm12, v11, v1;
	v9 =	vor.u32 $0xA, v46  }
0x25e: {  	[tilespmem:$0x110] =	vst v11;
	vm3 =	vmor vm13, vm14;
	vm15 =	vgt.f32 v7, $9.999999770e-03;
	vm8 =	vgt.f32 v6, $9.999999770e-03  }
0x25f: {  	[tilespmem:$0x100] =	vst v60;
	v5 =	vsel vm3, $0xCE6E6B28, v5;
	v6 =	vor.u32 v36, v46;
	vm3 =	vmor vm15, vm8  }
0x260: {  	p1 =	sgt.f32 s26, $0.0e+00;
	v1 =	vsel vm2, v10, v1;
	[tilespmem:$0x120] =	vst v5;
	v7 =	vor.u32 $0xA, v47;
	v3 =	vsel vm3, $0xCE6E6B28, v3  }
0x261: {  	v8 =	vsel vm2, v11, v10;
	v10 =	vor.u32 s28, v36;
	v11 =	vmov s24;
	s28 =	simm.s32 $0x1;
	[tilespmem:$0x130] =	vst v3;
	s29 =	spop (v2sf)  }
0x262: {  	vm11 =	vmmov $0xf;
	s28 =	simm.s32 @!p1 $0x0;
	v9 =	vld.idx.msk [tilespmem:v9+s1+$0x0], $0xffff;
	s29 =	sxor.u32 $0x80000000, s29  }
0x263: {  	vm1 =	vmand vm1, vm11;
	v15 =	vmovc v30;
	v30 =	vlaneseq.u32;
	v12 =	vshll.u32 v11, $0x2;
	s28 =	sadd.s32 s28, s24;
	s29 =	simm.s32 @!p1 $0x0  }
0x264: {  	vm4 =	vmand vm0, vm9;
	v4 =	vsel vm12, v0, v4;
	v12 =	vadd.s32 v30, v12;
	v6 =	vld.idx.msk [tilespmem:v6+s1+$0x0], $0xffff;
	s24 =	sadd.s32 s29, s28  }
0x265: {  	v4 =	vsel vm2, v2, v4;
	v2 =	vsel vm2, v0, v2;
	v13 =	vadd.s32 $0x1, v11;
	v7 =	vld.idx.msk [tilespmem:v7+s1+$0x0], $0xffff;
	p1 =	sgt.s32 s24, $0x12B  }
0x266: {  	vm0 =	vmand vm0, vm11;
	vm12 =	vgt.f32 v5, v1;
	v14 =	vshll.u32 v13, $0x2;
	v10 =	vld.idx.msk [tilespmem:v10+s1+$0x0], $0xffff;
	[tilespmem:v11+s19+$0x0] =	vst.idx.msk vm10, v44;
	p2 =	sgt.f32 @!p1 s26, $0.0e+00  }
0x267: {  	vm13 =	vgt.f32 v5, v8;
	v14 =	vadd.s32 v30, v14;
	[tilespmem:v11+s20+$0x0] =	vst.idx.msk vm10, v9;
	v11 =	vld [tilespmem:$0x1FFC0]  }
0x268: {  	v1 =	vsel vm12, v5, v1;
	v4 =	vsel vm12, v35, v4;
	v5 =	vsel vm13, v5, v8;
	p1 =	por p1, !p2  }
.Ltmp0:
0x269: {  	v1 =	vsel vm13, v8, v1;
	v4 =	vsel vm13, v2, v4;
	[tilespmem:v12+s21+$0x0] =	vst.idx.msk vm1, v6;
	(pc) =	sbr.rel @!p1 .LBB2_2-.Ltmp0, $4  }
0x26a: {  	v8 =	vsel vm13, v35, v2;
	vm15 =	vgt.f32 v3, v1;
	[tilespmem:v13+s19+$0x0] =	vst.idx.msk vm4, v45  }
0x26b: {  	vm14 =	vgt.f32 v3, v5;
	v1 =	vsel vm15, v3, v1;
	[tilespmem:v13+s20+$0x0] =	vst.idx.msk vm4, v7  }
0x26c: {  	v26 =	vmov v38;
	v2 =	vsel vm14, v5, v1;
	[tilespmem:v14+s21+$0x0] =	vst.idx.msk vm0, v10;
	v4 =	vsel vm15, v11, v4  }
0x26d: {  	s23 =	sadd.s32 $0x200, s23;
	v24 =	vmovc v0;
	v1 =	vsel vm14, v8, v4;
	v4 =	vsel vm14, v3, v5;
	v3 =	vsel vm14, v11, v8  }
0x26e: {  	s23 =	simm.s32 @!p0 $0x0;
	s24 =	simm.s32 @!p0 $0x1680  }
0x26f: {  	[hbm4b:s14+s23] =	stream.linear.scatter @!p0 [tilespmem:s24], [sflag:$0x1], $0x130, $0x38;
	[tilespmem:$0x1EC0] =	vst v63  }
0x270: {  	s24 =	simm.s32 @!p0 $0x1  }
0x271: {  	_ =	swait.ge @!p0 [sflag:s24], $0x130  }
0x272: {  	[sflag:s24] =	ssyncset.done @!p0 $0x0  }
0x273: {  	s26 =	simm.s32 @!p0 $0x1800;
	[sflag:s24] =	ssyncadd.s32 @!p0 $0xFFFFFED0  }
0x274: {  	[hbm4b:s15+s23] =	stream.linear.scatter @!p0 [tilespmem:s26], [sflag:$0x1], $0x4C0, $0x38;
	[tilespmem:$0x1EC0] =	vst v63  }
0x275: {  	_ =	swait.ge @!p0 [sflag:s24], $0x4C0  }
0x276: {  	s22 =	sadd.s32 $0x1, s22;
	[sflag:s24] =	ssyncset.done @!p0 $0x0  }
0x277: {  	p1 =	sne.s32 s22, s17;
	s26 =	simm.s32 @!p0 $0x1D00;
	[sflag:s24] =	ssyncadd.s32 @!p0 $0xFFFFFB40  }
0x278: {  	[hbm4b:s16+s23] =	stream.linear.scatter @!p0 [tilespmem:s26], [sflag:$0x1], $0x130, $0x38;
	[tilespmem:$0x1EC0] =	vst v63  }
.Ltmp1:
0x279: {  	_ = 	snop;
	(pc) =	sbr.rel @p1 .LBB2_1-.Ltmp1, $4  }
0x27a: {  	_ =	swait.ge @!p0 [sflag:s24], $0x130  }
0x27b: {  	v0 =	vld [tilespmem:$0x1FFD0]  }
0x27c: {  	[sflag:s24] =	ssyncset.done @!p0 $0x0;
	v9 =	vld [tilespmem:$0x1FFE0]  }
0x27d: {  	v10 =	vld [tilespmem:$0x1FFF0];
	[sflag:s24] =	ssyncadd.s32 @!p0 $0xFFFFFED0  }
0x27e: {  	_ =	sfence.sel $0x180000  }
0x27f: {  	[bflag:$0x0] =	sbarrier.arrive $0xFFFF  }
0x280: {  	_ =	strace $0x90000047  }
0x281: {  	[bflag:$0x2] =	sbarrier.arrive $0xFFFF  }
0x282: {  	s0 =	rddreg [dreg:$0x3]  }
0x283: {  	s0 =	sadd.s32 @!p0 $0x100000, s0  }
0x284: {  	[sflag:s0] =	ssyncadd.tile.s32 @!p0 $0x1;
	_ =	shalt  }
.Lfunc_end2:
_tile_overlayer_lowered:
.L_overlay_start_2:
0x285: {  	(tag) =	ssettag $0x2  }
0x286: {  	s0 =	rddreg [dreg:$0x0];
	s2 =	stileid.u32  }
0x287: {  	s1 =	rddreg [dreg:$0x1];
	p0 =	sne.s32 s2, $0x0  }
0x288: {  	s3 =	rddreg [dreg:$0x2];
	[bflag:$0x3] =	sbarrier.arrive $0xFFFF;
	s2 =	simm.s32 @!p0 $0x1C01  }
0x289: {  	[timem:s3], [sflag:s2] =	dma.local @!p0 [hbm:s0], s1  }
0x28a: {  	s0 =	simm.s32 @!p0 $0x1  }
0x28b: {  	_ =	swait.ge @!p0 [sflag:s0], s1  }
0x28c: {  	s1 =	ssub.s32 @!p0 $0x0, s1;
	[sflag:s0] =	ssyncset.done @!p0 $0x0  }
0x28d: {  	[sflag:s0] =	ssyncadd.s32 @!p0 s1  }
0x28e: {  	[bflag:$0x3] =	sbarrier.arrive $0xFFFF  }
0x28f: {  	_ =	shalt  }

</sc_bundles>
